<compile_context>
chip_gen: v7x
topology: tpu7x:2x2x1
jax: 0.10.2.dev20260603
libtpu: 0.0.44.dev20260713+nightly
codegen_flags: <defaults>
</compile_context>

<pallas_src>
import math

import jax
import jax.numpy as jnp
from jax import lax
from jax.experimental import pallas as pl
from jax.experimental.pallas import tpu as pltpu
from jax.experimental.pallas import tpu_sc as plsc

N = 4096
DX = 512
DY = 128
TOPK = 10
L = 40
NROWS = 2458
BLK = 256
MROWS = 2560
NTC = 1792
NTCB = NTC // BLK
MSC = MROWS - NTC
NSCB = MSC // BLK
NEG = -1e30
LN2 = math.log(2.0)
NWORK = 32
RPW = MSC // NWORK
NBUCK = 256

_INVD = tuple(1.0 / math.log2(2.0 + k) if k < TOPK else 0.0 for k in range(L))


def _norm_body(x_ref, y_ref, xn_ref, yn_ref):
    x = x_ref[...]
    nx = jnp.sqrt(jnp.sum(x * x, axis=1, keepdims=True))
    xn_ref[...] = x / jnp.where(nx == 0.0, 1.0, nx)
    y = y_ref[...]
    ny = jnp.sqrt(jnp.sum(y * y, axis=1, keepdims=True))
    yn_ref[...] = y / jnp.where(ny == 0.0, 1.0, ny)


def _sims(xn_ref, xnT_ref, yn_ref, ynT_ref, row0):
    sx = 5.0 * (jax.lax.dot_general(
        xn_ref[...], xnT_ref[...], (((1,), (0,)), ((), ())),
        preferred_element_type=jnp.float32) + 1.0)
    sy = 5.0 * (jax.lax.dot_general(
        yn_ref[...], ynT_ref[...], (((1,), (0,)), ((), ())),
        preferred_element_type=jnp.float32) + 1.0)
    col = jax.lax.broadcasted_iota(jnp.int32, (BLK, N), 1)
    rid = row0 + jax.lax.broadcasted_iota(jnp.int32, (BLK, N), 0)
    return sx, sy, col, col == rid


def _sim_body(xn_ref, xnT_ref, yn_ref, ynT_ref, smx_ref, smy_ref):
    row0 = NTC + pl.program_id(0) * BLK
    sx, sy, _, isdiag = _sims(xn_ref, xnT_ref, yn_ref, ynT_ref, row0)
    smx_ref[...] = jnp.where(isdiag, NEG, sx)
    smy_ref[...] = jnp.where(isdiag, NEG, sy)


def _main_body(xn_ref, xnT_ref, yn_ref, ynT_ref, out_ref,
               sx_ref, sxw_ref, syw_ref):
    b = pl.program_id(0)
    sx, sy, col, isdiag = _sims(xn_ref, xnT_ref, yn_ref, ynT_ref, b * BLK)
    sx_ref[...] = sx
    sxw_ref[...] = jnp.where(isdiag, NEG, sx)
    syw_ref[...] = jnp.where(isdiag, NEG, sy)

    l40 = jax.lax.broadcasted_iota(jnp.int32, (BLK, L), 1)
    l10 = jax.lax.broadcasted_iota(jnp.int32, (BLK, TOPK), 1)

    def step(t, carry):
        y_ss, x_corr = carry
        syw = syw_ref[...]
        m = jnp.max(syw, axis=1, keepdims=True)
        idx = jnp.min(jnp.where(syw == m, col, N), axis=1, keepdims=True)
        hot = col == idx
        xg = jnp.sum(jnp.where(hot, sx_ref[...], 0.0), axis=1, keepdims=True)
        syw_ref[...] = jnp.where(hot, NEG, syw)
        y_ss = jnp.where(l40 == t, m, y_ss)
        x_corr = jnp.where(l40 == t, xg, x_corr)
        return y_ss, x_corr

    def stepx(t, x_ss):
        sxw = sxw_ref[...]
        mx = jnp.max(sxw, axis=1, keepdims=True)
        idxx = jnp.min(jnp.where(sxw == mx, col, N), axis=1, keepdims=True)
        sxw_ref[...] = jnp.where(col == idxx, NEG, sxw)
        return jnp.where(l10 == t, mx, x_ss)

    z = jnp.zeros((BLK, L), jnp.float32)
    y_ss, x_corr = jax.lax.fori_loop(0, L, step, (z, z))
    x_ss = jax.lax.fori_loop(0, TOPK, stepx,
                             jnp.zeros((BLK, TOPK), jnp.float32))

    l40f = l40.astype(jnp.float32)
    invd = jnp.where(l40 < TOPK, math.log(2.0) / jnp.log(2.0 + l40f), 0.0)
    invd10 = math.log(2.0) / jnp.log(2.0 + l10.astype(jnp.float32))
    idcg = jnp.sum((jnp.exp2(x_ss) - 1.0) * invd10, axis=1, keepdims=True)
    inv_idcg = 1.0 / idcg
    g = jnp.exp2(x_corr) - 1.0

    acc = jnp.zeros((BLK, L), jnp.float32)
    for j in range(TOPK):
        yj = y_ss[:, j:j + 1]
        xj = x_corr[:, j:j + 1]
        gj = g[:, j:j + 1]
        pd = yj - y_ss
        frac = -1.0 / (1.0 + jnp.exp(pd))
        dd = (gj - g) * (_INVD[j] - invd)
        acc = acc + jnp.where((xj - x_corr) > 0.0,
                              frac * jnp.abs(dd) * pd, 0.0)
    for k in range(TOPK):
        yk = y_ss[:, k:k + 1]
        xk = x_corr[:, k:k + 1]
        gk = g[:, k:k + 1]
        pd = y_ss - yk
        frac = -1.0 / (1.0 + jnp.exp(pd))
        dd = (g - gk) * (invd - _INVD[k])
        cond = ((x_corr - xk) > 0.0) & (l40 >= TOPK)
        acc = acc + jnp.where(cond, frac * jnp.abs(dd) * pd, 0.0)
    rowsum = jnp.sum(acc, axis=1, keepdims=True) * inv_idcg
    loss_blk = jnp.sum(rowsum)

    @pl.when(b == 0)
    def _():
        out_ref[0, 0] = 0.0
    out_ref[0, 0] += loss_blk


def _sc_body(smx, smy, out, yrow, xrow, candv, candi, hist,
             ysv, ysi, xcv, gbuf, xsv, obuf, invdbuf):
    nc = 2
    wid = lax.axis_index("s") * nc + lax.axis_index("c")
    iota16 = lax.iota(jnp.int32, 16)
    ones16 = jnp.ones(16, jnp.int32)
    zeros16 = jnp.zeros(16, jnp.int32)
    negv = jnp.full((16,), NEG, jnp.float32)
    invd_c = jnp.zeros(16, jnp.float32)
    for k in range(TOPK):
        invd_c = jnp.where(iota16 == k, float(_INVD[k]), invd_c)
    lane0 = iota16 == 0

    def bucket(v):
        vf = jnp.minimum(jnp.maximum((10.0 - v) * (NBUCK / 10.0), 0.0),
                         float(NBUCK - 1))
        return vf.astype(jnp.int32)

    def find_bstar(rowref, ksel):
        def z(i, c):
            hist[pl.ds(i * 16, 16)] = zeros16
            return c
        lax.fori_loop(0, NBUCK // 16, z, 0, unroll=4)

        def h(i, c):
            v = rowref[pl.ds(i * 16, 16)]
            plsc.addupdate_scatter(hist, [bucket(v)], ones16)
            return c
        lax.fori_loop(0, N // 16, h, 0, unroll=16)

        def s(i, carry):
            run, bst = carry
            hh = hist[pl.ds(i * 16, 16)]
            cum = plsc.cumsum(hh) + run
            cand = jnp.where(cum >= ksel, i * 16 + iota16, 1 << 20)
            return cum[15], jnp.minimum(bst, jnp.min(cand))
        _, bst = lax.fori_loop(0, NBUCK // 16, s,
                               (jnp.int32(0), jnp.int32(1 << 20)))
        return bst

    def collect(rowref, bst):
        def c(i, ptr):
            v = rowref[pl.ds(i * 16, 16)]
            m = bucket(v) <= bst
            cnt = plsc.all_reduce_population_count(m)[0]

            @pl.when(cnt > 0)
            def _():
                cum = plsc.cumsum(m.astype(jnp.int32))
                tgt = ptr + cum - 1
                plsc.store_scatter(candv, [tgt], v, mask=m)
                plsc.store_scatter(candi, [tgt], i * 16 + iota16, mask=m)
            return ptr + cnt
        ptr = lax.fori_loop(0, N // 16, c, jnp.int32(0), unroll=8)
        plsc.store_scatter(candv, [ptr + iota16], negv)
        return ptr

    def select(nsel, ptr, want_idx, outv_ref, outi_ref):
        nv = (ptr + 15) // 16

        def t_body(t, c):
            def mx(i, carry):
                mv, pv = carry
                cv = candv[pl.ds(i * 16, 16)]
                upd = cv > mv
                return (jnp.where(upd, cv, mv),
                        jnp.where(upd, i * 16 + iota16, pv))
            mv, pv = lax.fori_loop(0, nv, mx, (negv, zeros16))
            msp = jnp.broadcast_to(jnp.max(mv), (16,))
            psp = jnp.broadcast_to(
                jnp.min(jnp.where(mv == msp, pv, 1 << 20)), (16,))
            tsp = jnp.broadcast_to(t, (16,))
            plsc.store_scatter(outv_ref, [tsp], msp, mask=lane0)
            if want_idx:
                ci = plsc.load_gather(candi, [psp])
                plsc.store_scatter(outi_ref, [tsp], ci, mask=lane0)
            plsc.store_scatter(candv, [psp], negv, mask=lane0)
            return c
        lax.fori_loop(0, nsel, t_body, 0)

    for kk in range(3):
        ysi[pl.ds(kk * 16, 16)] = zeros16
        ysv[pl.ds(kk * 16, 16)] = jnp.zeros(16, jnp.float32)
    invdbuf[...] = invd_c

    def row_body(r, acc16w):
        row = wid * RPW + r
        pltpu.sync_copy(smy.at[row], yrow)
        pltpu.sync_copy(smx.at[row], xrow)

        bsty = find_bstar(yrow, L)
        ptry = collect(yrow, bsty)
        select(L, ptry, True, ysv, ysi)

        bstx = find_bstar(xrow, TOPK)
        ptrx = collect(xrow, bstx)
        select(TOPK, ptrx, False, xsv, None)

        def gat(kk, c):
            idx = ysi[pl.ds(kk * 16, 16)]
            xv = plsc.load_gather(xrow, [idx])
            xcv[pl.ds(kk * 16, 16)] = xv
            gbuf[pl.ds(kk * 16, 16)] = jnp.exp(xv * LN2) - 1.0
            return c
        lax.fori_loop(0, 3, gat, 0)

        xs = xsv[...]
        idcg = jnp.sum(jnp.where(iota16 < TOPK,
                                 (jnp.exp(xs * LN2) - 1.0) * invd_c, 0.0))

        def jsweep(j, acc):
            jsp = jnp.broadcast_to(j, (16,))
            yj = plsc.load_gather(ysv, [jsp])
            xj = plsc.load_gather(xcv, [jsp])
            gj = plsc.load_gather(gbuf, [jsp])
            ivj = plsc.load_gather(invdbuf, [jsp])

            def inner(kk, a):
                kidx = kk * 16 + iota16
                yk = ysv[pl.ds(kk * 16, 16)]
                xk = xcv[pl.ds(kk * 16, 16)]
                gk = gbuf[pl.ds(kk * 16, 16)]
                ivk = jnp.where(kk == 0, invd_c, 0.0)
                pd = yj - yk
                frac = -1.0 / (1.0 + jnp.exp(pd))
                dd = (gj - gk) * (ivj - ivk)
                cond = ((xj - xk) > 0.0) & (kidx < L)
                return a + jnp.where(cond, frac * jnp.abs(dd) * pd, 0.0)
            return lax.fori_loop(0, 3, inner, acc, unroll=3)

        def ksweep(k, acc):
            ksp = jnp.broadcast_to(k, (16,))
            yk = plsc.load_gather(ysv, [ksp])
            xk = plsc.load_gather(xcv, [ksp])
            gk = plsc.load_gather(gbuf, [ksp])
            ivk = plsc.load_gather(invdbuf, [ksp])

            def inner(kk, a):
                jidx = kk * 16 + iota16
                yv = ysv[pl.ds(kk * 16, 16)]
                xv = xcv[pl.ds(kk * 16, 16)]
                gv = gbuf[pl.ds(kk * 16, 16)]
                ivv = jnp.where(kk == 0, invd_c, 0.0)
                pd = yv - yk
                frac = -1.0 / (1.0 + jnp.exp(pd))
                dd = (gv - gk) * (ivv - ivk)
                cond = ((xv - xk) > 0.0) & (jidx >= TOPK) & (jidx < L)
                return a + jnp.where(cond, frac * jnp.abs(dd) * pd, 0.0)
            return lax.fori_loop(0, 3, inner, acc, unroll=3)

        acc = jnp.zeros(16, jnp.float32)
        acc = lax.fori_loop(0, TOPK, jsweep, acc)
        acc = lax.fori_loop(0, TOPK, ksweep, acc)
        keep = jnp.broadcast_to(
            ((NTC + row) < NROWS).astype(jnp.float32), (16,))
        idcg_sp = jnp.broadcast_to(idcg, (16,))
        return acc16w + acc * (keep / idcg_sp)

    acc16w = lax.fori_loop(0, RPW, row_body, jnp.zeros(16, jnp.float32))
    obuf[...] = acc16w
    pltpu.sync_copy(obuf, out.at[wid])


def _impl(x, y):
    xn, yn = pl.pallas_call(
        _norm_body,
        out_shape=[jax.ShapeDtypeStruct((N, DX), jnp.float32),
                   jax.ShapeDtypeStruct((N, DY), jnp.float32)],
    )(x, y)
    xnT = xn.T
    ynT = yn.T

    smx, smy = pl.pallas_call(
        _sim_body,
        grid=(NSCB,),
        in_specs=[
            pl.BlockSpec((BLK, DX), lambda b: (b + NTCB, 0)),
            pl.BlockSpec((DX, N), lambda b: (0, 0)),
            pl.BlockSpec((BLK, DY), lambda b: (b + NTCB, 0)),
            pl.BlockSpec((DY, N), lambda b: (0, 0)),
        ],
        out_specs=[pl.BlockSpec((BLK, N), lambda b: (b, 0)),
                   pl.BlockSpec((BLK, N), lambda b: (b, 0))],
        out_shape=[jax.ShapeDtypeStruct((MSC, N), jnp.float32),
                   jax.ShapeDtypeStruct((MSC, N), jnp.float32)],
    )(xn, xnT, yn, ynT)

    sc = pl.kernel(
        _sc_body,
        out_type=jax.ShapeDtypeStruct((NWORK, 16), jnp.float32),
        mesh=plsc.VectorSubcoreMesh(core_axis_name="c", subcore_axis_name="s"),
        compiler_params=pltpu.CompilerParams(needs_layout_passes=False),
        scratch_types=[
            pltpu.VMEM((N,), jnp.float32),
            pltpu.VMEM((N,), jnp.float32),
            pltpu.VMEM((N + 16,), jnp.float32),
            pltpu.VMEM((N + 16,), jnp.int32),
            pltpu.VMEM((NBUCK,), jnp.int32),
            pltpu.VMEM((48,), jnp.float32),
            pltpu.VMEM((48,), jnp.int32),
            pltpu.VMEM((48,), jnp.float32),
            pltpu.VMEM((48,), jnp.float32),
            pltpu.VMEM((16,), jnp.float32),
            pltpu.VMEM((16,), jnp.float32),
            pltpu.VMEM((16,), jnp.float32),
        ],
    )
    partials = sc(smx, smy)

    loss_tc = pl.pallas_call(
        _main_body,
        grid=(NTCB,),
        in_specs=[
            pl.BlockSpec((BLK, DX), lambda b: (b, 0)),
            pl.BlockSpec((DX, N), lambda b: (0, 0)),
            pl.BlockSpec((BLK, DY), lambda b: (b, 0)),
            pl.BlockSpec((DY, N), lambda b: (0, 0)),
        ],
        out_specs=pl.BlockSpec((1, 1), lambda b: (0, 0),
                               memory_space=pltpu.SMEM),
        out_shape=jax.ShapeDtypeStruct((1, 1), jnp.float32),
        scratch_shapes=[pltpu.VMEM((BLK, N), jnp.float32)] * 3,
    )(xn, xnT, yn, ynT)

    return loss_tc[0, 0] + jnp.sum(partials)


def kernel(x, y):
    return _impl(x, y)

# --- scband reference (transcript-rebuilt; emitter-appended) ---
"""Pipeline reference for scband-redress-49374944035230 (READ-ONLY COPY).

The authoritative reference and input builder live on the scoring server;
editing this copy changes nothing except your own understanding.
"""

import jax, jax.numpy as jnp
import numpy as np

TOP_K = 10
K_PARA = 4
SIGMA_1 = 1.0
N = 4096
D_FEAT = 512
D_OUT = 128


def simi(output):
    a = jnp.linalg.norm(output, axis=1, keepdims=True)
    a = jnp.where(a == 0, jnp.ones_like(a), a)
    a_norm = output / a
    b_norm = output / a
    return 5.0 * (a_norm @ b_norm.T + 1.0)


def redress_loss(x, y, top_k=TOP_K, k_para=K_PARA, sigma_1=SIGMA_1):
    n = x.shape[0]
    max_num = 2000000.0
    x_sim = simi(x)
    y_sim = simi(y)
    d = jnp.arange(n)
    x_sim = x_sim.at[d, d].set(max_num)
    y_sim = y_sim.at[d, d].set(max_num)
    L = k_para * top_k
    # descending sorts
    x_sorted_scores = -jnp.sort(-x_sim, axis=1)
    y_order = jnp.argsort(-y_sim, axis=1)
    y_sorted_scores = jnp.take_along_axis(y_sim, y_order, axis=1)
    y_ss = y_sorted_scores[:, 1:L + 1]
    y_si = y_order[:, 1:L + 1]
    x_ss = x_sorted_scores[:, 1:L + 1]
    # pairs_delta[i, j, k] = y_ss[i, j] - y_ss[i, k]  (orig layout [j,k,i])
    pairs_delta = y_ss[:, :, None] - y_ss[:, None, :]
    fraction_1 = -sigma_1 / (1.0 + jnp.exp(pairs_delta * sigma_1))
    x_corr = jnp.take_along_axis(x_sim, y_si, axis=1)
    x_delta = x_corr[:, :, None] - x_corr[:, None, :]
    s = jnp.sign(x_delta)
    S_x = jnp.where(s < 0, jnp.zeros_like(s), s)
    # idcg per row over x_ss[:, :top_k]
    denom_k = jnp.log2(2.0 + jnp.arange(top_k, dtype=jnp.float32))
    idcg = jnp.sum((jnp.power(2.0, x_ss[:, :top_k]) - 1.0) / denom_k, axis=1)
    # closed-form |dcg1 - dcg2| for swapping positions j and k:
    # only positions < top_k contribute, delta = (g_j - g_k) * (1/D_j - 1/D_k)
    g = jnp.power(2.0, x_corr) - 1.0
    pos = jnp.arange(L, dtype=jnp.float32)
    inv_d = jnp.where(jnp.arange(L) < top_k, 1.0 / jnp.log2(2.0 + pos), 0.0)
    delta_dcg = (g[:, :, None] - g[:, None, :]) * (inv_d[None, :, None] - inv_d[None, None, :])
    row_mask = (jnp.arange(n, dtype=jnp.float32) < 0.6 * n).astype(jnp.float32)
    ndcg_delta = jnp.abs(delta_dcg) / idcg[:, None, None] * row_mask[:, None, None]
    ndcg_delta = ndcg_delta * (S_x != 0)
    without_zero = S_x * fraction_1 * ndcg_delta  # [i, j, k]
    # lambdas[i, j] = sum_k wz[j, k, i] - sum_k wz[k, j, i]  (orig layout)
    lambdas = jnp.sum(without_zero, axis=2) - jnp.sum(without_zero, axis=1)
    mid = jnp.zeros_like(x_sim).at[jnp.arange(n)[:, None], y_si].set(lambdas)
    # REDRESS injects `mid` as the gradient of y_similarity -> equivalent scalar loss
    loss = jnp.sum(y_sim * jax.lax.stop_gradient(mid))
    return loss


def setup_inputs(seed: int = 0) -> dict:
    key = jax.random.key(seed)
    kx, ky = jax.random.split(key)
    x = jax.random.normal(kx, (N, D_FEAT), dtype=jnp.float32)
    y = jax.random.normal(ky, (N, D_OUT), dtype=jnp.float32)
    return {"x": x, "y": y}


def reference(x, y):
    return redress_loss(x, y)

if __name__ == "__main__":
    import jax
    _d = setup_inputs()
    print(jax.jit(kernel)(*tuple(_d.values())))

</pallas_src>

<mosaic_0001>
#map = affine_map<(d0, d1) -> (0, 0)>
module attributes {stable_mosaic.version = 14 : i64} {
  func.func @_sc_body(%arg0: i32, %arg1: i32, %arg2: memref<768x4096xf32, #tpu.memory_space<hbm>>, %arg3: memref<768x4096xf32, #tpu.memory_space<hbm>>, %arg4: memref<32x16xf32, #tpu.memory_space<hbm>>, %arg5: memref<4096xf32, #tpu.memory_space<vmem>>, %arg6: memref<4096xf32, #tpu.memory_space<vmem>>, %arg7: memref<4112xf32, #tpu.memory_space<vmem>>, %arg8: memref<4112xi32, #tpu.memory_space<vmem>>, %arg9: memref<256xi32, #tpu.memory_space<vmem>>, %arg10: memref<48xf32, #tpu.memory_space<vmem>>, %arg11: memref<48xi32, #tpu.memory_space<vmem>>, %arg12: memref<48xf32, #tpu.memory_space<vmem>>, %arg13: memref<48xf32, #tpu.memory_space<vmem>>, %arg14: memref<16xf32, #tpu.memory_space<vmem>>, %arg15: memref<16xf32, #tpu.memory_space<vmem>>, %arg16: memref<16xf32, #tpu.memory_space<vmem>>) attributes {dimension_semantics = [#tpu.dimension_semantics<core_parallel>, #tpu.dimension_semantics<subcore_parallel>], iteration_bounds = array<i64: 2, 16>, scalar_prefetch = 0 : i64, scratch_operands = 12 : i64, tpu.core_type = #tpu.core_type<sc_vector_subcore>, window_params = [{transform_indices = #map}, {transform_indices = #map}, {transform_indices = #map}]} {
    %mul3A = arith.constant 2 : i32
    %mul3A_0 = arith.muli %arg1, %mul3A : i32
    %add3A = arith.addi %mul3A_0, %arg0 : i32
    %iota3A = tpu.iota {dimensions = array<i32: 0>} : vector<16xi32>
    %broadcast_in_dim3A = arith.constant 1 : i32
    %broadcast_in_dim3A_1 = vector.broadcast %broadcast_in_dim3A : i32 to vector<16xi32>
    %broadcast_in_dim3A_2 = arith.constant 0 : i32
    %broadcast_in_dim3A_3 = vector.broadcast %broadcast_in_dim3A_2 : i32 to vector<16xi32>
    %broadcast_in_dim3A_4 = arith.constant -1.000000e+30 : f32
    %broadcast_in_dim3A_5 = vector.broadcast %broadcast_in_dim3A_4 : f32 to vector<16xf32>
    %broadcast_in_dim3A_6 = arith.constant 0.000000e+00 : f32
    %broadcast_in_dim3A_7 = vector.broadcast %broadcast_in_dim3A_6 : f32 to vector<16xf32>
    %eq3A = arith.constant 0 : i32
    %eq3A_8 = vector.broadcast %eq3A : i32 to vector<16xi32>
    %eq3A_9 = arith.cmpi eq, %iota3A, %eq3A_8 : vector<16xi32>
    %jit3A = arith.constant 1.000000e+00 : f32
    %broadcast_in_dim3A_10 = vector.broadcast %jit3A : f32 to vector<16xf32>
    %select_n3A = arith.select %eq3A_9, %broadcast_in_dim3A_10, %broadcast_in_dim3A_7 : vector<16xi1>, vector<16xf32>
    %eq3A_11 = arith.constant 1 : i32
    %eq3A_12 = vector.broadcast %eq3A_11 : i32 to vector<16xi32>
    %eq3A_13 = arith.cmpi eq, %iota3A, %eq3A_12 : vector<16xi32>
    %jit3A_14 = arith.constant 0.630929768 : f32
    %broadcast_in_dim3A_15 = vector.broadcast %jit3A_14 : f32 to vector<16xf32>
    %select_n3A_16 = arith.select %eq3A_13, %broadcast_in_dim3A_15, %select_n3A : vector<16xi1>, vector<16xf32>
    %eq3A_17 = arith.constant 2 : i32
    %eq3A_18 = vector.broadcast %eq3A_17 : i32 to vector<16xi32>
    %eq3A_19 = arith.cmpi eq, %iota3A, %eq3A_18 : vector<16xi32>
    %jit3A_20 = arith.constant 5.000000e-01 : f32
    %broadcast_in_dim3A_21 = vector.broadcast %jit3A_20 : f32 to vector<16xf32>
    %select_n3A_22 = arith.select %eq3A_19, %broadcast_in_dim3A_21, %select_n3A_16 : vector<16xi1>, vector<16xf32>
    %eq3A_23 = arith.constant 3 : i32
    %eq3A_24 = vector.broadcast %eq3A_23 : i32 to vector<16xi32>
    %eq3A_25 = arith.cmpi eq, %iota3A, %eq3A_24 : vector<16xi32>
    %jit3A_26 = arith.constant 0.43067655 : f32
    %broadcast_in_dim3A_27 = vector.broadcast %jit3A_26 : f32 to vector<16xf32>
    %select_n3A_28 = arith.select %eq3A_25, %broadcast_in_dim3A_27, %select_n3A_22 : vector<16xi1>, vector<16xf32>
    %eq3A_29 = arith.constant 4 : i32
    %eq3A_30 = vector.broadcast %eq3A_29 : i32 to vector<16xi32>
    %eq3A_31 = arith.cmpi eq, %iota3A, %eq3A_30 : vector<16xi32>
    %jit3A_32 = arith.constant 0.386852801 : f32
    %broadcast_in_dim3A_33 = vector.broadcast %jit3A_32 : f32 to vector<16xf32>
    %select_n3A_34 = arith.select %eq3A_31, %broadcast_in_dim3A_33, %select_n3A_28 : vector<16xi1>, vector<16xf32>
    %eq3A_35 = arith.constant 5 : i32
    %eq3A_36 = vector.broadcast %eq3A_35 : i32 to vector<16xi32>
    %eq3A_37 = arith.cmpi eq, %iota3A, %eq3A_36 : vector<16xi32>
    %jit3A_38 = arith.constant 0.356207192 : f32
    %broadcast_in_dim3A_39 = vector.broadcast %jit3A_38 : f32 to vector<16xf32>
    %select_n3A_40 = arith.select %eq3A_37, %broadcast_in_dim3A_39, %select_n3A_34 : vector<16xi1>, vector<16xf32>
    %eq3A_41 = arith.constant 6 : i32
    %eq3A_42 = vector.broadcast %eq3A_41 : i32 to vector<16xi32>
    %eq3A_43 = arith.cmpi eq, %iota3A, %eq3A_42 : vector<16xi32>
    %jit3A_44 = arith.constant 0.333333343 : f32
    %broadcast_in_dim3A_45 = vector.broadcast %jit3A_44 : f32 to vector<16xf32>
    %select_n3A_46 = arith.select %eq3A_43, %broadcast_in_dim3A_45, %select_n3A_40 : vector<16xi1>, vector<16xf32>
    %eq3A_47 = arith.constant 7 : i32
    %eq3A_48 = vector.broadcast %eq3A_47 : i32 to vector<16xi32>
    %eq3A_49 = arith.cmpi eq, %iota3A, %eq3A_48 : vector<16xi32>
    %jit3A_50 = arith.constant 0.315464884 : f32
    %broadcast_in_dim3A_51 = vector.broadcast %jit3A_50 : f32 to vector<16xf32>
    %select_n3A_52 = arith.select %eq3A_49, %broadcast_in_dim3A_51, %select_n3A_46 : vector<16xi1>, vector<16xf32>
    %eq3A_53 = arith.constant 8 : i32
    %eq3A_54 = vector.broadcast %eq3A_53 : i32 to vector<16xi32>
    %eq3A_55 = arith.cmpi eq, %iota3A, %eq3A_54 : vector<16xi32>
    %jit3A_56 = arith.constant 3.010300e-01 : f32
    %broadcast_in_dim3A_57 = vector.broadcast %jit3A_56 : f32 to vector<16xf32>
    %select_n3A_58 = arith.select %eq3A_55, %broadcast_in_dim3A_57, %select_n3A_52 : vector<16xi1>, vector<16xf32>
    %eq3A_59 = arith.constant 9 : i32
    %eq3A_60 = vector.broadcast %eq3A_59 : i32 to vector<16xi32>
    %eq3A_61 = arith.cmpi eq, %iota3A, %eq3A_60 : vector<16xi32>
    %jit3A_62 = arith.constant 0.289064825 : f32
    %broadcast_in_dim3A_63 = vector.broadcast %jit3A_62 : f32 to vector<16xf32>
    %select_n3A_64 = arith.select %eq3A_61, %broadcast_in_dim3A_63, %select_n3A_58 : vector<16xi1>, vector<16xf32>
    %eq3A_65 = arith.constant 0 : i32
    %eq3A_66 = vector.broadcast %eq3A_65 : i32 to vector<16xi32>
    %eq3A_67 = arith.cmpi eq, %iota3A, %eq3A_66 : vector<16xi32>
    %swap3A = arith.constant 0 : index
    %swap3A_68 = tpu.vector_load %arg11[%swap3A] {strides = array<i32>} : memref<48xi32, #tpu.memory_space<vmem>>, vector<16xi32>,
    tpu.vector_store %arg11[%swap3A], %broadcast_in_dim3A_3 {strides = array<i32>} : memref<48xi32, #tpu.memory_space<vmem>>, vector<16xi32>,
    %broadcast_in_dim3A_69 = arith.constant 0.000000e+00 : f32
    %broadcast_in_dim3A_70 = vector.broadcast %broadcast_in_dim3A_69 : f32 to vector<16xf32>
    %swap3A_71 = arith.constant 0 : index
    %swap3A_72 = tpu.vector_load %arg10[%swap3A_71] {strides = array<i32>} : memref<48xf32, #tpu.memory_space<vmem>>, vector<16xf32>,
    tpu.vector_store %arg10[%swap3A_71], %broadcast_in_dim3A_70 {strides = array<i32>} : memref<48xf32, #tpu.memory_space<vmem>>, vector<16xf32>,
    %swap3A_73 = arith.constant 16 : index
    %swap3A_74 = tpu.vector_load %arg11[%swap3A_73] {strides = array<i32>} : memref<48xi32, #tpu.memory_space<vmem>>, vector<16xi32>,
    tpu.vector_store %arg11[%swap3A_73], %broadcast_in_dim3A_3 {strides = array<i32>} : memref<48xi32, #tpu.memory_space<vmem>>, vector<16xi32>,
    %broadcast_in_dim3A_75 = arith.constant 0.000000e+00 : f32
    %broadcast_in_dim3A_76 = vector.broadcast %broadcast_in_dim3A_75 : f32 to vector<16xf32>
    %swap3A_77 = arith.constant 16 : index
    %swap3A_78 = tpu.vector_load %arg10[%swap3A_77] {strides = array<i32>} : memref<48xf32, #tpu.memory_space<vmem>>, vector<16xf32>,
    tpu.vector_store %arg10[%swap3A_77], %broadcast_in_dim3A_76 {strides = array<i32>} : memref<48xf32, #tpu.memory_space<vmem>>, vector<16xf32>,
    %swap3A_79 = arith.constant 32 : index
    %swap3A_80 = tpu.vector_load %arg11[%swap3A_79] {strides = array<i32>} : memref<48xi32, #tpu.memory_space<vmem>>, vector<16xi32>,
    tpu.vector_store %arg11[%swap3A_79], %broadcast_in_dim3A_3 {strides = array<i32>} : memref<48xi32, #tpu.memory_space<vmem>>, vector<16xi32>,
    %broadcast_in_dim3A_81 = arith.constant 0.000000e+00 : f32
    %broadcast_in_dim3A_82 = vector.broadcast %broadcast_in_dim3A_81 : f32 to vector<16xf32>
    %swap3A_83 = arith.constant 32 : index
    %swap3A_84 = tpu.vector_load %arg10[%swap3A_83] {strides = array<i32>} : memref<48xf32, #tpu.memory_space<vmem>>, vector<16xf32>,
    tpu.vector_store %arg10[%swap3A_83], %broadcast_in_dim3A_82 {strides = array<i32>} : memref<48xf32, #tpu.memory_space<vmem>>, vector<16xf32>,
    %swap3A_85 = arith.constant 0 : index
    %swap3A_86 = tpu.vector_load %arg16[%swap3A_85] {strides = array<i32>} : memref<16xf32, #tpu.memory_space<vmem>>, vector<16xf32>,
    tpu.vector_store %arg16[%swap3A_85], %select_n3A_64 {strides = array<i32>} : memref<16xf32, #tpu.memory_space<vmem>>, vector<16xf32>,
    %broadcast_in_dim3A_87 = arith.constant 0.000000e+00 : f32
    %broadcast_in_dim3A_88 = vector.broadcast %broadcast_in_dim3A_87 : f32 to vector<16xf32>
    %scan3A = arith.constant 0 : i32
    %scan3A_89 = arith.constant 24 : i32
    %scan3A_90 = arith.addi %scan3A, %scan3A_89 : i32
    %scan3A_91 = arith.constant 1 : i32
    %scan3A_92 = scf.for %scan3A_96 = %scan3A to %scan3A_90 step %scan3A_91 iter_args(%scan3A_97 = %broadcast_in_dim3A_88) -> (vector<16xf32>)  : i32 {
      %mul3A_98 = arith.constant 24 : i32
      %mul3A_99 = arith.muli %add3A, %mul3A_98 : i32
      %add3A_100 = arith.addi %mul3A_99, %scan3A_96 : i32
      "tpu.region"() ({
        %run_scoped3A = tpu.sem_alloc : memref<!tpu.dma_semaphore, #tpu.memory_space<semaphore_mem>>
        %dma_start3A = arith.constant 0 : i32
        %dma_start3A_263 = tpu.memref_slice %arg3[%add3A_100, %dma_start3A] : memref<768x4096xf32, #tpu.memory_space<hbm>> -> memref<1x4096xf32, #tpu.memory_space<hbm>>
        %dma_start3A_264 = tpu.memref_squeeze %dma_start3A_263 : memref<1x4096xf32, #tpu.memory_space<hbm>> -> memref<4096xf32, #tpu.memory_space<hbm>>
        %dma_start3A_265 = arith.constant 0 : i32
        %dma_start3A_266 = tpu.memref_slice %arg3[%add3A_100, %dma_start3A_265] : memref<768x4096xf32, #tpu.memory_space<hbm>> -> memref<1x4096xf32, #tpu.memory_space<hbm>>
        %dma_start3A_267 = tpu.memref_squeeze %dma_start3A_266 : memref<1x4096xf32, #tpu.memory_space<hbm>> -> memref<4096xf32, #tpu.memory_space<hbm>>
        tpu.enqueue_dma source(%dma_start3A_267 : memref<4096xf32, #tpu.memory_space<hbm>>) target(%arg5 : memref<4096xf32, #tpu.memory_space<vmem>>) target_semaphore(%run_scoped3A : memref<!tpu.dma_semaphore, #tpu.memory_space<semaphore_mem>>)
        %dma_wait3A = arith.constant 0 : i32
        %dma_wait3A_268 = tpu.memref_slice %arg3[%add3A_100, %dma_wait3A] : memref<768x4096xf32, #tpu.memory_space<hbm>> -> memref<1x4096xf32, #tpu.memory_space<hbm>>
        %dma_wait3A_269 = tpu.memref_squeeze %dma_wait3A_268 : memref<1x4096xf32, #tpu.memory_space<hbm>> -> memref<4096xf32, #tpu.memory_space<hbm>>
        %dma_wait3A_270 = arith.constant 0 : i32
        %dma_wait3A_271 = tpu.memref_slice %arg3[%add3A_100, %dma_wait3A_270] : memref<768x4096xf32, #tpu.memory_space<hbm>> -> memref<1x4096xf32, #tpu.memory_space<hbm>>
        %dma_wait3A_272 = tpu.memref_squeeze %dma_wait3A_271 : memref<1x4096xf32, #tpu.memory_space<hbm>> -> memref<4096xf32, #tpu.memory_space<hbm>>
        tpu.wait_dma2 semaphore(%run_scoped3A : memref<!tpu.dma_semaphore, #tpu.memory_space<semaphore_mem>>) src(%dma_wait3A_272 : memref<4096xf32, #tpu.memory_space<hbm>>) dst(%arg5 : memref<4096xf32, #tpu.memory_space<vmem>>)
        tpu.yield
      }) : () -> ()
      "tpu.region"() ({
        %run_scoped3A = tpu.sem_alloc : memref<!tpu.dma_semaphore, #tpu.memory_space<semaphore_mem>>
        %dma_start3A = arith.constant 0 : i32
        %dma_start3A_263 = tpu.memref_slice %arg2[%add3A_100, %dma_start3A] : memref<768x4096xf32, #tpu.memory_space<hbm>> -> memref<1x4096xf32, #tpu.memory_space<hbm>>
        %dma_start3A_264 = tpu.memref_squeeze %dma_start3A_263 : memref<1x4096xf32, #tpu.memory_space<hbm>> -> memref<4096xf32, #tpu.memory_space<hbm>>
        %dma_start3A_265 = arith.constant 0 : i32
        %dma_start3A_266 = tpu.memref_slice %arg2[%add3A_100, %dma_start3A_265] : memref<768x4096xf32, #tpu.memory_space<hbm>> -> memref<1x4096xf32, #tpu.memory_space<hbm>>
        %dma_start3A_267 = tpu.memref_squeeze %dma_start3A_266 : memref<1x4096xf32, #tpu.memory_space<hbm>> -> memref<4096xf32, #tpu.memory_space<hbm>>
        tpu.enqueue_dma source(%dma_start3A_267 : memref<4096xf32, #tpu.memory_space<hbm>>) target(%arg6 : memref<4096xf32, #tpu.memory_space<vmem>>) target_semaphore(%run_scoped3A : memref<!tpu.dma_semaphore, #tpu.memory_space<semaphore_mem>>)
        %dma_wait3A = arith.constant 0 : i32
        %dma_wait3A_268 = tpu.memref_slice %arg2[%add3A_100, %dma_wait3A] : memref<768x4096xf32, #tpu.memory_space<hbm>> -> memref<1x4096xf32, #tpu.memory_space<hbm>>
        %dma_wait3A_269 = tpu.memref_squeeze %dma_wait3A_268 : memref<1x4096xf32, #tpu.memory_space<hbm>> -> memref<4096xf32, #tpu.memory_space<hbm>>
        %dma_wait3A_270 = arith.constant 0 : i32
        %dma_wait3A_271 = tpu.memref_slice %arg2[%add3A_100, %dma_wait3A_270] : memref<768x4096xf32, #tpu.memory_space<hbm>> -> memref<1x4096xf32, #tpu.memory_space<hbm>>
        %dma_wait3A_272 = tpu.memref_squeeze %dma_wait3A_271 : memref<1x4096xf32, #tpu.memory_space<hbm>> -> memref<4096xf32, #tpu.memory_space<hbm>>
        tpu.wait_dma2 semaphore(%run_scoped3A : memref<!tpu.dma_semaphore, #tpu.memory_space<semaphore_mem>>) src(%dma_wait3A_272 : memref<4096xf32, #tpu.memory_space<hbm>>) dst(%arg6 : memref<4096xf32, #tpu.memory_space<vmem>>)
        tpu.yield
      }) : () -> ()
      %scan3A_101 = arith.constant 0 : i32
      %scan3A_102 = arith.constant 0 : i32
      %scan3A_103 = arith.constant 16 : i32
      %scan3A_104 = arith.addi %scan3A_102, %scan3A_103 : i32
      %scan3A_105 = arith.constant 4 : i32
      scf.for %scan3A_263 = %scan3A_102 to %scan3A_104 step %scan3A_105  : i32 {
        %mul3A_264 = arith.constant 16 : i32
        %mul3A_265 = arith.muli %scan3A_263, %mul3A_264 : i32
        %swap3A_266 = arith.index_cast %mul3A_265 : i32 to index
        %swap3A_267 = tpu.vector_load %arg9[%swap3A_266] {strides = array<i32>} : memref<256xi32, #tpu.memory_space<vmem>>, vector<16xi32>,
        tpu.vector_store %arg9[%swap3A_266], %broadcast_in_dim3A_3 {strides = array<i32>} : memref<256xi32, #tpu.memory_space<vmem>>, vector<16xi32>,
        %scan3A_268 = arith.constant 1 : i32
        %scan3A_269 = arith.addi %scan3A_263, %scan3A_268 : i32
        %mul3A_270 = arith.constant 16 : i32
        %mul3A_271 = arith.muli %scan3A_269, %mul3A_270 : i32
        %swap3A_272 = arith.index_cast %mul3A_271 : i32 to index
        %swap3A_273 = tpu.vector_load %arg9[%swap3A_272] {strides = array<i32>} : memref<256xi32, #tpu.memory_space<vmem>>, vector<16xi32>,
        tpu.vector_store %arg9[%swap3A_272], %broadcast_in_dim3A_3 {strides = array<i32>} : memref<256xi32, #tpu.memory_space<vmem>>, vector<16xi32>,
        %scan3A_274 = arith.constant 2 : i32
        %scan3A_275 = arith.addi %scan3A_263, %scan3A_274 : i32
        %mul3A_276 = arith.constant 16 : i32
        %mul3A_277 = arith.muli %scan3A_275, %mul3A_276 : i32
        %swap3A_278 = arith.index_cast %mul3A_277 : i32 to index
        %swap3A_279 = tpu.vector_load %arg9[%swap3A_278] {strides = array<i32>} : memref<256xi32, #tpu.memory_space<vmem>>, vector<16xi32>,
        tpu.vector_store %arg9[%swap3A_278], %broadcast_in_dim3A_3 {strides = array<i32>} : memref<256xi32, #tpu.memory_space<vmem>>, vector<16xi32>,
        %scan3A_280 = arith.constant 3 : i32
        %scan3A_281 = arith.addi %scan3A_263, %scan3A_280 : i32
        %mul3A_282 = arith.constant 16 : i32
        %mul3A_283 = arith.muli %scan3A_281, %mul3A_282 : i32
        %swap3A_284 = arith.index_cast %mul3A_283 : i32 to index
        %swap3A_285 = tpu.vector_load %arg9[%swap3A_284] {strides = array<i32>} : memref<256xi32, #tpu.memory_space<vmem>>, vector<16xi32>,
        tpu.vector_store %arg9[%swap3A_284], %broadcast_in_dim3A_3 {strides = array<i32>} : memref<256xi32, #tpu.memory_space<vmem>>, vector<16xi32>,
      }
      %scan3A_106 = arith.constant 16 : i32
      %scan3A_107 = arith.constant 0 : i32
      %scan3A_108 = arith.constant 0 : i32
      %scan3A_109 = arith.constant 256 : i32
      %scan3A_110 = arith.addi %scan3A_108, %scan3A_109 : i32
      %scan3A_111 = arith.constant 16 : i32
      scf.for %scan3A_263 = %scan3A_108 to %scan3A_110 step %scan3A_111  : i32 {
        %mul3A_264 = arith.constant 16 : i32
        %mul3A_265 = arith.muli %scan3A_263, %mul3A_264 : i32
        %get3A_266 = arith.index_cast %mul3A_265 : i32 to index
        %get3A_267 = tpu.vector_load %arg5[%get3A_266] {strides = array<i32>} : memref<4096xf32, #tpu.memory_space<vmem>>, vector<16xf32>,
        %sub3A_268 = arith.constant 1.000000e+01 : f32
        %sub3A_269 = vector.broadcast %sub3A_268 : f32 to vector<16xf32>
        %sub3A_270 = arith.subf %sub3A_269, %get3A_267 : vector<16xf32>
        %mul3A_271 = arith.constant 2.560000e+01 : f32
        %mul3A_272 = vector.broadcast %mul3A_271 : f32 to vector<16xf32>
        %mul3A_273 = arith.mulf %sub3A_270, %mul3A_272 : vector<16xf32>
        %max3A = arith.constant 0.000000e+00 : f32
        %max3A_274 = vector.broadcast %max3A : f32 to vector<16xf32>
        %max3A_275 = arith.maximumf %mul3A_273, %max3A_274 : vector<16xf32>
        %min3A = arith.constant 2.550000e+02 : f32
        %min3A_276 = vector.broadcast %min3A : f32 to vector<16xf32>
        %min3A_277 = arith.minimumf %max3A_275, %min3A_276 : vector<16xf32>
        %convert_element_type3A_278 = arith.fptosi %min3A_277 : vector<16xf32> to vector<16xi32>
        tpu.vector_store_idx %arg9[%convert_element_type3A_278], %broadcast_in_dim3A_1 {add = true} : memref<256xi32, #tpu.memory_space<vmem>>[vector<16xi32>], vector<16xi32>,
        %scan3A_279 = arith.constant 1 : i32
        %scan3A_280 = arith.addi %scan3A_263, %scan3A_279 : i32
        %mul3A_281 = arith.constant 16 : i32
        %mul3A_282 = arith.muli %scan3A_280, %mul3A_281 : i32
        %get3A_283 = arith.index_cast %mul3A_282 : i32 to index
        %get3A_284 = tpu.vector_load %arg5[%get3A_283] {strides = array<i32>} : memref<4096xf32, #tpu.memory_space<vmem>>, vector<16xf32>,
        %sub3A_285 = arith.constant 1.000000e+01 : f32
        %sub3A_286 = vector.broadcast %sub3A_285 : f32 to vector<16xf32>
        %sub3A_287 = arith.subf %sub3A_286, %get3A_284 : vector<16xf32>
        %mul3A_288 = arith.constant 2.560000e+01 : f32
        %mul3A_289 = vector.broadcast %mul3A_288 : f32 to vector<16xf32>
        %mul3A_290 = arith.mulf %sub3A_287, %mul3A_289 : vector<16xf32>
        %max3A_291 = arith.constant 0.000000e+00 : f32
        %max3A_292 = vector.broadcast %max3A_291 : f32 to vector<16xf32>
        %max3A_293 = arith.maximumf %mul3A_290, %max3A_292 : vector<16xf32>
        %min3A_294 = arith.constant 2.550000e+02 : f32
        %min3A_295 = vector.broadcast %min3A_294 : f32 to vector<16xf32>
        %min3A_296 = arith.minimumf %max3A_293, %min3A_295 : vector<16xf32>
        %convert_element_type3A_297 = arith.fptosi %min3A_296 : vector<16xf32> to vector<16xi32>
        tpu.vector_store_idx %arg9[%convert_element_type3A_297], %broadcast_in_dim3A_1 {add = true} : memref<256xi32, #tpu.memory_space<vmem>>[vector<16xi32>], vector<16xi32>,
        %scan3A_298 = arith.constant 2 : i32
        %scan3A_299 = arith.addi %scan3A_263, %scan3A_298 : i32
        %mul3A_300 = arith.constant 16 : i32
        %mul3A_301 = arith.muli %scan3A_299, %mul3A_300 : i32
        %get3A_302 = arith.index_cast %mul3A_301 : i32 to index
        %get3A_303 = tpu.vector_load %arg5[%get3A_302] {strides = array<i32>} : memref<4096xf32, #tpu.memory_space<vmem>>, vector<16xf32>,
        %sub3A_304 = arith.constant 1.000000e+01 : f32
        %sub3A_305 = vector.broadcast %sub3A_304 : f32 to vector<16xf32>
        %sub3A_306 = arith.subf %sub3A_305, %get3A_303 : vector<16xf32>
        %mul3A_307 = arith.constant 2.560000e+01 : f32
        %mul3A_308 = vector.broadcast %mul3A_307 : f32 to vector<16xf32>
        %mul3A_309 = arith.mulf %sub3A_306, %mul3A_308 : vector<16xf32>
        %max3A_310 = arith.constant 0.000000e+00 : f32
        %max3A_311 = vector.broadcast %max3A_310 : f32 to vector<16xf32>
        %max3A_312 = arith.maximumf %mul3A_309, %max3A_311 : vector<16xf32>
        %min3A_313 = arith.constant 2.550000e+02 : f32
        %min3A_314 = vector.broadcast %min3A_313 : f32 to vector<16xf32>
        %min3A_315 = arith.minimumf %max3A_312, %min3A_314 : vector<16xf32>
        %convert_element_type3A_316 = arith.fptosi %min3A_315 : vector<16xf32> to vector<16xi32>
        tpu.vector_store_idx %arg9[%convert_element_type3A_316], %broadcast_in_dim3A_1 {add = true} : memref<256xi32, #tpu.memory_space<vmem>>[vector<16xi32>], vector<16xi32>,
        %scan3A_317 = arith.constant 3 : i32
        %scan3A_318 = arith.addi %scan3A_263, %scan3A_317 : i32
        %mul3A_319 = arith.constant 16 : i32
        %mul3A_320 = arith.muli %scan3A_318, %mul3A_319 : i32
        %get3A_321 = arith.index_cast %mul3A_320 : i32 to index
        %get3A_322 = tpu.vector_load %arg5[%get3A_321] {strides = array<i32>} : memref<4096xf32, #tpu.memory_space<vmem>>, vector<16xf32>,
        %sub3A_323 = arith.constant 1.000000e+01 : f32
        %sub3A_324 = vector.broadcast %sub3A_323 : f32 to vector<16xf32>
        %sub3A_325 = arith.subf %sub3A_324, %get3A_322 : vector<16xf32>
        %mul3A_326 = arith.constant 2.560000e+01 : f32
        %mul3A_327 = vector.broadcast %mul3A_326 : f32 to vector<16xf32>
        %mul3A_328 = arith.mulf %sub3A_325, %mul3A_327 : vector<16xf32>
        %max3A_329 = arith.constant 0.000000e+00 : f32
        %max3A_330 = vector.broadcast %max3A_329 : f32 to vector<16xf32>
        %max3A_331 = arith.maximumf %mul3A_328, %max3A_330 : vector<16xf32>
        %min3A_332 = arith.constant 2.550000e+02 : f32
        %min3A_333 = vector.broadcast %min3A_332 : f32 to vector<16xf32>
        %min3A_334 = arith.minimumf %max3A_331, %min3A_333 : vector<16xf32>
        %convert_element_type3A_335 = arith.fptosi %min3A_334 : vector<16xf32> to vector<16xi32>
        tpu.vector_store_idx %arg9[%convert_element_type3A_335], %broadcast_in_dim3A_1 {add = true} : memref<256xi32, #tpu.memory_space<vmem>>[vector<16xi32>], vector<16xi32>,
        %scan3A_336 = arith.constant 4 : i32
        %scan3A_337 = arith.addi %scan3A_263, %scan3A_336 : i32
        %mul3A_338 = arith.constant 16 : i32
        %mul3A_339 = arith.muli %scan3A_337, %mul3A_338 : i32
        %get3A_340 = arith.index_cast %mul3A_339 : i32 to index
        %get3A_341 = tpu.vector_load %arg5[%get3A_340] {strides = array<i32>} : memref<4096xf32, #tpu.memory_space<vmem>>, vector<16xf32>,
        %sub3A_342 = arith.constant 1.000000e+01 : f32
        %sub3A_343 = vector.broadcast %sub3A_342 : f32 to vector<16xf32>
        %sub3A_344 = arith.subf %sub3A_343, %get3A_341 : vector<16xf32>
        %mul3A_345 = arith.constant 2.560000e+01 : f32
        %mul3A_346 = vector.broadcast %mul3A_345 : f32 to vector<16xf32>
        %mul3A_347 = arith.mulf %sub3A_344, %mul3A_346 : vector<16xf32>
        %max3A_348 = arith.constant 0.000000e+00 : f32
        %max3A_349 = vector.broadcast %max3A_348 : f32 to vector<16xf32>
        %max3A_350 = arith.maximumf %mul3A_347, %max3A_349 : vector<16xf32>
        %min3A_351 = arith.constant 2.550000e+02 : f32
        %min3A_352 = vector.broadcast %min3A_351 : f32 to vector<16xf32>
        %min3A_353 = arith.minimumf %max3A_350, %min3A_352 : vector<16xf32>
        %convert_element_type3A_354 = arith.fptosi %min3A_353 : vector<16xf32> to vector<16xi32>
        tpu.vector_store_idx %arg9[%convert_element_type3A_354], %broadcast_in_dim3A_1 {add = true} : memref<256xi32, #tpu.memory_space<vmem>>[vector<16xi32>], vector<16xi32>,
        %scan3A_355 = arith.constant 5 : i32
        %scan3A_356 = arith.addi %scan3A_263, %scan3A_355 : i32
        %mul3A_357 = arith.constant 16 : i32
        %mul3A_358 = arith.muli %scan3A_356, %mul3A_357 : i32
        %get3A_359 = arith.index_cast %mul3A_358 : i32 to index
        %get3A_360 = tpu.vector_load %arg5[%get3A_359] {strides = array<i32>} : memref<4096xf32, #tpu.memory_space<vmem>>, vector<16xf32>,
        %sub3A_361 = arith.constant 1.000000e+01 : f32
        %sub3A_362 = vector.broadcast %sub3A_361 : f32 to vector<16xf32>
        %sub3A_363 = arith.subf %sub3A_362, %get3A_360 : vector<16xf32>
        %mul3A_364 = arith.constant 2.560000e+01 : f32
        %mul3A_365 = vector.broadcast %mul3A_364 : f32 to vector<16xf32>
        %mul3A_366 = arith.mulf %sub3A_363, %mul3A_365 : vector<16xf32>
        %max3A_367 = arith.constant 0.000000e+00 : f32
        %max3A_368 = vector.broadcast %max3A_367 : f32 to vector<16xf32>
        %max3A_369 = arith.maximumf %mul3A_366, %max3A_368 : vector<16xf32>
        %min3A_370 = arith.constant 2.550000e+02 : f32
        %min3A_371 = vector.broadcast %min3A_370 : f32 to vector<16xf32>
        %min3A_372 = arith.minimumf %max3A_369, %min3A_371 : vector<16xf32>
        %convert_element_type3A_373 = arith.fptosi %min3A_372 : vector<16xf32> to vector<16xi32>
        tpu.vector_store_idx %arg9[%convert_element_type3A_373], %broadcast_in_dim3A_1 {add = true} : memref<256xi32, #tpu.memory_space<vmem>>[vector<16xi32>], vector<16xi32>,
        %scan3A_374 = arith.constant 6 : i32
        %scan3A_375 = arith.addi %scan3A_263, %scan3A_374 : i32
        %mul3A_376 = arith.constant 16 : i32
        %mul3A_377 = arith.muli %scan3A_375, %mul3A_376 : i32
        %get3A_378 = arith.index_cast %mul3A_377 : i32 to index
        %get3A_379 = tpu.vector_load %arg5[%get3A_378] {strides = array<i32>} : memref<4096xf32, #tpu.memory_space<vmem>>, vector<16xf32>,
        %sub3A_380 = arith.constant 1.000000e+01 : f32
        %sub3A_381 = vector.broadcast %sub3A_380 : f32 to vector<16xf32>
        %sub3A_382 = arith.subf %sub3A_381, %get3A_379 : vector<16xf32>
        %mul3A_383 = arith.constant 2.560000e+01 : f32
        %mul3A_384 = vector.broadcast %mul3A_383 : f32 to vector<16xf32>
        %mul3A_385 = arith.mulf %sub3A_382, %mul3A_384 : vector<16xf32>
        %max3A_386 = arith.constant 0.000000e+00 : f32
        %max3A_387 = vector.broadcast %max3A_386 : f32 to vector<16xf32>
        %max3A_388 = arith.maximumf %mul3A_385, %max3A_387 : vector<16xf32>
        %min3A_389 = arith.constant 2.550000e+02 : f32
        %min3A_390 = vector.broadcast %min3A_389 : f32 to vector<16xf32>
        %min3A_391 = arith.minimumf %max3A_388, %min3A_390 : vector<16xf32>
        %convert_element_type3A_392 = arith.fptosi %min3A_391 : vector<16xf32> to vector<16xi32>
        tpu.vector_store_idx %arg9[%convert_element_type3A_392], %broadcast_in_dim3A_1 {add = true} : memref<256xi32, #tpu.memory_space<vmem>>[vector<16xi32>], vector<16xi32>,
        %scan3A_393 = arith.constant 7 : i32
        %scan3A_394 = arith.addi %scan3A_263, %scan3A_393 : i32
        %mul3A_395 = arith.constant 16 : i32
        %mul3A_396 = arith.muli %scan3A_394, %mul3A_395 : i32
        %get3A_397 = arith.index_cast %mul3A_396 : i32 to index
        %get3A_398 = tpu.vector_load %arg5[%get3A_397] {strides = array<i32>} : memref<4096xf32, #tpu.memory_space<vmem>>, vector<16xf32>,
        %sub3A_399 = arith.constant 1.000000e+01 : f32
        %sub3A_400 = vector.broadcast %sub3A_399 : f32 to vector<16xf32>
        %sub3A_401 = arith.subf %sub3A_400, %get3A_398 : vector<16xf32>
        %mul3A_402 = arith.constant 2.560000e+01 : f32
        %mul3A_403 = vector.broadcast %mul3A_402 : f32 to vector<16xf32>
        %mul3A_404 = arith.mulf %sub3A_401, %mul3A_403 : vector<16xf32>
        %max3A_405 = arith.constant 0.000000e+00 : f32
        %max3A_406 = vector.broadcast %max3A_405 : f32 to vector<16xf32>
        %max3A_407 = arith.maximumf %mul3A_404, %max3A_406 : vector<16xf32>
        %min3A_408 = arith.constant 2.550000e+02 : f32
        %min3A_409 = vector.broadcast %min3A_408 : f32 to vector<16xf32>
        %min3A_410 = arith.minimumf %max3A_407, %min3A_409 : vector<16xf32>
        %convert_element_type3A_411 = arith.fptosi %min3A_410 : vector<16xf32> to vector<16xi32>
        tpu.vector_store_idx %arg9[%convert_element_type3A_411], %broadcast_in_dim3A_1 {add = true} : memref<256xi32, #tpu.memory_space<vmem>>[vector<16xi32>], vector<16xi32>,
        %scan3A_412 = arith.constant 8 : i32
        %scan3A_413 = arith.addi %scan3A_263, %scan3A_412 : i32
        %mul3A_414 = arith.constant 16 : i32
        %mul3A_415 = arith.muli %scan3A_413, %mul3A_414 : i32
        %get3A_416 = arith.index_cast %mul3A_415 : i32 to index
        %get3A_417 = tpu.vector_load %arg5[%get3A_416] {strides = array<i32>} : memref<4096xf32, #tpu.memory_space<vmem>>, vector<16xf32>,
        %sub3A_418 = arith.constant 1.000000e+01 : f32
        %sub3A_419 = vector.broadcast %sub3A_418 : f32 to vector<16xf32>
        %sub3A_420 = arith.subf %sub3A_419, %get3A_417 : vector<16xf32>
        %mul3A_421 = arith.constant 2.560000e+01 : f32
        %mul3A_422 = vector.broadcast %mul3A_421 : f32 to vector<16xf32>
        %mul3A_423 = arith.mulf %sub3A_420, %mul3A_422 : vector<16xf32>
        %max3A_424 = arith.constant 0.000000e+00 : f32
        %max3A_425 = vector.broadcast %max3A_424 : f32 to vector<16xf32>
        %max3A_426 = arith.maximumf %mul3A_423, %max3A_425 : vector<16xf32>
        %min3A_427 = arith.constant 2.550000e+02 : f32
        %min3A_428 = vector.broadcast %min3A_427 : f32 to vector<16xf32>
        %min3A_429 = arith.minimumf %max3A_426, %min3A_428 : vector<16xf32>
        %convert_element_type3A_430 = arith.fptosi %min3A_429 : vector<16xf32> to vector<16xi32>
        tpu.vector_store_idx %arg9[%convert_element_type3A_430], %broadcast_in_dim3A_1 {add = true} : memref<256xi32, #tpu.memory_space<vmem>>[vector<16xi32>], vector<16xi32>,
        %scan3A_431 = arith.constant 9 : i32
        %scan3A_432 = arith.addi %scan3A_263, %scan3A_431 : i32
        %mul3A_433 = arith.constant 16 : i32
        %mul3A_434 = arith.muli %scan3A_432, %mul3A_433 : i32
        %get3A_435 = arith.index_cast %mul3A_434 : i32 to index
        %get3A_436 = tpu.vector_load %arg5[%get3A_435] {strides = array<i32>} : memref<4096xf32, #tpu.memory_space<vmem>>, vector<16xf32>,
        %sub3A_437 = arith.constant 1.000000e+01 : f32
        %sub3A_438 = vector.broadcast %sub3A_437 : f32 to vector<16xf32>
        %sub3A_439 = arith.subf %sub3A_438, %get3A_436 : vector<16xf32>
        %mul3A_440 = arith.constant 2.560000e+01 : f32
        %mul3A_441 = vector.broadcast %mul3A_440 : f32 to vector<16xf32>
        %mul3A_442 = arith.mulf %sub3A_439, %mul3A_441 : vector<16xf32>
        %max3A_443 = arith.constant 0.000000e+00 : f32
        %max3A_444 = vector.broadcast %max3A_443 : f32 to vector<16xf32>
        %max3A_445 = arith.maximumf %mul3A_442, %max3A_444 : vector<16xf32>
        %min3A_446 = arith.constant 2.550000e+02 : f32
        %min3A_447 = vector.broadcast %min3A_446 : f32 to vector<16xf32>
        %min3A_448 = arith.minimumf %max3A_445, %min3A_447 : vector<16xf32>
        %convert_element_type3A_449 = arith.fptosi %min3A_448 : vector<16xf32> to vector<16xi32>
        tpu.vector_store_idx %arg9[%convert_element_type3A_449], %broadcast_in_dim3A_1 {add = true} : memref<256xi32, #tpu.memory_space<vmem>>[vector<16xi32>], vector<16xi32>,
        %scan3A_450 = arith.constant 10 : i32
        %scan3A_451 = arith.addi %scan3A_263, %scan3A_450 : i32
        %mul3A_452 = arith.constant 16 : i32
        %mul3A_453 = arith.muli %scan3A_451, %mul3A_452 : i32
        %get3A_454 = arith.index_cast %mul3A_453 : i32 to index
        %get3A_455 = tpu.vector_load %arg5[%get3A_454] {strides = array<i32>} : memref<4096xf32, #tpu.memory_space<vmem>>, vector<16xf32>,
        %sub3A_456 = arith.constant 1.000000e+01 : f32
        %sub3A_457 = vector.broadcast %sub3A_456 : f32 to vector<16xf32>
        %sub3A_458 = arith.subf %sub3A_457, %get3A_455 : vector<16xf32>
        %mul3A_459 = arith.constant 2.560000e+01 : f32
        %mul3A_460 = vector.broadcast %mul3A_459 : f32 to vector<16xf32>
        %mul3A_461 = arith.mulf %sub3A_458, %mul3A_460 : vector<16xf32>
        %max3A_462 = arith.constant 0.000000e+00 : f32
        %max3A_463 = vector.broadcast %max3A_462 : f32 to vector<16xf32>
        %max3A_464 = arith.maximumf %mul3A_461, %max3A_463 : vector<16xf32>
        %min3A_465 = arith.constant 2.550000e+02 : f32
        %min3A_466 = vector.broadcast %min3A_465 : f32 to vector<16xf32>
        %min3A_467 = arith.minimumf %max3A_464, %min3A_466 : vector<16xf32>
        %convert_element_type3A_468 = arith.fptosi %min3A_467 : vector<16xf32> to vector<16xi32>
        tpu.vector_store_idx %arg9[%convert_element_type3A_468], %broadcast_in_dim3A_1 {add = true} : memref<256xi32, #tpu.memory_space<vmem>>[vector<16xi32>], vector<16xi32>,
        %scan3A_469 = arith.constant 11 : i32
        %scan3A_470 = arith.addi %scan3A_263, %scan3A_469 : i32
        %mul3A_471 = arith.constant 16 : i32
        %mul3A_472 = arith.muli %scan3A_470, %mul3A_471 : i32
        %get3A_473 = arith.index_cast %mul3A_472 : i32 to index
        %get3A_474 = tpu.vector_load %arg5[%get3A_473] {strides = array<i32>} : memref<4096xf32, #tpu.memory_space<vmem>>, vector<16xf32>,
        %sub3A_475 = arith.constant 1.000000e+01 : f32
        %sub3A_476 = vector.broadcast %sub3A_475 : f32 to vector<16xf32>
        %sub3A_477 = arith.subf %sub3A_476, %get3A_474 : vector<16xf32>
        %mul3A_478 = arith.constant 2.560000e+01 : f32
        %mul3A_479 = vector.broadcast %mul3A_478 : f32 to vector<16xf32>
        %mul3A_480 = arith.mulf %sub3A_477, %mul3A_479 : vector<16xf32>
        %max3A_481 = arith.constant 0.000000e+00 : f32
        %max3A_482 = vector.broadcast %max3A_481 : f32 to vector<16xf32>
        %max3A_483 = arith.maximumf %mul3A_480, %max3A_482 : vector<16xf32>
        %min3A_484 = arith.constant 2.550000e+02 : f32
        %min3A_485 = vector.broadcast %min3A_484 : f32 to vector<16xf32>
        %min3A_486 = arith.minimumf %max3A_483, %min3A_485 : vector<16xf32>
        %convert_element_type3A_487 = arith.fptosi %min3A_486 : vector<16xf32> to vector<16xi32>
        tpu.vector_store_idx %arg9[%convert_element_type3A_487], %broadcast_in_dim3A_1 {add = true} : memref<256xi32, #tpu.memory_space<vmem>>[vector<16xi32>], vector<16xi32>,
        %scan3A_488 = arith.constant 12 : i32
        %scan3A_489 = arith.addi %scan3A_263, %scan3A_488 : i32
        %mul3A_490 = arith.constant 16 : i32
        %mul3A_491 = arith.muli %scan3A_489, %mul3A_490 : i32
        %get3A_492 = arith.index_cast %mul3A_491 : i32 to index
        %get3A_493 = tpu.vector_load %arg5[%get3A_492] {strides = array<i32>} : memref<4096xf32, #tpu.memory_space<vmem>>, vector<16xf32>,
        %sub3A_494 = arith.constant 1.000000e+01 : f32
        %sub3A_495 = vector.broadcast %sub3A_494 : f32 to vector<16xf32>
        %sub3A_496 = arith.subf %sub3A_495, %get3A_493 : vector<16xf32>
        %mul3A_497 = arith.constant 2.560000e+01 : f32
        %mul3A_498 = vector.broadcast %mul3A_497 : f32 to vector<16xf32>
        %mul3A_499 = arith.mulf %sub3A_496, %mul3A_498 : vector<16xf32>
        %max3A_500 = arith.constant 0.000000e+00 : f32
        %max3A_501 = vector.broadcast %max3A_500 : f32 to vector<16xf32>
        %max3A_502 = arith.maximumf %mul3A_499, %max3A_501 : vector<16xf32>
        %min3A_503 = arith.constant 2.550000e+02 : f32
        %min3A_504 = vector.broadcast %min3A_503 : f32 to vector<16xf32>
        %min3A_505 = arith.minimumf %max3A_502, %min3A_504 : vector<16xf32>
        %convert_element_type3A_506 = arith.fptosi %min3A_505 : vector<16xf32> to vector<16xi32>
        tpu.vector_store_idx %arg9[%convert_element_type3A_506], %broadcast_in_dim3A_1 {add = true} : memref<256xi32, #tpu.memory_space<vmem>>[vector<16xi32>], vector<16xi32>,
        %scan3A_507 = arith.constant 13 : i32
        %scan3A_508 = arith.addi %scan3A_263, %scan3A_507 : i32
        %mul3A_509 = arith.constant 16 : i32
        %mul3A_510 = arith.muli %scan3A_508, %mul3A_509 : i32
        %get3A_511 = arith.index_cast %mul3A_510 : i32 to index
        %get3A_512 = tpu.vector_load %arg5[%get3A_511] {strides = array<i32>} : memref<4096xf32, #tpu.memory_space<vmem>>, vector<16xf32>,
        %sub3A_513 = arith.constant 1.000000e+01 : f32
        %sub3A_514 = vector.broadcast %sub3A_513 : f32 to vector<16xf32>
        %sub3A_515 = arith.subf %sub3A_514, %get3A_512 : vector<16xf32>
        %mul3A_516 = arith.constant 2.560000e+01 : f32
        %mul3A_517 = vector.broadcast %mul3A_516 : f32 to vector<16xf32>
        %mul3A_518 = arith.mulf %sub3A_515, %mul3A_517 : vector<16xf32>
        %max3A_519 = arith.constant 0.000000e+00 : f32
        %max3A_520 = vector.broadcast %max3A_519 : f32 to vector<16xf32>
        %max3A_521 = arith.maximumf %mul3A_518, %max3A_520 : vector<16xf32>
        %min3A_522 = arith.constant 2.550000e+02 : f32
        %min3A_523 = vector.broadcast %min3A_522 : f32 to vector<16xf32>
        %min3A_524 = arith.minimumf %max3A_521, %min3A_523 : vector<16xf32>
        %convert_element_type3A_525 = arith.fptosi %min3A_524 : vector<16xf32> to vector<16xi32>
        tpu.vector_store_idx %arg9[%convert_element_type3A_525], %broadcast_in_dim3A_1 {add = true} : memref<256xi32, #tpu.memory_space<vmem>>[vector<16xi32>], vector<16xi32>,
        %scan3A_526 = arith.constant 14 : i32
        %scan3A_527 = arith.addi %scan3A_263, %scan3A_526 : i32
        %mul3A_528 = arith.constant 16 : i32
        %mul3A_529 = arith.muli %scan3A_527, %mul3A_528 : i32
        %get3A_530 = arith.index_cast %mul3A_529 : i32 to index
        %get3A_531 = tpu.vector_load %arg5[%get3A_530] {strides = array<i32>} : memref<4096xf32, #tpu.memory_space<vmem>>, vector<16xf32>,
        %sub3A_532 = arith.constant 1.000000e+01 : f32
        %sub3A_533 = vector.broadcast %sub3A_532 : f32 to vector<16xf32>
        %sub3A_534 = arith.subf %sub3A_533, %get3A_531 : vector<16xf32>
        %mul3A_535 = arith.constant 2.560000e+01 : f32
        %mul3A_536 = vector.broadcast %mul3A_535 : f32 to vector<16xf32>
        %mul3A_537 = arith.mulf %sub3A_534, %mul3A_536 : vector<16xf32>
        %max3A_538 = arith.constant 0.000000e+00 : f32
        %max3A_539 = vector.broadcast %max3A_538 : f32 to vector<16xf32>
        %max3A_540 = arith.maximumf %mul3A_537, %max3A_539 : vector<16xf32>
        %min3A_541 = arith.constant 2.550000e+02 : f32
        %min3A_542 = vector.broadcast %min3A_541 : f32 to vector<16xf32>
        %min3A_543 = arith.minimumf %max3A_540, %min3A_542 : vector<16xf32>
        %convert_element_type3A_544 = arith.fptosi %min3A_543 : vector<16xf32> to vector<16xi32>
        tpu.vector_store_idx %arg9[%convert_element_type3A_544], %broadcast_in_dim3A_1 {add = true} : memref<256xi32, #tpu.memory_space<vmem>>[vector<16xi32>], vector<16xi32>,
        %scan3A_545 = arith.constant 15 : i32
        %scan3A_546 = arith.addi %scan3A_263, %scan3A_545 : i32
        %mul3A_547 = arith.constant 16 : i32
        %mul3A_548 = arith.muli %scan3A_546, %mul3A_547 : i32
        %get3A_549 = arith.index_cast %mul3A_548 : i32 to index
        %get3A_550 = tpu.vector_load %arg5[%get3A_549] {strides = array<i32>} : memref<4096xf32, #tpu.memory_space<vmem>>, vector<16xf32>,
        %sub3A_551 = arith.constant 1.000000e+01 : f32
        %sub3A_552 = vector.broadcast %sub3A_551 : f32 to vector<16xf32>
        %sub3A_553 = arith.subf %sub3A_552, %get3A_550 : vector<16xf32>
        %mul3A_554 = arith.constant 2.560000e+01 : f32
        %mul3A_555 = vector.broadcast %mul3A_554 : f32 to vector<16xf32>
        %mul3A_556 = arith.mulf %sub3A_553, %mul3A_555 : vector<16xf32>
        %max3A_557 = arith.constant 0.000000e+00 : f32
        %max3A_558 = vector.broadcast %max3A_557 : f32 to vector<16xf32>
        %max3A_559 = arith.maximumf %mul3A_556, %max3A_558 : vector<16xf32>
        %min3A_560 = arith.constant 2.550000e+02 : f32
        %min3A_561 = vector.broadcast %min3A_560 : f32 to vector<16xf32>
        %min3A_562 = arith.minimumf %max3A_559, %min3A_561 : vector<16xf32>
        %convert_element_type3A_563 = arith.fptosi %min3A_562 : vector<16xf32> to vector<16xi32>
        tpu.vector_store_idx %arg9[%convert_element_type3A_563], %broadcast_in_dim3A_1 {add = true} : memref<256xi32, #tpu.memory_space<vmem>>[vector<16xi32>], vector<16xi32>,
      }
      %scan3A_112 = arith.constant 256 : i32
      %scan3A_113 = arith.constant 0 : i32
      %scan3A_114 = arith.constant 1048576 : i32
      %scan3A_115 = arith.constant 0 : i32
      %scan3A_116 = arith.constant 16 : i32
      %scan3A_117 = arith.addi %scan3A_115, %scan3A_116 : i32
      %scan3A_118 = arith.constant 1 : i32
      %scan3A_119:2 = scf.for %scan3A_263 = %scan3A_115 to %scan3A_117 step %scan3A_118 iter_args(%scan3A_264 = %scan3A_113, %scan3A_265 = %scan3A_114) -> (i32, i32)  : i32 {
        %mul3A_266 = arith.constant 16 : i32
        %mul3A_267 = arith.muli %scan3A_263, %mul3A_266 : i32
        %get3A_268 = arith.index_cast %mul3A_267 : i32 to index
        %get3A_269 = tpu.vector_load %arg9[%get3A_268] {strides = array<i32>} : memref<256xi32, #tpu.memory_space<vmem>>, vector<16xi32>,
        %broadcast_in_dim3A_270 = arith.constant true
        %broadcast_in_dim3A_271 = vector.broadcast %broadcast_in_dim3A_270 : i1 to vector<16xi1>
        %masked_cumsum3A = tpu.scan <sum>, %get3A_269 masked %broadcast_in_dim3A_271 : vector<16xi32>, vector<16xi1> -> vector<16xi32>
        %add3A_272 = vector.broadcast %scan3A_264 : i32 to vector<16xi32>
        %add3A_273 = arith.addi %masked_cumsum3A, %add3A_272 : vector<16xi32>
        %ge3A = arith.constant 40 : i32
        %ge3A_274 = vector.broadcast %ge3A : i32 to vector<16xi32>
        %ge3A_275 = arith.cmpi sge, %add3A_273, %ge3A_274 : vector<16xi32>
        %mul3A_276 = arith.constant 16 : i32
        %mul3A_277 = arith.muli %scan3A_263, %mul3A_276 : i32
        %add3A_278 = vector.broadcast %mul3A_277 : i32 to vector<16xi32>
        %add3A_279 = arith.addi %add3A_278, %iota3A : vector<16xi32>
        %jit3A_280 = arith.constant 1048576 : i32
        %broadcast_in_dim3A_281 = vector.broadcast %jit3A_280 : i32 to vector<16xi32>
        %select_n3A_282 = arith.select %ge3A_275, %add3A_279, %broadcast_in_dim3A_281 : vector<16xi1>, vector<16xi32>
        %slice3A = vector.extract_strided_slice %add3A_273 {offsets = [15], sizes = [1], strides = [1]} : vector<16xi32> to vector<1xi32>
        %squeeze3A = vector.extract %slice3A[0] : i32 from vector<1xi32>
        %reduce_min3A = arith.constant true
        %reduce_min3A_283 = vector.broadcast %reduce_min3A : i1 to vector<16xi1>
        %reduce_min3A_284 = arith.constant -2147483648 : i32
        %reduce_min3A_285 = vector.broadcast %reduce_min3A_284 : i32 to vector<16xi32>
        %reduce_min3A_286 = arith.xori %select_n3A_282, %reduce_min3A_285 : vector<16xi32>
        %reduce_min3A_287 = tpu.scan <min>, %reduce_min3A_286 masked %reduce_min3A_283 : vector<16xi32>, vector<16xi1> -> vector<16xi32>
        %reduce_min3A_288 = arith.xori %reduce_min3A_287, %reduce_min3A_285 : vector<16xi32>
        %reduce_min3A_289 = vector.extract %reduce_min3A_288[15] : i32 from vector<16xi32>
        %min3A = arith.minsi %scan3A_265, %reduce_min3A_289 : i32
        scf.yield %squeeze3A, %min3A : i32, i32
      }
      %scan3A_120 = arith.constant 16 : i32
      %scan3A_121 = arith.constant 0 : i32
      %scan3A_122 = arith.constant 0 : i32
      %scan3A_123 = arith.constant 256 : i32
      %scan3A_124 = arith.addi %scan3A_122, %scan3A_123 : i32
      %scan3A_125 = arith.constant 8 : i32
      %scan3A_126 = scf.for %scan3A_263 = %scan3A_122 to %scan3A_124 step %scan3A_125 iter_args(%scan3A_264 = %scan3A_121) -> (i32)  : i32 {
        %mul3A_265 = arith.constant 16 : i32
        %mul3A_266 = arith.muli %scan3A_263, %mul3A_265 : i32
        %get3A_267 = arith.index_cast %mul3A_266 : i32 to index
        %get3A_268 = tpu.vector_load %arg5[%get3A_267] {strides = array<i32>} : memref<4096xf32, #tpu.memory_space<vmem>>, vector<16xf32>,
        %sub3A_269 = arith.constant 1.000000e+01 : f32
        %sub3A_270 = vector.broadcast %sub3A_269 : f32 to vector<16xf32>
        %sub3A_271 = arith.subf %sub3A_270, %get3A_268 : vector<16xf32>
        %mul3A_272 = arith.constant 2.560000e+01 : f32
        %mul3A_273 = vector.broadcast %mul3A_272 : f32 to vector<16xf32>
        %mul3A_274 = arith.mulf %sub3A_271, %mul3A_273 : vector<16xf32>
        %max3A = arith.constant 0.000000e+00 : f32
        %max3A_275 = vector.broadcast %max3A : f32 to vector<16xf32>
        %max3A_276 = arith.maximumf %mul3A_274, %max3A_275 : vector<16xf32>
        %min3A = arith.constant 2.550000e+02 : f32
        %min3A_277 = vector.broadcast %min3A : f32 to vector<16xf32>
        %min3A_278 = arith.minimumf %max3A_276, %min3A_277 : vector<16xf32>
        %convert_element_type3A_279 = arith.fptosi %min3A_278 : vector<16xf32> to vector<16xi32>
        %le3A = vector.broadcast %scan3A_119#1 : i32 to vector<16xi32>
        %le3A_280 = arith.cmpi sle, %convert_element_type3A_279, %le3A : vector<16xi32>
        %all_reduce_population_count3A = tpu.all_reduce %le3A_280 {dim = 0 : i64, kind = #tpu.reduction_kind<sum>} : vector<16xi1> -> vector<16xi32>
        %slice3A = vector.extract_strided_slice %all_reduce_population_count3A {offsets = [0], sizes = [1], strides = [1]} : vector<16xi32> to vector<1xi32>
        %squeeze3A = vector.extract %slice3A[0] : i32 from vector<1xi32>
        %gt3A = arith.constant 0 : i32
        %gt3A_281 = arith.cmpi sgt, %squeeze3A, %gt3A : i32
        %convert_element_type3A_282 = arith.extui %gt3A_281 : i1 to i32
        %cond3A = arith.constant 0 : i32
        %cond3A_283 = arith.cmpi ne, %convert_element_type3A_282, %cond3A : i32
        scf.if %cond3A_283 {
          %convert_element_type3A_495 = arith.extui %le3A_280 : vector<16xi1> to vector<16xi32>
          %broadcast_in_dim3A_496 = arith.constant true
          %broadcast_in_dim3A_497 = vector.broadcast %broadcast_in_dim3A_496 : i1 to vector<16xi1>
          %masked_cumsum3A = tpu.scan <sum>, %convert_element_type3A_495 masked %broadcast_in_dim3A_497 : vector<16xi32>, vector<16xi1> -> vector<16xi32>
          %add3A_498 = vector.broadcast %scan3A_264 : i32 to vector<16xi32>
          %add3A_499 = arith.addi %add3A_498, %masked_cumsum3A : vector<16xi32>
          %sub3A_500 = arith.constant 1 : i32
          %sub3A_501 = vector.broadcast %sub3A_500 : i32 to vector<16xi32>
          %sub3A_502 = arith.subi %add3A_499, %sub3A_501 : vector<16xi32>
          tpu.vector_store_idx %arg7[%sub3A_502], %get3A_268 masked %le3A_280 : memref<4112xf32, #tpu.memory_space<vmem>>[vector<16xi32>], vector<16xf32>, vector<16xi1>
          %mul3A_503 = arith.constant 16 : i32
          %mul3A_504 = arith.muli %scan3A_263, %mul3A_503 : i32
          %add3A_505 = vector.broadcast %mul3A_504 : i32 to vector<16xi32>
          %add3A_506 = arith.addi %add3A_505, %iota3A : vector<16xi32>
          tpu.vector_store_idx %arg8[%sub3A_502], %add3A_506 masked %le3A_280 : memref<4112xi32, #tpu.memory_space<vmem>>[vector<16xi32>], vector<16xi32>, vector<16xi1>
        } else {
        }
        %add3A_284 = arith.addi %scan3A_264, %squeeze3A : i32
        %scan3A_285 = arith.constant 1 : i32
        %scan3A_286 = arith.addi %scan3A_263, %scan3A_285 : i32
        %mul3A_287 = arith.constant 16 : i32
        %mul3A_288 = arith.muli %scan3A_286, %mul3A_287 : i32
        %get3A_289 = arith.index_cast %mul3A_288 : i32 to index
        %get3A_290 = tpu.vector_load %arg5[%get3A_289] {strides = array<i32>} : memref<4096xf32, #tpu.memory_space<vmem>>, vector<16xf32>,
        %sub3A_291 = arith.constant 1.000000e+01 : f32
        %sub3A_292 = vector.broadcast %sub3A_291 : f32 to vector<16xf32>
        %sub3A_293 = arith.subf %sub3A_292, %get3A_290 : vector<16xf32>
        %mul3A_294 = arith.constant 2.560000e+01 : f32
        %mul3A_295 = vector.broadcast %mul3A_294 : f32 to vector<16xf32>
        %mul3A_296 = arith.mulf %sub3A_293, %mul3A_295 : vector<16xf32>
        %max3A_297 = arith.constant 0.000000e+00 : f32
        %max3A_298 = vector.broadcast %max3A_297 : f32 to vector<16xf32>
        %max3A_299 = arith.maximumf %mul3A_296, %max3A_298 : vector<16xf32>
        %min3A_300 = arith.constant 2.550000e+02 : f32
        %min3A_301 = vector.broadcast %min3A_300 : f32 to vector<16xf32>
        %min3A_302 = arith.minimumf %max3A_299, %min3A_301 : vector<16xf32>
        %convert_element_type3A_303 = arith.fptosi %min3A_302 : vector<16xf32> to vector<16xi32>
        %le3A_304 = vector.broadcast %scan3A_119#1 : i32 to vector<16xi32>
        %le3A_305 = arith.cmpi sle, %convert_element_type3A_303, %le3A_304 : vector<16xi32>
        %all_reduce_population_count3A_306 = tpu.all_reduce %le3A_305 {dim = 0 : i64, kind = #tpu.reduction_kind<sum>} : vector<16xi1> -> vector<16xi32>
        %slice3A_307 = vector.extract_strided_slice %all_reduce_population_count3A_306 {offsets = [0], sizes = [1], strides = [1]} : vector<16xi32> to vector<1xi32>
        %squeeze3A_308 = vector.extract %slice3A_307[0] : i32 from vector<1xi32>
        %gt3A_309 = arith.constant 0 : i32
        %gt3A_310 = arith.cmpi sgt, %squeeze3A_308, %gt3A_309 : i32
        %convert_element_type3A_311 = arith.extui %gt3A_310 : i1 to i32
        %cond3A_312 = arith.constant 0 : i32
        %cond3A_313 = arith.cmpi ne, %convert_element_type3A_311, %cond3A_312 : i32
        scf.if %cond3A_313 {
          %convert_element_type3A_495 = arith.extui %le3A_305 : vector<16xi1> to vector<16xi32>
          %broadcast_in_dim3A_496 = arith.constant true
          %broadcast_in_dim3A_497 = vector.broadcast %broadcast_in_dim3A_496 : i1 to vector<16xi1>
          %masked_cumsum3A = tpu.scan <sum>, %convert_element_type3A_495 masked %broadcast_in_dim3A_497 : vector<16xi32>, vector<16xi1> -> vector<16xi32>
          %add3A_498 = vector.broadcast %add3A_284 : i32 to vector<16xi32>
          %add3A_499 = arith.addi %add3A_498, %masked_cumsum3A : vector<16xi32>
          %sub3A_500 = arith.constant 1 : i32
          %sub3A_501 = vector.broadcast %sub3A_500 : i32 to vector<16xi32>
          %sub3A_502 = arith.subi %add3A_499, %sub3A_501 : vector<16xi32>
          tpu.vector_store_idx %arg7[%sub3A_502], %get3A_290 masked %le3A_305 : memref<4112xf32, #tpu.memory_space<vmem>>[vector<16xi32>], vector<16xf32>, vector<16xi1>
          %mul3A_503 = arith.constant 16 : i32
          %mul3A_504 = arith.muli %scan3A_286, %mul3A_503 : i32
          %add3A_505 = vector.broadcast %mul3A_504 : i32 to vector<16xi32>
          %add3A_506 = arith.addi %add3A_505, %iota3A : vector<16xi32>
          tpu.vector_store_idx %arg8[%sub3A_502], %add3A_506 masked %le3A_305 : memref<4112xi32, #tpu.memory_space<vmem>>[vector<16xi32>], vector<16xi32>, vector<16xi1>
        } else {
        }
        %add3A_314 = arith.addi %add3A_284, %squeeze3A_308 : i32
        %scan3A_315 = arith.constant 2 : i32
        %scan3A_316 = arith.addi %scan3A_263, %scan3A_315 : i32
        %mul3A_317 = arith.constant 16 : i32
        %mul3A_318 = arith.muli %scan3A_316, %mul3A_317 : i32
        %get3A_319 = arith.index_cast %mul3A_318 : i32 to index
        %get3A_320 = tpu.vector_load %arg5[%get3A_319] {strides = array<i32>} : memref<4096xf32, #tpu.memory_space<vmem>>, vector<16xf32>,
        %sub3A_321 = arith.constant 1.000000e+01 : f32
        %sub3A_322 = vector.broadcast %sub3A_321 : f32 to vector<16xf32>
        %sub3A_323 = arith.subf %sub3A_322, %get3A_320 : vector<16xf32>
        %mul3A_324 = arith.constant 2.560000e+01 : f32
        %mul3A_325 = vector.broadcast %mul3A_324 : f32 to vector<16xf32>
        %mul3A_326 = arith.mulf %sub3A_323, %mul3A_325 : vector<16xf32>
        %max3A_327 = arith.constant 0.000000e+00 : f32
        %max3A_328 = vector.broadcast %max3A_327 : f32 to vector<16xf32>
        %max3A_329 = arith.maximumf %mul3A_326, %max3A_328 : vector<16xf32>
        %min3A_330 = arith.constant 2.550000e+02 : f32
        %min3A_331 = vector.broadcast %min3A_330 : f32 to vector<16xf32>
        %min3A_332 = arith.minimumf %max3A_329, %min3A_331 : vector<16xf32>
        %convert_element_type3A_333 = arith.fptosi %min3A_332 : vector<16xf32> to vector<16xi32>
        %le3A_334 = vector.broadcast %scan3A_119#1 : i32 to vector<16xi32>
        %le3A_335 = arith.cmpi sle, %convert_element_type3A_333, %le3A_334 : vector<16xi32>
        %all_reduce_population_count3A_336 = tpu.all_reduce %le3A_335 {dim = 0 : i64, kind = #tpu.reduction_kind<sum>} : vector<16xi1> -> vector<16xi32>
        %slice3A_337 = vector.extract_strided_slice %all_reduce_population_count3A_336 {offsets = [0], sizes = [1], strides = [1]} : vector<16xi32> to vector<1xi32>
        %squeeze3A_338 = vector.extract %slice3A_337[0] : i32 from vector<1xi32>
        %gt3A_339 = arith.constant 0 : i32
        %gt3A_340 = arith.cmpi sgt, %squeeze3A_338, %gt3A_339 : i32
        %convert_element_type3A_341 = arith.extui %gt3A_340 : i1 to i32
        %cond3A_342 = arith.constant 0 : i32
        %cond3A_343 = arith.cmpi ne, %convert_element_type3A_341, %cond3A_342 : i32
        scf.if %cond3A_343 {
          %convert_element_type3A_495 = arith.extui %le3A_335 : vector<16xi1> to vector<16xi32>
          %broadcast_in_dim3A_496 = arith.constant true
          %broadcast_in_dim3A_497 = vector.broadcast %broadcast_in_dim3A_496 : i1 to vector<16xi1>
          %masked_cumsum3A = tpu.scan <sum>, %convert_element_type3A_495 masked %broadcast_in_dim3A_497 : vector<16xi32>, vector<16xi1> -> vector<16xi32>
          %add3A_498 = vector.broadcast %add3A_314 : i32 to vector<16xi32>
          %add3A_499 = arith.addi %add3A_498, %masked_cumsum3A : vector<16xi32>
          %sub3A_500 = arith.constant 1 : i32
          %sub3A_501 = vector.broadcast %sub3A_500 : i32 to vector<16xi32>
          %sub3A_502 = arith.subi %add3A_499, %sub3A_501 : vector<16xi32>
          tpu.vector_store_idx %arg7[%sub3A_502], %get3A_320 masked %le3A_335 : memref<4112xf32, #tpu.memory_space<vmem>>[vector<16xi32>], vector<16xf32>, vector<16xi1>
          %mul3A_503 = arith.constant 16 : i32
          %mul3A_504 = arith.muli %scan3A_316, %mul3A_503 : i32
          %add3A_505 = vector.broadcast %mul3A_504 : i32 to vector<16xi32>
          %add3A_506 = arith.addi %add3A_505, %iota3A : vector<16xi32>
          tpu.vector_store_idx %arg8[%sub3A_502], %add3A_506 masked %le3A_335 : memref<4112xi32, #tpu.memory_space<vmem>>[vector<16xi32>], vector<16xi32>, vector<16xi1>
        } else {
        }
        %add3A_344 = arith.addi %add3A_314, %squeeze3A_338 : i32
        %scan3A_345 = arith.constant 3 : i32
        %scan3A_346 = arith.addi %scan3A_263, %scan3A_345 : i32
        %mul3A_347 = arith.constant 16 : i32
        %mul3A_348 = arith.muli %scan3A_346, %mul3A_347 : i32
        %get3A_349 = arith.index_cast %mul3A_348 : i32 to index
        %get3A_350 = tpu.vector_load %arg5[%get3A_349] {strides = array<i32>} : memref<4096xf32, #tpu.memory_space<vmem>>, vector<16xf32>,
        %sub3A_351 = arith.constant 1.000000e+01 : f32
        %sub3A_352 = vector.broadcast %sub3A_351 : f32 to vector<16xf32>
        %sub3A_353 = arith.subf %sub3A_352, %get3A_350 : vector<16xf32>
        %mul3A_354 = arith.constant 2.560000e+01 : f32
        %mul3A_355 = vector.broadcast %mul3A_354 : f32 to vector<16xf32>
        %mul3A_356 = arith.mulf %sub3A_353, %mul3A_355 : vector<16xf32>
        %max3A_357 = arith.constant 0.000000e+00 : f32
        %max3A_358 = vector.broadcast %max3A_357 : f32 to vector<16xf32>
        %max3A_359 = arith.maximumf %mul3A_356, %max3A_358 : vector<16xf32>
        %min3A_360 = arith.constant 2.550000e+02 : f32
        %min3A_361 = vector.broadcast %min3A_360 : f32 to vector<16xf32>
        %min3A_362 = arith.minimumf %max3A_359, %min3A_361 : vector<16xf32>
        %convert_element_type3A_363 = arith.fptosi %min3A_362 : vector<16xf32> to vector<16xi32>
        %le3A_364 = vector.broadcast %scan3A_119#1 : i32 to vector<16xi32>
        %le3A_365 = arith.cmpi sle, %convert_element_type3A_363, %le3A_364 : vector<16xi32>
        %all_reduce_population_count3A_366 = tpu.all_reduce %le3A_365 {dim = 0 : i64, kind = #tpu.reduction_kind<sum>} : vector<16xi1> -> vector<16xi32>
        %slice3A_367 = vector.extract_strided_slice %all_reduce_population_count3A_366 {offsets = [0], sizes = [1], strides = [1]} : vector<16xi32> to vector<1xi32>
        %squeeze3A_368 = vector.extract %slice3A_367[0] : i32 from vector<1xi32>
        %gt3A_369 = arith.constant 0 : i32
        %gt3A_370 = arith.cmpi sgt, %squeeze3A_368, %gt3A_369 : i32
        %convert_element_type3A_371 = arith.extui %gt3A_370 : i1 to i32
        %cond3A_372 = arith.constant 0 : i32
        %cond3A_373 = arith.cmpi ne, %convert_element_type3A_371, %cond3A_372 : i32
        scf.if %cond3A_373 {
          %convert_element_type3A_495 = arith.extui %le3A_365 : vector<16xi1> to vector<16xi32>
          %broadcast_in_dim3A_496 = arith.constant true
          %broadcast_in_dim3A_497 = vector.broadcast %broadcast_in_dim3A_496 : i1 to vector<16xi1>
          %masked_cumsum3A = tpu.scan <sum>, %convert_element_type3A_495 masked %broadcast_in_dim3A_497 : vector<16xi32>, vector<16xi1> -> vector<16xi32>
          %add3A_498 = vector.broadcast %add3A_344 : i32 to vector<16xi32>
          %add3A_499 = arith.addi %add3A_498, %masked_cumsum3A : vector<16xi32>
          %sub3A_500 = arith.constant 1 : i32
          %sub3A_501 = vector.broadcast %sub3A_500 : i32 to vector<16xi32>
          %sub3A_502 = arith.subi %add3A_499, %sub3A_501 : vector<16xi32>
          tpu.vector_store_idx %arg7[%sub3A_502], %get3A_350 masked %le3A_365 : memref<4112xf32, #tpu.memory_space<vmem>>[vector<16xi32>], vector<16xf32>, vector<16xi1>
          %mul3A_503 = arith.constant 16 : i32
          %mul3A_504 = arith.muli %scan3A_346, %mul3A_503 : i32
          %add3A_505 = vector.broadcast %mul3A_504 : i32 to vector<16xi32>
          %add3A_506 = arith.addi %add3A_505, %iota3A : vector<16xi32>
          tpu.vector_store_idx %arg8[%sub3A_502], %add3A_506 masked %le3A_365 : memref<4112xi32, #tpu.memory_space<vmem>>[vector<16xi32>], vector<16xi32>, vector<16xi1>
        } else {
        }
        %add3A_374 = arith.addi %add3A_344, %squeeze3A_368 : i32
        %scan3A_375 = arith.constant 4 : i32
        %scan3A_376 = arith.addi %scan3A_263, %scan3A_375 : i32
        %mul3A_377 = arith.constant 16 : i32
        %mul3A_378 = arith.muli %scan3A_376, %mul3A_377 : i32
        %get3A_379 = arith.index_cast %mul3A_378 : i32 to index
        %get3A_380 = tpu.vector_load %arg5[%get3A_379] {strides = array<i32>} : memref<4096xf32, #tpu.memory_space<vmem>>, vector<16xf32>,
        %sub3A_381 = arith.constant 1.000000e+01 : f32
        %sub3A_382 = vector.broadcast %sub3A_381 : f32 to vector<16xf32>
        %sub3A_383 = arith.subf %sub3A_382, %get3A_380 : vector<16xf32>
        %mul3A_384 = arith.constant 2.560000e+01 : f32
        %mul3A_385 = vector.broadcast %mul3A_384 : f32 to vector<16xf32>
        %mul3A_386 = arith.mulf %sub3A_383, %mul3A_385 : vector<16xf32>
        %max3A_387 = arith.constant 0.000000e+00 : f32
        %max3A_388 = vector.broadcast %max3A_387 : f32 to vector<16xf32>
        %max3A_389 = arith.maximumf %mul3A_386, %max3A_388 : vector<16xf32>
        %min3A_390 = arith.constant 2.550000e+02 : f32
        %min3A_391 = vector.broadcast %min3A_390 : f32 to vector<16xf32>
        %min3A_392 = arith.minimumf %max3A_389, %min3A_391 : vector<16xf32>
        %convert_element_type3A_393 = arith.fptosi %min3A_392 : vector<16xf32> to vector<16xi32>
        %le3A_394 = vector.broadcast %scan3A_119#1 : i32 to vector<16xi32>
        %le3A_395 = arith.cmpi sle, %convert_element_type3A_393, %le3A_394 : vector<16xi32>
        %all_reduce_population_count3A_396 = tpu.all_reduce %le3A_395 {dim = 0 : i64, kind = #tpu.reduction_kind<sum>} : vector<16xi1> -> vector<16xi32>
        %slice3A_397 = vector.extract_strided_slice %all_reduce_population_count3A_396 {offsets = [0], sizes = [1], strides = [1]} : vector<16xi32> to vector<1xi32>
        %squeeze3A_398 = vector.extract %slice3A_397[0] : i32 from vector<1xi32>
        %gt3A_399 = arith.constant 0 : i32
        %gt3A_400 = arith.cmpi sgt, %squeeze3A_398, %gt3A_399 : i32
        %convert_element_type3A_401 = arith.extui %gt3A_400 : i1 to i32
        %cond3A_402 = arith.constant 0 : i32
        %cond3A_403 = arith.cmpi ne, %convert_element_type3A_401, %cond3A_402 : i32
        scf.if %cond3A_403 {
          %convert_element_type3A_495 = arith.extui %le3A_395 : vector<16xi1> to vector<16xi32>
          %broadcast_in_dim3A_496 = arith.constant true
          %broadcast_in_dim3A_497 = vector.broadcast %broadcast_in_dim3A_496 : i1 to vector<16xi1>
          %masked_cumsum3A = tpu.scan <sum>, %convert_element_type3A_495 masked %broadcast_in_dim3A_497 : vector<16xi32>, vector<16xi1> -> vector<16xi32>
          %add3A_498 = vector.broadcast %add3A_374 : i32 to vector<16xi32>
          %add3A_499 = arith.addi %add3A_498, %masked_cumsum3A : vector<16xi32>
          %sub3A_500 = arith.constant 1 : i32
          %sub3A_501 = vector.broadcast %sub3A_500 : i32 to vector<16xi32>
          %sub3A_502 = arith.subi %add3A_499, %sub3A_501 : vector<16xi32>
          tpu.vector_store_idx %arg7[%sub3A_502], %get3A_380 masked %le3A_395 : memref<4112xf32, #tpu.memory_space<vmem>>[vector<16xi32>], vector<16xf32>, vector<16xi1>
          %mul3A_503 = arith.constant 16 : i32
          %mul3A_504 = arith.muli %scan3A_376, %mul3A_503 : i32
          %add3A_505 = vector.broadcast %mul3A_504 : i32 to vector<16xi32>
          %add3A_506 = arith.addi %add3A_505, %iota3A : vector<16xi32>
          tpu.vector_store_idx %arg8[%sub3A_502], %add3A_506 masked %le3A_395 : memref<4112xi32, #tpu.memory_space<vmem>>[vector<16xi32>], vector<16xi32>, vector<16xi1>
        } else {
        }
        %add3A_404 = arith.addi %add3A_374, %squeeze3A_398 : i32
        %scan3A_405 = arith.constant 5 : i32
        %scan3A_406 = arith.addi %scan3A_263, %scan3A_405 : i32
        %mul3A_407 = arith.constant 16 : i32
        %mul3A_408 = arith.muli %scan3A_406, %mul3A_407 : i32
        %get3A_409 = arith.index_cast %mul3A_408 : i32 to index
        %get3A_410 = tpu.vector_load %arg5[%get3A_409] {strides = array<i32>} : memref<4096xf32, #tpu.memory_space<vmem>>, vector<16xf32>,
        %sub3A_411 = arith.constant 1.000000e+01 : f32
        %sub3A_412 = vector.broadcast %sub3A_411 : f32 to vector<16xf32>
        %sub3A_413 = arith.subf %sub3A_412, %get3A_410 : vector<16xf32>
        %mul3A_414 = arith.constant 2.560000e+01 : f32
        %mul3A_415 = vector.broadcast %mul3A_414 : f32 to vector<16xf32>
        %mul3A_416 = arith.mulf %sub3A_413, %mul3A_415 : vector<16xf32>
        %max3A_417 = arith.constant 0.000000e+00 : f32
        %max3A_418 = vector.broadcast %max3A_417 : f32 to vector<16xf32>
        %max3A_419 = arith.maximumf %mul3A_416, %max3A_418 : vector<16xf32>
        %min3A_420 = arith.constant 2.550000e+02 : f32
        %min3A_421 = vector.broadcast %min3A_420 : f32 to vector<16xf32>
        %min3A_422 = arith.minimumf %max3A_419, %min3A_421 : vector<16xf32>
        %convert_element_type3A_423 = arith.fptosi %min3A_422 : vector<16xf32> to vector<16xi32>
        %le3A_424 = vector.broadcast %scan3A_119#1 : i32 to vector<16xi32>
        %le3A_425 = arith.cmpi sle, %convert_element_type3A_423, %le3A_424 : vector<16xi32>
        %all_reduce_population_count3A_426 = tpu.all_reduce %le3A_425 {dim = 0 : i64, kind = #tpu.reduction_kind<sum>} : vector<16xi1> -> vector<16xi32>
        %slice3A_427 = vector.extract_strided_slice %all_reduce_population_count3A_426 {offsets = [0], sizes = [1], strides = [1]} : vector<16xi32> to vector<1xi32>
        %squeeze3A_428 = vector.extract %slice3A_427[0] : i32 from vector<1xi32>
        %gt3A_429 = arith.constant 0 : i32
        %gt3A_430 = arith.cmpi sgt, %squeeze3A_428, %gt3A_429 : i32
        %convert_element_type3A_431 = arith.extui %gt3A_430 : i1 to i32
        %cond3A_432 = arith.constant 0 : i32
        %cond3A_433 = arith.cmpi ne, %convert_element_type3A_431, %cond3A_432 : i32
        scf.if %cond3A_433 {
          %convert_element_type3A_495 = arith.extui %le3A_425 : vector<16xi1> to vector<16xi32>
          %broadcast_in_dim3A_496 = arith.constant true
          %broadcast_in_dim3A_497 = vector.broadcast %broadcast_in_dim3A_496 : i1 to vector<16xi1>
          %masked_cumsum3A = tpu.scan <sum>, %convert_element_type3A_495 masked %broadcast_in_dim3A_497 : vector<16xi32>, vector<16xi1> -> vector<16xi32>
          %add3A_498 = vector.broadcast %add3A_404 : i32 to vector<16xi32>
          %add3A_499 = arith.addi %add3A_498, %masked_cumsum3A : vector<16xi32>
          %sub3A_500 = arith.constant 1 : i32
          %sub3A_501 = vector.broadcast %sub3A_500 : i32 to vector<16xi32>
          %sub3A_502 = arith.subi %add3A_499, %sub3A_501 : vector<16xi32>
          tpu.vector_store_idx %arg7[%sub3A_502], %get3A_410 masked %le3A_425 : memref<4112xf32, #tpu.memory_space<vmem>>[vector<16xi32>], vector<16xf32>, vector<16xi1>
          %mul3A_503 = arith.constant 16 : i32
          %mul3A_504 = arith.muli %scan3A_406, %mul3A_503 : i32
          %add3A_505 = vector.broadcast %mul3A_504 : i32 to vector<16xi32>
          %add3A_506 = arith.addi %add3A_505, %iota3A : vector<16xi32>
          tpu.vector_store_idx %arg8[%sub3A_502], %add3A_506 masked %le3A_425 : memref<4112xi32, #tpu.memory_space<vmem>>[vector<16xi32>], vector<16xi32>, vector<16xi1>
        } else {
        }
        %add3A_434 = arith.addi %add3A_404, %squeeze3A_428 : i32
        %scan3A_435 = arith.constant 6 : i32
        %scan3A_436 = arith.addi %scan3A_263, %scan3A_435 : i32
        %mul3A_437 = arith.constant 16 : i32
        %mul3A_438 = arith.muli %scan3A_436, %mul3A_437 : i32
        %get3A_439 = arith.index_cast %mul3A_438 : i32 to index
        %get3A_440 = tpu.vector_load %arg5[%get3A_439] {strides = array<i32>} : memref<4096xf32, #tpu.memory_space<vmem>>, vector<16xf32>,
        %sub3A_441 = arith.constant 1.000000e+01 : f32
        %sub3A_442 = vector.broadcast %sub3A_441 : f32 to vector<16xf32>
        %sub3A_443 = arith.subf %sub3A_442, %get3A_440 : vector<16xf32>
        %mul3A_444 = arith.constant 2.560000e+01 : f32
        %mul3A_445 = vector.broadcast %mul3A_444 : f32 to vector<16xf32>
        %mul3A_446 = arith.mulf %sub3A_443, %mul3A_445 : vector<16xf32>
        %max3A_447 = arith.constant 0.000000e+00 : f32
        %max3A_448 = vector.broadcast %max3A_447 : f32 to vector<16xf32>
        %max3A_449 = arith.maximumf %mul3A_446, %max3A_448 : vector<16xf32>
        %min3A_450 = arith.constant 2.550000e+02 : f32
        %min3A_451 = vector.broadcast %min3A_450 : f32 to vector<16xf32>
        %min3A_452 = arith.minimumf %max3A_449, %min3A_451 : vector<16xf32>
        %convert_element_type3A_453 = arith.fptosi %min3A_452 : vector<16xf32> to vector<16xi32>
        %le3A_454 = vector.broadcast %scan3A_119#1 : i32 to vector<16xi32>
        %le3A_455 = arith.cmpi sle, %convert_element_type3A_453, %le3A_454 : vector<16xi32>
        %all_reduce_population_count3A_456 = tpu.all_reduce %le3A_455 {dim = 0 : i64, kind = #tpu.reduction_kind<sum>} : vector<16xi1> -> vector<16xi32>
        %slice3A_457 = vector.extract_strided_slice %all_reduce_population_count3A_456 {offsets = [0], sizes = [1], strides = [1]} : vector<16xi32> to vector<1xi32>
        %squeeze3A_458 = vector.extract %slice3A_457[0] : i32 from vector<1xi32>
        %gt3A_459 = arith.constant 0 : i32
        %gt3A_460 = arith.cmpi sgt, %squeeze3A_458, %gt3A_459 : i32
        %convert_element_type3A_461 = arith.extui %gt3A_460 : i1 to i32
        %cond3A_462 = arith.constant 0 : i32
        %cond3A_463 = arith.cmpi ne, %convert_element_type3A_461, %cond3A_462 : i32
        scf.if %cond3A_463 {
          %convert_element_type3A_495 = arith.extui %le3A_455 : vector<16xi1> to vector<16xi32>
          %broadcast_in_dim3A_496 = arith.constant true
          %broadcast_in_dim3A_497 = vector.broadcast %broadcast_in_dim3A_496 : i1 to vector<16xi1>
          %masked_cumsum3A = tpu.scan <sum>, %convert_element_type3A_495 masked %broadcast_in_dim3A_497 : vector<16xi32>, vector<16xi1> -> vector<16xi32>
          %add3A_498 = vector.broadcast %add3A_434 : i32 to vector<16xi32>
          %add3A_499 = arith.addi %add3A_498, %masked_cumsum3A : vector<16xi32>
          %sub3A_500 = arith.constant 1 : i32
          %sub3A_501 = vector.broadcast %sub3A_500 : i32 to vector<16xi32>
          %sub3A_502 = arith.subi %add3A_499, %sub3A_501 : vector<16xi32>
          tpu.vector_store_idx %arg7[%sub3A_502], %get3A_440 masked %le3A_455 : memref<4112xf32, #tpu.memory_space<vmem>>[vector<16xi32>], vector<16xf32>, vector<16xi1>
          %mul3A_503 = arith.constant 16 : i32
          %mul3A_504 = arith.muli %scan3A_436, %mul3A_503 : i32
          %add3A_505 = vector.broadcast %mul3A_504 : i32 to vector<16xi32>
          %add3A_506 = arith.addi %add3A_505, %iota3A : vector<16xi32>
          tpu.vector_store_idx %arg8[%sub3A_502], %add3A_506 masked %le3A_455 : memref<4112xi32, #tpu.memory_space<vmem>>[vector<16xi32>], vector<16xi32>, vector<16xi1>
        } else {
        }
        %add3A_464 = arith.addi %add3A_434, %squeeze3A_458 : i32
        %scan3A_465 = arith.constant 7 : i32
        %scan3A_466 = arith.addi %scan3A_263, %scan3A_465 : i32
        %mul3A_467 = arith.constant 16 : i32
        %mul3A_468 = arith.muli %scan3A_466, %mul3A_467 : i32
        %get3A_469 = arith.index_cast %mul3A_468 : i32 to index
        %get3A_470 = tpu.vector_load %arg5[%get3A_469] {strides = array<i32>} : memref<4096xf32, #tpu.memory_space<vmem>>, vector<16xf32>,
        %sub3A_471 = arith.constant 1.000000e+01 : f32
        %sub3A_472 = vector.broadcast %sub3A_471 : f32 to vector<16xf32>
        %sub3A_473 = arith.subf %sub3A_472, %get3A_470 : vector<16xf32>
        %mul3A_474 = arith.constant 2.560000e+01 : f32
        %mul3A_475 = vector.broadcast %mul3A_474 : f32 to vector<16xf32>
        %mul3A_476 = arith.mulf %sub3A_473, %mul3A_475 : vector<16xf32>
        %max3A_477 = arith.constant 0.000000e+00 : f32
        %max3A_478 = vector.broadcast %max3A_477 : f32 to vector<16xf32>
        %max3A_479 = arith.maximumf %mul3A_476, %max3A_478 : vector<16xf32>
        %min3A_480 = arith.constant 2.550000e+02 : f32
        %min3A_481 = vector.broadcast %min3A_480 : f32 to vector<16xf32>
        %min3A_482 = arith.minimumf %max3A_479, %min3A_481 : vector<16xf32>
        %convert_element_type3A_483 = arith.fptosi %min3A_482 : vector<16xf32> to vector<16xi32>
        %le3A_484 = vector.broadcast %scan3A_119#1 : i32 to vector<16xi32>
        %le3A_485 = arith.cmpi sle, %convert_element_type3A_483, %le3A_484 : vector<16xi32>
        %all_reduce_population_count3A_486 = tpu.all_reduce %le3A_485 {dim = 0 : i64, kind = #tpu.reduction_kind<sum>} : vector<16xi1> -> vector<16xi32>
        %slice3A_487 = vector.extract_strided_slice %all_reduce_population_count3A_486 {offsets = [0], sizes = [1], strides = [1]} : vector<16xi32> to vector<1xi32>
        %squeeze3A_488 = vector.extract %slice3A_487[0] : i32 from vector<1xi32>
        %gt3A_489 = arith.constant 0 : i32
        %gt3A_490 = arith.cmpi sgt, %squeeze3A_488, %gt3A_489 : i32
        %convert_element_type3A_491 = arith.extui %gt3A_490 : i1 to i32
        %cond3A_492 = arith.constant 0 : i32
        %cond3A_493 = arith.cmpi ne, %convert_element_type3A_491, %cond3A_492 : i32
        scf.if %cond3A_493 {
          %convert_element_type3A_495 = arith.extui %le3A_485 : vector<16xi1> to vector<16xi32>
          %broadcast_in_dim3A_496 = arith.constant true
          %broadcast_in_dim3A_497 = vector.broadcast %broadcast_in_dim3A_496 : i1 to vector<16xi1>
          %masked_cumsum3A = tpu.scan <sum>, %convert_element_type3A_495 masked %broadcast_in_dim3A_497 : vector<16xi32>, vector<16xi1> -> vector<16xi32>
          %add3A_498 = vector.broadcast %add3A_464 : i32 to vector<16xi32>
          %add3A_499 = arith.addi %add3A_498, %masked_cumsum3A : vector<16xi32>
          %sub3A_500 = arith.constant 1 : i32
          %sub3A_501 = vector.broadcast %sub3A_500 : i32 to vector<16xi32>
          %sub3A_502 = arith.subi %add3A_499, %sub3A_501 : vector<16xi32>
          tpu.vector_store_idx %arg7[%sub3A_502], %get3A_470 masked %le3A_485 : memref<4112xf32, #tpu.memory_space<vmem>>[vector<16xi32>], vector<16xf32>, vector<16xi1>
          %mul3A_503 = arith.constant 16 : i32
          %mul3A_504 = arith.muli %scan3A_466, %mul3A_503 : i32
          %add3A_505 = vector.broadcast %mul3A_504 : i32 to vector<16xi32>
          %add3A_506 = arith.addi %add3A_505, %iota3A : vector<16xi32>
          tpu.vector_store_idx %arg8[%sub3A_502], %add3A_506 masked %le3A_485 : memref<4112xi32, #tpu.memory_space<vmem>>[vector<16xi32>], vector<16xi32>, vector<16xi1>
        } else {
        }
        %add3A_494 = arith.addi %add3A_464, %squeeze3A_488 : i32
        scf.yield %add3A_494 : i32
      }
      %scan3A_127 = arith.constant 256 : i32
      %add3A_128 = vector.broadcast %scan3A_126 : i32 to vector<16xi32>
      %add3A_129 = arith.addi %add3A_128, %iota3A : vector<16xi32>
      tpu.vector_store_idx %arg7[%add3A_129], %broadcast_in_dim3A_5 : memref<4112xf32, #tpu.memory_space<vmem>>[vector<16xi32>], vector<16xf32>,
      %add3A_130 = arith.constant 15 : i32
      %add3A_131 = arith.addi %scan3A_126, %add3A_130 : i32
      %jit3A_132 = arith.constant 16 : i32
      %div3A = arith.divsi %add3A_131, %jit3A_132 : i32
      %sign3A = arith.constant 0 : i32
      %sign3A_133 = arith.cmpi sgt, %add3A_131, %sign3A : i32
      %sign3A_134 = arith.extui %sign3A_133 : i1 to i32
      %sign3A_135 = arith.constant 0 : i32
      %sign3A_136 = arith.cmpi slt, %add3A_131, %sign3A_135 : i32
      %sign3A_137 = arith.extui %sign3A_136 : i1 to i32
      %sign3A_138 = arith.subi %sign3A_134, %sign3A_137 : i32
      %sign3A_139 = arith.constant 0 : i32
      %sign3A_140 = arith.cmpi sgt, %jit3A_132, %sign3A_139 : i32
      %sign3A_141 = arith.extui %sign3A_140 : i1 to i32
      %sign3A_142 = arith.constant 0 : i32
      %sign3A_143 = arith.cmpi slt, %jit3A_132, %sign3A_142 : i32
      %sign3A_144 = arith.extui %sign3A_143 : i1 to i32
      %sign3A_145 = arith.subi %sign3A_141, %sign3A_144 : i32
      %ne3A = arith.cmpi ne, %sign3A_138, %sign3A_145 : i32
      %rem3A = arith.remsi %add3A_131, %jit3A_132 : i32
      %ne3A_146 = arith.constant 0 : i32
      %ne3A_147 = arith.cmpi ne, %rem3A, %ne3A_146 : i32
      %and3A = arith.andi %ne3A, %ne3A_147 : i1
      %sub3A = arith.constant 1 : i32
      %sub3A_148 = arith.subi %div3A, %sub3A : i32
      %select_n3A_149 = arith.select %and3A, %sub3A_148, %div3A : i32
      %scan3A_150 = arith.constant 0 : i32
      %scan3A_151 = arith.constant 0 : i32
      %scan3A_152 = arith.constant 40 : i32
      %scan3A_153 = arith.addi %scan3A_151, %scan3A_152 : i32
      %scan3A_154 = arith.constant 1 : i32
      scf.for %scan3A_263 = %scan3A_151 to %scan3A_153 step %scan3A_154  : i32 {
        %while3A = arith.constant 0 : i32
        %while3A_264 = arith.subi %select_n3A_149, %while3A : i32
        %while3A_265 = arith.addi %while3A, %while3A_264 : i32
        %while3A_266 = arith.constant 1 : i32
        %while3A_267 = arith.divsi %while3A_264, %while3A_266 : i32
        %while3A_268 = arith.muli %while3A_267, %while3A_266 : i32
        %while3A_269 = arith.addi %while3A, %while3A_268 : i32
        %while3A_270 = arith.constant 1 : i32
        %while3A_271:2 = scf.for %while3A_291 = %while3A to %while3A_269 step %while3A_270 iter_args(%while3A_292 = %broadcast_in_dim3A_5, %while3A_293 = %broadcast_in_dim3A_3) -> (vector<16xf32>, vector<16xi32>)  : i32 {
          %mul3A_294 = arith.constant 16 : i32
          %mul3A_295 = arith.muli %while3A_291, %mul3A_294 : i32
          %get3A_296 = arith.index_cast %mul3A_295 : i32 to index
          %get3A_297 = tpu.vector_load %arg7[%get3A_296] {strides = array<i32>} : memref<4112xf32, #tpu.memory_space<vmem>>, vector<16xf32>,
          %gt3A = arith.cmpf ogt, %get3A_297, %while3A_292 : vector<16xf32>
          %select_n3A_298 = arith.select %gt3A, %get3A_297, %while3A_292 : vector<16xi1>, vector<16xf32>
          %mul3A_299 = arith.constant 16 : i32
          %mul3A_300 = arith.muli %while3A_291, %mul3A_299 : i32
          %add3A_301 = vector.broadcast %mul3A_300 : i32 to vector<16xi32>
          %add3A_302 = arith.addi %add3A_301, %iota3A : vector<16xi32>
          %select_n3A_303 = arith.select %gt3A, %add3A_302, %while3A_293 : vector<16xi1>, vector<16xi32>
          scf.yield %select_n3A_298, %select_n3A_303 : vector<16xf32>, vector<16xi32>
        }
        %while3A_272 = arith.constant 1 : i32
        %while3A_273:2 = scf.for %while3A_291 = %while3A_269 to %while3A_265 step %while3A_272 iter_args(%while3A_292 = %while3A_271#0, %while3A_293 = %while3A_271#1) -> (vector<16xf32>, vector<16xi32>)  : i32 {
          %mul3A_294 = arith.constant 16 : i32
          %mul3A_295 = arith.muli %while3A_291, %mul3A_294 : i32
          %get3A_296 = arith.index_cast %mul3A_295 : i32 to index
          %get3A_297 = tpu.vector_load %arg7[%get3A_296] {strides = array<i32>} : memref<4112xf32, #tpu.memory_space<vmem>>, vector<16xf32>,
          %gt3A = arith.cmpf ogt, %get3A_297, %while3A_292 : vector<16xf32>
          %select_n3A_298 = arith.select %gt3A, %get3A_297, %while3A_292 : vector<16xi1>, vector<16xf32>
          %mul3A_299 = arith.constant 16 : i32
          %mul3A_300 = arith.muli %while3A_291, %mul3A_299 : i32
          %add3A_301 = vector.broadcast %mul3A_300 : i32 to vector<16xi32>
          %add3A_302 = arith.addi %add3A_301, %iota3A : vector<16xi32>
          %select_n3A_303 = arith.select %gt3A, %add3A_302, %while3A_293 : vector<16xi1>, vector<16xi32>
          scf.yield %select_n3A_298, %select_n3A_303 : vector<16xf32>, vector<16xi32>
        }
        %reduce_max3A = arith.constant true
        %reduce_max3A_274 = vector.broadcast %reduce_max3A : i1 to vector<16xi1>
        %reduce_max3A_275 = tpu.scan <max>, %while3A_273#0 masked %reduce_max3A_274 : vector<16xf32>, vector<16xi1> -> vector<16xf32>
        %reduce_max3A_276 = vector.extract %reduce_max3A_275[15] : f32 from vector<16xf32>
        %broadcast_in_dim3A_277 = vector.broadcast %reduce_max3A_276 : f32 to vector<16xf32>
        %eq3A_278 = arith.cmpf oeq, %while3A_273#0, %broadcast_in_dim3A_277 : vector<16xf32>
        %jit3A_279 = arith.constant 1048576 : i32
        %broadcast_in_dim3A_280 = vector.broadcast %jit3A_279 : i32 to vector<16xi32>
        %select_n3A_281 = arith.select %eq3A_278, %while3A_273#1, %broadcast_in_dim3A_280 : vector<16xi1>, vector<16xi32>
        %reduce_min3A = arith.constant true
        %reduce_min3A_282 = vector.broadcast %reduce_min3A : i1 to vector<16xi1>
        %reduce_min3A_283 = arith.constant -2147483648 : i32
        %reduce_min3A_284 = vector.broadcast %reduce_min3A_283 : i32 to vector<16xi32>
        %reduce_min3A_285 = arith.xori %select_n3A_281, %reduce_min3A_284 : vector<16xi32>
        %reduce_min3A_286 = tpu.scan <min>, %reduce_min3A_285 masked %reduce_min3A_282 : vector<16xi32>, vector<16xi1> -> vector<16xi32>
        %reduce_min3A_287 = arith.xori %reduce_min3A_286, %reduce_min3A_284 : vector<16xi32>
        %reduce_min3A_288 = vector.extract %reduce_min3A_287[15] : i32 from vector<16xi32>
        %broadcast_in_dim3A_289 = vector.broadcast %reduce_min3A_288 : i32 to vector<16xi32>
        %broadcast_in_dim3A_290 = vector.broadcast %scan3A_263 : i32 to vector<16xi32>
        tpu.vector_store_idx %arg10[%broadcast_in_dim3A_290], %broadcast_in_dim3A_277 masked %eq3A_67 : memref<48xf32, #tpu.memory_space<vmem>>[vector<16xi32>], vector<16xf32>, vector<16xi1>
        %gather3A = tpu.vector_load_idx %arg8[%broadcast_in_dim3A_289] : memref<4112xi32, #tpu.memory_space<vmem>>[vector<16xi32>], vector<16xi32>,
        tpu.vector_store_idx %arg11[%broadcast_in_dim3A_290], %gather3A masked %eq3A_67 : memref<48xi32, #tpu.memory_space<vmem>>[vector<16xi32>], vector<16xi32>, vector<16xi1>
        tpu.vector_store_idx %arg7[%broadcast_in_dim3A_289], %broadcast_in_dim3A_5 masked %eq3A_67 : memref<4112xf32, #tpu.memory_space<vmem>>[vector<16xi32>], vector<16xf32>, vector<16xi1>
      }
      %scan3A_155 = arith.constant 40 : i32
      %scan3A_156 = arith.constant 0 : i32
      %scan3A_157 = arith.constant 0 : i32
      %scan3A_158 = arith.constant 16 : i32
      %scan3A_159 = arith.addi %scan3A_157, %scan3A_158 : i32
      %scan3A_160 = arith.constant 4 : i32
      scf.for %scan3A_263 = %scan3A_157 to %scan3A_159 step %scan3A_160  : i32 {
        %mul3A_264 = arith.constant 16 : i32
        %mul3A_265 = arith.muli %scan3A_263, %mul3A_264 : i32
        %swap3A_266 = arith.index_cast %mul3A_265 : i32 to index
        %swap3A_267 = tpu.vector_load %arg9[%swap3A_266] {strides = array<i32>} : memref<256xi32, #tpu.memory_space<vmem>>, vector<16xi32>,
        tpu.vector_store %arg9[%swap3A_266], %broadcast_in_dim3A_3 {strides = array<i32>} : memref<256xi32, #tpu.memory_space<vmem>>, vector<16xi32>,
        %scan3A_268 = arith.constant 1 : i32
        %scan3A_269 = arith.addi %scan3A_263, %scan3A_268 : i32
        %mul3A_270 = arith.constant 16 : i32
        %mul3A_271 = arith.muli %scan3A_269, %mul3A_270 : i32
        %swap3A_272 = arith.index_cast %mul3A_271 : i32 to index
        %swap3A_273 = tpu.vector_load %arg9[%swap3A_272] {strides = array<i32>} : memref<256xi32, #tpu.memory_space<vmem>>, vector<16xi32>,
        tpu.vector_store %arg9[%swap3A_272], %broadcast_in_dim3A_3 {strides = array<i32>} : memref<256xi32, #tpu.memory_space<vmem>>, vector<16xi32>,
        %scan3A_274 = arith.constant 2 : i32
        %scan3A_275 = arith.addi %scan3A_263, %scan3A_274 : i32
        %mul3A_276 = arith.constant 16 : i32
        %mul3A_277 = arith.muli %scan3A_275, %mul3A_276 : i32
        %swap3A_278 = arith.index_cast %mul3A_277 : i32 to index
        %swap3A_279 = tpu.vector_load %arg9[%swap3A_278] {strides = array<i32>} : memref<256xi32, #tpu.memory_space<vmem>>, vector<16xi32>,
        tpu.vector_store %arg9[%swap3A_278], %broadcast_in_dim3A_3 {strides = array<i32>} : memref<256xi32, #tpu.memory_space<vmem>>, vector<16xi32>,
        %scan3A_280 = arith.constant 3 : i32
        %scan3A_281 = arith.addi %scan3A_263, %scan3A_280 : i32
        %mul3A_282 = arith.constant 16 : i32
        %mul3A_283 = arith.muli %scan3A_281, %mul3A_282 : i32
        %swap3A_284 = arith.index_cast %mul3A_283 : i32 to index
        %swap3A_285 = tpu.vector_load %arg9[%swap3A_284] {strides = array<i32>} : memref<256xi32, #tpu.memory_space<vmem>>, vector<16xi32>,
        tpu.vector_store %arg9[%swap3A_284], %broadcast_in_dim3A_3 {strides = array<i32>} : memref<256xi32, #tpu.memory_space<vmem>>, vector<16xi32>,
      }
      %scan3A_161 = arith.constant 16 : i32
      %scan3A_162 = arith.constant 0 : i32
      %scan3A_163 = arith.constant 0 : i32
      %scan3A_164 = arith.constant 256 : i32
      %scan3A_165 = arith.addi %scan3A_163, %scan3A_164 : i32
      %scan3A_166 = arith.constant 16 : i32
      scf.for %scan3A_263 = %scan3A_163 to %scan3A_165 step %scan3A_166  : i32 {
        %mul3A_264 = arith.constant 16 : i32
        %mul3A_265 = arith.muli %scan3A_263, %mul3A_264 : i32
        %get3A_266 = arith.index_cast %mul3A_265 : i32 to index
        %get3A_267 = tpu.vector_load %arg6[%get3A_266] {strides = array<i32>} : memref<4096xf32, #tpu.memory_space<vmem>>, vector<16xf32>,
        %sub3A_268 = arith.constant 1.000000e+01 : f32
        %sub3A_269 = vector.broadcast %sub3A_268 : f32 to vector<16xf32>
        %sub3A_270 = arith.subf %sub3A_269, %get3A_267 : vector<16xf32>
        %mul3A_271 = arith.constant 2.560000e+01 : f32
        %mul3A_272 = vector.broadcast %mul3A_271 : f32 to vector<16xf32>
        %mul3A_273 = arith.mulf %sub3A_270, %mul3A_272 : vector<16xf32>
        %max3A = arith.constant 0.000000e+00 : f32
        %max3A_274 = vector.broadcast %max3A : f32 to vector<16xf32>
        %max3A_275 = arith.maximumf %mul3A_273, %max3A_274 : vector<16xf32>
        %min3A = arith.constant 2.550000e+02 : f32
        %min3A_276 = vector.broadcast %min3A : f32 to vector<16xf32>
        %min3A_277 = arith.minimumf %max3A_275, %min3A_276 : vector<16xf32>
        %convert_element_type3A_278 = arith.fptosi %min3A_277 : vector<16xf32> to vector<16xi32>
        tpu.vector_store_idx %arg9[%convert_element_type3A_278], %broadcast_in_dim3A_1 {add = true} : memref<256xi32, #tpu.memory_space<vmem>>[vector<16xi32>], vector<16xi32>,
        %scan3A_279 = arith.constant 1 : i32
        %scan3A_280 = arith.addi %scan3A_263, %scan3A_279 : i32
        %mul3A_281 = arith.constant 16 : i32
        %mul3A_282 = arith.muli %scan3A_280, %mul3A_281 : i32
        %get3A_283 = arith.index_cast %mul3A_282 : i32 to index
        %get3A_284 = tpu.vector_load %arg6[%get3A_283] {strides = array<i32>} : memref<4096xf32, #tpu.memory_space<vmem>>, vector<16xf32>,
        %sub3A_285 = arith.constant 1.000000e+01 : f32
        %sub3A_286 = vector.broadcast %sub3A_285 : f32 to vector<16xf32>
        %sub3A_287 = arith.subf %sub3A_286, %get3A_284 : vector<16xf32>
        %mul3A_288 = arith.constant 2.560000e+01 : f32
        %mul3A_289 = vector.broadcast %mul3A_288 : f32 to vector<16xf32>
        %mul3A_290 = arith.mulf %sub3A_287, %mul3A_289 : vector<16xf32>
        %max3A_291 = arith.constant 0.000000e+00 : f32
        %max3A_292 = vector.broadcast %max3A_291 : f32 to vector<16xf32>
        %max3A_293 = arith.maximumf %mul3A_290, %max3A_292 : vector<16xf32>
        %min3A_294 = arith.constant 2.550000e+02 : f32
        %min3A_295 = vector.broadcast %min3A_294 : f32 to vector<16xf32>
        %min3A_296 = arith.minimumf %max3A_293, %min3A_295 : vector<16xf32>
        %convert_element_type3A_297 = arith.fptosi %min3A_296 : vector<16xf32> to vector<16xi32>
        tpu.vector_store_idx %arg9[%convert_element_type3A_297], %broadcast_in_dim3A_1 {add = true} : memref<256xi32, #tpu.memory_space<vmem>>[vector<16xi32>], vector<16xi32>,
        %scan3A_298 = arith.constant 2 : i32
        %scan3A_299 = arith.addi %scan3A_263, %scan3A_298 : i32
        %mul3A_300 = arith.constant 16 : i32
        %mul3A_301 = arith.muli %scan3A_299, %mul3A_300 : i32
        %get3A_302 = arith.index_cast %mul3A_301 : i32 to index
        %get3A_303 = tpu.vector_load %arg6[%get3A_302] {strides = array<i32>} : memref<4096xf32, #tpu.memory_space<vmem>>, vector<16xf32>,
        %sub3A_304 = arith.constant 1.000000e+01 : f32
        %sub3A_305 = vector.broadcast %sub3A_304 : f32 to vector<16xf32>
        %sub3A_306 = arith.subf %sub3A_305, %get3A_303 : vector<16xf32>
        %mul3A_307 = arith.constant 2.560000e+01 : f32
        %mul3A_308 = vector.broadcast %mul3A_307 : f32 to vector<16xf32>
        %mul3A_309 = arith.mulf %sub3A_306, %mul3A_308 : vector<16xf32>
        %max3A_310 = arith.constant 0.000000e+00 : f32
        %max3A_311 = vector.broadcast %max3A_310 : f32 to vector<16xf32>
        %max3A_312 = arith.maximumf %mul3A_309, %max3A_311 : vector<16xf32>
        %min3A_313 = arith.constant 2.550000e+02 : f32
        %min3A_314 = vector.broadcast %min3A_313 : f32 to vector<16xf32>
        %min3A_315 = arith.minimumf %max3A_312, %min3A_314 : vector<16xf32>
        %convert_element_type3A_316 = arith.fptosi %min3A_315 : vector<16xf32> to vector<16xi32>
        tpu.vector_store_idx %arg9[%convert_element_type3A_316], %broadcast_in_dim3A_1 {add = true} : memref<256xi32, #tpu.memory_space<vmem>>[vector<16xi32>], vector<16xi32>,
        %scan3A_317 = arith.constant 3 : i32
        %scan3A_318 = arith.addi %scan3A_263, %scan3A_317 : i32
        %mul3A_319 = arith.constant 16 : i32
        %mul3A_320 = arith.muli %scan3A_318, %mul3A_319 : i32
        %get3A_321 = arith.index_cast %mul3A_320 : i32 to index
        %get3A_322 = tpu.vector_load %arg6[%get3A_321] {strides = array<i32>} : memref<4096xf32, #tpu.memory_space<vmem>>, vector<16xf32>,
        %sub3A_323 = arith.constant 1.000000e+01 : f32
        %sub3A_324 = vector.broadcast %sub3A_323 : f32 to vector<16xf32>
        %sub3A_325 = arith.subf %sub3A_324, %get3A_322 : vector<16xf32>
        %mul3A_326 = arith.constant 2.560000e+01 : f32
        %mul3A_327 = vector.broadcast %mul3A_326 : f32 to vector<16xf32>
        %mul3A_328 = arith.mulf %sub3A_325, %mul3A_327 : vector<16xf32>
        %max3A_329 = arith.constant 0.000000e+00 : f32
        %max3A_330 = vector.broadcast %max3A_329 : f32 to vector<16xf32>
        %max3A_331 = arith.maximumf %mul3A_328, %max3A_330 : vector<16xf32>
        %min3A_332 = arith.constant 2.550000e+02 : f32
        %min3A_333 = vector.broadcast %min3A_332 : f32 to vector<16xf32>
        %min3A_334 = arith.minimumf %max3A_331, %min3A_333 : vector<16xf32>
        %convert_element_type3A_335 = arith.fptosi %min3A_334 : vector<16xf32> to vector<16xi32>
        tpu.vector_store_idx %arg9[%convert_element_type3A_335], %broadcast_in_dim3A_1 {add = true} : memref<256xi32, #tpu.memory_space<vmem>>[vector<16xi32>], vector<16xi32>,
        %scan3A_336 = arith.constant 4 : i32
        %scan3A_337 = arith.addi %scan3A_263, %scan3A_336 : i32
        %mul3A_338 = arith.constant 16 : i32
        %mul3A_339 = arith.muli %scan3A_337, %mul3A_338 : i32
        %get3A_340 = arith.index_cast %mul3A_339 : i32 to index
        %get3A_341 = tpu.vector_load %arg6[%get3A_340] {strides = array<i32>} : memref<4096xf32, #tpu.memory_space<vmem>>, vector<16xf32>,
        %sub3A_342 = arith.constant 1.000000e+01 : f32
        %sub3A_343 = vector.broadcast %sub3A_342 : f32 to vector<16xf32>
        %sub3A_344 = arith.subf %sub3A_343, %get3A_341 : vector<16xf32>
        %mul3A_345 = arith.constant 2.560000e+01 : f32
        %mul3A_346 = vector.broadcast %mul3A_345 : f32 to vector<16xf32>
        %mul3A_347 = arith.mulf %sub3A_344, %mul3A_346 : vector<16xf32>
        %max3A_348 = arith.constant 0.000000e+00 : f32
        %max3A_349 = vector.broadcast %max3A_348 : f32 to vector<16xf32>
        %max3A_350 = arith.maximumf %mul3A_347, %max3A_349 : vector<16xf32>
        %min3A_351 = arith.constant 2.550000e+02 : f32
        %min3A_352 = vector.broadcast %min3A_351 : f32 to vector<16xf32>
        %min3A_353 = arith.minimumf %max3A_350, %min3A_352 : vector<16xf32>
        %convert_element_type3A_354 = arith.fptosi %min3A_353 : vector<16xf32> to vector<16xi32>
        tpu.vector_store_idx %arg9[%convert_element_type3A_354], %broadcast_in_dim3A_1 {add = true} : memref<256xi32, #tpu.memory_space<vmem>>[vector<16xi32>], vector<16xi32>,
        %scan3A_355 = arith.constant 5 : i32
        %scan3A_356 = arith.addi %scan3A_263, %scan3A_355 : i32
        %mul3A_357 = arith.constant 16 : i32
        %mul3A_358 = arith.muli %scan3A_356, %mul3A_357 : i32
        %get3A_359 = arith.index_cast %mul3A_358 : i32 to index
        %get3A_360 = tpu.vector_load %arg6[%get3A_359] {strides = array<i32>} : memref<4096xf32, #tpu.memory_space<vmem>>, vector<16xf32>,
        %sub3A_361 = arith.constant 1.000000e+01 : f32
        %sub3A_362 = vector.broadcast %sub3A_361 : f32 to vector<16xf32>
        %sub3A_363 = arith.subf %sub3A_362, %get3A_360 : vector<16xf32>
        %mul3A_364 = arith.constant 2.560000e+01 : f32
        %mul3A_365 = vector.broadcast %mul3A_364 : f32 to vector<16xf32>
        %mul3A_366 = arith.mulf %sub3A_363, %mul3A_365 : vector<16xf32>
        %max3A_367 = arith.constant 0.000000e+00 : f32
        %max3A_368 = vector.broadcast %max3A_367 : f32 to vector<16xf32>
        %max3A_369 = arith.maximumf %mul3A_366, %max3A_368 : vector<16xf32>
        %min3A_370 = arith.constant 2.550000e+02 : f32
        %min3A_371 = vector.broadcast %min3A_370 : f32 to vector<16xf32>
        %min3A_372 = arith.minimumf %max3A_369, %min3A_371 : vector<16xf32>
        %convert_element_type3A_373 = arith.fptosi %min3A_372 : vector<16xf32> to vector<16xi32>
        tpu.vector_store_idx %arg9[%convert_element_type3A_373], %broadcast_in_dim3A_1 {add = true} : memref<256xi32, #tpu.memory_space<vmem>>[vector<16xi32>], vector<16xi32>,
        %scan3A_374 = arith.constant 6 : i32
        %scan3A_375 = arith.addi %scan3A_263, %scan3A_374 : i32
        %mul3A_376 = arith.constant 16 : i32
        %mul3A_377 = arith.muli %scan3A_375, %mul3A_376 : i32
        %get3A_378 = arith.index_cast %mul3A_377 : i32 to index
        %get3A_379 = tpu.vector_load %arg6[%get3A_378] {strides = array<i32>} : memref<4096xf32, #tpu.memory_space<vmem>>, vector<16xf32>,
        %sub3A_380 = arith.constant 1.000000e+01 : f32
        %sub3A_381 = vector.broadcast %sub3A_380 : f32 to vector<16xf32>
        %sub3A_382 = arith.subf %sub3A_381, %get3A_379 : vector<16xf32>
        %mul3A_383 = arith.constant 2.560000e+01 : f32
        %mul3A_384 = vector.broadcast %mul3A_383 : f32 to vector<16xf32>
        %mul3A_385 = arith.mulf %sub3A_382, %mul3A_384 : vector<16xf32>
        %max3A_386 = arith.constant 0.000000e+00 : f32
        %max3A_387 = vector.broadcast %max3A_386 : f32 to vector<16xf32>
        %max3A_388 = arith.maximumf %mul3A_385, %max3A_387 : vector<16xf32>
        %min3A_389 = arith.constant 2.550000e+02 : f32
        %min3A_390 = vector.broadcast %min3A_389 : f32 to vector<16xf32>
        %min3A_391 = arith.minimumf %max3A_388, %min3A_390 : vector<16xf32>
        %convert_element_type3A_392 = arith.fptosi %min3A_391 : vector<16xf32> to vector<16xi32>
        tpu.vector_store_idx %arg9[%convert_element_type3A_392], %broadcast_in_dim3A_1 {add = true} : memref<256xi32, #tpu.memory_space<vmem>>[vector<16xi32>], vector<16xi32>,
        %scan3A_393 = arith.constant 7 : i32
        %scan3A_394 = arith.addi %scan3A_263, %scan3A_393 : i32
        %mul3A_395 = arith.constant 16 : i32
        %mul3A_396 = arith.muli %scan3A_394, %mul3A_395 : i32
        %get3A_397 = arith.index_cast %mul3A_396 : i32 to index
        %get3A_398 = tpu.vector_load %arg6[%get3A_397] {strides = array<i32>} : memref<4096xf32, #tpu.memory_space<vmem>>, vector<16xf32>,
        %sub3A_399 = arith.constant 1.000000e+01 : f32
        %sub3A_400 = vector.broadcast %sub3A_399 : f32 to vector<16xf32>
        %sub3A_401 = arith.subf %sub3A_400, %get3A_398 : vector<16xf32>
        %mul3A_402 = arith.constant 2.560000e+01 : f32
        %mul3A_403 = vector.broadcast %mul3A_402 : f32 to vector<16xf32>
        %mul3A_404 = arith.mulf %sub3A_401, %mul3A_403 : vector<16xf32>
        %max3A_405 = arith.constant 0.000000e+00 : f32
        %max3A_406 = vector.broadcast %max3A_405 : f32 to vector<16xf32>
        %max3A_407 = arith.maximumf %mul3A_404, %max3A_406 : vector<16xf32>
        %min3A_408 = arith.constant 2.550000e+02 : f32
        %min3A_409 = vector.broadcast %min3A_408 : f32 to vector<16xf32>
        %min3A_410 = arith.minimumf %max3A_407, %min3A_409 : vector<16xf32>
        %convert_element_type3A_411 = arith.fptosi %min3A_410 : vector<16xf32> to vector<16xi32>
        tpu.vector_store_idx %arg9[%convert_element_type3A_411], %broadcast_in_dim3A_1 {add = true} : memref<256xi32, #tpu.memory_space<vmem>>[vector<16xi32>], vector<16xi32>,
        %scan3A_412 = arith.constant 8 : i32
        %scan3A_413 = arith.addi %scan3A_263, %scan3A_412 : i32
        %mul3A_414 = arith.constant 16 : i32
        %mul3A_415 = arith.muli %scan3A_413, %mul3A_414 : i32
        %get3A_416 = arith.index_cast %mul3A_415 : i32 to index
        %get3A_417 = tpu.vector_load %arg6[%get3A_416] {strides = array<i32>} : memref<4096xf32, #tpu.memory_space<vmem>>, vector<16xf32>,
        %sub3A_418 = arith.constant 1.000000e+01 : f32
        %sub3A_419 = vector.broadcast %sub3A_418 : f32 to vector<16xf32>
        %sub3A_420 = arith.subf %sub3A_419, %get3A_417 : vector<16xf32>
        %mul3A_421 = arith.constant 2.560000e+01 : f32
        %mul3A_422 = vector.broadcast %mul3A_421 : f32 to vector<16xf32>
        %mul3A_423 = arith.mulf %sub3A_420, %mul3A_422 : vector<16xf32>
        %max3A_424 = arith.constant 0.000000e+00 : f32
        %max3A_425 = vector.broadcast %max3A_424 : f32 to vector<16xf32>
        %max3A_426 = arith.maximumf %mul3A_423, %max3A_425 : vector<16xf32>
        %min3A_427 = arith.constant 2.550000e+02 : f32
        %min3A_428 = vector.broadcast %min3A_427 : f32 to vector<16xf32>
        %min3A_429 = arith.minimumf %max3A_426, %min3A_428 : vector<16xf32>
        %convert_element_type3A_430 = arith.fptosi %min3A_429 : vector<16xf32> to vector<16xi32>
        tpu.vector_store_idx %arg9[%convert_element_type3A_430], %broadcast_in_dim3A_1 {add = true} : memref<256xi32, #tpu.memory_space<vmem>>[vector<16xi32>], vector<16xi32>,
        %scan3A_431 = arith.constant 9 : i32
        %scan3A_432 = arith.addi %scan3A_263, %scan3A_431 : i32
        %mul3A_433 = arith.constant 16 : i32
        %mul3A_434 = arith.muli %scan3A_432, %mul3A_433 : i32
        %get3A_435 = arith.index_cast %mul3A_434 : i32 to index
        %get3A_436 = tpu.vector_load %arg6[%get3A_435] {strides = array<i32>} : memref<4096xf32, #tpu.memory_space<vmem>>, vector<16xf32>,
        %sub3A_437 = arith.constant 1.000000e+01 : f32
        %sub3A_438 = vector.broadcast %sub3A_437 : f32 to vector<16xf32>
        %sub3A_439 = arith.subf %sub3A_438, %get3A_436 : vector<16xf32>
        %mul3A_440 = arith.constant 2.560000e+01 : f32
        %mul3A_441 = vector.broadcast %mul3A_440 : f32 to vector<16xf32>
        %mul3A_442 = arith.mulf %sub3A_439, %mul3A_441 : vector<16xf32>
        %max3A_443 = arith.constant 0.000000e+00 : f32
        %max3A_444 = vector.broadcast %max3A_443 : f32 to vector<16xf32>
        %max3A_445 = arith.maximumf %mul3A_442, %max3A_444 : vector<16xf32>
        %min3A_446 = arith.constant 2.550000e+02 : f32
        %min3A_447 = vector.broadcast %min3A_446 : f32 to vector<16xf32>
        %min3A_448 = arith.minimumf %max3A_445, %min3A_447 : vector<16xf32>
        %convert_element_type3A_449 = arith.fptosi %min3A_448 : vector<16xf32> to vector<16xi32>
        tpu.vector_store_idx %arg9[%convert_element_type3A_449], %broadcast_in_dim3A_1 {add = true} : memref<256xi32, #tpu.memory_space<vmem>>[vector<16xi32>], vector<16xi32>,
        %scan3A_450 = arith.constant 10 : i32
        %scan3A_451 = arith.addi %scan3A_263, %scan3A_450 : i32
        %mul3A_452 = arith.constant 16 : i32
        %mul3A_453 = arith.muli %scan3A_451, %mul3A_452 : i32
        %get3A_454 = arith.index_cast %mul3A_453 : i32 to index
        %get3A_455 = tpu.vector_load %arg6[%get3A_454] {strides = array<i32>} : memref<4096xf32, #tpu.memory_space<vmem>>, vector<16xf32>,
        %sub3A_456 = arith.constant 1.000000e+01 : f32
        %sub3A_457 = vector.broadcast %sub3A_456 : f32 to vector<16xf32>
        %sub3A_458 = arith.subf %sub3A_457, %get3A_455 : vector<16xf32>
        %mul3A_459 = arith.constant 2.560000e+01 : f32
        %mul3A_460 = vector.broadcast %mul3A_459 : f32 to vector<16xf32>
        %mul3A_461 = arith.mulf %sub3A_458, %mul3A_460 : vector<16xf32>
        %max3A_462 = arith.constant 0.000000e+00 : f32
        %max3A_463 = vector.broadcast %max3A_462 : f32 to vector<16xf32>
        %max3A_464 = arith.maximumf %mul3A_461, %max3A_463 : vector<16xf32>
        %min3A_465 = arith.constant 2.550000e+02 : f32
        %min3A_466 = vector.broadcast %min3A_465 : f32 to vector<16xf32>
        %min3A_467 = arith.minimumf %max3A_464, %min3A_466 : vector<16xf32>
        %convert_element_type3A_468 = arith.fptosi %min3A_467 : vector<16xf32> to vector<16xi32>
        tpu.vector_store_idx %arg9[%convert_element_type3A_468], %broadcast_in_dim3A_1 {add = true} : memref<256xi32, #tpu.memory_space<vmem>>[vector<16xi32>], vector<16xi32>,
        %scan3A_469 = arith.constant 11 : i32
        %scan3A_470 = arith.addi %scan3A_263, %scan3A_469 : i32
        %mul3A_471 = arith.constant 16 : i32
        %mul3A_472 = arith.muli %scan3A_470, %mul3A_471 : i32
        %get3A_473 = arith.index_cast %mul3A_472 : i32 to index
        %get3A_474 = tpu.vector_load %arg6[%get3A_473] {strides = array<i32>} : memref<4096xf32, #tpu.memory_space<vmem>>, vector<16xf32>,
        %sub3A_475 = arith.constant 1.000000e+01 : f32
        %sub3A_476 = vector.broadcast %sub3A_475 : f32 to vector<16xf32>
        %sub3A_477 = arith.subf %sub3A_476, %get3A_474 : vector<16xf32>
        %mul3A_478 = arith.constant 2.560000e+01 : f32
        %mul3A_479 = vector.broadcast %mul3A_478 : f32 to vector<16xf32>
        %mul3A_480 = arith.mulf %sub3A_477, %mul3A_479 : vector<16xf32>
        %max3A_481 = arith.constant 0.000000e+00 : f32
        %max3A_482 = vector.broadcast %max3A_481 : f32 to vector<16xf32>
        %max3A_483 = arith.maximumf %mul3A_480, %max3A_482 : vector<16xf32>
        %min3A_484 = arith.constant 2.550000e+02 : f32
        %min3A_485 = vector.broadcast %min3A_484 : f32 to vector<16xf32>
        %min3A_486 = arith.minimumf %max3A_483, %min3A_485 : vector<16xf32>
        %convert_element_type3A_487 = arith.fptosi %min3A_486 : vector<16xf32> to vector<16xi32>
        tpu.vector_store_idx %arg9[%convert_element_type3A_487], %broadcast_in_dim3A_1 {add = true} : memref<256xi32, #tpu.memory_space<vmem>>[vector<16xi32>], vector<16xi32>,
        %scan3A_488 = arith.constant 12 : i32
        %scan3A_489 = arith.addi %scan3A_263, %scan3A_488 : i32
        %mul3A_490 = arith.constant 16 : i32
        %mul3A_491 = arith.muli %scan3A_489, %mul3A_490 : i32
        %get3A_492 = arith.index_cast %mul3A_491 : i32 to index
        %get3A_493 = tpu.vector_load %arg6[%get3A_492] {strides = array<i32>} : memref<4096xf32, #tpu.memory_space<vmem>>, vector<16xf32>,
        %sub3A_494 = arith.constant 1.000000e+01 : f32
        %sub3A_495 = vector.broadcast %sub3A_494 : f32 to vector<16xf32>
        %sub3A_496 = arith.subf %sub3A_495, %get3A_493 : vector<16xf32>
        %mul3A_497 = arith.constant 2.560000e+01 : f32
        %mul3A_498 = vector.broadcast %mul3A_497 : f32 to vector<16xf32>
        %mul3A_499 = arith.mulf %sub3A_496, %mul3A_498 : vector<16xf32>
        %max3A_500 = arith.constant 0.000000e+00 : f32
        %max3A_501 = vector.broadcast %max3A_500 : f32 to vector<16xf32>
        %max3A_502 = arith.maximumf %mul3A_499, %max3A_501 : vector<16xf32>
        %min3A_503 = arith.constant 2.550000e+02 : f32
        %min3A_504 = vector.broadcast %min3A_503 : f32 to vector<16xf32>
        %min3A_505 = arith.minimumf %max3A_502, %min3A_504 : vector<16xf32>
        %convert_element_type3A_506 = arith.fptosi %min3A_505 : vector<16xf32> to vector<16xi32>
        tpu.vector_store_idx %arg9[%convert_element_type3A_506], %broadcast_in_dim3A_1 {add = true} : memref<256xi32, #tpu.memory_space<vmem>>[vector<16xi32>], vector<16xi32>,
        %scan3A_507 = arith.constant 13 : i32
        %scan3A_508 = arith.addi %scan3A_263, %scan3A_507 : i32
        %mul3A_509 = arith.constant 16 : i32
        %mul3A_510 = arith.muli %scan3A_508, %mul3A_509 : i32
        %get3A_511 = arith.index_cast %mul3A_510 : i32 to index
        %get3A_512 = tpu.vector_load %arg6[%get3A_511] {strides = array<i32>} : memref<4096xf32, #tpu.memory_space<vmem>>, vector<16xf32>,
        %sub3A_513 = arith.constant 1.000000e+01 : f32
        %sub3A_514 = vector.broadcast %sub3A_513 : f32 to vector<16xf32>
        %sub3A_515 = arith.subf %sub3A_514, %get3A_512 : vector<16xf32>
        %mul3A_516 = arith.constant 2.560000e+01 : f32
        %mul3A_517 = vector.broadcast %mul3A_516 : f32 to vector<16xf32>
        %mul3A_518 = arith.mulf %sub3A_515, %mul3A_517 : vector<16xf32>
        %max3A_519 = arith.constant 0.000000e+00 : f32
        %max3A_520 = vector.broadcast %max3A_519 : f32 to vector<16xf32>
        %max3A_521 = arith.maximumf %mul3A_518, %max3A_520 : vector<16xf32>
        %min3A_522 = arith.constant 2.550000e+02 : f32
        %min3A_523 = vector.broadcast %min3A_522 : f32 to vector<16xf32>
        %min3A_524 = arith.minimumf %max3A_521, %min3A_523 : vector<16xf32>
        %convert_element_type3A_525 = arith.fptosi %min3A_524 : vector<16xf32> to vector<16xi32>
        tpu.vector_store_idx %arg9[%convert_element_type3A_525], %broadcast_in_dim3A_1 {add = true} : memref<256xi32, #tpu.memory_space<vmem>>[vector<16xi32>], vector<16xi32>,
        %scan3A_526 = arith.constant 14 : i32
        %scan3A_527 = arith.addi %scan3A_263, %scan3A_526 : i32
        %mul3A_528 = arith.constant 16 : i32
        %mul3A_529 = arith.muli %scan3A_527, %mul3A_528 : i32
        %get3A_530 = arith.index_cast %mul3A_529 : i32 to index
        %get3A_531 = tpu.vector_load %arg6[%get3A_530] {strides = array<i32>} : memref<4096xf32, #tpu.memory_space<vmem>>, vector<16xf32>,
        %sub3A_532 = arith.constant 1.000000e+01 : f32
        %sub3A_533 = vector.broadcast %sub3A_532 : f32 to vector<16xf32>
        %sub3A_534 = arith.subf %sub3A_533, %get3A_531 : vector<16xf32>
        %mul3A_535 = arith.constant 2.560000e+01 : f32
        %mul3A_536 = vector.broadcast %mul3A_535 : f32 to vector<16xf32>
        %mul3A_537 = arith.mulf %sub3A_534, %mul3A_536 : vector<16xf32>
        %max3A_538 = arith.constant 0.000000e+00 : f32
        %max3A_539 = vector.broadcast %max3A_538 : f32 to vector<16xf32>
        %max3A_540 = arith.maximumf %mul3A_537, %max3A_539 : vector<16xf32>
        %min3A_541 = arith.constant 2.550000e+02 : f32
        %min3A_542 = vector.broadcast %min3A_541 : f32 to vector<16xf32>
        %min3A_543 = arith.minimumf %max3A_540, %min3A_542 : vector<16xf32>
        %convert_element_type3A_544 = arith.fptosi %min3A_543 : vector<16xf32> to vector<16xi32>
        tpu.vector_store_idx %arg9[%convert_element_type3A_544], %broadcast_in_dim3A_1 {add = true} : memref<256xi32, #tpu.memory_space<vmem>>[vector<16xi32>], vector<16xi32>,
        %scan3A_545 = arith.constant 15 : i32
        %scan3A_546 = arith.addi %scan3A_263, %scan3A_545 : i32
        %mul3A_547 = arith.constant 16 : i32
        %mul3A_548 = arith.muli %scan3A_546, %mul3A_547 : i32
        %get3A_549 = arith.index_cast %mul3A_548 : i32 to index
        %get3A_550 = tpu.vector_load %arg6[%get3A_549] {strides = array<i32>} : memref<4096xf32, #tpu.memory_space<vmem>>, vector<16xf32>,
        %sub3A_551 = arith.constant 1.000000e+01 : f32
        %sub3A_552 = vector.broadcast %sub3A_551 : f32 to vector<16xf32>
        %sub3A_553 = arith.subf %sub3A_552, %get3A_550 : vector<16xf32>
        %mul3A_554 = arith.constant 2.560000e+01 : f32
        %mul3A_555 = vector.broadcast %mul3A_554 : f32 to vector<16xf32>
        %mul3A_556 = arith.mulf %sub3A_553, %mul3A_555 : vector<16xf32>
        %max3A_557 = arith.constant 0.000000e+00 : f32
        %max3A_558 = vector.broadcast %max3A_557 : f32 to vector<16xf32>
        %max3A_559 = arith.maximumf %mul3A_556, %max3A_558 : vector<16xf32>
        %min3A_560 = arith.constant 2.550000e+02 : f32
        %min3A_561 = vector.broadcast %min3A_560 : f32 to vector<16xf32>
        %min3A_562 = arith.minimumf %max3A_559, %min3A_561 : vector<16xf32>
        %convert_element_type3A_563 = arith.fptosi %min3A_562 : vector<16xf32> to vector<16xi32>
        tpu.vector_store_idx %arg9[%convert_element_type3A_563], %broadcast_in_dim3A_1 {add = true} : memref<256xi32, #tpu.memory_space<vmem>>[vector<16xi32>], vector<16xi32>,
      }
      %scan3A_167 = arith.constant 256 : i32
      %scan3A_168 = arith.constant 0 : i32
      %scan3A_169 = arith.constant 1048576 : i32
      %scan3A_170 = arith.constant 0 : i32
      %scan3A_171 = arith.constant 16 : i32
      %scan3A_172 = arith.addi %scan3A_170, %scan3A_171 : i32
      %scan3A_173 = arith.constant 1 : i32
      %scan3A_174:2 = scf.for %scan3A_263 = %scan3A_170 to %scan3A_172 step %scan3A_173 iter_args(%scan3A_264 = %scan3A_168, %scan3A_265 = %scan3A_169) -> (i32, i32)  : i32 {
        %mul3A_266 = arith.constant 16 : i32
        %mul3A_267 = arith.muli %scan3A_263, %mul3A_266 : i32
        %get3A_268 = arith.index_cast %mul3A_267 : i32 to index
        %get3A_269 = tpu.vector_load %arg9[%get3A_268] {strides = array<i32>} : memref<256xi32, #tpu.memory_space<vmem>>, vector<16xi32>,
        %broadcast_in_dim3A_270 = arith.constant true
        %broadcast_in_dim3A_271 = vector.broadcast %broadcast_in_dim3A_270 : i1 to vector<16xi1>
        %masked_cumsum3A = tpu.scan <sum>, %get3A_269 masked %broadcast_in_dim3A_271 : vector<16xi32>, vector<16xi1> -> vector<16xi32>
        %add3A_272 = vector.broadcast %scan3A_264 : i32 to vector<16xi32>
        %add3A_273 = arith.addi %masked_cumsum3A, %add3A_272 : vector<16xi32>
        %ge3A = arith.constant 10 : i32
        %ge3A_274 = vector.broadcast %ge3A : i32 to vector<16xi32>
        %ge3A_275 = arith.cmpi sge, %add3A_273, %ge3A_274 : vector<16xi32>
        %mul3A_276 = arith.constant 16 : i32
        %mul3A_277 = arith.muli %scan3A_263, %mul3A_276 : i32
        %add3A_278 = vector.broadcast %mul3A_277 : i32 to vector<16xi32>
        %add3A_279 = arith.addi %add3A_278, %iota3A : vector<16xi32>
        %jit3A_280 = arith.constant 1048576 : i32
        %broadcast_in_dim3A_281 = vector.broadcast %jit3A_280 : i32 to vector<16xi32>
        %select_n3A_282 = arith.select %ge3A_275, %add3A_279, %broadcast_in_dim3A_281 : vector<16xi1>, vector<16xi32>
        %slice3A = vector.extract_strided_slice %add3A_273 {offsets = [15], sizes = [1], strides = [1]} : vector<16xi32> to vector<1xi32>
        %squeeze3A = vector.extract %slice3A[0] : i32 from vector<1xi32>
        %reduce_min3A = arith.constant true
        %reduce_min3A_283 = vector.broadcast %reduce_min3A : i1 to vector<16xi1>
        %reduce_min3A_284 = arith.constant -2147483648 : i32
        %reduce_min3A_285 = vector.broadcast %reduce_min3A_284 : i32 to vector<16xi32>
        %reduce_min3A_286 = arith.xori %select_n3A_282, %reduce_min3A_285 : vector<16xi32>
        %reduce_min3A_287 = tpu.scan <min>, %reduce_min3A_286 masked %reduce_min3A_283 : vector<16xi32>, vector<16xi1> -> vector<16xi32>
        %reduce_min3A_288 = arith.xori %reduce_min3A_287, %reduce_min3A_285 : vector<16xi32>
        %reduce_min3A_289 = vector.extract %reduce_min3A_288[15] : i32 from vector<16xi32>
        %min3A = arith.minsi %scan3A_265, %reduce_min3A_289 : i32
        scf.yield %squeeze3A, %min3A : i32, i32
      }
      %scan3A_175 = arith.constant 16 : i32
      %scan3A_176 = arith.constant 0 : i32
      %scan3A_177 = arith.constant 0 : i32
      %scan3A_178 = arith.constant 256 : i32
      %scan3A_179 = arith.addi %scan3A_177, %scan3A_178 : i32
      %scan3A_180 = arith.constant 8 : i32
      %scan3A_181 = scf.for %scan3A_263 = %scan3A_177 to %scan3A_179 step %scan3A_180 iter_args(%scan3A_264 = %scan3A_176) -> (i32)  : i32 {
        %mul3A_265 = arith.constant 16 : i32
        %mul3A_266 = arith.muli %scan3A_263, %mul3A_265 : i32
        %get3A_267 = arith.index_cast %mul3A_266 : i32 to index
        %get3A_268 = tpu.vector_load %arg6[%get3A_267] {strides = array<i32>} : memref<4096xf32, #tpu.memory_space<vmem>>, vector<16xf32>,
        %sub3A_269 = arith.constant 1.000000e+01 : f32
        %sub3A_270 = vector.broadcast %sub3A_269 : f32 to vector<16xf32>
        %sub3A_271 = arith.subf %sub3A_270, %get3A_268 : vector<16xf32>
        %mul3A_272 = arith.constant 2.560000e+01 : f32
        %mul3A_273 = vector.broadcast %mul3A_272 : f32 to vector<16xf32>
        %mul3A_274 = arith.mulf %sub3A_271, %mul3A_273 : vector<16xf32>
        %max3A = arith.constant 0.000000e+00 : f32
        %max3A_275 = vector.broadcast %max3A : f32 to vector<16xf32>
        %max3A_276 = arith.maximumf %mul3A_274, %max3A_275 : vector<16xf32>
        %min3A = arith.constant 2.550000e+02 : f32
        %min3A_277 = vector.broadcast %min3A : f32 to vector<16xf32>
        %min3A_278 = arith.minimumf %max3A_276, %min3A_277 : vector<16xf32>
        %convert_element_type3A_279 = arith.fptosi %min3A_278 : vector<16xf32> to vector<16xi32>
        %le3A = vector.broadcast %scan3A_174#1 : i32 to vector<16xi32>
        %le3A_280 = arith.cmpi sle, %convert_element_type3A_279, %le3A : vector<16xi32>
        %all_reduce_population_count3A = tpu.all_reduce %le3A_280 {dim = 0 : i64, kind = #tpu.reduction_kind<sum>} : vector<16xi1> -> vector<16xi32>
        %slice3A = vector.extract_strided_slice %all_reduce_population_count3A {offsets = [0], sizes = [1], strides = [1]} : vector<16xi32> to vector<1xi32>
        %squeeze3A = vector.extract %slice3A[0] : i32 from vector<1xi32>
        %gt3A = arith.constant 0 : i32
        %gt3A_281 = arith.cmpi sgt, %squeeze3A, %gt3A : i32
        %convert_element_type3A_282 = arith.extui %gt3A_281 : i1 to i32
        %cond3A = arith.constant 0 : i32
        %cond3A_283 = arith.cmpi ne, %convert_element_type3A_282, %cond3A : i32
        scf.if %cond3A_283 {
          %convert_element_type3A_495 = arith.extui %le3A_280 : vector<16xi1> to vector<16xi32>
          %broadcast_in_dim3A_496 = arith.constant true
          %broadcast_in_dim3A_497 = vector.broadcast %broadcast_in_dim3A_496 : i1 to vector<16xi1>
          %masked_cumsum3A = tpu.scan <sum>, %convert_element_type3A_495 masked %broadcast_in_dim3A_497 : vector<16xi32>, vector<16xi1> -> vector<16xi32>
          %add3A_498 = vector.broadcast %scan3A_264 : i32 to vector<16xi32>
          %add3A_499 = arith.addi %add3A_498, %masked_cumsum3A : vector<16xi32>
          %sub3A_500 = arith.constant 1 : i32
          %sub3A_501 = vector.broadcast %sub3A_500 : i32 to vector<16xi32>
          %sub3A_502 = arith.subi %add3A_499, %sub3A_501 : vector<16xi32>
          tpu.vector_store_idx %arg7[%sub3A_502], %get3A_268 masked %le3A_280 : memref<4112xf32, #tpu.memory_space<vmem>>[vector<16xi32>], vector<16xf32>, vector<16xi1>
          %mul3A_503 = arith.constant 16 : i32
          %mul3A_504 = arith.muli %scan3A_263, %mul3A_503 : i32
          %add3A_505 = vector.broadcast %mul3A_504 : i32 to vector<16xi32>
          %add3A_506 = arith.addi %add3A_505, %iota3A : vector<16xi32>
          tpu.vector_store_idx %arg8[%sub3A_502], %add3A_506 masked %le3A_280 : memref<4112xi32, #tpu.memory_space<vmem>>[vector<16xi32>], vector<16xi32>, vector<16xi1>
        } else {
        }
        %add3A_284 = arith.addi %scan3A_264, %squeeze3A : i32
        %scan3A_285 = arith.constant 1 : i32
        %scan3A_286 = arith.addi %scan3A_263, %scan3A_285 : i32
        %mul3A_287 = arith.constant 16 : i32
        %mul3A_288 = arith.muli %scan3A_286, %mul3A_287 : i32
        %get3A_289 = arith.index_cast %mul3A_288 : i32 to index
        %get3A_290 = tpu.vector_load %arg6[%get3A_289] {strides = array<i32>} : memref<4096xf32, #tpu.memory_space<vmem>>, vector<16xf32>,
        %sub3A_291 = arith.constant 1.000000e+01 : f32
        %sub3A_292 = vector.broadcast %sub3A_291 : f32 to vector<16xf32>
        %sub3A_293 = arith.subf %sub3A_292, %get3A_290 : vector<16xf32>
        %mul3A_294 = arith.constant 2.560000e+01 : f32
        %mul3A_295 = vector.broadcast %mul3A_294 : f32 to vector<16xf32>
        %mul3A_296 = arith.mulf %sub3A_293, %mul3A_295 : vector<16xf32>
        %max3A_297 = arith.constant 0.000000e+00 : f32
        %max3A_298 = vector.broadcast %max3A_297 : f32 to vector<16xf32>
        %max3A_299 = arith.maximumf %mul3A_296, %max3A_298 : vector<16xf32>
        %min3A_300 = arith.constant 2.550000e+02 : f32
        %min3A_301 = vector.broadcast %min3A_300 : f32 to vector<16xf32>
        %min3A_302 = arith.minimumf %max3A_299, %min3A_301 : vector<16xf32>
        %convert_element_type3A_303 = arith.fptosi %min3A_302 : vector<16xf32> to vector<16xi32>
        %le3A_304 = vector.broadcast %scan3A_174#1 : i32 to vector<16xi32>
        %le3A_305 = arith.cmpi sle, %convert_element_type3A_303, %le3A_304 : vector<16xi32>
        %all_reduce_population_count3A_306 = tpu.all_reduce %le3A_305 {dim = 0 : i64, kind = #tpu.reduction_kind<sum>} : vector<16xi1> -> vector<16xi32>
        %slice3A_307 = vector.extract_strided_slice %all_reduce_population_count3A_306 {offsets = [0], sizes = [1], strides = [1]} : vector<16xi32> to vector<1xi32>
        %squeeze3A_308 = vector.extract %slice3A_307[0] : i32 from vector<1xi32>
        %gt3A_309 = arith.constant 0 : i32
        %gt3A_310 = arith.cmpi sgt, %squeeze3A_308, %gt3A_309 : i32
        %convert_element_type3A_311 = arith.extui %gt3A_310 : i1 to i32
        %cond3A_312 = arith.constant 0 : i32
        %cond3A_313 = arith.cmpi ne, %convert_element_type3A_311, %cond3A_312 : i32
        scf.if %cond3A_313 {
          %convert_element_type3A_495 = arith.extui %le3A_305 : vector<16xi1> to vector<16xi32>
          %broadcast_in_dim3A_496 = arith.constant true
          %broadcast_in_dim3A_497 = vector.broadcast %broadcast_in_dim3A_496 : i1 to vector<16xi1>
          %masked_cumsum3A = tpu.scan <sum>, %convert_element_type3A_495 masked %broadcast_in_dim3A_497 : vector<16xi32>, vector<16xi1> -> vector<16xi32>
          %add3A_498 = vector.broadcast %add3A_284 : i32 to vector<16xi32>
          %add3A_499 = arith.addi %add3A_498, %masked_cumsum3A : vector<16xi32>
          %sub3A_500 = arith.constant 1 : i32
          %sub3A_501 = vector.broadcast %sub3A_500 : i32 to vector<16xi32>
          %sub3A_502 = arith.subi %add3A_499, %sub3A_501 : vector<16xi32>
          tpu.vector_store_idx %arg7[%sub3A_502], %get3A_290 masked %le3A_305 : memref<4112xf32, #tpu.memory_space<vmem>>[vector<16xi32>], vector<16xf32>, vector<16xi1>
          %mul3A_503 = arith.constant 16 : i32
          %mul3A_504 = arith.muli %scan3A_286, %mul3A_503 : i32
          %add3A_505 = vector.broadcast %mul3A_504 : i32 to vector<16xi32>
          %add3A_506 = arith.addi %add3A_505, %iota3A : vector<16xi32>
          tpu.vector_store_idx %arg8[%sub3A_502], %add3A_506 masked %le3A_305 : memref<4112xi32, #tpu.memory_space<vmem>>[vector<16xi32>], vector<16xi32>, vector<16xi1>
        } else {
        }
        %add3A_314 = arith.addi %add3A_284, %squeeze3A_308 : i32
        %scan3A_315 = arith.constant 2 : i32
        %scan3A_316 = arith.addi %scan3A_263, %scan3A_315 : i32
        %mul3A_317 = arith.constant 16 : i32
        %mul3A_318 = arith.muli %scan3A_316, %mul3A_317 : i32
        %get3A_319 = arith.index_cast %mul3A_318 : i32 to index
        %get3A_320 = tpu.vector_load %arg6[%get3A_319] {strides = array<i32>} : memref<4096xf32, #tpu.memory_space<vmem>>, vector<16xf32>,
        %sub3A_321 = arith.constant 1.000000e+01 : f32
        %sub3A_322 = vector.broadcast %sub3A_321 : f32 to vector<16xf32>
        %sub3A_323 = arith.subf %sub3A_322, %get3A_320 : vector<16xf32>
        %mul3A_324 = arith.constant 2.560000e+01 : f32
        %mul3A_325 = vector.broadcast %mul3A_324 : f32 to vector<16xf32>
        %mul3A_326 = arith.mulf %sub3A_323, %mul3A_325 : vector<16xf32>
        %max3A_327 = arith.constant 0.000000e+00 : f32
        %max3A_328 = vector.broadcast %max3A_327 : f32 to vector<16xf32>
        %max3A_329 = arith.maximumf %mul3A_326, %max3A_328 : vector<16xf32>
        %min3A_330 = arith.constant 2.550000e+02 : f32
        %min3A_331 = vector.broadcast %min3A_330 : f32 to vector<16xf32>
        %min3A_332 = arith.minimumf %max3A_329, %min3A_331 : vector<16xf32>
        %convert_element_type3A_333 = arith.fptosi %min3A_332 : vector<16xf32> to vector<16xi32>
        %le3A_334 = vector.broadcast %scan3A_174#1 : i32 to vector<16xi32>
        %le3A_335 = arith.cmpi sle, %convert_element_type3A_333, %le3A_334 : vector<16xi32>
        %all_reduce_population_count3A_336 = tpu.all_reduce %le3A_335 {dim = 0 : i64, kind = #tpu.reduction_kind<sum>} : vector<16xi1> -> vector<16xi32>
        %slice3A_337 = vector.extract_strided_slice %all_reduce_population_count3A_336 {offsets = [0], sizes = [1], strides = [1]} : vector<16xi32> to vector<1xi32>
        %squeeze3A_338 = vector.extract %slice3A_337[0] : i32 from vector<1xi32>
        %gt3A_339 = arith.constant 0 : i32
        %gt3A_340 = arith.cmpi sgt, %squeeze3A_338, %gt3A_339 : i32
        %convert_element_type3A_341 = arith.extui %gt3A_340 : i1 to i32
        %cond3A_342 = arith.constant 0 : i32
        %cond3A_343 = arith.cmpi ne, %convert_element_type3A_341, %cond3A_342 : i32
        scf.if %cond3A_343 {
          %convert_element_type3A_495 = arith.extui %le3A_335 : vector<16xi1> to vector<16xi32>
          %broadcast_in_dim3A_496 = arith.constant true
          %broadcast_in_dim3A_497 = vector.broadcast %broadcast_in_dim3A_496 : i1 to vector<16xi1>
          %masked_cumsum3A = tpu.scan <sum>, %convert_element_type3A_495 masked %broadcast_in_dim3A_497 : vector<16xi32>, vector<16xi1> -> vector<16xi32>
          %add3A_498 = vector.broadcast %add3A_314 : i32 to vector<16xi32>
          %add3A_499 = arith.addi %add3A_498, %masked_cumsum3A : vector<16xi32>
          %sub3A_500 = arith.constant 1 : i32
          %sub3A_501 = vector.broadcast %sub3A_500 : i32 to vector<16xi32>
          %sub3A_502 = arith.subi %add3A_499, %sub3A_501 : vector<16xi32>
          tpu.vector_store_idx %arg7[%sub3A_502], %get3A_320 masked %le3A_335 : memref<4112xf32, #tpu.memory_space<vmem>>[vector<16xi32>], vector<16xf32>, vector<16xi1>
          %mul3A_503 = arith.constant 16 : i32
          %mul3A_504 = arith.muli %scan3A_316, %mul3A_503 : i32
          %add3A_505 = vector.broadcast %mul3A_504 : i32 to vector<16xi32>
          %add3A_506 = arith.addi %add3A_505, %iota3A : vector<16xi32>
          tpu.vector_store_idx %arg8[%sub3A_502], %add3A_506 masked %le3A_335 : memref<4112xi32, #tpu.memory_space<vmem>>[vector<16xi32>], vector<16xi32>, vector<16xi1>
        } else {
        }
        %add3A_344 = arith.addi %add3A_314, %squeeze3A_338 : i32
        %scan3A_345 = arith.constant 3 : i32
        %scan3A_346 = arith.addi %scan3A_263, %scan3A_345 : i32
        %mul3A_347 = arith.constant 16 : i32
        %mul3A_348 = arith.muli %scan3A_346, %mul3A_347 : i32
        %get3A_349 = arith.index_cast %mul3A_348 : i32 to index
        %get3A_350 = tpu.vector_load %arg6[%get3A_349] {strides = array<i32>} : memref<4096xf32, #tpu.memory_space<vmem>>, vector<16xf32>,
        %sub3A_351 = arith.constant 1.000000e+01 : f32
        %sub3A_352 = vector.broadcast %sub3A_351 : f32 to vector<16xf32>
        %sub3A_353 = arith.subf %sub3A_352, %get3A_350 : vector<16xf32>
        %mul3A_354 = arith.constant 2.560000e+01 : f32
        %mul3A_355 = vector.broadcast %mul3A_354 : f32 to vector<16xf32>
        %mul3A_356 = arith.mulf %sub3A_353, %mul3A_355 : vector<16xf32>
        %max3A_357 = arith.constant 0.000000e+00 : f32
        %max3A_358 = vector.broadcast %max3A_357 : f32 to vector<16xf32>
        %max3A_359 = arith.maximumf %mul3A_356, %max3A_358 : vector<16xf32>
        %min3A_360 = arith.constant 2.550000e+02 : f32
        %min3A_361 = vector.broadcast %min3A_360 : f32 to vector<16xf32>
        %min3A_362 = arith.minimumf %max3A_359, %min3A_361 : vector<16xf32>
        %convert_element_type3A_363 = arith.fptosi %min3A_362 : vector<16xf32> to vector<16xi32>
        %le3A_364 = vector.broadcast %scan3A_174#1 : i32 to vector<16xi32>
        %le3A_365 = arith.cmpi sle, %convert_element_type3A_363, %le3A_364 : vector<16xi32>
        %all_reduce_population_count3A_366 = tpu.all_reduce %le3A_365 {dim = 0 : i64, kind = #tpu.reduction_kind<sum>} : vector<16xi1> -> vector<16xi32>
        %slice3A_367 = vector.extract_strided_slice %all_reduce_population_count3A_366 {offsets = [0], sizes = [1], strides = [1]} : vector<16xi32> to vector<1xi32>
        %squeeze3A_368 = vector.extract %slice3A_367[0] : i32 from vector<1xi32>
        %gt3A_369 = arith.constant 0 : i32
        %gt3A_370 = arith.cmpi sgt, %squeeze3A_368, %gt3A_369 : i32
        %convert_element_type3A_371 = arith.extui %gt3A_370 : i1 to i32
        %cond3A_372 = arith.constant 0 : i32
        %cond3A_373 = arith.cmpi ne, %convert_element_type3A_371, %cond3A_372 : i32
        scf.if %cond3A_373 {
          %convert_element_type3A_495 = arith.extui %le3A_365 : vector<16xi1> to vector<16xi32>
          %broadcast_in_dim3A_496 = arith.constant true
          %broadcast_in_dim3A_497 = vector.broadcast %broadcast_in_dim3A_496 : i1 to vector<16xi1>
          %masked_cumsum3A = tpu.scan <sum>, %convert_element_type3A_495 masked %broadcast_in_dim3A_497 : vector<16xi32>, vector<16xi1> -> vector<16xi32>
          %add3A_498 = vector.broadcast %add3A_344 : i32 to vector<16xi32>
          %add3A_499 = arith.addi %add3A_498, %masked_cumsum3A : vector<16xi32>
          %sub3A_500 = arith.constant 1 : i32
          %sub3A_501 = vector.broadcast %sub3A_500 : i32 to vector<16xi32>
          %sub3A_502 = arith.subi %add3A_499, %sub3A_501 : vector<16xi32>
          tpu.vector_store_idx %arg7[%sub3A_502], %get3A_350 masked %le3A_365 : memref<4112xf32, #tpu.memory_space<vmem>>[vector<16xi32>], vector<16xf32>, vector<16xi1>
          %mul3A_503 = arith.constant 16 : i32
          %mul3A_504 = arith.muli %scan3A_346, %mul3A_503 : i32
          %add3A_505 = vector.broadcast %mul3A_504 : i32 to vector<16xi32>
          %add3A_506 = arith.addi %add3A_505, %iota3A : vector<16xi32>
          tpu.vector_store_idx %arg8[%sub3A_502], %add3A_506 masked %le3A_365 : memref<4112xi32, #tpu.memory_space<vmem>>[vector<16xi32>], vector<16xi32>, vector<16xi1>
        } else {
        }
        %add3A_374 = arith.addi %add3A_344, %squeeze3A_368 : i32
        %scan3A_375 = arith.constant 4 : i32
        %scan3A_376 = arith.addi %scan3A_263, %scan3A_375 : i32
        %mul3A_377 = arith.constant 16 : i32
        %mul3A_378 = arith.muli %scan3A_376, %mul3A_377 : i32
        %get3A_379 = arith.index_cast %mul3A_378 : i32 to index
        %get3A_380 = tpu.vector_load %arg6[%get3A_379] {strides = array<i32>} : memref<4096xf32, #tpu.memory_space<vmem>>, vector<16xf32>,
        %sub3A_381 = arith.constant 1.000000e+01 : f32
        %sub3A_382 = vector.broadcast %sub3A_381 : f32 to vector<16xf32>
        %sub3A_383 = arith.subf %sub3A_382, %get3A_380 : vector<16xf32>
        %mul3A_384 = arith.constant 2.560000e+01 : f32
        %mul3A_385 = vector.broadcast %mul3A_384 : f32 to vector<16xf32>
        %mul3A_386 = arith.mulf %sub3A_383, %mul3A_385 : vector<16xf32>
        %max3A_387 = arith.constant 0.000000e+00 : f32
        %max3A_388 = vector.broadcast %max3A_387 : f32 to vector<16xf32>
        %max3A_389 = arith.maximumf %mul3A_386, %max3A_388 : vector<16xf32>
        %min3A_390 = arith.constant 2.550000e+02 : f32
        %min3A_391 = vector.broadcast %min3A_390 : f32 to vector<16xf32>
        %min3A_392 = arith.minimumf %max3A_389, %min3A_391 : vector<16xf32>
        %convert_element_type3A_393 = arith.fptosi %min3A_392 : vector<16xf32> to vector<16xi32>
        %le3A_394 = vector.broadcast %scan3A_174#1 : i32 to vector<16xi32>
        %le3A_395 = arith.cmpi sle, %convert_element_type3A_393, %le3A_394 : vector<16xi32>
        %all_reduce_population_count3A_396 = tpu.all_reduce %le3A_395 {dim = 0 : i64, kind = #tpu.reduction_kind<sum>} : vector<16xi1> -> vector<16xi32>
        %slice3A_397 = vector.extract_strided_slice %all_reduce_population_count3A_396 {offsets = [0], sizes = [1], strides = [1]} : vector<16xi32> to vector<1xi32>
        %squeeze3A_398 = vector.extract %slice3A_397[0] : i32 from vector<1xi32>
        %gt3A_399 = arith.constant 0 : i32
        %gt3A_400 = arith.cmpi sgt, %squeeze3A_398, %gt3A_399 : i32
        %convert_element_type3A_401 = arith.extui %gt3A_400 : i1 to i32
        %cond3A_402 = arith.constant 0 : i32
        %cond3A_403 = arith.cmpi ne, %convert_element_type3A_401, %cond3A_402 : i32
        scf.if %cond3A_403 {
          %convert_element_type3A_495 = arith.extui %le3A_395 : vector<16xi1> to vector<16xi32>
          %broadcast_in_dim3A_496 = arith.constant true
          %broadcast_in_dim3A_497 = vector.broadcast %broadcast_in_dim3A_496 : i1 to vector<16xi1>
          %masked_cumsum3A = tpu.scan <sum>, %convert_element_type3A_495 masked %broadcast_in_dim3A_497 : vector<16xi32>, vector<16xi1> -> vector<16xi32>
          %add3A_498 = vector.broadcast %add3A_374 : i32 to vector<16xi32>
          %add3A_499 = arith.addi %add3A_498, %masked_cumsum3A : vector<16xi32>
          %sub3A_500 = arith.constant 1 : i32
          %sub3A_501 = vector.broadcast %sub3A_500 : i32 to vector<16xi32>
          %sub3A_502 = arith.subi %add3A_499, %sub3A_501 : vector<16xi32>
          tpu.vector_store_idx %arg7[%sub3A_502], %get3A_380 masked %le3A_395 : memref<4112xf32, #tpu.memory_space<vmem>>[vector<16xi32>], vector<16xf32>, vector<16xi1>
          %mul3A_503 = arith.constant 16 : i32
          %mul3A_504 = arith.muli %scan3A_376, %mul3A_503 : i32
          %add3A_505 = vector.broadcast %mul3A_504 : i32 to vector<16xi32>
          %add3A_506 = arith.addi %add3A_505, %iota3A : vector<16xi32>
          tpu.vector_store_idx %arg8[%sub3A_502], %add3A_506 masked %le3A_395 : memref<4112xi32, #tpu.memory_space<vmem>>[vector<16xi32>], vector<16xi32>, vector<16xi1>
        } else {
        }
        %add3A_404 = arith.addi %add3A_374, %squeeze3A_398 : i32
        %scan3A_405 = arith.constant 5 : i32
        %scan3A_406 = arith.addi %scan3A_263, %scan3A_405 : i32
        %mul3A_407 = arith.constant 16 : i32
        %mul3A_408 = arith.muli %scan3A_406, %mul3A_407 : i32
        %get3A_409 = arith.index_cast %mul3A_408 : i32 to index
        %get3A_410 = tpu.vector_load %arg6[%get3A_409] {strides = array<i32>} : memref<4096xf32, #tpu.memory_space<vmem>>, vector<16xf32>,
        %sub3A_411 = arith.constant 1.000000e+01 : f32
        %sub3A_412 = vector.broadcast %sub3A_411 : f32 to vector<16xf32>
        %sub3A_413 = arith.subf %sub3A_412, %get3A_410 : vector<16xf32>
        %mul3A_414 = arith.constant 2.560000e+01 : f32
        %mul3A_415 = vector.broadcast %mul3A_414 : f32 to vector<16xf32>
        %mul3A_416 = arith.mulf %sub3A_413, %mul3A_415 : vector<16xf32>
        %max3A_417 = arith.constant 0.000000e+00 : f32
        %max3A_418 = vector.broadcast %max3A_417 : f32 to vector<16xf32>
        %max3A_419 = arith.maximumf %mul3A_416, %max3A_418 : vector<16xf32>
        %min3A_420 = arith.constant 2.550000e+02 : f32
        %min3A_421 = vector.broadcast %min3A_420 : f32 to vector<16xf32>
        %min3A_422 = arith.minimumf %max3A_419, %min3A_421 : vector<16xf32>
        %convert_element_type3A_423 = arith.fptosi %min3A_422 : vector<16xf32> to vector<16xi32>
        %le3A_424 = vector.broadcast %scan3A_174#1 : i32 to vector<16xi32>
        %le3A_425 = arith.cmpi sle, %convert_element_type3A_423, %le3A_424 : vector<16xi32>
        %all_reduce_population_count3A_426 = tpu.all_reduce %le3A_425 {dim = 0 : i64, kind = #tpu.reduction_kind<sum>} : vector<16xi1> -> vector<16xi32>
        %slice3A_427 = vector.extract_strided_slice %all_reduce_population_count3A_426 {offsets = [0], sizes = [1], strides = [1]} : vector<16xi32> to vector<1xi32>
        %squeeze3A_428 = vector.extract %slice3A_427[0] : i32 from vector<1xi32>
        %gt3A_429 = arith.constant 0 : i32
        %gt3A_430 = arith.cmpi sgt, %squeeze3A_428, %gt3A_429 : i32
        %convert_element_type3A_431 = arith.extui %gt3A_430 : i1 to i32
        %cond3A_432 = arith.constant 0 : i32
        %cond3A_433 = arith.cmpi ne, %convert_element_type3A_431, %cond3A_432 : i32
        scf.if %cond3A_433 {
          %convert_element_type3A_495 = arith.extui %le3A_425 : vector<16xi1> to vector<16xi32>
          %broadcast_in_dim3A_496 = arith.constant true
          %broadcast_in_dim3A_497 = vector.broadcast %broadcast_in_dim3A_496 : i1 to vector<16xi1>
          %masked_cumsum3A = tpu.scan <sum>, %convert_element_type3A_495 masked %broadcast_in_dim3A_497 : vector<16xi32>, vector<16xi1> -> vector<16xi32>
          %add3A_498 = vector.broadcast %add3A_404 : i32 to vector<16xi32>
          %add3A_499 = arith.addi %add3A_498, %masked_cumsum3A : vector<16xi32>
          %sub3A_500 = arith.constant 1 : i32
          %sub3A_501 = vector.broadcast %sub3A_500 : i32 to vector<16xi32>
          %sub3A_502 = arith.subi %add3A_499, %sub3A_501 : vector<16xi32>
          tpu.vector_store_idx %arg7[%sub3A_502], %get3A_410 masked %le3A_425 : memref<4112xf32, #tpu.memory_space<vmem>>[vector<16xi32>], vector<16xf32>, vector<16xi1>
          %mul3A_503 = arith.constant 16 : i32
          %mul3A_504 = arith.muli %scan3A_406, %mul3A_503 : i32
          %add3A_505 = vector.broadcast %mul3A_504 : i32 to vector<16xi32>
          %add3A_506 = arith.addi %add3A_505, %iota3A : vector<16xi32>
          tpu.vector_store_idx %arg8[%sub3A_502], %add3A_506 masked %le3A_425 : memref<4112xi32, #tpu.memory_space<vmem>>[vector<16xi32>], vector<16xi32>, vector<16xi1>
        } else {
        }
        %add3A_434 = arith.addi %add3A_404, %squeeze3A_428 : i32
        %scan3A_435 = arith.constant 6 : i32
        %scan3A_436 = arith.addi %scan3A_263, %scan3A_435 : i32
        %mul3A_437 = arith.constant 16 : i32
        %mul3A_438 = arith.muli %scan3A_436, %mul3A_437 : i32
        %get3A_439 = arith.index_cast %mul3A_438 : i32 to index
        %get3A_440 = tpu.vector_load %arg6[%get3A_439] {strides = array<i32>} : memref<4096xf32, #tpu.memory_space<vmem>>, vector<16xf32>,
        %sub3A_441 = arith.constant 1.000000e+01 : f32
        %sub3A_442 = vector.broadcast %sub3A_441 : f32 to vector<16xf32>
        %sub3A_443 = arith.subf %sub3A_442, %get3A_440 : vector<16xf32>
        %mul3A_444 = arith.constant 2.560000e+01 : f32
        %mul3A_445 = vector.broadcast %mul3A_444 : f32 to vector<16xf32>
        %mul3A_446 = arith.mulf %sub3A_443, %mul3A_445 : vector<16xf32>
        %max3A_447 = arith.constant 0.000000e+00 : f32
        %max3A_448 = vector.broadcast %max3A_447 : f32 to vector<16xf32>
        %max3A_449 = arith.maximumf %mul3A_446, %max3A_448 : vector<16xf32>
        %min3A_450 = arith.constant 2.550000e+02 : f32
        %min3A_451 = vector.broadcast %min3A_450 : f32 to vector<16xf32>
        %min3A_452 = arith.minimumf %max3A_449, %min3A_451 : vector<16xf32>
        %convert_element_type3A_453 = arith.fptosi %min3A_452 : vector<16xf32> to vector<16xi32>
        %le3A_454 = vector.broadcast %scan3A_174#1 : i32 to vector<16xi32>
        %le3A_455 = arith.cmpi sle, %convert_element_type3A_453, %le3A_454 : vector<16xi32>
        %all_reduce_population_count3A_456 = tpu.all_reduce %le3A_455 {dim = 0 : i64, kind = #tpu.reduction_kind<sum>} : vector<16xi1> -> vector<16xi32>
        %slice3A_457 = vector.extract_strided_slice %all_reduce_population_count3A_456 {offsets = [0], sizes = [1], strides = [1]} : vector<16xi32> to vector<1xi32>
        %squeeze3A_458 = vector.extract %slice3A_457[0] : i32 from vector<1xi32>
        %gt3A_459 = arith.constant 0 : i32
        %gt3A_460 = arith.cmpi sgt, %squeeze3A_458, %gt3A_459 : i32
        %convert_element_type3A_461 = arith.extui %gt3A_460 : i1 to i32
        %cond3A_462 = arith.constant 0 : i32
        %cond3A_463 = arith.cmpi ne, %convert_element_type3A_461, %cond3A_462 : i32
        scf.if %cond3A_463 {
          %convert_element_type3A_495 = arith.extui %le3A_455 : vector<16xi1> to vector<16xi32>
          %broadcast_in_dim3A_496 = arith.constant true
          %broadcast_in_dim3A_497 = vector.broadcast %broadcast_in_dim3A_496 : i1 to vector<16xi1>
          %masked_cumsum3A = tpu.scan <sum>, %convert_element_type3A_495 masked %broadcast_in_dim3A_497 : vector<16xi32>, vector<16xi1> -> vector<16xi32>
          %add3A_498 = vector.broadcast %add3A_434 : i32 to vector<16xi32>
          %add3A_499 = arith.addi %add3A_498, %masked_cumsum3A : vector<16xi32>
          %sub3A_500 = arith.constant 1 : i32
          %sub3A_501 = vector.broadcast %sub3A_500 : i32 to vector<16xi32>
          %sub3A_502 = arith.subi %add3A_499, %sub3A_501 : vector<16xi32>
          tpu.vector_store_idx %arg7[%sub3A_502], %get3A_440 masked %le3A_455 : memref<4112xf32, #tpu.memory_space<vmem>>[vector<16xi32>], vector<16xf32>, vector<16xi1>
          %mul3A_503 = arith.constant 16 : i32
          %mul3A_504 = arith.muli %scan3A_436, %mul3A_503 : i32
          %add3A_505 = vector.broadcast %mul3A_504 : i32 to vector<16xi32>
          %add3A_506 = arith.addi %add3A_505, %iota3A : vector<16xi32>
          tpu.vector_store_idx %arg8[%sub3A_502], %add3A_506 masked %le3A_455 : memref<4112xi32, #tpu.memory_space<vmem>>[vector<16xi32>], vector<16xi32>, vector<16xi1>
        } else {
        }
        %add3A_464 = arith.addi %add3A_434, %squeeze3A_458 : i32
        %scan3A_465 = arith.constant 7 : i32
        %scan3A_466 = arith.addi %scan3A_263, %scan3A_465 : i32
        %mul3A_467 = arith.constant 16 : i32
        %mul3A_468 = arith.muli %scan3A_466, %mul3A_467 : i32
        %get3A_469 = arith.index_cast %mul3A_468 : i32 to index
        %get3A_470 = tpu.vector_load %arg6[%get3A_469] {strides = array<i32>} : memref<4096xf32, #tpu.memory_space<vmem>>, vector<16xf32>,
        %sub3A_471 = arith.constant 1.000000e+01 : f32
        %sub3A_472 = vector.broadcast %sub3A_471 : f32 to vector<16xf32>
        %sub3A_473 = arith.subf %sub3A_472, %get3A_470 : vector<16xf32>
        %mul3A_474 = arith.constant 2.560000e+01 : f32
        %mul3A_475 = vector.broadcast %mul3A_474 : f32 to vector<16xf32>
        %mul3A_476 = arith.mulf %sub3A_473, %mul3A_475 : vector<16xf32>
        %max3A_477 = arith.constant 0.000000e+00 : f32
        %max3A_478 = vector.broadcast %max3A_477 : f32 to vector<16xf32>
        %max3A_479 = arith.maximumf %mul3A_476, %max3A_478 : vector<16xf32>
        %min3A_480 = arith.constant 2.550000e+02 : f32
        %min3A_481 = vector.broadcast %min3A_480 : f32 to vector<16xf32>
        %min3A_482 = arith.minimumf %max3A_479, %min3A_481 : vector<16xf32>
        %convert_element_type3A_483 = arith.fptosi %min3A_482 : vector<16xf32> to vector<16xi32>
        %le3A_484 = vector.broadcast %scan3A_174#1 : i32 to vector<16xi32>
        %le3A_485 = arith.cmpi sle, %convert_element_type3A_483, %le3A_484 : vector<16xi32>
        %all_reduce_population_count3A_486 = tpu.all_reduce %le3A_485 {dim = 0 : i64, kind = #tpu.reduction_kind<sum>} : vector<16xi1> -> vector<16xi32>
        %slice3A_487 = vector.extract_strided_slice %all_reduce_population_count3A_486 {offsets = [0], sizes = [1], strides = [1]} : vector<16xi32> to vector<1xi32>
        %squeeze3A_488 = vector.extract %slice3A_487[0] : i32 from vector<1xi32>
        %gt3A_489 = arith.constant 0 : i32
        %gt3A_490 = arith.cmpi sgt, %squeeze3A_488, %gt3A_489 : i32
        %convert_element_type3A_491 = arith.extui %gt3A_490 : i1 to i32
        %cond3A_492 = arith.constant 0 : i32
        %cond3A_493 = arith.cmpi ne, %convert_element_type3A_491, %cond3A_492 : i32
        scf.if %cond3A_493 {
          %convert_element_type3A_495 = arith.extui %le3A_485 : vector<16xi1> to vector<16xi32>
          %broadcast_in_dim3A_496 = arith.constant true
          %broadcast_in_dim3A_497 = vector.broadcast %broadcast_in_dim3A_496 : i1 to vector<16xi1>
          %masked_cumsum3A = tpu.scan <sum>, %convert_element_type3A_495 masked %broadcast_in_dim3A_497 : vector<16xi32>, vector<16xi1> -> vector<16xi32>
          %add3A_498 = vector.broadcast %add3A_464 : i32 to vector<16xi32>
          %add3A_499 = arith.addi %add3A_498, %masked_cumsum3A : vector<16xi32>
          %sub3A_500 = arith.constant 1 : i32
          %sub3A_501 = vector.broadcast %sub3A_500 : i32 to vector<16xi32>
          %sub3A_502 = arith.subi %add3A_499, %sub3A_501 : vector<16xi32>
          tpu.vector_store_idx %arg7[%sub3A_502], %get3A_470 masked %le3A_485 : memref<4112xf32, #tpu.memory_space<vmem>>[vector<16xi32>], vector<16xf32>, vector<16xi1>
          %mul3A_503 = arith.constant 16 : i32
          %mul3A_504 = arith.muli %scan3A_466, %mul3A_503 : i32
          %add3A_505 = vector.broadcast %mul3A_504 : i32 to vector<16xi32>
          %add3A_506 = arith.addi %add3A_505, %iota3A : vector<16xi32>
          tpu.vector_store_idx %arg8[%sub3A_502], %add3A_506 masked %le3A_485 : memref<4112xi32, #tpu.memory_space<vmem>>[vector<16xi32>], vector<16xi32>, vector<16xi1>
        } else {
        }
        %add3A_494 = arith.addi %add3A_464, %squeeze3A_488 : i32
        scf.yield %add3A_494 : i32
      }
      %scan3A_182 = arith.constant 256 : i32
      %add3A_183 = vector.broadcast %scan3A_181 : i32 to vector<16xi32>
      %add3A_184 = arith.addi %add3A_183, %iota3A : vector<16xi32>
      tpu.vector_store_idx %arg7[%add3A_184], %broadcast_in_dim3A_5 : memref<4112xf32, #tpu.memory_space<vmem>>[vector<16xi32>], vector<16xf32>,
      %add3A_185 = arith.constant 15 : i32
      %add3A_186 = arith.addi %scan3A_181, %add3A_185 : i32
      %jit3A_187 = arith.constant 16 : i32
      %div3A_188 = arith.divsi %add3A_186, %jit3A_187 : i32
      %sign3A_189 = arith.constant 0 : i32
      %sign3A_190 = arith.cmpi sgt, %add3A_186, %sign3A_189 : i32
      %sign3A_191 = arith.extui %sign3A_190 : i1 to i32
      %sign3A_192 = arith.constant 0 : i32
      %sign3A_193 = arith.cmpi slt, %add3A_186, %sign3A_192 : i32
      %sign3A_194 = arith.extui %sign3A_193 : i1 to i32
      %sign3A_195 = arith.subi %sign3A_191, %sign3A_194 : i32
      %sign3A_196 = arith.constant 0 : i32
      %sign3A_197 = arith.cmpi sgt, %jit3A_187, %sign3A_196 : i32
      %sign3A_198 = arith.extui %sign3A_197 : i1 to i32
      %sign3A_199 = arith.constant 0 : i32
      %sign3A_200 = arith.cmpi slt, %jit3A_187, %sign3A_199 : i32
      %sign3A_201 = arith.extui %sign3A_200 : i1 to i32
      %sign3A_202 = arith.subi %sign3A_198, %sign3A_201 : i32
      %ne3A_203 = arith.cmpi ne, %sign3A_195, %sign3A_202 : i32
      %rem3A_204 = arith.remsi %add3A_186, %jit3A_187 : i32
      %ne3A_205 = arith.constant 0 : i32
      %ne3A_206 = arith.cmpi ne, %rem3A_204, %ne3A_205 : i32
      %and3A_207 = arith.andi %ne3A_203, %ne3A_206 : i1
      %sub3A_208 = arith.constant 1 : i32
      %sub3A_209 = arith.subi %div3A_188, %sub3A_208 : i32
      %select_n3A_210 = arith.select %and3A_207, %sub3A_209, %div3A_188 : i32
      %scan3A_211 = arith.constant 0 : i32
      %scan3A_212 = arith.constant 0 : i32
      %scan3A_213 = arith.constant 10 : i32
      %scan3A_214 = arith.addi %scan3A_212, %scan3A_213 : i32
      %scan3A_215 = arith.constant 1 : i32
      scf.for %scan3A_263 = %scan3A_212 to %scan3A_214 step %scan3A_215  : i32 {
        %while3A = arith.constant 0 : i32
        %while3A_264 = arith.subi %select_n3A_210, %while3A : i32
        %while3A_265 = arith.addi %while3A, %while3A_264 : i32
        %while3A_266 = arith.constant 1 : i32
        %while3A_267 = arith.divsi %while3A_264, %while3A_266 : i32
        %while3A_268 = arith.muli %while3A_267, %while3A_266 : i32
        %while3A_269 = arith.addi %while3A, %while3A_268 : i32
        %while3A_270 = arith.constant 1 : i32
        %while3A_271:2 = scf.for %while3A_291 = %while3A to %while3A_269 step %while3A_270 iter_args(%while3A_292 = %broadcast_in_dim3A_5, %while3A_293 = %broadcast_in_dim3A_3) -> (vector<16xf32>, vector<16xi32>)  : i32 {
          %mul3A_294 = arith.constant 16 : i32
          %mul3A_295 = arith.muli %while3A_291, %mul3A_294 : i32
          %get3A_296 = arith.index_cast %mul3A_295 : i32 to index
          %get3A_297 = tpu.vector_load %arg7[%get3A_296] {strides = array<i32>} : memref<4112xf32, #tpu.memory_space<vmem>>, vector<16xf32>,
          %gt3A = arith.cmpf ogt, %get3A_297, %while3A_292 : vector<16xf32>
          %select_n3A_298 = arith.select %gt3A, %get3A_297, %while3A_292 : vector<16xi1>, vector<16xf32>
          %mul3A_299 = arith.constant 16 : i32
          %mul3A_300 = arith.muli %while3A_291, %mul3A_299 : i32
          %add3A_301 = vector.broadcast %mul3A_300 : i32 to vector<16xi32>
          %add3A_302 = arith.addi %add3A_301, %iota3A : vector<16xi32>
          %select_n3A_303 = arith.select %gt3A, %add3A_302, %while3A_293 : vector<16xi1>, vector<16xi32>
          scf.yield %select_n3A_298, %select_n3A_303 : vector<16xf32>, vector<16xi32>
        }
        %while3A_272 = arith.constant 1 : i32
        %while3A_273:2 = scf.for %while3A_291 = %while3A_269 to %while3A_265 step %while3A_272 iter_args(%while3A_292 = %while3A_271#0, %while3A_293 = %while3A_271#1) -> (vector<16xf32>, vector<16xi32>)  : i32 {
          %mul3A_294 = arith.constant 16 : i32
          %mul3A_295 = arith.muli %while3A_291, %mul3A_294 : i32
          %get3A_296 = arith.index_cast %mul3A_295 : i32 to index
          %get3A_297 = tpu.vector_load %arg7[%get3A_296] {strides = array<i32>} : memref<4112xf32, #tpu.memory_space<vmem>>, vector<16xf32>,
          %gt3A = arith.cmpf ogt, %get3A_297, %while3A_292 : vector<16xf32>
          %select_n3A_298 = arith.select %gt3A, %get3A_297, %while3A_292 : vector<16xi1>, vector<16xf32>
          %mul3A_299 = arith.constant 16 : i32
          %mul3A_300 = arith.muli %while3A_291, %mul3A_299 : i32
          %add3A_301 = vector.broadcast %mul3A_300 : i32 to vector<16xi32>
          %add3A_302 = arith.addi %add3A_301, %iota3A : vector<16xi32>
          %select_n3A_303 = arith.select %gt3A, %add3A_302, %while3A_293 : vector<16xi1>, vector<16xi32>
          scf.yield %select_n3A_298, %select_n3A_303 : vector<16xf32>, vector<16xi32>
        }
        %reduce_max3A = arith.constant true
        %reduce_max3A_274 = vector.broadcast %reduce_max3A : i1 to vector<16xi1>
        %reduce_max3A_275 = tpu.scan <max>, %while3A_273#0 masked %reduce_max3A_274 : vector<16xf32>, vector<16xi1> -> vector<16xf32>
        %reduce_max3A_276 = vector.extract %reduce_max3A_275[15] : f32 from vector<16xf32>
        %broadcast_in_dim3A_277 = vector.broadcast %reduce_max3A_276 : f32 to vector<16xf32>
        %eq3A_278 = arith.cmpf oeq, %while3A_273#0, %broadcast_in_dim3A_277 : vector<16xf32>
        %jit3A_279 = arith.constant 1048576 : i32
        %broadcast_in_dim3A_280 = vector.broadcast %jit3A_279 : i32 to vector<16xi32>
        %select_n3A_281 = arith.select %eq3A_278, %while3A_273#1, %broadcast_in_dim3A_280 : vector<16xi1>, vector<16xi32>
        %reduce_min3A = arith.constant true
        %reduce_min3A_282 = vector.broadcast %reduce_min3A : i1 to vector<16xi1>
        %reduce_min3A_283 = arith.constant -2147483648 : i32
        %reduce_min3A_284 = vector.broadcast %reduce_min3A_283 : i32 to vector<16xi32>
        %reduce_min3A_285 = arith.xori %select_n3A_281, %reduce_min3A_284 : vector<16xi32>
        %reduce_min3A_286 = tpu.scan <min>, %reduce_min3A_285 masked %reduce_min3A_282 : vector<16xi32>, vector<16xi1> -> vector<16xi32>
        %reduce_min3A_287 = arith.xori %reduce_min3A_286, %reduce_min3A_284 : vector<16xi32>
        %reduce_min3A_288 = vector.extract %reduce_min3A_287[15] : i32 from vector<16xi32>
        %broadcast_in_dim3A_289 = vector.broadcast %reduce_min3A_288 : i32 to vector<16xi32>
        %broadcast_in_dim3A_290 = vector.broadcast %scan3A_263 : i32 to vector<16xi32>
        tpu.vector_store_idx %arg14[%broadcast_in_dim3A_290], %broadcast_in_dim3A_277 masked %eq3A_67 : memref<16xf32, #tpu.memory_space<vmem>>[vector<16xi32>], vector<16xf32>, vector<16xi1>
        tpu.vector_store_idx %arg7[%broadcast_in_dim3A_289], %broadcast_in_dim3A_5 masked %eq3A_67 : memref<4112xf32, #tpu.memory_space<vmem>>[vector<16xi32>], vector<16xf32>, vector<16xi1>
      }
      %scan3A_216 = arith.constant 10 : i32
      %scan3A_217 = arith.constant 0 : i32
      %scan3A_218 = arith.constant 0 : i32
      %scan3A_219 = arith.constant 3 : i32
      %scan3A_220 = arith.addi %scan3A_218, %scan3A_219 : i32
      %scan3A_221 = arith.constant 1 : i32
      scf.for %scan3A_263 = %scan3A_218 to %scan3A_220 step %scan3A_221  : i32 {
        %mul3A_264 = arith.constant 16 : i32
        %mul3A_265 = arith.muli %scan3A_263, %mul3A_264 : i32
        %get3A_266 = arith.index_cast %mul3A_265 : i32 to index
        %get3A_267 = tpu.vector_load %arg11[%get3A_266] {strides = array<i32>} : memref<48xi32, #tpu.memory_space<vmem>>, vector<16xi32>,
        %gather3A = tpu.vector_load_idx %arg6[%get3A_267] : memref<4096xf32, #tpu.memory_space<vmem>>[vector<16xi32>], vector<16xf32>,
        %mul3A_268 = arith.constant 16 : i32
        %mul3A_269 = arith.muli %scan3A_263, %mul3A_268 : i32
        %swap3A_270 = arith.index_cast %mul3A_269 : i32 to index
        %swap3A_271 = tpu.vector_load %arg12[%swap3A_270] {strides = array<i32>} : memref<48xf32, #tpu.memory_space<vmem>>, vector<16xf32>,
        tpu.vector_store %arg12[%swap3A_270], %gather3A {strides = array<i32>} : memref<48xf32, #tpu.memory_space<vmem>>, vector<16xf32>,
        %mul3A_272 = arith.constant 0.693147182 : f32
        %mul3A_273 = vector.broadcast %mul3A_272 : f32 to vector<16xf32>
        %mul3A_274 = arith.mulf %gather3A, %mul3A_273 : vector<16xf32>
        %exp3A_275 = math.exp %mul3A_274 : vector<16xf32>
        %sub3A_276 = arith.constant 1.000000e+00 : f32
        %sub3A_277 = vector.broadcast %sub3A_276 : f32 to vector<16xf32>
        %sub3A_278 = arith.subf %exp3A_275, %sub3A_277 : vector<16xf32>
        %mul3A_279 = arith.constant 16 : i32
        %mul3A_280 = arith.muli %scan3A_263, %mul3A_279 : i32
        %swap3A_281 = arith.index_cast %mul3A_280 : i32 to index
        %swap3A_282 = tpu.vector_load %arg13[%swap3A_281] {strides = array<i32>} : memref<48xf32, #tpu.memory_space<vmem>>, vector<16xf32>,
        tpu.vector_store %arg13[%swap3A_281], %sub3A_278 {strides = array<i32>} : memref<48xf32, #tpu.memory_space<vmem>>, vector<16xf32>,
      }
      %scan3A_222 = arith.constant 3 : i32
      %get3A = arith.constant 0 : index
      %get3A_223 = tpu.vector_load %arg14[%get3A] {strides = array<i32>} : memref<16xf32, #tpu.memory_space<vmem>>, vector<16xf32>,
      %lt3A = arith.constant 10 : i32
      %lt3A_224 = vector.broadcast %lt3A : i32 to vector<16xi32>
      %lt3A_225 = arith.cmpi slt, %iota3A, %lt3A_224 : vector<16xi32>
      %mul3A_226 = arith.constant 0.693147182 : f32
      %mul3A_227 = vector.broadcast %mul3A_226 : f32 to vector<16xf32>
      %mul3A_228 = arith.mulf %get3A_223, %mul3A_227 : vector<16xf32>
      %exp3A = math.exp %mul3A_228 : vector<16xf32>
      %sub3A_229 = arith.constant 1.000000e+00 : f32
      %sub3A_230 = vector.broadcast %sub3A_229 : f32 to vector<16xf32>
      %sub3A_231 = arith.subf %exp3A, %sub3A_230 : vector<16xf32>
      %mul3A_232 = arith.mulf %sub3A_231, %select_n3A_64 : vector<16xf32>
      %jit3A_233 = arith.constant 0.000000e+00 : f32
      %broadcast_in_dim3A_234 = vector.broadcast %jit3A_233 : f32 to vector<16xf32>
      %select_n3A_235 = arith.select %lt3A_225, %mul3A_232, %broadcast_in_dim3A_234 : vector<16xi1>, vector<16xf32>
      %reduce_sum3A = arith.constant true
      %reduce_sum3A_236 = vector.broadcast %reduce_sum3A : i1 to vector<16xi1>
      %reduce_sum3A_237 = tpu.scan <sum>, %select_n3A_235 masked %reduce_sum3A_236 : vector<16xf32>, vector<16xi1> -> vector<16xf32>
      %reduce_sum3A_238 = vector.extract %reduce_sum3A_237[15] : f32 from vector<16xf32>
      %broadcast_in_dim3A_239 = arith.constant 0.000000e+00 : f32
      %broadcast_in_dim3A_240 = vector.broadcast %broadcast_in_dim3A_239 : f32 to vector<16xf32>
      %scan3A_241 = arith.constant 0 : i32
      %scan3A_242 = arith.constant 10 : i32
      %scan3A_243 = arith.addi %scan3A_241, %scan3A_242 : i32
      %scan3A_244 = arith.constant 1 : i32
      %scan3A_245 = scf.for %scan3A_263 = %scan3A_241 to %scan3A_243 step %scan3A_244 iter_args(%scan3A_264 = %broadcast_in_dim3A_240) -> (vector<16xf32>)  : i32 {
        %broadcast_in_dim3A_265 = vector.broadcast %scan3A_263 : i32 to vector<16xi32>
        %gather3A = tpu.vector_load_idx %arg10[%broadcast_in_dim3A_265] : memref<48xf32, #tpu.memory_space<vmem>>[vector<16xi32>], vector<16xf32>,
        %gather3A_266 = tpu.vector_load_idx %arg12[%broadcast_in_dim3A_265] : memref<48xf32, #tpu.memory_space<vmem>>[vector<16xi32>], vector<16xf32>,
        %gather3A_267 = tpu.vector_load_idx %arg13[%broadcast_in_dim3A_265] : memref<48xf32, #tpu.memory_space<vmem>>[vector<16xi32>], vector<16xf32>,
        %gather3A_268 = tpu.vector_load_idx %arg16[%broadcast_in_dim3A_265] : memref<16xf32, #tpu.memory_space<vmem>>[vector<16xi32>], vector<16xf32>,
        %scan3A_269 = arith.constant 0 : i32
        %mul3A_270 = arith.constant 16 : i32
        %mul3A_271 = arith.muli %scan3A_269, %mul3A_270 : i32
        %add3A_272 = vector.broadcast %mul3A_271 : i32 to vector<16xi32>
        %add3A_273 = arith.addi %add3A_272, %iota3A : vector<16xi32>
        %mul3A_274 = arith.constant 16 : i32
        %mul3A_275 = arith.muli %scan3A_269, %mul3A_274 : i32
        %get3A_276 = arith.index_cast %mul3A_275 : i32 to index
        %get3A_277 = tpu.vector_load %arg10[%get3A_276] {strides = array<i32>} : memref<48xf32, #tpu.memory_space<vmem>>, vector<16xf32>,
        %mul3A_278 = arith.constant 16 : i32
        %mul3A_279 = arith.muli %scan3A_269, %mul3A_278 : i32
        %get3A_280 = arith.index_cast %mul3A_279 : i32 to index
        %get3A_281 = tpu.vector_load %arg12[%get3A_280] {strides = array<i32>} : memref<48xf32, #tpu.memory_space<vmem>>, vector<16xf32>,
        %mul3A_282 = arith.constant 16 : i32
        %mul3A_283 = arith.muli %scan3A_269, %mul3A_282 : i32
        %get3A_284 = arith.index_cast %mul3A_283 : i32 to index
        %get3A_285 = tpu.vector_load %arg13[%get3A_284] {strides = array<i32>} : memref<48xf32, #tpu.memory_space<vmem>>, vector<16xf32>,
        %eq3A_286 = arith.constant 0 : i32
        %eq3A_287 = arith.cmpi eq, %scan3A_269, %eq3A_286 : i32
        %jit3A_288 = arith.constant 0.000000e+00 : f32
        %broadcast_in_dim3A_289 = vector.broadcast %jit3A_288 : f32 to vector<16xf32>
        %select_n3A_290 = arith.select %eq3A_287, %select_n3A_64, %broadcast_in_dim3A_289 : vector<16xf32>
        %sub3A_291 = arith.subf %gather3A, %get3A_277 : vector<16xf32>
        %exp3A_292 = math.exp %sub3A_291 : vector<16xf32>
        %add3A_293 = arith.constant 1.000000e+00 : f32
        %add3A_294 = vector.broadcast %add3A_293 : f32 to vector<16xf32>
        %add3A_295 = arith.addf %add3A_294, %exp3A_292 : vector<16xf32>
        %div3A_296 = arith.constant -1.000000e+00 : f32
        %div3A_297 = vector.broadcast %div3A_296 : f32 to vector<16xf32>
        %div3A_298 = arith.divf %div3A_297, %add3A_295 : vector<16xf32>
        %sub3A_299 = arith.subf %gather3A_267, %get3A_285 : vector<16xf32>
        %sub3A_300 = arith.subf %gather3A_268, %select_n3A_290 : vector<16xf32>
        %mul3A_301 = arith.mulf %sub3A_299, %sub3A_300 : vector<16xf32>
        %sub3A_302 = arith.subf %gather3A_266, %get3A_281 : vector<16xf32>
        %gt3A = arith.constant 0.000000e+00 : f32
        %gt3A_303 = vector.broadcast %gt3A : f32 to vector<16xf32>
        %gt3A_304 = arith.cmpf ogt, %sub3A_302, %gt3A_303 : vector<16xf32>
        %lt3A_305 = arith.constant 40 : i32
        %lt3A_306 = vector.broadcast %lt3A_305 : i32 to vector<16xi32>
        %lt3A_307 = arith.cmpi slt, %add3A_273, %lt3A_306 : vector<16xi32>
        %and3A_308 = arith.andi %gt3A_304, %lt3A_307 : vector<16xi1>
        %abs3A = math.absf %mul3A_301 : vector<16xf32>
        %mul3A_309 = arith.mulf %div3A_298, %abs3A : vector<16xf32>
        %mul3A_310 = arith.mulf %mul3A_309, %sub3A_291 : vector<16xf32>
        %jit3A_311 = arith.constant 0.000000e+00 : f32
        %broadcast_in_dim3A_312 = vector.broadcast %jit3A_311 : f32 to vector<16xf32>
        %select_n3A_313 = arith.select %and3A_308, %mul3A_310, %broadcast_in_dim3A_312 : vector<16xi1>, vector<16xf32>
        %add3A_314 = arith.addf %scan3A_264, %select_n3A_313 : vector<16xf32>
        %scan3A_315 = arith.constant 1 : i32
        %mul3A_316 = arith.constant 16 : i32
        %mul3A_317 = arith.muli %scan3A_315, %mul3A_316 : i32
        %add3A_318 = vector.broadcast %mul3A_317 : i32 to vector<16xi32>
        %add3A_319 = arith.addi %add3A_318, %iota3A : vector<16xi32>
        %mul3A_320 = arith.constant 16 : i32
        %mul3A_321 = arith.muli %scan3A_315, %mul3A_320 : i32
        %get3A_322 = arith.index_cast %mul3A_321 : i32 to index
        %get3A_323 = tpu.vector_load %arg10[%get3A_322] {strides = array<i32>} : memref<48xf32, #tpu.memory_space<vmem>>, vector<16xf32>,
        %mul3A_324 = arith.constant 16 : i32
        %mul3A_325 = arith.muli %scan3A_315, %mul3A_324 : i32
        %get3A_326 = arith.index_cast %mul3A_325 : i32 to index
        %get3A_327 = tpu.vector_load %arg12[%get3A_326] {strides = array<i32>} : memref<48xf32, #tpu.memory_space<vmem>>, vector<16xf32>,
        %mul3A_328 = arith.constant 16 : i32
        %mul3A_329 = arith.muli %scan3A_315, %mul3A_328 : i32
        %get3A_330 = arith.index_cast %mul3A_329 : i32 to index
        %get3A_331 = tpu.vector_load %arg13[%get3A_330] {strides = array<i32>} : memref<48xf32, #tpu.memory_space<vmem>>, vector<16xf32>,
        %eq3A_332 = arith.constant 0 : i32
        %eq3A_333 = arith.cmpi eq, %scan3A_315, %eq3A_332 : i32
        %jit3A_334 = arith.constant 0.000000e+00 : f32
        %broadcast_in_dim3A_335 = vector.broadcast %jit3A_334 : f32 to vector<16xf32>
        %select_n3A_336 = arith.select %eq3A_333, %select_n3A_64, %broadcast_in_dim3A_335 : vector<16xf32>
        %sub3A_337 = arith.subf %gather3A, %get3A_323 : vector<16xf32>
        %exp3A_338 = math.exp %sub3A_337 : vector<16xf32>
        %add3A_339 = arith.constant 1.000000e+00 : f32
        %add3A_340 = vector.broadcast %add3A_339 : f32 to vector<16xf32>
        %add3A_341 = arith.addf %add3A_340, %exp3A_338 : vector<16xf32>
        %div3A_342 = arith.constant -1.000000e+00 : f32
        %div3A_343 = vector.broadcast %div3A_342 : f32 to vector<16xf32>
        %div3A_344 = arith.divf %div3A_343, %add3A_341 : vector<16xf32>
        %sub3A_345 = arith.subf %gather3A_267, %get3A_331 : vector<16xf32>
        %sub3A_346 = arith.subf %gather3A_268, %select_n3A_336 : vector<16xf32>
        %mul3A_347 = arith.mulf %sub3A_345, %sub3A_346 : vector<16xf32>
        %sub3A_348 = arith.subf %gather3A_266, %get3A_327 : vector<16xf32>
        %gt3A_349 = arith.constant 0.000000e+00 : f32
        %gt3A_350 = vector.broadcast %gt3A_349 : f32 to vector<16xf32>
        %gt3A_351 = arith.cmpf ogt, %sub3A_348, %gt3A_350 : vector<16xf32>
        %lt3A_352 = arith.constant 40 : i32
        %lt3A_353 = vector.broadcast %lt3A_352 : i32 to vector<16xi32>
        %lt3A_354 = arith.cmpi slt, %add3A_319, %lt3A_353 : vector<16xi32>
        %and3A_355 = arith.andi %gt3A_351, %lt3A_354 : vector<16xi1>
        %abs3A_356 = math.absf %mul3A_347 : vector<16xf32>
        %mul3A_357 = arith.mulf %div3A_344, %abs3A_356 : vector<16xf32>
        %mul3A_358 = arith.mulf %mul3A_357, %sub3A_337 : vector<16xf32>
        %jit3A_359 = arith.constant 0.000000e+00 : f32
        %broadcast_in_dim3A_360 = vector.broadcast %jit3A_359 : f32 to vector<16xf32>
        %select_n3A_361 = arith.select %and3A_355, %mul3A_358, %broadcast_in_dim3A_360 : vector<16xi1>, vector<16xf32>
        %add3A_362 = arith.addf %add3A_314, %select_n3A_361 : vector<16xf32>
        %scan3A_363 = arith.constant 2 : i32
        %mul3A_364 = arith.constant 16 : i32
        %mul3A_365 = arith.muli %scan3A_363, %mul3A_364 : i32
        %add3A_366 = vector.broadcast %mul3A_365 : i32 to vector<16xi32>
        %add3A_367 = arith.addi %add3A_366, %iota3A : vector<16xi32>
        %mul3A_368 = arith.constant 16 : i32
        %mul3A_369 = arith.muli %scan3A_363, %mul3A_368 : i32
        %get3A_370 = arith.index_cast %mul3A_369 : i32 to index
        %get3A_371 = tpu.vector_load %arg10[%get3A_370] {strides = array<i32>} : memref<48xf32, #tpu.memory_space<vmem>>, vector<16xf32>,
        %mul3A_372 = arith.constant 16 : i32
        %mul3A_373 = arith.muli %scan3A_363, %mul3A_372 : i32
        %get3A_374 = arith.index_cast %mul3A_373 : i32 to index
        %get3A_375 = tpu.vector_load %arg12[%get3A_374] {strides = array<i32>} : memref<48xf32, #tpu.memory_space<vmem>>, vector<16xf32>,
        %mul3A_376 = arith.constant 16 : i32
        %mul3A_377 = arith.muli %scan3A_363, %mul3A_376 : i32
        %get3A_378 = arith.index_cast %mul3A_377 : i32 to index
        %get3A_379 = tpu.vector_load %arg13[%get3A_378] {strides = array<i32>} : memref<48xf32, #tpu.memory_space<vmem>>, vector<16xf32>,
        %eq3A_380 = arith.constant 0 : i32
        %eq3A_381 = arith.cmpi eq, %scan3A_363, %eq3A_380 : i32
        %jit3A_382 = arith.constant 0.000000e+00 : f32
        %broadcast_in_dim3A_383 = vector.broadcast %jit3A_382 : f32 to vector<16xf32>
        %select_n3A_384 = arith.select %eq3A_381, %select_n3A_64, %broadcast_in_dim3A_383 : vector<16xf32>
        %sub3A_385 = arith.subf %gather3A, %get3A_371 : vector<16xf32>
        %exp3A_386 = math.exp %sub3A_385 : vector<16xf32>
        %add3A_387 = arith.constant 1.000000e+00 : f32
        %add3A_388 = vector.broadcast %add3A_387 : f32 to vector<16xf32>
        %add3A_389 = arith.addf %add3A_388, %exp3A_386 : vector<16xf32>
        %div3A_390 = arith.constant -1.000000e+00 : f32
        %div3A_391 = vector.broadcast %div3A_390 : f32 to vector<16xf32>
        %div3A_392 = arith.divf %div3A_391, %add3A_389 : vector<16xf32>
        %sub3A_393 = arith.subf %gather3A_267, %get3A_379 : vector<16xf32>
        %sub3A_394 = arith.subf %gather3A_268, %select_n3A_384 : vector<16xf32>
        %mul3A_395 = arith.mulf %sub3A_393, %sub3A_394 : vector<16xf32>
        %sub3A_396 = arith.subf %gather3A_266, %get3A_375 : vector<16xf32>
        %gt3A_397 = arith.constant 0.000000e+00 : f32
        %gt3A_398 = vector.broadcast %gt3A_397 : f32 to vector<16xf32>
        %gt3A_399 = arith.cmpf ogt, %sub3A_396, %gt3A_398 : vector<16xf32>
        %lt3A_400 = arith.constant 40 : i32
        %lt3A_401 = vector.broadcast %lt3A_400 : i32 to vector<16xi32>
        %lt3A_402 = arith.cmpi slt, %add3A_367, %lt3A_401 : vector<16xi32>
        %and3A_403 = arith.andi %gt3A_399, %lt3A_402 : vector<16xi1>
        %abs3A_404 = math.absf %mul3A_395 : vector<16xf32>
        %mul3A_405 = arith.mulf %div3A_392, %abs3A_404 : vector<16xf32>
        %mul3A_406 = arith.mulf %mul3A_405, %sub3A_385 : vector<16xf32>
        %jit3A_407 = arith.constant 0.000000e+00 : f32
        %broadcast_in_dim3A_408 = vector.broadcast %jit3A_407 : f32 to vector<16xf32>
        %select_n3A_409 = arith.select %and3A_403, %mul3A_406, %broadcast_in_dim3A_408 : vector<16xi1>, vector<16xf32>
        %add3A_410 = arith.addf %add3A_362, %select_n3A_409 : vector<16xf32>
        %scan3A_411 = arith.constant 3 : i32
        scf.yield %add3A_410 : vector<16xf32>
      }
      %scan3A_246 = arith.constant 10 : i32
      %scan3A_247 = arith.constant 0 : i32
      %scan3A_248 = arith.constant 10 : i32
      %scan3A_249 = arith.addi %scan3A_247, %scan3A_248 : i32
      %scan3A_250 = arith.constant 1 : i32
      %scan3A_251 = scf.for %scan3A_263 = %scan3A_247 to %scan3A_249 step %scan3A_250 iter_args(%scan3A_264 = %scan3A_245) -> (vector<16xf32>)  : i32 {
        %broadcast_in_dim3A_265 = vector.broadcast %scan3A_263 : i32 to vector<16xi32>
        %gather3A = tpu.vector_load_idx %arg10[%broadcast_in_dim3A_265] : memref<48xf32, #tpu.memory_space<vmem>>[vector<16xi32>], vector<16xf32>,
        %gather3A_266 = tpu.vector_load_idx %arg12[%broadcast_in_dim3A_265] : memref<48xf32, #tpu.memory_space<vmem>>[vector<16xi32>], vector<16xf32>,
        %gather3A_267 = tpu.vector_load_idx %arg13[%broadcast_in_dim3A_265] : memref<48xf32, #tpu.memory_space<vmem>>[vector<16xi32>], vector<16xf32>,
        %gather3A_268 = tpu.vector_load_idx %arg16[%broadcast_in_dim3A_265] : memref<16xf32, #tpu.memory_space<vmem>>[vector<16xi32>], vector<16xf32>,
        %scan3A_269 = arith.constant 0 : i32
        %mul3A_270 = arith.constant 16 : i32
        %mul3A_271 = arith.muli %scan3A_269, %mul3A_270 : i32
        %add3A_272 = vector.broadcast %mul3A_271 : i32 to vector<16xi32>
        %add3A_273 = arith.addi %add3A_272, %iota3A : vector<16xi32>
        %mul3A_274 = arith.constant 16 : i32
        %mul3A_275 = arith.muli %scan3A_269, %mul3A_274 : i32
        %get3A_276 = arith.index_cast %mul3A_275 : i32 to index
        %get3A_277 = tpu.vector_load %arg10[%get3A_276] {strides = array<i32>} : memref<48xf32, #tpu.memory_space<vmem>>, vector<16xf32>,
        %mul3A_278 = arith.constant 16 : i32
        %mul3A_279 = arith.muli %scan3A_269, %mul3A_278 : i32
        %get3A_280 = arith.index_cast %mul3A_279 : i32 to index
        %get3A_281 = tpu.vector_load %arg12[%get3A_280] {strides = array<i32>} : memref<48xf32, #tpu.memory_space<vmem>>, vector<16xf32>,
        %mul3A_282 = arith.constant 16 : i32
        %mul3A_283 = arith.muli %scan3A_269, %mul3A_282 : i32
        %get3A_284 = arith.index_cast %mul3A_283 : i32 to index
        %get3A_285 = tpu.vector_load %arg13[%get3A_284] {strides = array<i32>} : memref<48xf32, #tpu.memory_space<vmem>>, vector<16xf32>,
        %eq3A_286 = arith.constant 0 : i32
        %eq3A_287 = arith.cmpi eq, %scan3A_269, %eq3A_286 : i32
        %jit3A_288 = arith.constant 0.000000e+00 : f32
        %broadcast_in_dim3A_289 = vector.broadcast %jit3A_288 : f32 to vector<16xf32>
        %select_n3A_290 = arith.select %eq3A_287, %select_n3A_64, %broadcast_in_dim3A_289 : vector<16xf32>
        %sub3A_291 = arith.subf %get3A_277, %gather3A : vector<16xf32>
        %exp3A_292 = math.exp %sub3A_291 : vector<16xf32>
        %add3A_293 = arith.constant 1.000000e+00 : f32
        %add3A_294 = vector.broadcast %add3A_293 : f32 to vector<16xf32>
        %add3A_295 = arith.addf %add3A_294, %exp3A_292 : vector<16xf32>
        %div3A_296 = arith.constant -1.000000e+00 : f32
        %div3A_297 = vector.broadcast %div3A_296 : f32 to vector<16xf32>
        %div3A_298 = arith.divf %div3A_297, %add3A_295 : vector<16xf32>
        %sub3A_299 = arith.subf %get3A_285, %gather3A_267 : vector<16xf32>
        %sub3A_300 = arith.subf %select_n3A_290, %gather3A_268 : vector<16xf32>
        %mul3A_301 = arith.mulf %sub3A_299, %sub3A_300 : vector<16xf32>
        %sub3A_302 = arith.subf %get3A_281, %gather3A_266 : vector<16xf32>
        %gt3A = arith.constant 0.000000e+00 : f32
        %gt3A_303 = vector.broadcast %gt3A : f32 to vector<16xf32>
        %gt3A_304 = arith.cmpf ogt, %sub3A_302, %gt3A_303 : vector<16xf32>
        %ge3A = arith.constant 10 : i32
        %ge3A_305 = vector.broadcast %ge3A : i32 to vector<16xi32>
        %ge3A_306 = arith.cmpi sge, %add3A_273, %ge3A_305 : vector<16xi32>
        %and3A_307 = arith.andi %gt3A_304, %ge3A_306 : vector<16xi1>
        %lt3A_308 = arith.constant 40 : i32
        %lt3A_309 = vector.broadcast %lt3A_308 : i32 to vector<16xi32>
        %lt3A_310 = arith.cmpi slt, %add3A_273, %lt3A_309 : vector<16xi32>
        %and3A_311 = arith.andi %and3A_307, %lt3A_310 : vector<16xi1>
        %abs3A = math.absf %mul3A_301 : vector<16xf32>
        %mul3A_312 = arith.mulf %div3A_298, %abs3A : vector<16xf32>
        %mul3A_313 = arith.mulf %mul3A_312, %sub3A_291 : vector<16xf32>
        %jit3A_314 = arith.constant 0.000000e+00 : f32
        %broadcast_in_dim3A_315 = vector.broadcast %jit3A_314 : f32 to vector<16xf32>
        %select_n3A_316 = arith.select %and3A_311, %mul3A_313, %broadcast_in_dim3A_315 : vector<16xi1>, vector<16xf32>
        %add3A_317 = arith.addf %scan3A_264, %select_n3A_316 : vector<16xf32>
        %scan3A_318 = arith.constant 1 : i32
        %mul3A_319 = arith.constant 16 : i32
        %mul3A_320 = arith.muli %scan3A_318, %mul3A_319 : i32
        %add3A_321 = vector.broadcast %mul3A_320 : i32 to vector<16xi32>
        %add3A_322 = arith.addi %add3A_321, %iota3A : vector<16xi32>
        %mul3A_323 = arith.constant 16 : i32
        %mul3A_324 = arith.muli %scan3A_318, %mul3A_323 : i32
        %get3A_325 = arith.index_cast %mul3A_324 : i32 to index
        %get3A_326 = tpu.vector_load %arg10[%get3A_325] {strides = array<i32>} : memref<48xf32, #tpu.memory_space<vmem>>, vector<16xf32>,
        %mul3A_327 = arith.constant 16 : i32
        %mul3A_328 = arith.muli %scan3A_318, %mul3A_327 : i32
        %get3A_329 = arith.index_cast %mul3A_328 : i32 to index
        %get3A_330 = tpu.vector_load %arg12[%get3A_329] {strides = array<i32>} : memref<48xf32, #tpu.memory_space<vmem>>, vector<16xf32>,
        %mul3A_331 = arith.constant 16 : i32
        %mul3A_332 = arith.muli %scan3A_318, %mul3A_331 : i32
        %get3A_333 = arith.index_cast %mul3A_332 : i32 to index
        %get3A_334 = tpu.vector_load %arg13[%get3A_333] {strides = array<i32>} : memref<48xf32, #tpu.memory_space<vmem>>, vector<16xf32>,
        %eq3A_335 = arith.constant 0 : i32
        %eq3A_336 = arith.cmpi eq, %scan3A_318, %eq3A_335 : i32
        %jit3A_337 = arith.constant 0.000000e+00 : f32
        %broadcast_in_dim3A_338 = vector.broadcast %jit3A_337 : f32 to vector<16xf32>
        %select_n3A_339 = arith.select %eq3A_336, %select_n3A_64, %broadcast_in_dim3A_338 : vector<16xf32>
        %sub3A_340 = arith.subf %get3A_326, %gather3A : vector<16xf32>
        %exp3A_341 = math.exp %sub3A_340 : vector<16xf32>
        %add3A_342 = arith.constant 1.000000e+00 : f32
        %add3A_343 = vector.broadcast %add3A_342 : f32 to vector<16xf32>
        %add3A_344 = arith.addf %add3A_343, %exp3A_341 : vector<16xf32>
        %div3A_345 = arith.constant -1.000000e+00 : f32
        %div3A_346 = vector.broadcast %div3A_345 : f32 to vector<16xf32>
        %div3A_347 = arith.divf %div3A_346, %add3A_344 : vector<16xf32>
        %sub3A_348 = arith.subf %get3A_334, %gather3A_267 : vector<16xf32>
        %sub3A_349 = arith.subf %select_n3A_339, %gather3A_268 : vector<16xf32>
        %mul3A_350 = arith.mulf %sub3A_348, %sub3A_349 : vector<16xf32>
        %sub3A_351 = arith.subf %get3A_330, %gather3A_266 : vector<16xf32>
        %gt3A_352 = arith.constant 0.000000e+00 : f32
        %gt3A_353 = vector.broadcast %gt3A_352 : f32 to vector<16xf32>
        %gt3A_354 = arith.cmpf ogt, %sub3A_351, %gt3A_353 : vector<16xf32>
        %ge3A_355 = arith.constant 10 : i32
        %ge3A_356 = vector.broadcast %ge3A_355 : i32 to vector<16xi32>
        %ge3A_357 = arith.cmpi sge, %add3A_322, %ge3A_356 : vector<16xi32>
        %and3A_358 = arith.andi %gt3A_354, %ge3A_357 : vector<16xi1>
        %lt3A_359 = arith.constant 40 : i32
        %lt3A_360 = vector.broadcast %lt3A_359 : i32 to vector<16xi32>
        %lt3A_361 = arith.cmpi slt, %add3A_322, %lt3A_360 : vector<16xi32>
        %and3A_362 = arith.andi %and3A_358, %lt3A_361 : vector<16xi1>
        %abs3A_363 = math.absf %mul3A_350 : vector<16xf32>
        %mul3A_364 = arith.mulf %div3A_347, %abs3A_363 : vector<16xf32>
        %mul3A_365 = arith.mulf %mul3A_364, %sub3A_340 : vector<16xf32>
        %jit3A_366 = arith.constant 0.000000e+00 : f32
        %broadcast_in_dim3A_367 = vector.broadcast %jit3A_366 : f32 to vector<16xf32>
        %select_n3A_368 = arith.select %and3A_362, %mul3A_365, %broadcast_in_dim3A_367 : vector<16xi1>, vector<16xf32>
        %add3A_369 = arith.addf %add3A_317, %select_n3A_368 : vector<16xf32>
        %scan3A_370 = arith.constant 2 : i32
        %mul3A_371 = arith.constant 16 : i32
        %mul3A_372 = arith.muli %scan3A_370, %mul3A_371 : i32
        %add3A_373 = vector.broadcast %mul3A_372 : i32 to vector<16xi32>
        %add3A_374 = arith.addi %add3A_373, %iota3A : vector<16xi32>
        %mul3A_375 = arith.constant 16 : i32
        %mul3A_376 = arith.muli %scan3A_370, %mul3A_375 : i32
        %get3A_377 = arith.index_cast %mul3A_376 : i32 to index
        %get3A_378 = tpu.vector_load %arg10[%get3A_377] {strides = array<i32>} : memref<48xf32, #tpu.memory_space<vmem>>, vector<16xf32>,
        %mul3A_379 = arith.constant 16 : i32
        %mul3A_380 = arith.muli %scan3A_370, %mul3A_379 : i32
        %get3A_381 = arith.index_cast %mul3A_380 : i32 to index
        %get3A_382 = tpu.vector_load %arg12[%get3A_381] {strides = array<i32>} : memref<48xf32, #tpu.memory_space<vmem>>, vector<16xf32>,
        %mul3A_383 = arith.constant 16 : i32
        %mul3A_384 = arith.muli %scan3A_370, %mul3A_383 : i32
        %get3A_385 = arith.index_cast %mul3A_384 : i32 to index
        %get3A_386 = tpu.vector_load %arg13[%get3A_385] {strides = array<i32>} : memref<48xf32, #tpu.memory_space<vmem>>, vector<16xf32>,
        %eq3A_387 = arith.constant 0 : i32
        %eq3A_388 = arith.cmpi eq, %scan3A_370, %eq3A_387 : i32
        %jit3A_389 = arith.constant 0.000000e+00 : f32
        %broadcast_in_dim3A_390 = vector.broadcast %jit3A_389 : f32 to vector<16xf32>
        %select_n3A_391 = arith.select %eq3A_388, %select_n3A_64, %broadcast_in_dim3A_390 : vector<16xf32>
        %sub3A_392 = arith.subf %get3A_378, %gather3A : vector<16xf32>
        %exp3A_393 = math.exp %sub3A_392 : vector<16xf32>
        %add3A_394 = arith.constant 1.000000e+00 : f32
        %add3A_395 = vector.broadcast %add3A_394 : f32 to vector<16xf32>
        %add3A_396 = arith.addf %add3A_395, %exp3A_393 : vector<16xf32>
        %div3A_397 = arith.constant -1.000000e+00 : f32
        %div3A_398 = vector.broadcast %div3A_397 : f32 to vector<16xf32>
        %div3A_399 = arith.divf %div3A_398, %add3A_396 : vector<16xf32>
        %sub3A_400 = arith.subf %get3A_386, %gather3A_267 : vector<16xf32>
        %sub3A_401 = arith.subf %select_n3A_391, %gather3A_268 : vector<16xf32>
        %mul3A_402 = arith.mulf %sub3A_400, %sub3A_401 : vector<16xf32>
        %sub3A_403 = arith.subf %get3A_382, %gather3A_266 : vector<16xf32>
        %gt3A_404 = arith.constant 0.000000e+00 : f32
        %gt3A_405 = vector.broadcast %gt3A_404 : f32 to vector<16xf32>
        %gt3A_406 = arith.cmpf ogt, %sub3A_403, %gt3A_405 : vector<16xf32>
        %ge3A_407 = arith.constant 10 : i32
        %ge3A_408 = vector.broadcast %ge3A_407 : i32 to vector<16xi32>
        %ge3A_409 = arith.cmpi sge, %add3A_374, %ge3A_408 : vector<16xi32>
        %and3A_410 = arith.andi %gt3A_406, %ge3A_409 : vector<16xi1>
        %lt3A_411 = arith.constant 40 : i32
        %lt3A_412 = vector.broadcast %lt3A_411 : i32 to vector<16xi32>
        %lt3A_413 = arith.cmpi slt, %add3A_374, %lt3A_412 : vector<16xi32>
        %and3A_414 = arith.andi %and3A_410, %lt3A_413 : vector<16xi1>
        %abs3A_415 = math.absf %mul3A_402 : vector<16xf32>
        %mul3A_416 = arith.mulf %div3A_399, %abs3A_415 : vector<16xf32>
        %mul3A_417 = arith.mulf %mul3A_416, %sub3A_392 : vector<16xf32>
        %jit3A_418 = arith.constant 0.000000e+00 : f32
        %broadcast_in_dim3A_419 = vector.broadcast %jit3A_418 : f32 to vector<16xf32>
        %select_n3A_420 = arith.select %and3A_414, %mul3A_417, %broadcast_in_dim3A_419 : vector<16xi1>, vector<16xf32>
        %add3A_421 = arith.addf %add3A_369, %select_n3A_420 : vector<16xf32>
        %scan3A_422 = arith.constant 3 : i32
        scf.yield %add3A_421 : vector<16xf32>
      }
      %scan3A_252 = arith.constant 10 : i32
      %add3A_253 = arith.constant 1792 : i32
      %add3A_254 = arith.addi %add3A_253, %add3A_100 : i32
      %lt3A_255 = arith.constant 2458 : i32
      %lt3A_256 = arith.cmpi slt, %add3A_254, %lt3A_255 : i32
      %convert_element_type3A = arith.extui %lt3A_256 : i1 to i32
      %convert_element_type3A_257 = arith.sitofp %convert_element_type3A : i32 to f32
      %broadcast_in_dim3A_258 = vector.broadcast %convert_element_type3A_257 : f32 to vector<16xf32>
      %broadcast_in_dim3A_259 = vector.broadcast %reduce_sum3A_238 : f32 to vector<16xf32>
      %div3A_260 = arith.divf %broadcast_in_dim3A_258, %broadcast_in_dim3A_259 : vector<16xf32>
      %mul3A_261 = arith.mulf %scan3A_251, %div3A_260 : vector<16xf32>
      %add3A_262 = arith.addf %scan3A_97, %mul3A_261 : vector<16xf32>
      scf.yield %add3A_262 : vector<16xf32>
    }
    %scan3A_93 = arith.constant 24 : i32
    %swap3A_94 = arith.constant 0 : index
    %swap3A_95 = tpu.vector_load %arg15[%swap3A_94] {strides = array<i32>} : memref<16xf32, #tpu.memory_space<vmem>>, vector<16xf32>,
    tpu.vector_store %arg15[%swap3A_94], %scan3A_92 {strides = array<i32>} : memref<16xf32, #tpu.memory_space<vmem>>, vector<16xf32>,
    "tpu.region"() ({
      %run_scoped3A = tpu.sem_alloc : memref<!tpu.dma_semaphore, #tpu.memory_space<semaphore_mem>>
      %dma_start3A = arith.constant 0 : i32
      %dma_start3A_96 = tpu.memref_slice %arg4[%add3A, %dma_start3A] : memref<32x16xf32, #tpu.memory_space<hbm>> -> memref<1x16xf32, #tpu.memory_space<hbm>>
      %dma_start3A_97 = tpu.memref_squeeze %dma_start3A_96 : memref<1x16xf32, #tpu.memory_space<hbm>> -> memref<16xf32, #tpu.memory_space<hbm>>
      %dma_start3A_98 = arith.constant 0 : i32
      %dma_start3A_99 = tpu.memref_slice %arg4[%add3A, %dma_start3A_98] : memref<32x16xf32, #tpu.memory_space<hbm>> -> memref<1x16xf32, #tpu.memory_space<hbm>>
      %dma_start3A_100 = tpu.memref_squeeze %dma_start3A_99 : memref<1x16xf32, #tpu.memory_space<hbm>> -> memref<16xf32, #tpu.memory_space<hbm>>
      tpu.enqueue_dma source(%arg15 : memref<16xf32, #tpu.memory_space<vmem>>) target(%dma_start3A_100 : memref<16xf32, #tpu.memory_space<hbm>>) target_semaphore(%run_scoped3A : memref<!tpu.dma_semaphore, #tpu.memory_space<semaphore_mem>>)
      %dma_wait3A = arith.constant 0 : i32
      %dma_wait3A_101 = tpu.memref_slice %arg4[%add3A, %dma_wait3A] : memref<32x16xf32, #tpu.memory_space<hbm>> -> memref<1x16xf32, #tpu.memory_space<hbm>>
      %dma_wait3A_102 = tpu.memref_squeeze %dma_wait3A_101 : memref<1x16xf32, #tpu.memory_space<hbm>> -> memref<16xf32, #tpu.memory_space<hbm>>
      %dma_wait3A_103 = arith.constant 0 : i32
      %dma_wait3A_104 = tpu.memref_slice %arg4[%add3A, %dma_wait3A_103] : memref<32x16xf32, #tpu.memory_space<hbm>> -> memref<1x16xf32, #tpu.memory_space<hbm>>
      %dma_wait3A_105 = tpu.memref_squeeze %dma_wait3A_104 : memref<1x16xf32, #tpu.memory_space<hbm>> -> memref<16xf32, #tpu.memory_space<hbm>>
      tpu.wait_dma2 semaphore(%run_scoped3A : memref<!tpu.dma_semaphore, #tpu.memory_space<semaphore_mem>>) src(%arg15 : memref<16xf32, #tpu.memory_space<vmem>>) dst(%dma_wait3A_105 : memref<16xf32, #tpu.memory_space<hbm>>)
      tpu.yield
    }) : () -> ()
    return
  }
}

module attributes {stable_mosaic.version = 14 : i64} {
  func.func @_norm_body(%arg0: memref<4096x512xf32, #tpu.memory_space<vmem>>, %arg1: memref<4096x128xf32, #tpu.memory_space<vmem>>, %arg2: memref<4096x512xf32, #tpu.memory_space<vmem>>, %arg3: memref<4096x128xf32, #tpu.memory_space<vmem>>) attributes {dimension_semantics = [], scalar_prefetch = 0 : i64, scratch_operands = 0 : i64, tpu.core_type = #tpu.core_type<tc>} {
    %get3A = arith.constant 0 : index
    %get3A_0 = arith.constant 0 : index
    %get3A_1 = vector.load %arg0[%get3A, %get3A_0] : memref<4096x512xf32, #tpu.memory_space<vmem>>, vector<4096x512xf32>
    %mul3A = arith.mulf %get3A_1, %get3A_1 : vector<4096x512xf32>
    %reduce_sum3A = arith.constant dense<0.000000e+00> : vector<4096xf32>
    %reduce_sum3A_2 = vector.multi_reduction <add>, %mul3A, %reduce_sum3A [1] : vector<4096x512xf32> to vector<4096xf32>
    %broadcast_in_dim3A = vector.shape_cast %reduce_sum3A_2 : vector<4096xf32> to vector<4096x1xf32>
    %sqrt3A = math.sqrt %broadcast_in_dim3A : vector<4096x1xf32>
    %eq3A = arith.constant 0.000000e+00 : f32
    %eq3A_3 = vector.broadcast %eq3A : f32 to vector<4096x1xf32>
    %eq3A_4 = arith.cmpf oeq, %sqrt3A, %eq3A_3 : vector<4096x1xf32>
    %jit3A = arith.constant 1.000000e+00 : f32
    %broadcast_in_dim3A_5 = vector.broadcast %jit3A : f32 to vector<4096x1xf32>
    %select_n3A = arith.select %eq3A_4, %broadcast_in_dim3A_5, %sqrt3A : vector<4096x1xi1>, vector<4096x1xf32>
    %div3A = vector.broadcast %select_n3A : vector<4096x1xf32> to vector<4096x512xf32>
    %div3A_6 = arith.divf %get3A_1, %div3A : vector<4096x512xf32>
    %swap3A = arith.constant 0 : index
    %swap3A_7 = arith.constant 0 : index
    %swap3A_8 = vector.load %arg2[%swap3A, %swap3A_7] : memref<4096x512xf32, #tpu.memory_space<vmem>>, vector<4096x512xf32>
    tpu.vector_store %arg2[%swap3A, %swap3A_7], %div3A_6 {strides = array<i32>} : memref<4096x512xf32, #tpu.memory_space<vmem>>, vector<4096x512xf32>,
    %get3A_9 = arith.constant 0 : index
    %get3A_10 = arith.constant 0 : index
    %get3A_11 = vector.load %arg1[%get3A_9, %get3A_10] : memref<4096x128xf32, #tpu.memory_space<vmem>>, vector<4096x128xf32>
    %mul3A_12 = arith.mulf %get3A_11, %get3A_11 : vector<4096x128xf32>
    %reduce_sum3A_13 = arith.constant dense<0.000000e+00> : vector<4096xf32>
    %reduce_sum3A_14 = vector.multi_reduction <add>, %mul3A_12, %reduce_sum3A_13 [1] : vector<4096x128xf32> to vector<4096xf32>
    %broadcast_in_dim3A_15 = vector.shape_cast %reduce_sum3A_14 : vector<4096xf32> to vector<4096x1xf32>
    %sqrt3A_16 = math.sqrt %broadcast_in_dim3A_15 : vector<4096x1xf32>
    %eq3A_17 = arith.constant 0.000000e+00 : f32
    %eq3A_18 = vector.broadcast %eq3A_17 : f32 to vector<4096x1xf32>
    %eq3A_19 = arith.cmpf oeq, %sqrt3A_16, %eq3A_18 : vector<4096x1xf32>
    %jit3A_20 = arith.constant 1.000000e+00 : f32
    %broadcast_in_dim3A_21 = vector.broadcast %jit3A_20 : f32 to vector<4096x1xf32>
    %select_n3A_22 = arith.select %eq3A_19, %broadcast_in_dim3A_21, %sqrt3A_16 : vector<4096x1xi1>, vector<4096x1xf32>
    %div3A_23 = vector.broadcast %select_n3A_22 : vector<4096x1xf32> to vector<4096x128xf32>
    %div3A_24 = arith.divf %get3A_11, %div3A_23 : vector<4096x128xf32>
    %swap3A_25 = arith.constant 0 : index
    %swap3A_26 = arith.constant 0 : index
    %swap3A_27 = vector.load %arg3[%swap3A_25, %swap3A_26] : memref<4096x128xf32, #tpu.memory_space<vmem>>, vector<4096x128xf32>
    tpu.vector_store %arg3[%swap3A_25, %swap3A_26], %div3A_24 {strides = array<i32>} : memref<4096x128xf32, #tpu.memory_space<vmem>>, vector<4096x128xf32>,
    return
  }
}

module attributes {stable_mosaic.version = 14 : i64} {
  func.func @_sim_body(%arg0: i32, %arg1: memref<256x512xf32, #tpu.memory_space<vmem>>, %arg2: memref<512x4096xf32, #tpu.memory_space<vmem>>, %arg3: memref<256x128xf32, #tpu.memory_space<vmem>>, %arg4: memref<128x4096xf32, #tpu.memory_space<vmem>>, %arg5: memref<256x4096xf32, #tpu.memory_space<vmem>>, %arg6: memref<256x4096xf32, #tpu.memory_space<vmem>>) attributes {dimension_semantics = [#tpu.dimension_semantics<arbitrary>], iteration_bounds = array<i64: 3>, scalar_prefetch = 0 : i64, scratch_operands = 0 : i64, tpu.core_type = #tpu.core_type<tc>, window_params = [{transform_indices = @transform_0, window_bounds = array<i64: 256, 512>}, {pipeline_mode = #tpu.pipeline_mode<synchronous>, transform_indices = @transform_1, window_bounds = array<i64: 512, 4096>}, {transform_indices = @transform_2, window_bounds = array<i64: 256, 128>}, {pipeline_mode = #tpu.pipeline_mode<synchronous>, transform_indices = @transform_3, window_bounds = array<i64: 128, 4096>}, {transform_indices = @transform_4, window_bounds = array<i64: 256, 4096>}, {transform_indices = @transform_5, window_bounds = array<i64: 256, 4096>}]} {
    %mul3A = arith.constant 256 : i32
    %mul3A_0 = arith.muli %arg0, %mul3A : i32
    %add3A = arith.constant 1792 : i32
    %add3A_1 = arith.addi %add3A, %mul3A_0 : i32
    %get3A = arith.constant 0 : index
    %get3A_2 = arith.constant 0 : index
    %get3A_3 = vector.load %arg1[%get3A, %get3A_2] : memref<256x512xf32, #tpu.memory_space<vmem>>, vector<256x512xf32>
    %get3A_4 = arith.constant 0 : index
    %get3A_5 = arith.constant 0 : index
    %get3A_6 = vector.load %arg2[%get3A_4, %get3A_5] : memref<512x4096xf32, #tpu.memory_space<vmem>>, vector<512x4096xf32>
    %dot_general3A = arith.constant dense<0.000000e+00> : vector<256x4096xf32>
    %dot_general3A_7 = tpu.matmul %get3A_3, %get3A_6, %dot_general3A {dimension_numbers = #tpu.dot_dimension_numbers<[1], [0], [0], [1], [0, 0, 1, 1], [], []>, transpose_lhs_hint = false} : vector<256x512xf32>, vector<512x4096xf32>, vector<256x4096xf32> -> vector<256x4096xf32>
    %add3A_8 = arith.constant 1.000000e+00 : f32
    %add3A_9 = vector.broadcast %add3A_8 : f32 to vector<256x4096xf32>
    %add3A_10 = arith.addf %dot_general3A_7, %add3A_9 : vector<256x4096xf32>
    %mul3A_11 = arith.constant 5.000000e+00 : f32
    %mul3A_12 = vector.broadcast %mul3A_11 : f32 to vector<256x4096xf32>
    %mul3A_13 = arith.mulf %mul3A_12, %add3A_10 : vector<256x4096xf32>
    %get3A_14 = arith.constant 0 : index
    %get3A_15 = arith.constant 0 : index
    %get3A_16 = vector.load %arg3[%get3A_14, %get3A_15] : memref<256x128xf32, #tpu.memory_space<vmem>>, vector<256x128xf32>
    %get3A_17 = arith.constant 0 : index
    %get3A_18 = arith.constant 0 : index
    %get3A_19 = vector.load %arg4[%get3A_17, %get3A_18] : memref<128x4096xf32, #tpu.memory_space<vmem>>, vector<128x4096xf32>
    %dot_general3A_20 = arith.constant dense<0.000000e+00> : vector<256x4096xf32>
    %dot_general3A_21 = tpu.matmul %get3A_16, %get3A_19, %dot_general3A_20 {dimension_numbers = #tpu.dot_dimension_numbers<[1], [0], [0], [1], [0, 0, 1, 1], [], []>, transpose_lhs_hint = false} : vector<256x128xf32>, vector<128x4096xf32>, vector<256x4096xf32> -> vector<256x4096xf32>
    %add3A_22 = arith.constant 1.000000e+00 : f32
    %add3A_23 = vector.broadcast %add3A_22 : f32 to vector<256x4096xf32>
    %add3A_24 = arith.addf %dot_general3A_21, %add3A_23 : vector<256x4096xf32>
    %mul3A_25 = arith.constant 5.000000e+00 : f32
    %mul3A_26 = vector.broadcast %mul3A_25 : f32 to vector<256x4096xf32>
    %mul3A_27 = arith.mulf %mul3A_26, %add3A_24 : vector<256x4096xf32>
    %iota3A = tpu.iota {dimensions = array<i32: 1>} : vector<256x4096xi32>
    %iota3A_28 = tpu.iota {dimensions = array<i32: 0>} : vector<256x4096xi32>
    %add3A_29 = vector.broadcast %add3A_1 : i32 to vector<256x4096xi32>
    %add3A_30 = arith.addi %add3A_29, %iota3A_28 : vector<256x4096xi32>
    %eq3A = arith.cmpi eq, %iota3A, %add3A_30 : vector<256x4096xi32>
    %jit3A = arith.constant -1.000000e+30 : f32
    %broadcast_in_dim3A = vector.broadcast %jit3A : f32 to vector<256x4096xf32>
    %select_n3A = arith.select %eq3A, %broadcast_in_dim3A, %mul3A_13 : vector<256x4096xi1>, vector<256x4096xf32>
    %swap3A = arith.constant 0 : index
    %swap3A_31 = arith.constant 0 : index
    %swap3A_32 = vector.load %arg5[%swap3A, %swap3A_31] : memref<256x4096xf32, #tpu.memory_space<vmem>>, vector<256x4096xf32>
    tpu.vector_store %arg5[%swap3A, %swap3A_31], %select_n3A {strides = array<i32>} : memref<256x4096xf32, #tpu.memory_space<vmem>>, vector<256x4096xf32>,
    %jit3A_33 = arith.constant -1.000000e+30 : f32
    %broadcast_in_dim3A_34 = vector.broadcast %jit3A_33 : f32 to vector<256x4096xf32>
    %select_n3A_35 = arith.select %eq3A, %broadcast_in_dim3A_34, %mul3A_27 : vector<256x4096xi1>, vector<256x4096xf32>
    %swap3A_36 = arith.constant 0 : index
    %swap3A_37 = arith.constant 0 : index
    %swap3A_38 = vector.load %arg6[%swap3A_36, %swap3A_37] : memref<256x4096xf32, #tpu.memory_space<vmem>>, vector<256x4096xf32>
    tpu.vector_store %arg6[%swap3A_36, %swap3A_37], %select_n3A_35 {strides = array<i32>} : memref<256x4096xf32, #tpu.memory_space<vmem>>, vector<256x4096xf32>,
    return
  }
  func.func @transform_0(%arg0: i32) -> (i32, i32) {
    %add3A = arith.constant 7 : i32
    %add3A_0 = arith.addi %arg0, %add3A : i32
    %c0_i32 = arith.constant 0 : i32
    %c0_i32_1 = arith.constant 0 : i32
    return %add3A_0, %c0_i32 : i32, i32
  }
  func.func @transform_1(%arg0: i32) -> (i32, i32) {
    %c0_i32 = arith.constant 0 : i32
    %c0_i32_0 = arith.constant 0 : i32
    %c0_i32_1 = arith.constant 0 : i32
    return %c0_i32, %c0_i32_0 : i32, i32
  }
  func.func @transform_2(%arg0: i32) -> (i32, i32) {
    %add3A = arith.constant 7 : i32
    %add3A_0 = arith.addi %arg0, %add3A : i32
    %c0_i32 = arith.constant 0 : i32
    %c0_i32_1 = arith.constant 0 : i32
    return %add3A_0, %c0_i32 : i32, i32
  }
  func.func @transform_3(%arg0: i32) -> (i32, i32) {
    %c0_i32 = arith.constant 0 : i32
    %c0_i32_0 = arith.constant 0 : i32
    %c0_i32_1 = arith.constant 0 : i32
    return %c0_i32, %c0_i32_0 : i32, i32
  }
  func.func @transform_4(%arg0: i32) -> (i32, i32) {
    %c0_i32 = arith.constant 0 : i32
    %c0_i32_0 = arith.constant 0 : i32
    return %arg0, %c0_i32 : i32, i32
  }
  func.func @transform_5(%arg0: i32) -> (i32, i32) {
    %c0_i32 = arith.constant 0 : i32
    %c0_i32_0 = arith.constant 0 : i32
    return %arg0, %c0_i32 : i32, i32
  }
}

module attributes {stable_mosaic.version = 14 : i64} {
  func.func @_main_body(%arg0: i32, %arg1: memref<256x512xf32, #tpu.memory_space<vmem>>, %arg2: memref<512x4096xf32, #tpu.memory_space<vmem>>, %arg3: memref<256x128xf32, #tpu.memory_space<vmem>>, %arg4: memref<128x4096xf32, #tpu.memory_space<vmem>>, %arg5: memref<1x1xf32, #tpu.memory_space<smem>>, %arg6: memref<256x4096xf32, #tpu.memory_space<vmem>>, %arg7: memref<256x4096xf32, #tpu.memory_space<vmem>>, %arg8: memref<256x4096xf32, #tpu.memory_space<vmem>>) attributes {dimension_semantics = [#tpu.dimension_semantics<arbitrary>], iteration_bounds = array<i64: 7>, scalar_prefetch = 0 : i64, scratch_operands = 3 : i64, tpu.core_type = #tpu.core_type<tc>, window_params = [{transform_indices = @transform_0, window_bounds = array<i64: 256, 512>}, {pipeline_mode = #tpu.pipeline_mode<synchronous>, transform_indices = @transform_1, window_bounds = array<i64: 512, 4096>}, {transform_indices = @transform_2, window_bounds = array<i64: 256, 128>}, {pipeline_mode = #tpu.pipeline_mode<synchronous>, transform_indices = @transform_3, window_bounds = array<i64: 128, 4096>}, {transform_indices = @transform_4, window_bounds = array<i64: 1, 1>}]} {
    %mul3A = arith.constant 256 : i32
    %mul3A_0 = arith.muli %arg0, %mul3A : i32
    %get3A = arith.constant 0 : index
    %get3A_1 = arith.constant 0 : index
    %get3A_2 = vector.load %arg1[%get3A, %get3A_1] : memref<256x512xf32, #tpu.memory_space<vmem>>, vector<256x512xf32>
    %get3A_3 = arith.constant 0 : index
    %get3A_4 = arith.constant 0 : index
    %get3A_5 = vector.load %arg2[%get3A_3, %get3A_4] : memref<512x4096xf32, #tpu.memory_space<vmem>>, vector<512x4096xf32>
    %dot_general3A = arith.constant dense<0.000000e+00> : vector<256x4096xf32>
    %dot_general3A_6 = tpu.matmul %get3A_2, %get3A_5, %dot_general3A {dimension_numbers = #tpu.dot_dimension_numbers<[1], [0], [0], [1], [0, 0, 1, 1], [], []>, transpose_lhs_hint = false} : vector<256x512xf32>, vector<512x4096xf32>, vector<256x4096xf32> -> vector<256x4096xf32>
    %add3A = arith.constant 1.000000e+00 : f32
    %add3A_7 = vector.broadcast %add3A : f32 to vector<256x4096xf32>
    %add3A_8 = arith.addf %dot_general3A_6, %add3A_7 : vector<256x4096xf32>
    %mul3A_9 = arith.constant 5.000000e+00 : f32
    %mul3A_10 = vector.broadcast %mul3A_9 : f32 to vector<256x4096xf32>
    %mul3A_11 = arith.mulf %mul3A_10, %add3A_8 : vector<256x4096xf32>
    %get3A_12 = arith.constant 0 : index
    %get3A_13 = arith.constant 0 : index
    %get3A_14 = vector.load %arg3[%get3A_12, %get3A_13] : memref<256x128xf32, #tpu.memory_space<vmem>>, vector<256x128xf32>
    %get3A_15 = arith.constant 0 : index
    %get3A_16 = arith.constant 0 : index
    %get3A_17 = vector.load %arg4[%get3A_15, %get3A_16] : memref<128x4096xf32, #tpu.memory_space<vmem>>, vector<128x4096xf32>
    %dot_general3A_18 = arith.constant dense<0.000000e+00> : vector<256x4096xf32>
    %dot_general3A_19 = tpu.matmul %get3A_14, %get3A_17, %dot_general3A_18 {dimension_numbers = #tpu.dot_dimension_numbers<[1], [0], [0], [1], [0, 0, 1, 1], [], []>, transpose_lhs_hint = false} : vector<256x128xf32>, vector<128x4096xf32>, vector<256x4096xf32> -> vector<256x4096xf32>
    %add3A_20 = arith.constant 1.000000e+00 : f32
    %add3A_21 = vector.broadcast %add3A_20 : f32 to vector<256x4096xf32>
    %add3A_22 = arith.addf %dot_general3A_19, %add3A_21 : vector<256x4096xf32>
    %mul3A_23 = arith.constant 5.000000e+00 : f32
    %mul3A_24 = vector.broadcast %mul3A_23 : f32 to vector<256x4096xf32>
    %mul3A_25 = arith.mulf %mul3A_24, %add3A_22 : vector<256x4096xf32>
    %iota3A = tpu.iota {dimensions = array<i32: 1>} : vector<256x4096xi32>
    %iota3A_26 = tpu.iota {dimensions = array<i32: 0>} : vector<256x4096xi32>
    %add3A_27 = vector.broadcast %mul3A_0 : i32 to vector<256x4096xi32>
    %add3A_28 = arith.addi %add3A_27, %iota3A_26 : vector<256x4096xi32>
    %eq3A = arith.cmpi eq, %iota3A, %add3A_28 : vector<256x4096xi32>
    %swap3A = arith.constant 0 : index
    %swap3A_29 = arith.constant 0 : index
    %swap3A_30 = vector.load %arg6[%swap3A, %swap3A_29] : memref<256x4096xf32, #tpu.memory_space<vmem>>, vector<256x4096xf32>
    tpu.vector_store %arg6[%swap3A, %swap3A_29], %mul3A_11 {strides = array<i32>} : memref<256x4096xf32, #tpu.memory_space<vmem>>, vector<256x4096xf32>,
    %jit3A = arith.constant -1.000000e+30 : f32
    %broadcast_in_dim3A = vector.broadcast %jit3A : f32 to vector<256x4096xf32>
    %select_n3A = arith.select %eq3A, %broadcast_in_dim3A, %mul3A_11 : vector<256x4096xi1>, vector<256x4096xf32>
    %swap3A_31 = arith.constant 0 : index
    %swap3A_32 = arith.constant 0 : index
    %swap3A_33 = vector.load %arg7[%swap3A_31, %swap3A_32] : memref<256x4096xf32, #tpu.memory_space<vmem>>, vector<256x4096xf32>
    tpu.vector_store %arg7[%swap3A_31, %swap3A_32], %select_n3A {strides = array<i32>} : memref<256x4096xf32, #tpu.memory_space<vmem>>, vector<256x4096xf32>,
    %jit3A_34 = arith.constant -1.000000e+30 : f32
    %broadcast_in_dim3A_35 = vector.broadcast %jit3A_34 : f32 to vector<256x4096xf32>
    %select_n3A_36 = arith.select %eq3A, %broadcast_in_dim3A_35, %mul3A_25 : vector<256x4096xi1>, vector<256x4096xf32>
    %swap3A_37 = arith.constant 0 : index
    %swap3A_38 = arith.constant 0 : index
    %swap3A_39 = vector.load %arg8[%swap3A_37, %swap3A_38] : memref<256x4096xf32, #tpu.memory_space<vmem>>, vector<256x4096xf32>
    tpu.vector_store %arg8[%swap3A_37, %swap3A_38], %select_n3A_36 {strides = array<i32>} : memref<256x4096xf32, #tpu.memory_space<vmem>>, vector<256x4096xf32>,
    %iota3A_40 = tpu.iota {dimensions = array<i32: 1>} : vector<256x40xi32>
    %iota3A_41 = tpu.iota {dimensions = array<i32: 1>} : vector<256x10xi32>
    %broadcast_in_dim3A_42 = arith.constant 0.000000e+00 : f32
    %broadcast_in_dim3A_43 = vector.broadcast %broadcast_in_dim3A_42 : f32 to vector<256x40xf32>
    %scan3A = arith.constant 0 : i32
    %scan3A_44 = arith.constant 40 : i32
    %scan3A_45 = arith.addi %scan3A, %scan3A_44 : i32
    %scan3A_46 = arith.constant 1 : i32
    %scan3A_47:2 = scf.for %scan3A_743 = %scan3A to %scan3A_45 step %scan3A_46 iter_args(%scan3A_744 = %broadcast_in_dim3A_43, %scan3A_745 = %broadcast_in_dim3A_43) -> (vector<256x40xf32>, vector<256x40xf32>)  : i32 {
      %get3A_746 = arith.constant 0 : index
      %get3A_747 = arith.constant 0 : index
      %get3A_748 = vector.load %arg8[%get3A_746, %get3A_747] : memref<256x4096xf32, #tpu.memory_space<vmem>>, vector<256x4096xf32>
      %reduce_max3A = arith.constant dense<0xFF800000> : vector<256xf32>
      %reduce_max3A_749 = vector.multi_reduction <maximumf>, %get3A_748, %reduce_max3A [1] : vector<256x4096xf32> to vector<256xf32>
      %broadcast_in_dim3A_750 = vector.shape_cast %reduce_max3A_749 : vector<256xf32> to vector<256x1xf32>
      %eq3A_751 = vector.broadcast %broadcast_in_dim3A_750 : vector<256x1xf32> to vector<256x4096xf32>
      %eq3A_752 = arith.cmpf oeq, %get3A_748, %eq3A_751 : vector<256x4096xf32>
      %jit3A_753 = arith.constant 4096 : i32
      %broadcast_in_dim3A_754 = vector.broadcast %jit3A_753 : i32 to vector<256x4096xi32>
      %select_n3A_755 = arith.select %eq3A_752, %iota3A, %broadcast_in_dim3A_754 : vector<256x4096xi1>, vector<256x4096xi32>
      %reduce_min3A = arith.constant dense<2147483647> : vector<256xi32>
      %reduce_min3A_756 = vector.multi_reduction <minsi>, %select_n3A_755, %reduce_min3A [1] : vector<256x4096xi32> to vector<256xi32>
      %broadcast_in_dim3A_757 = vector.shape_cast %reduce_min3A_756 : vector<256xi32> to vector<256x1xi32>
      %eq3A_758 = vector.broadcast %broadcast_in_dim3A_757 : vector<256x1xi32> to vector<256x4096xi32>
      %eq3A_759 = arith.cmpi eq, %iota3A, %eq3A_758 : vector<256x4096xi32>
      %get3A_760 = arith.constant 0 : index
      %get3A_761 = arith.constant 0 : index
      %get3A_762 = vector.load %arg6[%get3A_760, %get3A_761] : memref<256x4096xf32, #tpu.memory_space<vmem>>, vector<256x4096xf32>
      %jit3A_763 = arith.constant 0.000000e+00 : f32
      %broadcast_in_dim3A_764 = vector.broadcast %jit3A_763 : f32 to vector<256x4096xf32>
      %select_n3A_765 = arith.select %eq3A_759, %get3A_762, %broadcast_in_dim3A_764 : vector<256x4096xi1>, vector<256x4096xf32>
      %reduce_sum3A_766 = arith.constant dense<0.000000e+00> : vector<256xf32>
      %reduce_sum3A_767 = vector.multi_reduction <add>, %select_n3A_765, %reduce_sum3A_766 [1] : vector<256x4096xf32> to vector<256xf32>
      %broadcast_in_dim3A_768 = vector.shape_cast %reduce_sum3A_767 : vector<256xf32> to vector<256x1xf32>
      %jit3A_769 = arith.constant -1.000000e+30 : f32
      %broadcast_in_dim3A_770 = vector.broadcast %jit3A_769 : f32 to vector<256x4096xf32>
      %select_n3A_771 = arith.select %eq3A_759, %broadcast_in_dim3A_770, %get3A_748 : vector<256x4096xi1>, vector<256x4096xf32>
      %swap3A_772 = arith.constant 0 : index
      %swap3A_773 = arith.constant 0 : index
      %swap3A_774 = vector.load %arg8[%swap3A_772, %swap3A_773] : memref<256x4096xf32, #tpu.memory_space<vmem>>, vector<256x4096xf32>
      tpu.vector_store %arg8[%swap3A_772, %swap3A_773], %select_n3A_771 {strides = array<i32>} : memref<256x4096xf32, #tpu.memory_space<vmem>>, vector<256x4096xf32>,
      %eq3A_775 = vector.broadcast %scan3A_743 : i32 to vector<256x40xi32>
      %eq3A_776 = arith.cmpi eq, %iota3A_40, %eq3A_775 : vector<256x40xi32>
      %broadcast_in_dim3A_777 = vector.shape_cast %broadcast_in_dim3A_750 : vector<256x1xf32> to vector<256x1xf32>
      %broadcast_in_dim3A_778 = vector.broadcast %broadcast_in_dim3A_777 : vector<256x1xf32> to vector<256x40xf32>
      %select_n3A_779 = arith.select %eq3A_776, %broadcast_in_dim3A_778, %scan3A_744 : vector<256x40xi1>, vector<256x40xf32>
      %eq3A_780 = vector.broadcast %scan3A_743 : i32 to vector<256x40xi32>
      %eq3A_781 = arith.cmpi eq, %iota3A_40, %eq3A_780 : vector<256x40xi32>
      %broadcast_in_dim3A_782 = vector.shape_cast %broadcast_in_dim3A_768 : vector<256x1xf32> to vector<256x1xf32>
      %broadcast_in_dim3A_783 = vector.broadcast %broadcast_in_dim3A_782 : vector<256x1xf32> to vector<256x40xf32>
      %select_n3A_784 = arith.select %eq3A_781, %broadcast_in_dim3A_783, %scan3A_745 : vector<256x40xi1>, vector<256x40xf32>
      scf.yield %select_n3A_779, %select_n3A_784 : vector<256x40xf32>, vector<256x40xf32>
    }
    %scan3A_48 = arith.constant 40 : i32
    %broadcast_in_dim3A_49 = arith.constant 0.000000e+00 : f32
    %broadcast_in_dim3A_50 = vector.broadcast %broadcast_in_dim3A_49 : f32 to vector<256x10xf32>
    %scan3A_51 = arith.constant 0 : i32
    %scan3A_52 = arith.constant 10 : i32
    %scan3A_53 = arith.addi %scan3A_51, %scan3A_52 : i32
    %scan3A_54 = arith.constant 1 : i32
    %scan3A_55 = scf.for %scan3A_743 = %scan3A_51 to %scan3A_53 step %scan3A_54 iter_args(%scan3A_744 = %broadcast_in_dim3A_50) -> (vector<256x10xf32>)  : i32 {
      %get3A_745 = arith.constant 0 : index
      %get3A_746 = arith.constant 0 : index
      %get3A_747 = vector.load %arg7[%get3A_745, %get3A_746] : memref<256x4096xf32, #tpu.memory_space<vmem>>, vector<256x4096xf32>
      %reduce_max3A = arith.constant dense<0xFF800000> : vector<256xf32>
      %reduce_max3A_748 = vector.multi_reduction <maximumf>, %get3A_747, %reduce_max3A [1] : vector<256x4096xf32> to vector<256xf32>
      %broadcast_in_dim3A_749 = vector.shape_cast %reduce_max3A_748 : vector<256xf32> to vector<256x1xf32>
      %eq3A_750 = vector.broadcast %broadcast_in_dim3A_749 : vector<256x1xf32> to vector<256x4096xf32>
      %eq3A_751 = arith.cmpf oeq, %get3A_747, %eq3A_750 : vector<256x4096xf32>
      %jit3A_752 = arith.constant 4096 : i32
      %broadcast_in_dim3A_753 = vector.broadcast %jit3A_752 : i32 to vector<256x4096xi32>
      %select_n3A_754 = arith.select %eq3A_751, %iota3A, %broadcast_in_dim3A_753 : vector<256x4096xi1>, vector<256x4096xi32>
      %reduce_min3A = arith.constant dense<2147483647> : vector<256xi32>
      %reduce_min3A_755 = vector.multi_reduction <minsi>, %select_n3A_754, %reduce_min3A [1] : vector<256x4096xi32> to vector<256xi32>
      %broadcast_in_dim3A_756 = vector.shape_cast %reduce_min3A_755 : vector<256xi32> to vector<256x1xi32>
      %eq3A_757 = vector.broadcast %broadcast_in_dim3A_756 : vector<256x1xi32> to vector<256x4096xi32>
      %eq3A_758 = arith.cmpi eq, %iota3A, %eq3A_757 : vector<256x4096xi32>
      %jit3A_759 = arith.constant -1.000000e+30 : f32
      %broadcast_in_dim3A_760 = vector.broadcast %jit3A_759 : f32 to vector<256x4096xf32>
      %select_n3A_761 = arith.select %eq3A_758, %broadcast_in_dim3A_760, %get3A_747 : vector<256x4096xi1>, vector<256x4096xf32>
      %swap3A_762 = arith.constant 0 : index
      %swap3A_763 = arith.constant 0 : index
      %swap3A_764 = vector.load %arg7[%swap3A_762, %swap3A_763] : memref<256x4096xf32, #tpu.memory_space<vmem>>, vector<256x4096xf32>
      tpu.vector_store %arg7[%swap3A_762, %swap3A_763], %select_n3A_761 {strides = array<i32>} : memref<256x4096xf32, #tpu.memory_space<vmem>>, vector<256x4096xf32>,
      %eq3A_765 = vector.broadcast %scan3A_743 : i32 to vector<256x10xi32>
      %eq3A_766 = arith.cmpi eq, %iota3A_41, %eq3A_765 : vector<256x10xi32>
      %broadcast_in_dim3A_767 = vector.shape_cast %broadcast_in_dim3A_749 : vector<256x1xf32> to vector<256x1xf32>
      %broadcast_in_dim3A_768 = vector.broadcast %broadcast_in_dim3A_767 : vector<256x1xf32> to vector<256x10xf32>
      %select_n3A_769 = arith.select %eq3A_766, %broadcast_in_dim3A_768, %scan3A_744 : vector<256x10xi1>, vector<256x10xf32>
      scf.yield %select_n3A_769 : vector<256x10xf32>
    }
    %scan3A_56 = arith.constant 10 : i32
    %convert_element_type3A = arith.sitofp %iota3A_40 : vector<256x40xi32> to vector<256x40xf32>
    %lt3A = arith.constant 10 : i32
    %lt3A_57 = vector.broadcast %lt3A : i32 to vector<256x40xi32>
    %lt3A_58 = arith.cmpi slt, %iota3A_40, %lt3A_57 : vector<256x40xi32>
    %add3A_59 = arith.constant 2.000000e+00 : f32
    %add3A_60 = vector.broadcast %add3A_59 : f32 to vector<256x40xf32>
    %add3A_61 = arith.addf %add3A_60, %convert_element_type3A : vector<256x40xf32>
    %log3A = math.log %add3A_61 : vector<256x40xf32>
    %div3A = arith.constant 0.693147182 : f32
    %div3A_62 = vector.broadcast %div3A : f32 to vector<256x40xf32>
    %div3A_63 = arith.divf %div3A_62, %log3A : vector<256x40xf32>
    %jit3A_64 = arith.constant 0.000000e+00 : f32
    %broadcast_in_dim3A_65 = vector.broadcast %jit3A_64 : f32 to vector<256x40xf32>
    %select_n3A_66 = arith.select %lt3A_58, %div3A_63, %broadcast_in_dim3A_65 : vector<256x40xi1>, vector<256x40xf32>
    %convert_element_type3A_67 = arith.sitofp %iota3A_41 : vector<256x10xi32> to vector<256x10xf32>
    %add3A_68 = arith.constant 2.000000e+00 : f32
    %add3A_69 = vector.broadcast %add3A_68 : f32 to vector<256x10xf32>
    %add3A_70 = arith.addf %add3A_69, %convert_element_type3A_67 : vector<256x10xf32>
    %log3A_71 = math.log %add3A_70 : vector<256x10xf32>
    %div3A_72 = arith.constant 0.693147182 : f32
    %div3A_73 = vector.broadcast %div3A_72 : f32 to vector<256x10xf32>
    %div3A_74 = arith.divf %div3A_73, %log3A_71 : vector<256x10xf32>
    %exp23A = math.exp2 %scan3A_55 : vector<256x10xf32>
    %sub3A = arith.constant 1.000000e+00 : f32
    %sub3A_75 = vector.broadcast %sub3A : f32 to vector<256x10xf32>
    %sub3A_76 = arith.subf %exp23A, %sub3A_75 : vector<256x10xf32>
    %mul3A_77 = arith.mulf %sub3A_76, %div3A_74 : vector<256x10xf32>
    %reduce_sum3A = arith.constant dense<0.000000e+00> : vector<256xf32>
    %reduce_sum3A_78 = vector.multi_reduction <add>, %mul3A_77, %reduce_sum3A [1] : vector<256x10xf32> to vector<256xf32>
    %broadcast_in_dim3A_79 = vector.shape_cast %reduce_sum3A_78 : vector<256xf32> to vector<256x1xf32>
    %div3A_80 = arith.constant 1.000000e+00 : f32
    %div3A_81 = vector.broadcast %div3A_80 : f32 to vector<256x1xf32>
    %div3A_82 = arith.divf %div3A_81, %broadcast_in_dim3A_79 : vector<256x1xf32>
    %exp23A_83 = math.exp2 %scan3A_47#1 : vector<256x40xf32>
    %sub3A_84 = arith.constant 1.000000e+00 : f32
    %sub3A_85 = vector.broadcast %sub3A_84 : f32 to vector<256x40xf32>
    %sub3A_86 = arith.subf %exp23A_83, %sub3A_85 : vector<256x40xf32>
    %broadcast_in_dim3A_87 = arith.constant 0.000000e+00 : f32
    %broadcast_in_dim3A_88 = vector.broadcast %broadcast_in_dim3A_87 : f32 to vector<256x40xf32>
    %slice3A = vector.extract_strided_slice %scan3A_47#0 {offsets = [0, 0], sizes = [256, 1], strides = [1, 1]} : vector<256x40xf32> to vector<256x1xf32>
    %slice3A_89 = vector.extract_strided_slice %scan3A_47#1 {offsets = [0, 0], sizes = [256, 1], strides = [1, 1]} : vector<256x40xf32> to vector<256x1xf32>
    %slice3A_90 = vector.extract_strided_slice %sub3A_86 {offsets = [0, 0], sizes = [256, 1], strides = [1, 1]} : vector<256x40xf32> to vector<256x1xf32>
    %sub3A_91 = vector.broadcast %slice3A : vector<256x1xf32> to vector<256x40xf32>
    %sub3A_92 = arith.subf %sub3A_91, %scan3A_47#0 : vector<256x40xf32>
    %exp3A = math.exp %sub3A_92 : vector<256x40xf32>
    %add3A_93 = arith.constant 1.000000e+00 : f32
    %add3A_94 = vector.broadcast %add3A_93 : f32 to vector<256x40xf32>
    %add3A_95 = arith.addf %add3A_94, %exp3A : vector<256x40xf32>
    %div3A_96 = arith.constant -1.000000e+00 : f32
    %div3A_97 = vector.broadcast %div3A_96 : f32 to vector<256x40xf32>
    %div3A_98 = arith.divf %div3A_97, %add3A_95 : vector<256x40xf32>
    %sub3A_99 = vector.broadcast %slice3A_90 : vector<256x1xf32> to vector<256x40xf32>
    %sub3A_100 = arith.subf %sub3A_99, %sub3A_86 : vector<256x40xf32>
    %sub3A_101 = arith.constant 1.000000e+00 : f32
    %sub3A_102 = vector.broadcast %sub3A_101 : f32 to vector<256x40xf32>
    %sub3A_103 = arith.subf %sub3A_102, %select_n3A_66 : vector<256x40xf32>
    %mul3A_104 = arith.mulf %sub3A_100, %sub3A_103 : vector<256x40xf32>
    %sub3A_105 = vector.broadcast %slice3A_89 : vector<256x1xf32> to vector<256x40xf32>
    %sub3A_106 = arith.subf %sub3A_105, %scan3A_47#1 : vector<256x40xf32>
    %gt3A = arith.constant 0.000000e+00 : f32
    %gt3A_107 = vector.broadcast %gt3A : f32 to vector<256x40xf32>
    %gt3A_108 = arith.cmpf ogt, %sub3A_106, %gt3A_107 : vector<256x40xf32>
    %abs3A = math.absf %mul3A_104 : vector<256x40xf32>
    %mul3A_109 = arith.mulf %div3A_98, %abs3A : vector<256x40xf32>
    %mul3A_110 = arith.mulf %mul3A_109, %sub3A_92 : vector<256x40xf32>
    %jit3A_111 = arith.constant 0.000000e+00 : f32
    %broadcast_in_dim3A_112 = vector.broadcast %jit3A_111 : f32 to vector<256x40xf32>
    %select_n3A_113 = arith.select %gt3A_108, %mul3A_110, %broadcast_in_dim3A_112 : vector<256x40xi1>, vector<256x40xf32>
    %add3A_114 = arith.addf %broadcast_in_dim3A_88, %select_n3A_113 : vector<256x40xf32>
    %slice3A_115 = vector.extract_strided_slice %scan3A_47#0 {offsets = [0, 1], sizes = [256, 1], strides = [1, 1]} : vector<256x40xf32> to vector<256x1xf32>
    %slice3A_116 = vector.extract_strided_slice %scan3A_47#1 {offsets = [0, 1], sizes = [256, 1], strides = [1, 1]} : vector<256x40xf32> to vector<256x1xf32>
    %slice3A_117 = vector.extract_strided_slice %sub3A_86 {offsets = [0, 1], sizes = [256, 1], strides = [1, 1]} : vector<256x40xf32> to vector<256x1xf32>
    %sub3A_118 = vector.broadcast %slice3A_115 : vector<256x1xf32> to vector<256x40xf32>
    %sub3A_119 = arith.subf %sub3A_118, %scan3A_47#0 : vector<256x40xf32>
    %exp3A_120 = math.exp %sub3A_119 : vector<256x40xf32>
    %add3A_121 = arith.constant 1.000000e+00 : f32
    %add3A_122 = vector.broadcast %add3A_121 : f32 to vector<256x40xf32>
    %add3A_123 = arith.addf %add3A_122, %exp3A_120 : vector<256x40xf32>
    %div3A_124 = arith.constant -1.000000e+00 : f32
    %div3A_125 = vector.broadcast %div3A_124 : f32 to vector<256x40xf32>
    %div3A_126 = arith.divf %div3A_125, %add3A_123 : vector<256x40xf32>
    %sub3A_127 = vector.broadcast %slice3A_117 : vector<256x1xf32> to vector<256x40xf32>
    %sub3A_128 = arith.subf %sub3A_127, %sub3A_86 : vector<256x40xf32>
    %sub3A_129 = arith.constant 0.630929768 : f32
    %sub3A_130 = vector.broadcast %sub3A_129 : f32 to vector<256x40xf32>
    %sub3A_131 = arith.subf %sub3A_130, %select_n3A_66 : vector<256x40xf32>
    %mul3A_132 = arith.mulf %sub3A_128, %sub3A_131 : vector<256x40xf32>
    %sub3A_133 = vector.broadcast %slice3A_116 : vector<256x1xf32> to vector<256x40xf32>
    %sub3A_134 = arith.subf %sub3A_133, %scan3A_47#1 : vector<256x40xf32>
    %gt3A_135 = arith.constant 0.000000e+00 : f32
    %gt3A_136 = vector.broadcast %gt3A_135 : f32 to vector<256x40xf32>
    %gt3A_137 = arith.cmpf ogt, %sub3A_134, %gt3A_136 : vector<256x40xf32>
    %abs3A_138 = math.absf %mul3A_132 : vector<256x40xf32>
    %mul3A_139 = arith.mulf %div3A_126, %abs3A_138 : vector<256x40xf32>
    %mul3A_140 = arith.mulf %mul3A_139, %sub3A_119 : vector<256x40xf32>
    %jit3A_141 = arith.constant 0.000000e+00 : f32
    %broadcast_in_dim3A_142 = vector.broadcast %jit3A_141 : f32 to vector<256x40xf32>
    %select_n3A_143 = arith.select %gt3A_137, %mul3A_140, %broadcast_in_dim3A_142 : vector<256x40xi1>, vector<256x40xf32>
    %add3A_144 = arith.addf %add3A_114, %select_n3A_143 : vector<256x40xf32>
    %slice3A_145 = vector.extract_strided_slice %scan3A_47#0 {offsets = [0, 2], sizes = [256, 1], strides = [1, 1]} : vector<256x40xf32> to vector<256x1xf32>
    %slice3A_146 = vector.extract_strided_slice %scan3A_47#1 {offsets = [0, 2], sizes = [256, 1], strides = [1, 1]} : vector<256x40xf32> to vector<256x1xf32>
    %slice3A_147 = vector.extract_strided_slice %sub3A_86 {offsets = [0, 2], sizes = [256, 1], strides = [1, 1]} : vector<256x40xf32> to vector<256x1xf32>
    %sub3A_148 = vector.broadcast %slice3A_145 : vector<256x1xf32> to vector<256x40xf32>
    %sub3A_149 = arith.subf %sub3A_148, %scan3A_47#0 : vector<256x40xf32>
    %exp3A_150 = math.exp %sub3A_149 : vector<256x40xf32>
    %add3A_151 = arith.constant 1.000000e+00 : f32
    %add3A_152 = vector.broadcast %add3A_151 : f32 to vector<256x40xf32>
    %add3A_153 = arith.addf %add3A_152, %exp3A_150 : vector<256x40xf32>
    %div3A_154 = arith.constant -1.000000e+00 : f32
    %div3A_155 = vector.broadcast %div3A_154 : f32 to vector<256x40xf32>
    %div3A_156 = arith.divf %div3A_155, %add3A_153 : vector<256x40xf32>
    %sub3A_157 = vector.broadcast %slice3A_147 : vector<256x1xf32> to vector<256x40xf32>
    %sub3A_158 = arith.subf %sub3A_157, %sub3A_86 : vector<256x40xf32>
    %sub3A_159 = arith.constant 5.000000e-01 : f32
    %sub3A_160 = vector.broadcast %sub3A_159 : f32 to vector<256x40xf32>
    %sub3A_161 = arith.subf %sub3A_160, %select_n3A_66 : vector<256x40xf32>
    %mul3A_162 = arith.mulf %sub3A_158, %sub3A_161 : vector<256x40xf32>
    %sub3A_163 = vector.broadcast %slice3A_146 : vector<256x1xf32> to vector<256x40xf32>
    %sub3A_164 = arith.subf %sub3A_163, %scan3A_47#1 : vector<256x40xf32>
    %gt3A_165 = arith.constant 0.000000e+00 : f32
    %gt3A_166 = vector.broadcast %gt3A_165 : f32 to vector<256x40xf32>
    %gt3A_167 = arith.cmpf ogt, %sub3A_164, %gt3A_166 : vector<256x40xf32>
    %abs3A_168 = math.absf %mul3A_162 : vector<256x40xf32>
    %mul3A_169 = arith.mulf %div3A_156, %abs3A_168 : vector<256x40xf32>
    %mul3A_170 = arith.mulf %mul3A_169, %sub3A_149 : vector<256x40xf32>
    %jit3A_171 = arith.constant 0.000000e+00 : f32
    %broadcast_in_dim3A_172 = vector.broadcast %jit3A_171 : f32 to vector<256x40xf32>
    %select_n3A_173 = arith.select %gt3A_167, %mul3A_170, %broadcast_in_dim3A_172 : vector<256x40xi1>, vector<256x40xf32>
    %add3A_174 = arith.addf %add3A_144, %select_n3A_173 : vector<256x40xf32>
    %slice3A_175 = vector.extract_strided_slice %scan3A_47#0 {offsets = [0, 3], sizes = [256, 1], strides = [1, 1]} : vector<256x40xf32> to vector<256x1xf32>
    %slice3A_176 = vector.extract_strided_slice %scan3A_47#1 {offsets = [0, 3], sizes = [256, 1], strides = [1, 1]} : vector<256x40xf32> to vector<256x1xf32>
    %slice3A_177 = vector.extract_strided_slice %sub3A_86 {offsets = [0, 3], sizes = [256, 1], strides = [1, 1]} : vector<256x40xf32> to vector<256x1xf32>
    %sub3A_178 = vector.broadcast %slice3A_175 : vector<256x1xf32> to vector<256x40xf32>
    %sub3A_179 = arith.subf %sub3A_178, %scan3A_47#0 : vector<256x40xf32>
    %exp3A_180 = math.exp %sub3A_179 : vector<256x40xf32>
    %add3A_181 = arith.constant 1.000000e+00 : f32
    %add3A_182 = vector.broadcast %add3A_181 : f32 to vector<256x40xf32>
    %add3A_183 = arith.addf %add3A_182, %exp3A_180 : vector<256x40xf32>
    %div3A_184 = arith.constant -1.000000e+00 : f32
    %div3A_185 = vector.broadcast %div3A_184 : f32 to vector<256x40xf32>
    %div3A_186 = arith.divf %div3A_185, %add3A_183 : vector<256x40xf32>
    %sub3A_187 = vector.broadcast %slice3A_177 : vector<256x1xf32> to vector<256x40xf32>
    %sub3A_188 = arith.subf %sub3A_187, %sub3A_86 : vector<256x40xf32>
    %sub3A_189 = arith.constant 0.43067655 : f32
    %sub3A_190 = vector.broadcast %sub3A_189 : f32 to vector<256x40xf32>
    %sub3A_191 = arith.subf %sub3A_190, %select_n3A_66 : vector<256x40xf32>
    %mul3A_192 = arith.mulf %sub3A_188, %sub3A_191 : vector<256x40xf32>
    %sub3A_193 = vector.broadcast %slice3A_176 : vector<256x1xf32> to vector<256x40xf32>
    %sub3A_194 = arith.subf %sub3A_193, %scan3A_47#1 : vector<256x40xf32>
    %gt3A_195 = arith.constant 0.000000e+00 : f32
    %gt3A_196 = vector.broadcast %gt3A_195 : f32 to vector<256x40xf32>
    %gt3A_197 = arith.cmpf ogt, %sub3A_194, %gt3A_196 : vector<256x40xf32>
    %abs3A_198 = math.absf %mul3A_192 : vector<256x40xf32>
    %mul3A_199 = arith.mulf %div3A_186, %abs3A_198 : vector<256x40xf32>
    %mul3A_200 = arith.mulf %mul3A_199, %sub3A_179 : vector<256x40xf32>
    %jit3A_201 = arith.constant 0.000000e+00 : f32
    %broadcast_in_dim3A_202 = vector.broadcast %jit3A_201 : f32 to vector<256x40xf32>
    %select_n3A_203 = arith.select %gt3A_197, %mul3A_200, %broadcast_in_dim3A_202 : vector<256x40xi1>, vector<256x40xf32>
    %add3A_204 = arith.addf %add3A_174, %select_n3A_203 : vector<256x40xf32>
    %slice3A_205 = vector.extract_strided_slice %scan3A_47#0 {offsets = [0, 4], sizes = [256, 1], strides = [1, 1]} : vector<256x40xf32> to vector<256x1xf32>
    %slice3A_206 = vector.extract_strided_slice %scan3A_47#1 {offsets = [0, 4], sizes = [256, 1], strides = [1, 1]} : vector<256x40xf32> to vector<256x1xf32>
    %slice3A_207 = vector.extract_strided_slice %sub3A_86 {offsets = [0, 4], sizes = [256, 1], strides = [1, 1]} : vector<256x40xf32> to vector<256x1xf32>
    %sub3A_208 = vector.broadcast %slice3A_205 : vector<256x1xf32> to vector<256x40xf32>
    %sub3A_209 = arith.subf %sub3A_208, %scan3A_47#0 : vector<256x40xf32>
    %exp3A_210 = math.exp %sub3A_209 : vector<256x40xf32>
    %add3A_211 = arith.constant 1.000000e+00 : f32
    %add3A_212 = vector.broadcast %add3A_211 : f32 to vector<256x40xf32>
    %add3A_213 = arith.addf %add3A_212, %exp3A_210 : vector<256x40xf32>
    %div3A_214 = arith.constant -1.000000e+00 : f32
    %div3A_215 = vector.broadcast %div3A_214 : f32 to vector<256x40xf32>
    %div3A_216 = arith.divf %div3A_215, %add3A_213 : vector<256x40xf32>
    %sub3A_217 = vector.broadcast %slice3A_207 : vector<256x1xf32> to vector<256x40xf32>
    %sub3A_218 = arith.subf %sub3A_217, %sub3A_86 : vector<256x40xf32>
    %sub3A_219 = arith.constant 0.386852801 : f32
    %sub3A_220 = vector.broadcast %sub3A_219 : f32 to vector<256x40xf32>
    %sub3A_221 = arith.subf %sub3A_220, %select_n3A_66 : vector<256x40xf32>
    %mul3A_222 = arith.mulf %sub3A_218, %sub3A_221 : vector<256x40xf32>
    %sub3A_223 = vector.broadcast %slice3A_206 : vector<256x1xf32> to vector<256x40xf32>
    %sub3A_224 = arith.subf %sub3A_223, %scan3A_47#1 : vector<256x40xf32>
    %gt3A_225 = arith.constant 0.000000e+00 : f32
    %gt3A_226 = vector.broadcast %gt3A_225 : f32 to vector<256x40xf32>
    %gt3A_227 = arith.cmpf ogt, %sub3A_224, %gt3A_226 : vector<256x40xf32>
    %abs3A_228 = math.absf %mul3A_222 : vector<256x40xf32>
    %mul3A_229 = arith.mulf %div3A_216, %abs3A_228 : vector<256x40xf32>
    %mul3A_230 = arith.mulf %mul3A_229, %sub3A_209 : vector<256x40xf32>
    %jit3A_231 = arith.constant 0.000000e+00 : f32
    %broadcast_in_dim3A_232 = vector.broadcast %jit3A_231 : f32 to vector<256x40xf32>
    %select_n3A_233 = arith.select %gt3A_227, %mul3A_230, %broadcast_in_dim3A_232 : vector<256x40xi1>, vector<256x40xf32>
    %add3A_234 = arith.addf %add3A_204, %select_n3A_233 : vector<256x40xf32>
    %slice3A_235 = vector.extract_strided_slice %scan3A_47#0 {offsets = [0, 5], sizes = [256, 1], strides = [1, 1]} : vector<256x40xf32> to vector<256x1xf32>
    %slice3A_236 = vector.extract_strided_slice %scan3A_47#1 {offsets = [0, 5], sizes = [256, 1], strides = [1, 1]} : vector<256x40xf32> to vector<256x1xf32>
    %slice3A_237 = vector.extract_strided_slice %sub3A_86 {offsets = [0, 5], sizes = [256, 1], strides = [1, 1]} : vector<256x40xf32> to vector<256x1xf32>
    %sub3A_238 = vector.broadcast %slice3A_235 : vector<256x1xf32> to vector<256x40xf32>
    %sub3A_239 = arith.subf %sub3A_238, %scan3A_47#0 : vector<256x40xf32>
    %exp3A_240 = math.exp %sub3A_239 : vector<256x40xf32>
    %add3A_241 = arith.constant 1.000000e+00 : f32
    %add3A_242 = vector.broadcast %add3A_241 : f32 to vector<256x40xf32>
    %add3A_243 = arith.addf %add3A_242, %exp3A_240 : vector<256x40xf32>
    %div3A_244 = arith.constant -1.000000e+00 : f32
    %div3A_245 = vector.broadcast %div3A_244 : f32 to vector<256x40xf32>
    %div3A_246 = arith.divf %div3A_245, %add3A_243 : vector<256x40xf32>
    %sub3A_247 = vector.broadcast %slice3A_237 : vector<256x1xf32> to vector<256x40xf32>
    %sub3A_248 = arith.subf %sub3A_247, %sub3A_86 : vector<256x40xf32>
    %sub3A_249 = arith.constant 0.356207192 : f32
    %sub3A_250 = vector.broadcast %sub3A_249 : f32 to vector<256x40xf32>
    %sub3A_251 = arith.subf %sub3A_250, %select_n3A_66 : vector<256x40xf32>
    %mul3A_252 = arith.mulf %sub3A_248, %sub3A_251 : vector<256x40xf32>
    %sub3A_253 = vector.broadcast %slice3A_236 : vector<256x1xf32> to vector<256x40xf32>
    %sub3A_254 = arith.subf %sub3A_253, %scan3A_47#1 : vector<256x40xf32>
    %gt3A_255 = arith.constant 0.000000e+00 : f32
    %gt3A_256 = vector.broadcast %gt3A_255 : f32 to vector<256x40xf32>
    %gt3A_257 = arith.cmpf ogt, %sub3A_254, %gt3A_256 : vector<256x40xf32>
    %abs3A_258 = math.absf %mul3A_252 : vector<256x40xf32>
    %mul3A_259 = arith.mulf %div3A_246, %abs3A_258 : vector<256x40xf32>
    %mul3A_260 = arith.mulf %mul3A_259, %sub3A_239 : vector<256x40xf32>
    %jit3A_261 = arith.constant 0.000000e+00 : f32
    %broadcast_in_dim3A_262 = vector.broadcast %jit3A_261 : f32 to vector<256x40xf32>
    %select_n3A_263 = arith.select %gt3A_257, %mul3A_260, %broadcast_in_dim3A_262 : vector<256x40xi1>, vector<256x40xf32>
    %add3A_264 = arith.addf %add3A_234, %select_n3A_263 : vector<256x40xf32>
    %slice3A_265 = vector.extract_strided_slice %scan3A_47#0 {offsets = [0, 6], sizes = [256, 1], strides = [1, 1]} : vector<256x40xf32> to vector<256x1xf32>
    %slice3A_266 = vector.extract_strided_slice %scan3A_47#1 {offsets = [0, 6], sizes = [256, 1], strides = [1, 1]} : vector<256x40xf32> to vector<256x1xf32>
    %slice3A_267 = vector.extract_strided_slice %sub3A_86 {offsets = [0, 6], sizes = [256, 1], strides = [1, 1]} : vector<256x40xf32> to vector<256x1xf32>
    %sub3A_268 = vector.broadcast %slice3A_265 : vector<256x1xf32> to vector<256x40xf32>
    %sub3A_269 = arith.subf %sub3A_268, %scan3A_47#0 : vector<256x40xf32>
    %exp3A_270 = math.exp %sub3A_269 : vector<256x40xf32>
    %add3A_271 = arith.constant 1.000000e+00 : f32
    %add3A_272 = vector.broadcast %add3A_271 : f32 to vector<256x40xf32>
    %add3A_273 = arith.addf %add3A_272, %exp3A_270 : vector<256x40xf32>
    %div3A_274 = arith.constant -1.000000e+00 : f32
    %div3A_275 = vector.broadcast %div3A_274 : f32 to vector<256x40xf32>
    %div3A_276 = arith.divf %div3A_275, %add3A_273 : vector<256x40xf32>
    %sub3A_277 = vector.broadcast %slice3A_267 : vector<256x1xf32> to vector<256x40xf32>
    %sub3A_278 = arith.subf %sub3A_277, %sub3A_86 : vector<256x40xf32>
    %sub3A_279 = arith.constant 0.333333343 : f32
    %sub3A_280 = vector.broadcast %sub3A_279 : f32 to vector<256x40xf32>
    %sub3A_281 = arith.subf %sub3A_280, %select_n3A_66 : vector<256x40xf32>
    %mul3A_282 = arith.mulf %sub3A_278, %sub3A_281 : vector<256x40xf32>
    %sub3A_283 = vector.broadcast %slice3A_266 : vector<256x1xf32> to vector<256x40xf32>
    %sub3A_284 = arith.subf %sub3A_283, %scan3A_47#1 : vector<256x40xf32>
    %gt3A_285 = arith.constant 0.000000e+00 : f32
    %gt3A_286 = vector.broadcast %gt3A_285 : f32 to vector<256x40xf32>
    %gt3A_287 = arith.cmpf ogt, %sub3A_284, %gt3A_286 : vector<256x40xf32>
    %abs3A_288 = math.absf %mul3A_282 : vector<256x40xf32>
    %mul3A_289 = arith.mulf %div3A_276, %abs3A_288 : vector<256x40xf32>
    %mul3A_290 = arith.mulf %mul3A_289, %sub3A_269 : vector<256x40xf32>
    %jit3A_291 = arith.constant 0.000000e+00 : f32
    %broadcast_in_dim3A_292 = vector.broadcast %jit3A_291 : f32 to vector<256x40xf32>
    %select_n3A_293 = arith.select %gt3A_287, %mul3A_290, %broadcast_in_dim3A_292 : vector<256x40xi1>, vector<256x40xf32>
    %add3A_294 = arith.addf %add3A_264, %select_n3A_293 : vector<256x40xf32>
    %slice3A_295 = vector.extract_strided_slice %scan3A_47#0 {offsets = [0, 7], sizes = [256, 1], strides = [1, 1]} : vector<256x40xf32> to vector<256x1xf32>
    %slice3A_296 = vector.extract_strided_slice %scan3A_47#1 {offsets = [0, 7], sizes = [256, 1], strides = [1, 1]} : vector<256x40xf32> to vector<256x1xf32>
    %slice3A_297 = vector.extract_strided_slice %sub3A_86 {offsets = [0, 7], sizes = [256, 1], strides = [1, 1]} : vector<256x40xf32> to vector<256x1xf32>
    %sub3A_298 = vector.broadcast %slice3A_295 : vector<256x1xf32> to vector<256x40xf32>
    %sub3A_299 = arith.subf %sub3A_298, %scan3A_47#0 : vector<256x40xf32>
    %exp3A_300 = math.exp %sub3A_299 : vector<256x40xf32>
    %add3A_301 = arith.constant 1.000000e+00 : f32
    %add3A_302 = vector.broadcast %add3A_301 : f32 to vector<256x40xf32>
    %add3A_303 = arith.addf %add3A_302, %exp3A_300 : vector<256x40xf32>
    %div3A_304 = arith.constant -1.000000e+00 : f32
    %div3A_305 = vector.broadcast %div3A_304 : f32 to vector<256x40xf32>
    %div3A_306 = arith.divf %div3A_305, %add3A_303 : vector<256x40xf32>
    %sub3A_307 = vector.broadcast %slice3A_297 : vector<256x1xf32> to vector<256x40xf32>
    %sub3A_308 = arith.subf %sub3A_307, %sub3A_86 : vector<256x40xf32>
    %sub3A_309 = arith.constant 0.315464884 : f32
    %sub3A_310 = vector.broadcast %sub3A_309 : f32 to vector<256x40xf32>
    %sub3A_311 = arith.subf %sub3A_310, %select_n3A_66 : vector<256x40xf32>
    %mul3A_312 = arith.mulf %sub3A_308, %sub3A_311 : vector<256x40xf32>
    %sub3A_313 = vector.broadcast %slice3A_296 : vector<256x1xf32> to vector<256x40xf32>
    %sub3A_314 = arith.subf %sub3A_313, %scan3A_47#1 : vector<256x40xf32>
    %gt3A_315 = arith.constant 0.000000e+00 : f32
    %gt3A_316 = vector.broadcast %gt3A_315 : f32 to vector<256x40xf32>
    %gt3A_317 = arith.cmpf ogt, %sub3A_314, %gt3A_316 : vector<256x40xf32>
    %abs3A_318 = math.absf %mul3A_312 : vector<256x40xf32>
    %mul3A_319 = arith.mulf %div3A_306, %abs3A_318 : vector<256x40xf32>
    %mul3A_320 = arith.mulf %mul3A_319, %sub3A_299 : vector<256x40xf32>
    %jit3A_321 = arith.constant 0.000000e+00 : f32
    %broadcast_in_dim3A_322 = vector.broadcast %jit3A_321 : f32 to vector<256x40xf32>
    %select_n3A_323 = arith.select %gt3A_317, %mul3A_320, %broadcast_in_dim3A_322 : vector<256x40xi1>, vector<256x40xf32>
    %add3A_324 = arith.addf %add3A_294, %select_n3A_323 : vector<256x40xf32>
    %slice3A_325 = vector.extract_strided_slice %scan3A_47#0 {offsets = [0, 8], sizes = [256, 1], strides = [1, 1]} : vector<256x40xf32> to vector<256x1xf32>
    %slice3A_326 = vector.extract_strided_slice %scan3A_47#1 {offsets = [0, 8], sizes = [256, 1], strides = [1, 1]} : vector<256x40xf32> to vector<256x1xf32>
    %slice3A_327 = vector.extract_strided_slice %sub3A_86 {offsets = [0, 8], sizes = [256, 1], strides = [1, 1]} : vector<256x40xf32> to vector<256x1xf32>
    %sub3A_328 = vector.broadcast %slice3A_325 : vector<256x1xf32> to vector<256x40xf32>
    %sub3A_329 = arith.subf %sub3A_328, %scan3A_47#0 : vector<256x40xf32>
    %exp3A_330 = math.exp %sub3A_329 : vector<256x40xf32>
    %add3A_331 = arith.constant 1.000000e+00 : f32
    %add3A_332 = vector.broadcast %add3A_331 : f32 to vector<256x40xf32>
    %add3A_333 = arith.addf %add3A_332, %exp3A_330 : vector<256x40xf32>
    %div3A_334 = arith.constant -1.000000e+00 : f32
    %div3A_335 = vector.broadcast %div3A_334 : f32 to vector<256x40xf32>
    %div3A_336 = arith.divf %div3A_335, %add3A_333 : vector<256x40xf32>
    %sub3A_337 = vector.broadcast %slice3A_327 : vector<256x1xf32> to vector<256x40xf32>
    %sub3A_338 = arith.subf %sub3A_337, %sub3A_86 : vector<256x40xf32>
    %sub3A_339 = arith.constant 3.010300e-01 : f32
    %sub3A_340 = vector.broadcast %sub3A_339 : f32 to vector<256x40xf32>
    %sub3A_341 = arith.subf %sub3A_340, %select_n3A_66 : vector<256x40xf32>
    %mul3A_342 = arith.mulf %sub3A_338, %sub3A_341 : vector<256x40xf32>
    %sub3A_343 = vector.broadcast %slice3A_326 : vector<256x1xf32> to vector<256x40xf32>
    %sub3A_344 = arith.subf %sub3A_343, %scan3A_47#1 : vector<256x40xf32>
    %gt3A_345 = arith.constant 0.000000e+00 : f32
    %gt3A_346 = vector.broadcast %gt3A_345 : f32 to vector<256x40xf32>
    %gt3A_347 = arith.cmpf ogt, %sub3A_344, %gt3A_346 : vector<256x40xf32>
    %abs3A_348 = math.absf %mul3A_342 : vector<256x40xf32>
    %mul3A_349 = arith.mulf %div3A_336, %abs3A_348 : vector<256x40xf32>
    %mul3A_350 = arith.mulf %mul3A_349, %sub3A_329 : vector<256x40xf32>
    %jit3A_351 = arith.constant 0.000000e+00 : f32
    %broadcast_in_dim3A_352 = vector.broadcast %jit3A_351 : f32 to vector<256x40xf32>
    %select_n3A_353 = arith.select %gt3A_347, %mul3A_350, %broadcast_in_dim3A_352 : vector<256x40xi1>, vector<256x40xf32>
    %add3A_354 = arith.addf %add3A_324, %select_n3A_353 : vector<256x40xf32>
    %slice3A_355 = vector.extract_strided_slice %scan3A_47#0 {offsets = [0, 9], sizes = [256, 1], strides = [1, 1]} : vector<256x40xf32> to vector<256x1xf32>
    %slice3A_356 = vector.extract_strided_slice %scan3A_47#1 {offsets = [0, 9], sizes = [256, 1], strides = [1, 1]} : vector<256x40xf32> to vector<256x1xf32>
    %slice3A_357 = vector.extract_strided_slice %sub3A_86 {offsets = [0, 9], sizes = [256, 1], strides = [1, 1]} : vector<256x40xf32> to vector<256x1xf32>
    %sub3A_358 = vector.broadcast %slice3A_355 : vector<256x1xf32> to vector<256x40xf32>
    %sub3A_359 = arith.subf %sub3A_358, %scan3A_47#0 : vector<256x40xf32>
    %exp3A_360 = math.exp %sub3A_359 : vector<256x40xf32>
    %add3A_361 = arith.constant 1.000000e+00 : f32
    %add3A_362 = vector.broadcast %add3A_361 : f32 to vector<256x40xf32>
    %add3A_363 = arith.addf %add3A_362, %exp3A_360 : vector<256x40xf32>
    %div3A_364 = arith.constant -1.000000e+00 : f32
    %div3A_365 = vector.broadcast %div3A_364 : f32 to vector<256x40xf32>
    %div3A_366 = arith.divf %div3A_365, %add3A_363 : vector<256x40xf32>
    %sub3A_367 = vector.broadcast %slice3A_357 : vector<256x1xf32> to vector<256x40xf32>
    %sub3A_368 = arith.subf %sub3A_367, %sub3A_86 : vector<256x40xf32>
    %sub3A_369 = arith.constant 0.289064825 : f32
    %sub3A_370 = vector.broadcast %sub3A_369 : f32 to vector<256x40xf32>
    %sub3A_371 = arith.subf %sub3A_370, %select_n3A_66 : vector<256x40xf32>
    %mul3A_372 = arith.mulf %sub3A_368, %sub3A_371 : vector<256x40xf32>
    %sub3A_373 = vector.broadcast %slice3A_356 : vector<256x1xf32> to vector<256x40xf32>
    %sub3A_374 = arith.subf %sub3A_373, %scan3A_47#1 : vector<256x40xf32>
    %gt3A_375 = arith.constant 0.000000e+00 : f32
    %gt3A_376 = vector.broadcast %gt3A_375 : f32 to vector<256x40xf32>
    %gt3A_377 = arith.cmpf ogt, %sub3A_374, %gt3A_376 : vector<256x40xf32>
    %abs3A_378 = math.absf %mul3A_372 : vector<256x40xf32>
    %mul3A_379 = arith.mulf %div3A_366, %abs3A_378 : vector<256x40xf32>
    %mul3A_380 = arith.mulf %mul3A_379, %sub3A_359 : vector<256x40xf32>
    %jit3A_381 = arith.constant 0.000000e+00 : f32
    %broadcast_in_dim3A_382 = vector.broadcast %jit3A_381 : f32 to vector<256x40xf32>
    %select_n3A_383 = arith.select %gt3A_377, %mul3A_380, %broadcast_in_dim3A_382 : vector<256x40xi1>, vector<256x40xf32>
    %add3A_384 = arith.addf %add3A_354, %select_n3A_383 : vector<256x40xf32>
    %slice3A_385 = vector.extract_strided_slice %scan3A_47#0 {offsets = [0, 0], sizes = [256, 1], strides = [1, 1]} : vector<256x40xf32> to vector<256x1xf32>
    %slice3A_386 = vector.extract_strided_slice %scan3A_47#1 {offsets = [0, 0], sizes = [256, 1], strides = [1, 1]} : vector<256x40xf32> to vector<256x1xf32>
    %slice3A_387 = vector.extract_strided_slice %sub3A_86 {offsets = [0, 0], sizes = [256, 1], strides = [1, 1]} : vector<256x40xf32> to vector<256x1xf32>
    %sub3A_388 = vector.broadcast %slice3A_385 : vector<256x1xf32> to vector<256x40xf32>
    %sub3A_389 = arith.subf %scan3A_47#0, %sub3A_388 : vector<256x40xf32>
    %exp3A_390 = math.exp %sub3A_389 : vector<256x40xf32>
    %add3A_391 = arith.constant 1.000000e+00 : f32
    %add3A_392 = vector.broadcast %add3A_391 : f32 to vector<256x40xf32>
    %add3A_393 = arith.addf %add3A_392, %exp3A_390 : vector<256x40xf32>
    %div3A_394 = arith.constant -1.000000e+00 : f32
    %div3A_395 = vector.broadcast %div3A_394 : f32 to vector<256x40xf32>
    %div3A_396 = arith.divf %div3A_395, %add3A_393 : vector<256x40xf32>
    %sub3A_397 = vector.broadcast %slice3A_387 : vector<256x1xf32> to vector<256x40xf32>
    %sub3A_398 = arith.subf %sub3A_86, %sub3A_397 : vector<256x40xf32>
    %sub3A_399 = arith.constant 1.000000e+00 : f32
    %sub3A_400 = vector.broadcast %sub3A_399 : f32 to vector<256x40xf32>
    %sub3A_401 = arith.subf %select_n3A_66, %sub3A_400 : vector<256x40xf32>
    %mul3A_402 = arith.mulf %sub3A_398, %sub3A_401 : vector<256x40xf32>
    %sub3A_403 = vector.broadcast %slice3A_386 : vector<256x1xf32> to vector<256x40xf32>
    %sub3A_404 = arith.subf %scan3A_47#1, %sub3A_403 : vector<256x40xf32>
    %gt3A_405 = arith.constant 0.000000e+00 : f32
    %gt3A_406 = vector.broadcast %gt3A_405 : f32 to vector<256x40xf32>
    %gt3A_407 = arith.cmpf ogt, %sub3A_404, %gt3A_406 : vector<256x40xf32>
    %ge3A = arith.constant 10 : i32
    %ge3A_408 = vector.broadcast %ge3A : i32 to vector<256x40xi32>
    %ge3A_409 = arith.cmpi sge, %iota3A_40, %ge3A_408 : vector<256x40xi32>
    %and3A = arith.andi %gt3A_407, %ge3A_409 : vector<256x40xi1>
    %abs3A_410 = math.absf %mul3A_402 : vector<256x40xf32>
    %mul3A_411 = arith.mulf %div3A_396, %abs3A_410 : vector<256x40xf32>
    %mul3A_412 = arith.mulf %mul3A_411, %sub3A_389 : vector<256x40xf32>
    %jit3A_413 = arith.constant 0.000000e+00 : f32
    %broadcast_in_dim3A_414 = vector.broadcast %jit3A_413 : f32 to vector<256x40xf32>
    %select_n3A_415 = arith.select %and3A, %mul3A_412, %broadcast_in_dim3A_414 : vector<256x40xi1>, vector<256x40xf32>
    %add3A_416 = arith.addf %add3A_384, %select_n3A_415 : vector<256x40xf32>
    %slice3A_417 = vector.extract_strided_slice %scan3A_47#0 {offsets = [0, 1], sizes = [256, 1], strides = [1, 1]} : vector<256x40xf32> to vector<256x1xf32>
    %slice3A_418 = vector.extract_strided_slice %scan3A_47#1 {offsets = [0, 1], sizes = [256, 1], strides = [1, 1]} : vector<256x40xf32> to vector<256x1xf32>
    %slice3A_419 = vector.extract_strided_slice %sub3A_86 {offsets = [0, 1], sizes = [256, 1], strides = [1, 1]} : vector<256x40xf32> to vector<256x1xf32>
    %sub3A_420 = vector.broadcast %slice3A_417 : vector<256x1xf32> to vector<256x40xf32>
    %sub3A_421 = arith.subf %scan3A_47#0, %sub3A_420 : vector<256x40xf32>
    %exp3A_422 = math.exp %sub3A_421 : vector<256x40xf32>
    %add3A_423 = arith.constant 1.000000e+00 : f32
    %add3A_424 = vector.broadcast %add3A_423 : f32 to vector<256x40xf32>
    %add3A_425 = arith.addf %add3A_424, %exp3A_422 : vector<256x40xf32>
    %div3A_426 = arith.constant -1.000000e+00 : f32
    %div3A_427 = vector.broadcast %div3A_426 : f32 to vector<256x40xf32>
    %div3A_428 = arith.divf %div3A_427, %add3A_425 : vector<256x40xf32>
    %sub3A_429 = vector.broadcast %slice3A_419 : vector<256x1xf32> to vector<256x40xf32>
    %sub3A_430 = arith.subf %sub3A_86, %sub3A_429 : vector<256x40xf32>
    %sub3A_431 = arith.constant 0.630929768 : f32
    %sub3A_432 = vector.broadcast %sub3A_431 : f32 to vector<256x40xf32>
    %sub3A_433 = arith.subf %select_n3A_66, %sub3A_432 : vector<256x40xf32>
    %mul3A_434 = arith.mulf %sub3A_430, %sub3A_433 : vector<256x40xf32>
    %sub3A_435 = vector.broadcast %slice3A_418 : vector<256x1xf32> to vector<256x40xf32>
    %sub3A_436 = arith.subf %scan3A_47#1, %sub3A_435 : vector<256x40xf32>
    %gt3A_437 = arith.constant 0.000000e+00 : f32
    %gt3A_438 = vector.broadcast %gt3A_437 : f32 to vector<256x40xf32>
    %gt3A_439 = arith.cmpf ogt, %sub3A_436, %gt3A_438 : vector<256x40xf32>
    %ge3A_440 = arith.constant 10 : i32
    %ge3A_441 = vector.broadcast %ge3A_440 : i32 to vector<256x40xi32>
    %ge3A_442 = arith.cmpi sge, %iota3A_40, %ge3A_441 : vector<256x40xi32>
    %and3A_443 = arith.andi %gt3A_439, %ge3A_442 : vector<256x40xi1>
    %abs3A_444 = math.absf %mul3A_434 : vector<256x40xf32>
    %mul3A_445 = arith.mulf %div3A_428, %abs3A_444 : vector<256x40xf32>
    %mul3A_446 = arith.mulf %mul3A_445, %sub3A_421 : vector<256x40xf32>
    %jit3A_447 = arith.constant 0.000000e+00 : f32
    %broadcast_in_dim3A_448 = vector.broadcast %jit3A_447 : f32 to vector<256x40xf32>
    %select_n3A_449 = arith.select %and3A_443, %mul3A_446, %broadcast_in_dim3A_448 : vector<256x40xi1>, vector<256x40xf32>
    %add3A_450 = arith.addf %add3A_416, %select_n3A_449 : vector<256x40xf32>
    %slice3A_451 = vector.extract_strided_slice %scan3A_47#0 {offsets = [0, 2], sizes = [256, 1], strides = [1, 1]} : vector<256x40xf32> to vector<256x1xf32>
    %slice3A_452 = vector.extract_strided_slice %scan3A_47#1 {offsets = [0, 2], sizes = [256, 1], strides = [1, 1]} : vector<256x40xf32> to vector<256x1xf32>
    %slice3A_453 = vector.extract_strided_slice %sub3A_86 {offsets = [0, 2], sizes = [256, 1], strides = [1, 1]} : vector<256x40xf32> to vector<256x1xf32>
    %sub3A_454 = vector.broadcast %slice3A_451 : vector<256x1xf32> to vector<256x40xf32>
    %sub3A_455 = arith.subf %scan3A_47#0, %sub3A_454 : vector<256x40xf32>
    %exp3A_456 = math.exp %sub3A_455 : vector<256x40xf32>
    %add3A_457 = arith.constant 1.000000e+00 : f32
    %add3A_458 = vector.broadcast %add3A_457 : f32 to vector<256x40xf32>
    %add3A_459 = arith.addf %add3A_458, %exp3A_456 : vector<256x40xf32>
    %div3A_460 = arith.constant -1.000000e+00 : f32
    %div3A_461 = vector.broadcast %div3A_460 : f32 to vector<256x40xf32>
    %div3A_462 = arith.divf %div3A_461, %add3A_459 : vector<256x40xf32>
    %sub3A_463 = vector.broadcast %slice3A_453 : vector<256x1xf32> to vector<256x40xf32>
    %sub3A_464 = arith.subf %sub3A_86, %sub3A_463 : vector<256x40xf32>
    %sub3A_465 = arith.constant 5.000000e-01 : f32
    %sub3A_466 = vector.broadcast %sub3A_465 : f32 to vector<256x40xf32>
    %sub3A_467 = arith.subf %select_n3A_66, %sub3A_466 : vector<256x40xf32>
    %mul3A_468 = arith.mulf %sub3A_464, %sub3A_467 : vector<256x40xf32>
    %sub3A_469 = vector.broadcast %slice3A_452 : vector<256x1xf32> to vector<256x40xf32>
    %sub3A_470 = arith.subf %scan3A_47#1, %sub3A_469 : vector<256x40xf32>
    %gt3A_471 = arith.constant 0.000000e+00 : f32
    %gt3A_472 = vector.broadcast %gt3A_471 : f32 to vector<256x40xf32>
    %gt3A_473 = arith.cmpf ogt, %sub3A_470, %gt3A_472 : vector<256x40xf32>
    %ge3A_474 = arith.constant 10 : i32
    %ge3A_475 = vector.broadcast %ge3A_474 : i32 to vector<256x40xi32>
    %ge3A_476 = arith.cmpi sge, %iota3A_40, %ge3A_475 : vector<256x40xi32>
    %and3A_477 = arith.andi %gt3A_473, %ge3A_476 : vector<256x40xi1>
    %abs3A_478 = math.absf %mul3A_468 : vector<256x40xf32>
    %mul3A_479 = arith.mulf %div3A_462, %abs3A_478 : vector<256x40xf32>
    %mul3A_480 = arith.mulf %mul3A_479, %sub3A_455 : vector<256x40xf32>
    %jit3A_481 = arith.constant 0.000000e+00 : f32
    %broadcast_in_dim3A_482 = vector.broadcast %jit3A_481 : f32 to vector<256x40xf32>
    %select_n3A_483 = arith.select %and3A_477, %mul3A_480, %broadcast_in_dim3A_482 : vector<256x40xi1>, vector<256x40xf32>
    %add3A_484 = arith.addf %add3A_450, %select_n3A_483 : vector<256x40xf32>
    %slice3A_485 = vector.extract_strided_slice %scan3A_47#0 {offsets = [0, 3], sizes = [256, 1], strides = [1, 1]} : vector<256x40xf32> to vector<256x1xf32>
    %slice3A_486 = vector.extract_strided_slice %scan3A_47#1 {offsets = [0, 3], sizes = [256, 1], strides = [1, 1]} : vector<256x40xf32> to vector<256x1xf32>
    %slice3A_487 = vector.extract_strided_slice %sub3A_86 {offsets = [0, 3], sizes = [256, 1], strides = [1, 1]} : vector<256x40xf32> to vector<256x1xf32>
    %sub3A_488 = vector.broadcast %slice3A_485 : vector<256x1xf32> to vector<256x40xf32>
    %sub3A_489 = arith.subf %scan3A_47#0, %sub3A_488 : vector<256x40xf32>
    %exp3A_490 = math.exp %sub3A_489 : vector<256x40xf32>
    %add3A_491 = arith.constant 1.000000e+00 : f32
    %add3A_492 = vector.broadcast %add3A_491 : f32 to vector<256x40xf32>
    %add3A_493 = arith.addf %add3A_492, %exp3A_490 : vector<256x40xf32>
    %div3A_494 = arith.constant -1.000000e+00 : f32
    %div3A_495 = vector.broadcast %div3A_494 : f32 to vector<256x40xf32>
    %div3A_496 = arith.divf %div3A_495, %add3A_493 : vector<256x40xf32>
    %sub3A_497 = vector.broadcast %slice3A_487 : vector<256x1xf32> to vector<256x40xf32>
    %sub3A_498 = arith.subf %sub3A_86, %sub3A_497 : vector<256x40xf32>
    %sub3A_499 = arith.constant 0.43067655 : f32
    %sub3A_500 = vector.broadcast %sub3A_499 : f32 to vector<256x40xf32>
    %sub3A_501 = arith.subf %select_n3A_66, %sub3A_500 : vector<256x40xf32>
    %mul3A_502 = arith.mulf %sub3A_498, %sub3A_501 : vector<256x40xf32>
    %sub3A_503 = vector.broadcast %slice3A_486 : vector<256x1xf32> to vector<256x40xf32>
    %sub3A_504 = arith.subf %scan3A_47#1, %sub3A_503 : vector<256x40xf32>
    %gt3A_505 = arith.constant 0.000000e+00 : f32
    %gt3A_506 = vector.broadcast %gt3A_505 : f32 to vector<256x40xf32>
    %gt3A_507 = arith.cmpf ogt, %sub3A_504, %gt3A_506 : vector<256x40xf32>
    %ge3A_508 = arith.constant 10 : i32
    %ge3A_509 = vector.broadcast %ge3A_508 : i32 to vector<256x40xi32>
    %ge3A_510 = arith.cmpi sge, %iota3A_40, %ge3A_509 : vector<256x40xi32>
    %and3A_511 = arith.andi %gt3A_507, %ge3A_510 : vector<256x40xi1>
    %abs3A_512 = math.absf %mul3A_502 : vector<256x40xf32>
    %mul3A_513 = arith.mulf %div3A_496, %abs3A_512 : vector<256x40xf32>
    %mul3A_514 = arith.mulf %mul3A_513, %sub3A_489 : vector<256x40xf32>
    %jit3A_515 = arith.constant 0.000000e+00 : f32
    %broadcast_in_dim3A_516 = vector.broadcast %jit3A_515 : f32 to vector<256x40xf32>
    %select_n3A_517 = arith.select %and3A_511, %mul3A_514, %broadcast_in_dim3A_516 : vector<256x40xi1>, vector<256x40xf32>
    %add3A_518 = arith.addf %add3A_484, %select_n3A_517 : vector<256x40xf32>
    %slice3A_519 = vector.extract_strided_slice %scan3A_47#0 {offsets = [0, 4], sizes = [256, 1], strides = [1, 1]} : vector<256x40xf32> to vector<256x1xf32>
    %slice3A_520 = vector.extract_strided_slice %scan3A_47#1 {offsets = [0, 4], sizes = [256, 1], strides = [1, 1]} : vector<256x40xf32> to vector<256x1xf32>
    %slice3A_521 = vector.extract_strided_slice %sub3A_86 {offsets = [0, 4], sizes = [256, 1], strides = [1, 1]} : vector<256x40xf32> to vector<256x1xf32>
    %sub3A_522 = vector.broadcast %slice3A_519 : vector<256x1xf32> to vector<256x40xf32>
    %sub3A_523 = arith.subf %scan3A_47#0, %sub3A_522 : vector<256x40xf32>
    %exp3A_524 = math.exp %sub3A_523 : vector<256x40xf32>
    %add3A_525 = arith.constant 1.000000e+00 : f32
    %add3A_526 = vector.broadcast %add3A_525 : f32 to vector<256x40xf32>
    %add3A_527 = arith.addf %add3A_526, %exp3A_524 : vector<256x40xf32>
    %div3A_528 = arith.constant -1.000000e+00 : f32
    %div3A_529 = vector.broadcast %div3A_528 : f32 to vector<256x40xf32>
    %div3A_530 = arith.divf %div3A_529, %add3A_527 : vector<256x40xf32>
    %sub3A_531 = vector.broadcast %slice3A_521 : vector<256x1xf32> to vector<256x40xf32>
    %sub3A_532 = arith.subf %sub3A_86, %sub3A_531 : vector<256x40xf32>
    %sub3A_533 = arith.constant 0.386852801 : f32
    %sub3A_534 = vector.broadcast %sub3A_533 : f32 to vector<256x40xf32>
    %sub3A_535 = arith.subf %select_n3A_66, %sub3A_534 : vector<256x40xf32>
    %mul3A_536 = arith.mulf %sub3A_532, %sub3A_535 : vector<256x40xf32>
    %sub3A_537 = vector.broadcast %slice3A_520 : vector<256x1xf32> to vector<256x40xf32>
    %sub3A_538 = arith.subf %scan3A_47#1, %sub3A_537 : vector<256x40xf32>
    %gt3A_539 = arith.constant 0.000000e+00 : f32
    %gt3A_540 = vector.broadcast %gt3A_539 : f32 to vector<256x40xf32>
    %gt3A_541 = arith.cmpf ogt, %sub3A_538, %gt3A_540 : vector<256x40xf32>
    %ge3A_542 = arith.constant 10 : i32
    %ge3A_543 = vector.broadcast %ge3A_542 : i32 to vector<256x40xi32>
    %ge3A_544 = arith.cmpi sge, %iota3A_40, %ge3A_543 : vector<256x40xi32>
    %and3A_545 = arith.andi %gt3A_541, %ge3A_544 : vector<256x40xi1>
    %abs3A_546 = math.absf %mul3A_536 : vector<256x40xf32>
    %mul3A_547 = arith.mulf %div3A_530, %abs3A_546 : vector<256x40xf32>
    %mul3A_548 = arith.mulf %mul3A_547, %sub3A_523 : vector<256x40xf32>
    %jit3A_549 = arith.constant 0.000000e+00 : f32
    %broadcast_in_dim3A_550 = vector.broadcast %jit3A_549 : f32 to vector<256x40xf32>
    %select_n3A_551 = arith.select %and3A_545, %mul3A_548, %broadcast_in_dim3A_550 : vector<256x40xi1>, vector<256x40xf32>
    %add3A_552 = arith.addf %add3A_518, %select_n3A_551 : vector<256x40xf32>
    %slice3A_553 = vector.extract_strided_slice %scan3A_47#0 {offsets = [0, 5], sizes = [256, 1], strides = [1, 1]} : vector<256x40xf32> to vector<256x1xf32>
    %slice3A_554 = vector.extract_strided_slice %scan3A_47#1 {offsets = [0, 5], sizes = [256, 1], strides = [1, 1]} : vector<256x40xf32> to vector<256x1xf32>
    %slice3A_555 = vector.extract_strided_slice %sub3A_86 {offsets = [0, 5], sizes = [256, 1], strides = [1, 1]} : vector<256x40xf32> to vector<256x1xf32>
    %sub3A_556 = vector.broadcast %slice3A_553 : vector<256x1xf32> to vector<256x40xf32>
    %sub3A_557 = arith.subf %scan3A_47#0, %sub3A_556 : vector<256x40xf32>
    %exp3A_558 = math.exp %sub3A_557 : vector<256x40xf32>
    %add3A_559 = arith.constant 1.000000e+00 : f32
    %add3A_560 = vector.broadcast %add3A_559 : f32 to vector<256x40xf32>
    %add3A_561 = arith.addf %add3A_560, %exp3A_558 : vector<256x40xf32>
    %div3A_562 = arith.constant -1.000000e+00 : f32
    %div3A_563 = vector.broadcast %div3A_562 : f32 to vector<256x40xf32>
    %div3A_564 = arith.divf %div3A_563, %add3A_561 : vector<256x40xf32>
    %sub3A_565 = vector.broadcast %slice3A_555 : vector<256x1xf32> to vector<256x40xf32>
    %sub3A_566 = arith.subf %sub3A_86, %sub3A_565 : vector<256x40xf32>
    %sub3A_567 = arith.constant 0.356207192 : f32
    %sub3A_568 = vector.broadcast %sub3A_567 : f32 to vector<256x40xf32>
    %sub3A_569 = arith.subf %select_n3A_66, %sub3A_568 : vector<256x40xf32>
    %mul3A_570 = arith.mulf %sub3A_566, %sub3A_569 : vector<256x40xf32>
    %sub3A_571 = vector.broadcast %slice3A_554 : vector<256x1xf32> to vector<256x40xf32>
    %sub3A_572 = arith.subf %scan3A_47#1, %sub3A_571 : vector<256x40xf32>
    %gt3A_573 = arith.constant 0.000000e+00 : f32
    %gt3A_574 = vector.broadcast %gt3A_573 : f32 to vector<256x40xf32>
    %gt3A_575 = arith.cmpf ogt, %sub3A_572, %gt3A_574 : vector<256x40xf32>
    %ge3A_576 = arith.constant 10 : i32
    %ge3A_577 = vector.broadcast %ge3A_576 : i32 to vector<256x40xi32>
    %ge3A_578 = arith.cmpi sge, %iota3A_40, %ge3A_577 : vector<256x40xi32>
    %and3A_579 = arith.andi %gt3A_575, %ge3A_578 : vector<256x40xi1>
    %abs3A_580 = math.absf %mul3A_570 : vector<256x40xf32>
    %mul3A_581 = arith.mulf %div3A_564, %abs3A_580 : vector<256x40xf32>
    %mul3A_582 = arith.mulf %mul3A_581, %sub3A_557 : vector<256x40xf32>
    %jit3A_583 = arith.constant 0.000000e+00 : f32
    %broadcast_in_dim3A_584 = vector.broadcast %jit3A_583 : f32 to vector<256x40xf32>
    %select_n3A_585 = arith.select %and3A_579, %mul3A_582, %broadcast_in_dim3A_584 : vector<256x40xi1>, vector<256x40xf32>
    %add3A_586 = arith.addf %add3A_552, %select_n3A_585 : vector<256x40xf32>
    %slice3A_587 = vector.extract_strided_slice %scan3A_47#0 {offsets = [0, 6], sizes = [256, 1], strides = [1, 1]} : vector<256x40xf32> to vector<256x1xf32>
    %slice3A_588 = vector.extract_strided_slice %scan3A_47#1 {offsets = [0, 6], sizes = [256, 1], strides = [1, 1]} : vector<256x40xf32> to vector<256x1xf32>
    %slice3A_589 = vector.extract_strided_slice %sub3A_86 {offsets = [0, 6], sizes = [256, 1], strides = [1, 1]} : vector<256x40xf32> to vector<256x1xf32>
    %sub3A_590 = vector.broadcast %slice3A_587 : vector<256x1xf32> to vector<256x40xf32>
    %sub3A_591 = arith.subf %scan3A_47#0, %sub3A_590 : vector<256x40xf32>
    %exp3A_592 = math.exp %sub3A_591 : vector<256x40xf32>
    %add3A_593 = arith.constant 1.000000e+00 : f32
    %add3A_594 = vector.broadcast %add3A_593 : f32 to vector<256x40xf32>
    %add3A_595 = arith.addf %add3A_594, %exp3A_592 : vector<256x40xf32>
    %div3A_596 = arith.constant -1.000000e+00 : f32
    %div3A_597 = vector.broadcast %div3A_596 : f32 to vector<256x40xf32>
    %div3A_598 = arith.divf %div3A_597, %add3A_595 : vector<256x40xf32>
    %sub3A_599 = vector.broadcast %slice3A_589 : vector<256x1xf32> to vector<256x40xf32>
    %sub3A_600 = arith.subf %sub3A_86, %sub3A_599 : vector<256x40xf32>
    %sub3A_601 = arith.constant 0.333333343 : f32
    %sub3A_602 = vector.broadcast %sub3A_601 : f32 to vector<256x40xf32>
    %sub3A_603 = arith.subf %select_n3A_66, %sub3A_602 : vector<256x40xf32>
    %mul3A_604 = arith.mulf %sub3A_600, %sub3A_603 : vector<256x40xf32>
    %sub3A_605 = vector.broadcast %slice3A_588 : vector<256x1xf32> to vector<256x40xf32>
    %sub3A_606 = arith.subf %scan3A_47#1, %sub3A_605 : vector<256x40xf32>
    %gt3A_607 = arith.constant 0.000000e+00 : f32
    %gt3A_608 = vector.broadcast %gt3A_607 : f32 to vector<256x40xf32>
    %gt3A_609 = arith.cmpf ogt, %sub3A_606, %gt3A_608 : vector<256x40xf32>
    %ge3A_610 = arith.constant 10 : i32
    %ge3A_611 = vector.broadcast %ge3A_610 : i32 to vector<256x40xi32>
    %ge3A_612 = arith.cmpi sge, %iota3A_40, %ge3A_611 : vector<256x40xi32>
    %and3A_613 = arith.andi %gt3A_609, %ge3A_612 : vector<256x40xi1>
    %abs3A_614 = math.absf %mul3A_604 : vector<256x40xf32>
    %mul3A_615 = arith.mulf %div3A_598, %abs3A_614 : vector<256x40xf32>
    %mul3A_616 = arith.mulf %mul3A_615, %sub3A_591 : vector<256x40xf32>
    %jit3A_617 = arith.constant 0.000000e+00 : f32
    %broadcast_in_dim3A_618 = vector.broadcast %jit3A_617 : f32 to vector<256x40xf32>
    %select_n3A_619 = arith.select %and3A_613, %mul3A_616, %broadcast_in_dim3A_618 : vector<256x40xi1>, vector<256x40xf32>
    %add3A_620 = arith.addf %add3A_586, %select_n3A_619 : vector<256x40xf32>
    %slice3A_621 = vector.extract_strided_slice %scan3A_47#0 {offsets = [0, 7], sizes = [256, 1], strides = [1, 1]} : vector<256x40xf32> to vector<256x1xf32>
    %slice3A_622 = vector.extract_strided_slice %scan3A_47#1 {offsets = [0, 7], sizes = [256, 1], strides = [1, 1]} : vector<256x40xf32> to vector<256x1xf32>
    %slice3A_623 = vector.extract_strided_slice %sub3A_86 {offsets = [0, 7], sizes = [256, 1], strides = [1, 1]} : vector<256x40xf32> to vector<256x1xf32>
    %sub3A_624 = vector.broadcast %slice3A_621 : vector<256x1xf32> to vector<256x40xf32>
    %sub3A_625 = arith.subf %scan3A_47#0, %sub3A_624 : vector<256x40xf32>
    %exp3A_626 = math.exp %sub3A_625 : vector<256x40xf32>
    %add3A_627 = arith.constant 1.000000e+00 : f32
    %add3A_628 = vector.broadcast %add3A_627 : f32 to vector<256x40xf32>
    %add3A_629 = arith.addf %add3A_628, %exp3A_626 : vector<256x40xf32>
    %div3A_630 = arith.constant -1.000000e+00 : f32
    %div3A_631 = vector.broadcast %div3A_630 : f32 to vector<256x40xf32>
    %div3A_632 = arith.divf %div3A_631, %add3A_629 : vector<256x40xf32>
    %sub3A_633 = vector.broadcast %slice3A_623 : vector<256x1xf32> to vector<256x40xf32>
    %sub3A_634 = arith.subf %sub3A_86, %sub3A_633 : vector<256x40xf32>
    %sub3A_635 = arith.constant 0.315464884 : f32
    %sub3A_636 = vector.broadcast %sub3A_635 : f32 to vector<256x40xf32>
    %sub3A_637 = arith.subf %select_n3A_66, %sub3A_636 : vector<256x40xf32>
    %mul3A_638 = arith.mulf %sub3A_634, %sub3A_637 : vector<256x40xf32>
    %sub3A_639 = vector.broadcast %slice3A_622 : vector<256x1xf32> to vector<256x40xf32>
    %sub3A_640 = arith.subf %scan3A_47#1, %sub3A_639 : vector<256x40xf32>
    %gt3A_641 = arith.constant 0.000000e+00 : f32
    %gt3A_642 = vector.broadcast %gt3A_641 : f32 to vector<256x40xf32>
    %gt3A_643 = arith.cmpf ogt, %sub3A_640, %gt3A_642 : vector<256x40xf32>
    %ge3A_644 = arith.constant 10 : i32
    %ge3A_645 = vector.broadcast %ge3A_644 : i32 to vector<256x40xi32>
    %ge3A_646 = arith.cmpi sge, %iota3A_40, %ge3A_645 : vector<256x40xi32>
    %and3A_647 = arith.andi %gt3A_643, %ge3A_646 : vector<256x40xi1>
    %abs3A_648 = math.absf %mul3A_638 : vector<256x40xf32>
    %mul3A_649 = arith.mulf %div3A_632, %abs3A_648 : vector<256x40xf32>
    %mul3A_650 = arith.mulf %mul3A_649, %sub3A_625 : vector<256x40xf32>
    %jit3A_651 = arith.constant 0.000000e+00 : f32
    %broadcast_in_dim3A_652 = vector.broadcast %jit3A_651 : f32 to vector<256x40xf32>
    %select_n3A_653 = arith.select %and3A_647, %mul3A_650, %broadcast_in_dim3A_652 : vector<256x40xi1>, vector<256x40xf32>
    %add3A_654 = arith.addf %add3A_620, %select_n3A_653 : vector<256x40xf32>
    %slice3A_655 = vector.extract_strided_slice %scan3A_47#0 {offsets = [0, 8], sizes = [256, 1], strides = [1, 1]} : vector<256x40xf32> to vector<256x1xf32>
    %slice3A_656 = vector.extract_strided_slice %scan3A_47#1 {offsets = [0, 8], sizes = [256, 1], strides = [1, 1]} : vector<256x40xf32> to vector<256x1xf32>
    %slice3A_657 = vector.extract_strided_slice %sub3A_86 {offsets = [0, 8], sizes = [256, 1], strides = [1, 1]} : vector<256x40xf32> to vector<256x1xf32>
    %sub3A_658 = vector.broadcast %slice3A_655 : vector<256x1xf32> to vector<256x40xf32>
    %sub3A_659 = arith.subf %scan3A_47#0, %sub3A_658 : vector<256x40xf32>
    %exp3A_660 = math.exp %sub3A_659 : vector<256x40xf32>
    %add3A_661 = arith.constant 1.000000e+00 : f32
    %add3A_662 = vector.broadcast %add3A_661 : f32 to vector<256x40xf32>
    %add3A_663 = arith.addf %add3A_662, %exp3A_660 : vector<256x40xf32>
    %div3A_664 = arith.constant -1.000000e+00 : f32
    %div3A_665 = vector.broadcast %div3A_664 : f32 to vector<256x40xf32>
    %div3A_666 = arith.divf %div3A_665, %add3A_663 : vector<256x40xf32>
    %sub3A_667 = vector.broadcast %slice3A_657 : vector<256x1xf32> to vector<256x40xf32>
    %sub3A_668 = arith.subf %sub3A_86, %sub3A_667 : vector<256x40xf32>
    %sub3A_669 = arith.constant 3.010300e-01 : f32
    %sub3A_670 = vector.broadcast %sub3A_669 : f32 to vector<256x40xf32>
    %sub3A_671 = arith.subf %select_n3A_66, %sub3A_670 : vector<256x40xf32>
    %mul3A_672 = arith.mulf %sub3A_668, %sub3A_671 : vector<256x40xf32>
    %sub3A_673 = vector.broadcast %slice3A_656 : vector<256x1xf32> to vector<256x40xf32>
    %sub3A_674 = arith.subf %scan3A_47#1, %sub3A_673 : vector<256x40xf32>
    %gt3A_675 = arith.constant 0.000000e+00 : f32
    %gt3A_676 = vector.broadcast %gt3A_675 : f32 to vector<256x40xf32>
    %gt3A_677 = arith.cmpf ogt, %sub3A_674, %gt3A_676 : vector<256x40xf32>
    %ge3A_678 = arith.constant 10 : i32
    %ge3A_679 = vector.broadcast %ge3A_678 : i32 to vector<256x40xi32>
    %ge3A_680 = arith.cmpi sge, %iota3A_40, %ge3A_679 : vector<256x40xi32>
    %and3A_681 = arith.andi %gt3A_677, %ge3A_680 : vector<256x40xi1>
    %abs3A_682 = math.absf %mul3A_672 : vector<256x40xf32>
    %mul3A_683 = arith.mulf %div3A_666, %abs3A_682 : vector<256x40xf32>
    %mul3A_684 = arith.mulf %mul3A_683, %sub3A_659 : vector<256x40xf32>
    %jit3A_685 = arith.constant 0.000000e+00 : f32
    %broadcast_in_dim3A_686 = vector.broadcast %jit3A_685 : f32 to vector<256x40xf32>
    %select_n3A_687 = arith.select %and3A_681, %mul3A_684, %broadcast_in_dim3A_686 : vector<256x40xi1>, vector<256x40xf32>
    %add3A_688 = arith.addf %add3A_654, %select_n3A_687 : vector<256x40xf32>
    %slice3A_689 = vector.extract_strided_slice %scan3A_47#0 {offsets = [0, 9], sizes = [256, 1], strides = [1, 1]} : vector<256x40xf32> to vector<256x1xf32>
    %slice3A_690 = vector.extract_strided_slice %scan3A_47#1 {offsets = [0, 9], sizes = [256, 1], strides = [1, 1]} : vector<256x40xf32> to vector<256x1xf32>
    %slice3A_691 = vector.extract_strided_slice %sub3A_86 {offsets = [0, 9], sizes = [256, 1], strides = [1, 1]} : vector<256x40xf32> to vector<256x1xf32>
    %sub3A_692 = vector.broadcast %slice3A_689 : vector<256x1xf32> to vector<256x40xf32>
    %sub3A_693 = arith.subf %scan3A_47#0, %sub3A_692 : vector<256x40xf32>
    %exp3A_694 = math.exp %sub3A_693 : vector<256x40xf32>
    %add3A_695 = arith.constant 1.000000e+00 : f32
    %add3A_696 = vector.broadcast %add3A_695 : f32 to vector<256x40xf32>
    %add3A_697 = arith.addf %add3A_696, %exp3A_694 : vector<256x40xf32>
    %div3A_698 = arith.constant -1.000000e+00 : f32
    %div3A_699 = vector.broadcast %div3A_698 : f32 to vector<256x40xf32>
    %div3A_700 = arith.divf %div3A_699, %add3A_697 : vector<256x40xf32>
    %sub3A_701 = vector.broadcast %slice3A_691 : vector<256x1xf32> to vector<256x40xf32>
    %sub3A_702 = arith.subf %sub3A_86, %sub3A_701 : vector<256x40xf32>
    %sub3A_703 = arith.constant 0.289064825 : f32
    %sub3A_704 = vector.broadcast %sub3A_703 : f32 to vector<256x40xf32>
    %sub3A_705 = arith.subf %select_n3A_66, %sub3A_704 : vector<256x40xf32>
    %mul3A_706 = arith.mulf %sub3A_702, %sub3A_705 : vector<256x40xf32>
    %sub3A_707 = vector.broadcast %slice3A_690 : vector<256x1xf32> to vector<256x40xf32>
    %sub3A_708 = arith.subf %scan3A_47#1, %sub3A_707 : vector<256x40xf32>
    %gt3A_709 = arith.constant 0.000000e+00 : f32
    %gt3A_710 = vector.broadcast %gt3A_709 : f32 to vector<256x40xf32>
    %gt3A_711 = arith.cmpf ogt, %sub3A_708, %gt3A_710 : vector<256x40xf32>
    %ge3A_712 = arith.constant 10 : i32
    %ge3A_713 = vector.broadcast %ge3A_712 : i32 to vector<256x40xi32>
    %ge3A_714 = arith.cmpi sge, %iota3A_40, %ge3A_713 : vector<256x40xi32>
    %and3A_715 = arith.andi %gt3A_711, %ge3A_714 : vector<256x40xi1>
    %abs3A_716 = math.absf %mul3A_706 : vector<256x40xf32>
    %mul3A_717 = arith.mulf %div3A_700, %abs3A_716 : vector<256x40xf32>
    %mul3A_718 = arith.mulf %mul3A_717, %sub3A_693 : vector<256x40xf32>
    %jit3A_719 = arith.constant 0.000000e+00 : f32
    %broadcast_in_dim3A_720 = vector.broadcast %jit3A_719 : f32 to vector<256x40xf32>
    %select_n3A_721 = arith.select %and3A_715, %mul3A_718, %broadcast_in_dim3A_720 : vector<256x40xi1>, vector<256x40xf32>
    %add3A_722 = arith.addf %add3A_688, %select_n3A_721 : vector<256x40xf32>
    %reduce_sum3A_723 = arith.constant dense<0.000000e+00> : vector<256xf32>
    %reduce_sum3A_724 = vector.multi_reduction <add>, %add3A_722, %reduce_sum3A_723 [1] : vector<256x40xf32> to vector<256xf32>
    %broadcast_in_dim3A_725 = vector.shape_cast %reduce_sum3A_724 : vector<256xf32> to vector<256x1xf32>
    %mul3A_726 = arith.mulf %broadcast_in_dim3A_725, %div3A_82 : vector<256x1xf32>
    %reduce_sum3A_727 = vector.shape_cast %mul3A_726 : vector<256x1xf32> to vector<1x256x1xf32>
    %reduce_sum3A_728 = arith.constant dense<0.000000e+00> : vector<1xf32>
    %reduce_sum3A_729 = vector.multi_reduction <add>, %reduce_sum3A_727, %reduce_sum3A_728 [1, 2] : vector<1x256x1xf32> to vector<1xf32>
    %reduce_sum3A_730 = vector.shape_cast %reduce_sum3A_729 : vector<1xf32> to vector<1x1x1xf32>
    %reduce_sum3A_731 = vector.extract %reduce_sum3A_730[0, 0, 0] : f32 from vector<1x1x1xf32>
    %eq3A_732 = arith.constant 0 : i32
    %eq3A_733 = arith.cmpi eq, %arg0, %eq3A_732 : i32
    %convert_element_type3A_734 = arith.extui %eq3A_733 : i1 to i32
    %cond3A = arith.constant 0 : i32
    %cond3A_735 = arith.cmpi ne, %convert_element_type3A_734, %cond3A : i32
    scf.if %cond3A_735 {
      %swap3A_743 = arith.constant 0.000000e+00 : f32
      %swap3A_744 = arith.constant 0 : index
      %swap3A_745 = arith.constant 0 : index
      %swap3A_746 = memref.load %arg5[%swap3A_744, %swap3A_745] : memref<1x1xf32, #tpu.memory_space<smem>>
      memref.store %swap3A_743, %arg5[%swap3A_744, %swap3A_745] : memref<1x1xf32, #tpu.memory_space<smem>>
    } else {
    }
    %get3A_736 = arith.constant 0 : index
    %get3A_737 = arith.constant 0 : index
    %get3A_738 = memref.load %arg5[%get3A_736, %get3A_737] : memref<1x1xf32, #tpu.memory_space<smem>>
    %add3A_739 = arith.addf %get3A_738, %reduce_sum3A_731 : f32
    %swap3A_740 = arith.constant 0 : index
    %swap3A_741 = arith.constant 0 : index
    %swap3A_742 = memref.load %arg5[%swap3A_740, %swap3A_741] : memref<1x1xf32, #tpu.memory_space<smem>>
    memref.store %add3A_739, %arg5[%swap3A_740, %swap3A_741] : memref<1x1xf32, #tpu.memory_space<smem>>
    return
  }
  func.func @transform_0(%arg0: i32) -> (i32, i32) {
    %c0_i32 = arith.constant 0 : i32
    %c0_i32_0 = arith.constant 0 : i32
    return %arg0, %c0_i32 : i32, i32
  }
  func.func @transform_1(%arg0: i32) -> (i32, i32) {
    %c0_i32 = arith.constant 0 : i32
    %c0_i32_0 = arith.constant 0 : i32
    %c0_i32_1 = arith.constant 0 : i32
    return %c0_i32, %c0_i32_0 : i32, i32
  }
  func.func @transform_2(%arg0: i32) -> (i32, i32) {
    %c0_i32 = arith.constant 0 : i32
    %c0_i32_0 = arith.constant 0 : i32
    return %arg0, %c0_i32 : i32, i32
  }
  func.func @transform_3(%arg0: i32) -> (i32, i32) {
    %c0_i32 = arith.constant 0 : i32
    %c0_i32_0 = arith.constant 0 : i32
    %c0_i32_1 = arith.constant 0 : i32
    return %c0_i32, %c0_i32_0 : i32, i32
  }
  func.func @transform_4(%arg0: i32) -> (i32, i32) {
    %c0_i32 = arith.constant 0 : i32
    %c0_i32_0 = arith.constant 0 : i32
    %c0_i32_1 = arith.constant 0 : i32
    return %c0_i32, %c0_i32_0 : i32, i32
  }
}

</mosaic_0001>

<sc_bundles>
// kernel: kernel.6.cloned.1.call-start
scs
__scs_entry_jumppad:
0x0: {  	(pc) =	sbr.rel $0x88, $3  }
0x1: {  	(tag) =	ssettag $0x0;
	lr =	simm.s32 $0x1  }
0x2: {  	[smem:$0x3F9F] =	sst lr;
	_ =	strace $0xD0000000  }
0x3: {  	_ = 	snop  }
0x4: {  	_ = 	snop  }
0x5: {  	_ = 	snop  }
0x6: {  	_ = 	snop  }
0x7: {  	_ = 	snop  }
__scs_overlays_trampoline_lowered:
0x8: {  	[smem:$0x3FAE] =	sst s0  }
0x9: {  	[smem:$0x3FAF] =	sst s1  }
0xa: {  	[smem:$0x3FB0] =	sst s2  }
0xb: {  	[smem:$0x3FB1] =	sst s3  }
0xc: {  	[smem:$0x3FB2] =	sst s4  }
0xd: {  	[smem:$0x3FB3] =	sst s5  }
0xe: {  	[smem:$0x3FB4] =	sst s6  }
0xf: {  	[smem:$0x3FB5] =	sst s7  }
0x10: {  	[smem:$0x3FB6] =	sst s8  }
0x11: {  	[smem:$0x3FB7] =	sst s9;
	s0 =	simm.s32 @!p0 $0x0  }
0x12: {  	s1 =	sld [smem:$0x3F9D];
	s0 =	simm.s32 @p0 $0x1  }
0x13: {  	[smem:$0x3FB8] =	sst s0;
	s0 =	simm.s32 @!p1 $0x0  }
0x14: {  	s2 =	sld [smem:$0x3F9C];
	s0 =	simm.s32 @p1 $0x1  }
0x15: {  	[smem:$0x3FB9] =	sst s0;
	s0 =	simm.s32 @!p2 $0x0  }
0x16: {  	s3 =	sld [smem:$0x3FDB];
	s0 =	simm.s32 @p2 $0x1  }
0x17: {  	s4 =	simm.s32 $0x1BF5;
	[smem:$0x3FBB] =	sst s0  }
0x18: {  	s0 =	sld [smem:$0x3F9E];
	_ =	swait.ge [sflag:s4], $0x0  }
0x19: {  	s7 =	sld [smem:$0x3F9F]  }
0x1a: {  	s8 =	sadd.s32 $0xFFFFE003, lr  }
0x1b: {  	s9 =	sadd.s32 $0xFFFFFEF7, lr;
	s5 =	simm.s32 $0xFFFFFFFF;
	p2 =	slt.u32 s8, $0xFFFFF086  }
0x1c: {  	p1 =	slt.u32 s9, $0xF7A;
	s5 =	simm.s32 @!p2 $0x0  }
0x1d: {  	s5 =	simm.s32 @p1 $0x1;
	p0 =	seq.s32 s7, s2  }
0x1e: {  	s7 =	smul.u32 @!p0 $0xF7A, s2;
	p2 =	seq.s32 @!p0 s5, $0x0  }
0x1f: {  	s9 =	smul.u32 $0xF7A, s1;
	s8 =	simm.s32 @!p0 $0x1BF5;
	p2 =	por !p2, p0  }
0x20: {  	[sflag:s8] =	ssyncset.s32 @!p0 $0xFFFFF086;
	s6 =	sadd.s32 @!p0 s3, s7;
	s7 =	simm.s32 @!p0 $0x108  }
0x21: {  	s3 =	sadd.s32 s3, s9;
	s6 =	sadd.s32 @!p0 $0x88, s6;
	s7 =	simm.s32 @p2 $0x1082  }
0x22: {  	[simem:s7], [sflag:s8] =	dma.local @!p0 [hbm:s6], $0xF7A  }
0x23: {  	s9 =	sor.u32 $0xD0000000, s2;
	s6 =	simm.s32 $0x108;
	_ =	swait.ge @!p0 [sflag:s8], $0x0  }
0x24: {  	s3 =	sadd.s32 $0x88, s3;
	s6 =	simm.s32 @!p1 $0x1082;
	[sflag:s4] =	ssyncset.s32 $0xFFFFF086  }
0x25: {  	[simem:s6], [sflag:s4] =	dma.local [hbm:s3], $0xF7A  }
0x26: {  	[smem:$0x3F9F] =	sst s1;
	(tag) =	ssettag s2;
	_ =	strace s9  }
0x27: {  	s1 =	sld [smem:$0x3FAF]  }
0x28: {  	s2 =	sld [smem:$0x3FB0]  }
0x29: {  	s4 =	sld [smem:$0x3FB2]  }
0x2a: {  	p0 =	seq.s32 s5, $0x0;
	s5 =	sld [smem:$0x3FB3]  }
0x2b: {  	s6 =	sld [smem:$0x3FB4]  }
0x2c: {  	s7 =	sld [smem:$0x3FB5]  }
0x2d: {  	s3 =	simm.s32 $0x108;
	s8 =	sld [smem:$0x3FB6]  }
0x2e: {  	s3 =	simm.s32 @!p0 $0x1082;
	s9 =	sld [smem:$0x3FB7]  }
0x2f: {  	lr =	sadd.s32 s0, s3;
	s0 =	sld [smem:$0x3FAE]  }
0x30: {  	s3 =	sld [smem:$0x3FB1]  }
0x31: {  	[smem:$0x3FBA] =	sst s10  }
0x32: {  	s10 =	sld [smem:$0x3FB8];
	_ =	sdelay $0x3  }
0x33: {  	p0 =	seq.s32 s10, $0x1;
	s10 =	sld [smem:$0x3FBA];
	_ =	sdelay $0x3  }
0x34: {  	[smem:$0x3FBA] =	sst s10  }
0x35: {  	s10 =	sld [smem:$0x3FB9];
	_ =	sdelay $0x3  }
0x36: {  	p1 =	seq.s32 s10, $0x1;
	s10 =	sld [smem:$0x3FBA];
	_ =	sdelay $0x3  }
0x37: {  	[smem:$0x3FBA] =	sst s10  }
0x38: {  	s10 =	sld [smem:$0x3FBB]  }
0x39: {  	_ = 	snop;
	(pc) =	sbr.ind lr, $3  }
0x3a: {  	_ = 	snop  }
0x3b: {  	_ = 	snop  }
0x3c: {  	p2 =	seq.s32 s10, $0x1;
	s10 =	sld [smem:$0x3FBA]  }
0x3d: {  	_ =	shalt  }
0x3e: {  	_ =	shalt  }
0x3f: {  	_ =	shalt  }
0x40: {  	_ =	shalt  }
0x41: {  	_ =	shalt  }
0x42: {  	_ =	shalt  }
0x43: {  	_ =	shalt  }
0x44: {  	_ =	shalt  }
0x45: {  	_ =	shalt  }
0x46: {  	_ =	shalt  }
0x47: {  	_ =	shalt  }
0x48: {  	_ =	shalt  }
0x49: {  	_ =	shalt  }
0x4a: {  	_ =	shalt  }
0x4b: {  	_ =	shalt  }
0x4c: {  	_ =	shalt  }
0x4d: {  	_ =	shalt  }
0x4e: {  	_ =	shalt  }
0x4f: {  	_ =	shalt  }
0x50: {  	_ =	shalt  }
0x51: {  	_ =	shalt  }
0x52: {  	_ =	shalt  }
0x53: {  	_ =	shalt  }
0x54: {  	_ =	shalt  }
0x55: {  	_ =	shalt  }
0x56: {  	_ =	shalt  }
0x57: {  	_ =	shalt  }
0x58: {  	_ =	shalt  }
0x59: {  	_ =	shalt  }
0x5a: {  	_ =	shalt  }
0x5b: {  	_ =	shalt  }
0x5c: {  	_ =	shalt  }
0x5d: {  	_ =	shalt  }
0x5e: {  	_ =	shalt  }
0x5f: {  	_ =	shalt  }
0x60: {  	_ =	shalt  }
0x61: {  	_ =	shalt  }
0x62: {  	_ =	shalt  }
0x63: {  	_ =	shalt  }
0x64: {  	_ =	shalt  }
0x65: {  	_ =	shalt  }
0x66: {  	_ =	shalt  }
0x67: {  	_ =	shalt  }
0x68: {  	_ =	shalt  }
0x69: {  	_ =	shalt  }
0x6a: {  	_ =	shalt  }
0x6b: {  	_ =	shalt  }
0x6c: {  	_ =	shalt  }
0x6d: {  	_ =	shalt  }
0x6e: {  	_ =	shalt  }
0x6f: {  	_ =	shalt  }
0x70: {  	_ =	shalt  }
0x71: {  	_ =	shalt  }
0x72: {  	_ =	shalt  }
0x73: {  	_ =	shalt  }
0x74: {  	_ =	shalt  }
0x75: {  	_ =	shalt  }
0x76: {  	_ =	shalt  }
0x77: {  	_ =	shalt  }
0x78: {  	_ =	shalt  }
0x79: {  	_ =	shalt  }
0x7a: {  	_ =	shalt  }
0x7b: {  	_ =	shalt  }
0x7c: {  	_ =	shalt  }
0x7d: {  	_ =	shalt  }
0x7e: {  	_ =	shalt  }
0x7f: {  	_ =	shalt  }
0x80: {  	_ =	shalt  }
0x81: {  	_ =	shalt  }
0x82: {  	_ =	shalt  }
0x83: {  	_ =	shalt  }
0x84: {  	_ =	shalt  }
0x85: {  	_ =	shalt  }
0x86: {  	_ =	shalt  }
0x87: {  	_ =	shalt  }
.Lfunc_end0:
.L_simem_size_0:
called_computation_lowered:
.L_overlay_start_0:
0x88: {  	s2 =	sld [smem:$0x3FD9]  }
0x89: {  	s3 =	sld [smem:$0x3FFE];
	_ =	sdelay $0x1  }
0x8a: {  	s1 =	srdreg.scid  }
0x8b: {  	s0 =	sand.u32 $0x1, s1  }
0x8c: {  	s16 =	sshll.u32 s0, $0xA;
	s2 =	sadd.s32 s3, s2  }
0x8d: {  	s2 =	sadd.s32 s2, s16  }
0x8e: {  	[smem:$0x3FC6] =	sst s2  }
0x8f: {  	_ = 	snop  }
0x90: {  	(tm) =	ssettm $0x1  }
0x91: {  	s17 =	sld [smem:$0x3FFB];
	_ =	sdelay $0x3  }
0x92: {  	_ =	strace s17  }
0x93: {  	s2 =	sld [smem:$0x3FFC];
	_ =	sdelay $0x3  }
0x94: {  	_ =	strace s2  }
0x95: {  	s2 =	sld [smem:$0x3FFD];
	_ =	sdelay $0x3  }
0x96: {  	_ =	strace s2  }
0x97: {  	_ =	strace $0x8FFFFFFF  }
0x98: {  	s18 =	sld [smem:$0x3FDB];
	_ =	sdelay $0x1  }
0x99: {  	s19 =	simm.s32 $_scs_section_size  }
0x9a: {  	s4 =	simm.s32 $_size__tile_overlayer_lowered;
	s5 =	simm.s32 $_tile_overlayer_lowered  }
0x9b: {  	s22 =	simm.s32 $0x1BFF;
	s21 =	sshll.u32 s5, $0x1;
	s2 =	sadd.s32 s19, s18  }
0x9c: {  	s6 =	simm.s32 $0x0;
	s20 =	sshll.u32 s4, $0x1;
	s4 =	sadd.s32 s21, s2  }
0x9d: {  	[timem:s6], [sflag:s22] =	dma.local [hbm:s4], s20  }
0x9e: {  	_ =	swait.ge [sflag:s22], s20  }
0x9f: {  	s3 =	ssub.s32 $0x0, s20;
	[sflag:s22] =	ssyncset.done $0x0  }
0xa0: {  	[sflag:s22] =	ssyncadd.s32 s3;
	_ =	sdelay $0x1  }
0xa1: {  	s23 =	simm.s32 $0x1B8B  }
0xa2: {  	_ =	swait.ge [sflag:s23], $0x1  }
0xa3: {  	[sflag:s23] =	ssyncset.done $0x0  }
0xa4: {  	s25 =	simm.s32 $0x1B8E;
	s24 =	sld [smem:$0x3FFE];
	[sflag:s23] =	ssyncadd.s32 $0xFFFFFFFF  }
0xa5: {  	s26 =	simm.s32 $execute0_lowered;
	[smem:$0x3FD2] =	sst s25  }
0xa6: {  	s4 =	sshll.u32 s26, $0x1;
	_ =	strace $0x80000046;
	[dreg:$0x1] =	wrdreg $0xFFFFFFFF  }
0xa7: {  	s28 =	simm.s32 $_size_execute0_lowered;
	s2 =	sadd.s32 s2, s4;
	[dreg:$0x0] =	wrdreg $0x0  }
0xa8: {  	s4 =	sshll.u32 s28, $0x1;
	[dreg:$0x2] =	wrdreg s2  }
0xa9: {  	[dreg:$0x3] =	wrdreg s4  }
0xaa: {  	[dreg:$0x4] =	wrdreg $0xC0  }
0xab: {  	_ =	task [dreg:s6], $0x5FFFF  }
0xac: {  	[dreg:$0x1] =	wrdreg $0xFFFFFFFF  }
0xad: {  	[dreg:$0x0] =	wrdreg $0x60  }
0xae: {  	[dreg:$0x2] =	wrdreg s24  }
0xaf: {  	[dreg:$0x3] =	wrdreg $0x9  }
0xb0: {  	_ =	task.clear_ibuf [dreg:s6], $0x4FFFF;
	_ =	strace $0x90000046  }
0xb1: {  	s29 =	simm.s32 $0x9;
	_ =	strace $0x80000048  }
0xb2: {  	_ =	swait.ge [sflag:s29], $0x1  }
0xb3: {  	[sflag:s29] =	ssyncadd.s32 $0xFFFFFFFF  }
0xb4: {  	_ =	strace $0x90000048  }
0xb5: {  	_ =	sfence  }
0xb6: {  	s30 =	sld [smem:$0x0];
	_ =	sdelay $0x2  }
0xb7: {  	s31 =	sshll.u32 s1, $0xD;
	s1 =	sshrl.u32 s1, $0x2  }
0xb8: {  	s3 =	sand.u32 $0x4000, s31;
	s1 =	sadd.s32 s1, s30  }
0xb9: {  	s0 =	sor.u32 s3, s0;
	s1 =	sshll.u32 s1, $0x11  }
0xba: {  	s0 =	sor.u32 s1, s0  }
0xbb: {  	s0 =	sadd.s32 $0x8F2B, s0  }
0xbc: {  	[sflag:s0] =	ssyncadd.remote.s32 $0x1  }
0xbd: {  	_ =	sfence.sel $0xFFFF  }
0xbe: {  	[dreg:$0x0] =	wrdreg $0xFFFFFFFF;
	(pc) =	sbr.abs _section_cstart, $3  }
0xbf: {  	[dreg:$0x1] =	wrdreg $0xFFFFFFFF  }
0xc0: {  	_ =	task.clear_ibuf [dreg:s6], $0x2FFFF;
	_ =	strace $0x9FFFFFFF  }
0xc1: {  	(tm) =	ssettm $0x7FFFFFFF  }
tec
execute0_lowered:
.L_overlay_start_1:
0x0: {  	(tag) =	ssettag $0x1  }
0x1: {  	v0 =	vimm.s32 $0x0  }
0x2: {  	vm9 =	vcmask $0x300;
	vm0 =	vcmask $0x704;
	vm7 =	vcmask $0xB08  }
0x3: {  	vm8 =	vcmask $0xF0C;
	vm6 =	vcmask $0x1310;
	vm3 =	vcmask $0x1714  }
0x4: {  	vm4 =	vcmask $0x1B18;
	vm1 =	vcmask $0x1F1C;
	v1 =	vimm.f32 $-0.0e+00  }
0x5: {  	vm5 =	vcmask $0x2320;
	vm2 =	vcmask $0x2724;
	v3 =	vsel vm9, $0xBF800000, v1  }
0x6: {  	s1 =	srdreg.scid;
	s0 =	stileid.u32;
	v2 =	vlaneseq.u32;
	v5 =	vimm.f32 $-1.000000020e+30;
	v4 =	vsel vm0, $0xBF21849D, v3  }
0x7: {  	s4 =	rddreg [dreg:$0x0];
	s6 =	simm.s32 $0x400;
	s7 =	simm.s32 $0x1000;
	v8 =	vimm.f32 $1.000000000e+00;
	v6 =	vsel vm7, $0xBF000000, v4;
	v4 =	vimm.f32 $0.0e+00  }
0x8: {  	s8 =	simm.s32 $0x2000;
	s9 =	simm.s32 $0x4200;
	s10 =	simm.s32 $0x3080;
	v9 =	vimm.f32 $3.010300100e-01;
	v1 =	vimm.s32 $0x1;
	v7 =	vsel vm9, $0x3F800000, v4  }
0x9: {  	s2 =	simm.s32 $0x0;
	s11 =	simm.s32 $0x4280;
	s12 =	simm.s32 $0x4400;
	v8 =	vsel vm0, $0x3F21849D, v8;
	v9 =	vsel vm0, $0x3E94004E, v9;
	v7 =	vsel vm0, $0x3F21849D, v7  }
0xa: {  	s13 =	simm.s32 $0x4300;
	s14 =	simm.s32 $0x4380;
	s18 =	simm.s32 $0x4500;
	v3 =	vor.u32 $0x80000000, v2;
	v8 =	vsel vm7, $0x3F000000, v8;
	v7 =	vsel vm7, $0x3F000000, v7  }
0xb: {  	s15 =	sand.u32 $0x1, s1;
	s3 =	sshll.u32 s0, $0x1;
	[smem:$0x7FF] =	sst s2;
	v8 =	vsel vm8, $0x3EDC81A3, v8;
	v6 =	vsel vm8, $0xBEDC81A3, v6;
	v7 =	vsel vm8, $0x3EDC81A3, v7  }
0xc: {  	s1 =	rddreg [dreg:$0x1];
	s16 =	sor.u32 s15, s3;
	_ =	strace $0x80000047;
	v8 =	vsel vm6, $0x3EC61192, v8;
	v6 =	vsel vm6, $0xBEC61192, v6;
	v7 =	vsel vm6, $0x3EC61192, v7  }
0xd: {  	s19 =	simm.s32 $0x4480;
	s3 =	sadd.s32 $0x800, s4;
	s5 =	sshll.u32 s16, $0x4;
	v8 =	vsel vm3, $0x3EB660CA, v8;
	v6 =	vsel vm3, $0xBEB660CA, v6;
	v7 =	vsel vm3, $0x3EB660CA, v7  }
0xe: {  	s15 =	ssub.s32 $0x2, s15;
	s5 =	sadd.s32 s5, s4;
	s4 =	sadd.s32 $0x60800, s4;
	vm0 =	vcmask $0x3F28;
	v6 =	vsel vm4, $0xBEAAAAAB, v6;
	v7 =	vsel vm4, $0x3EAAAAAB, v7  }
0xf: {  	s17 =	sshrl.u32 s15, $0x1;
	v8 =	vsel vm4, $0x3EAAAAAB, v8;
	v6 =	vsel vm1, $0xBEA1849D, v6;
	v7 =	vsel vm1, $0x3EA1849D, v7  }
0x10: {  	s20 =	simm.s32 $0x0;
	s17 =	ssub.s32 s15, s17;
	s15 =	smul.u32 $0x18, s16;
	v8 =	vsel vm1, $0x3EA1849D, v8;
	v6 =	vsel vm5, $0xBE9A209B, v6;
	v7 =	vsel vm5, $0x3E9A209B, v7  }
0x11: {  	s5 =	sadd.s32 $0xC0800, s5;
	s16 =	smax.u32 s17, $0x1;
	s17 =	simm.s32 $0x1;
	v8 =	vcombine.low v8, v9;
	v6 =	vsel vm2, $0xBE94004E, v6;
	v7 =	vsel vm2, $0x3E94004E, v7  }
.LBB2_1:
0x12: {  	[tilespmem:$0x4280] =	vst v0  }
0x13: {  	[tilespmem:$0x4200] =	vst v4  }
0x14: {  	[tilespmem:$0x4290] =	vst v0  }
0x15: {  	[tilespmem:$0x4210] =	vst v4  }
0x16: {  	[tilespmem:$0x42A0] =	vst v0  }
0x17: {  	[tilespmem:$0x4220] =	vst v4  }
0x18: {  	[tilespmem:$0x4500] =	vst v7;
	v9 =	vimm.f32 $0.0e+00;
	s21 =	simm.s32 $0x0  }
.LBB2_2:
0x19: {  	s22 =	sadd.s32 s15, s21  }
0x1a: {  	s24 =	sshll.u32 s21, $0x4;
	s23 =	sshll.u32 s22, $0x9  }
0x1b: {  	s24 =	sand.u32 $0x70, s24;
	s23 =	sand.u32 $0xFFFF000, s23  }
0x1c: {  	s24 =	sor.u32 s24, s23  }
0x1d: {  	s23 =	simm.s32 $0x80;
	s25 =	sadd.s32 s4, s24  }
0x1e: {  	[tilespmem:s2], [sflag:$0x1] =	stream.strided.gather [hbm4b:s25+s23], $0x1000, s6, s23, $0x38;
	[tilespmem:$0x4580] =	vst v63  }
0x1f: {  	_ =	swait.ge [sflag:s17], $0x1000  }
0x20: {  	[sflag:s17] =	ssyncset.done $0x0  }
0x21: {  	s24 =	sadd.s32 s3, s24;
	[sflag:s17] =	ssyncadd.s32 $0xFFFFF000  }
0x22: {  	[tilespmem:s7], [sflag:$0x1] =	stream.strided.gather [hbm4b:s24+s23], $0x1000, s6, s23, $0x38;
	[tilespmem:$0x4580] =	vst v63  }
0x23: {  	_ =	swait.ge [sflag:s17], $0x1000  }
0x24: {  	[sflag:s17] =	ssyncset.done $0x0  }
0x25: {  	[sflag:s17] =	ssyncadd.s32 $0xFFFFF000  }
0x26: {  	[tilespmem:$0x4100] =	vst v0  }
0x27: {  	[tilespmem:$0x4110] =	vst v0  }
0x28: {  	[tilespmem:$0x4120] =	vst v0  }
0x29: {  	[tilespmem:$0x4130] =	vst v0  }
0x2a: {  	[tilespmem:$0x4140] =	vst v0  }
0x2b: {  	[tilespmem:$0x4150] =	vst v0  }
0x2c: {  	[tilespmem:$0x4160] =	vst v0  }
0x2d: {  	[tilespmem:$0x4170] =	vst v0  }
0x2e: {  	[tilespmem:$0x4180] =	vst v0  }
0x2f: {  	[tilespmem:$0x4190] =	vst v0  }
0x30: {  	[tilespmem:$0x41A0] =	vst v0  }
0x31: {  	[tilespmem:$0x41B0] =	vst v0  }
0x32: {  	[tilespmem:$0x41C0] =	vst v0  }
0x33: {  	[tilespmem:$0x41D0] =	vst v0  }
0x34: {  	[tilespmem:$0x41E0] =	vst v0  }
0x35: {  	s24 =	simm.s32 $0xFFFFFFF0;
	[tilespmem:$0x41F0] =	vst v0  }
.LBB2_3:
0x36: {  	v10 =	vld [tilespmem:s23+$0xFFFFFF80];
	_ =	sdelay $0x4  }
0x37: {  	v10 =	vsub.f32 $1.000000000e+01, v10;
	_ =	sdelay $0x1  }
0x38: {  	v10 =	vmul.f32 $2.560000040e+01, v10;
	_ =	sdelay $0x1  }
0x39: {  	v10 =	vmax.f32 v10, $0.0e+00  }
0x3a: {  	v10 =	vmin.f32 v10, $2.550000000e+02  }
0x3b: {  	v10 =	vtrunc.f32 v10  }
0x3c: {  	v10 =	vcvt.f32.s32 v10;
	_ =	sdelay $0x4  }
0x3d: {  	s25 =	simm.s32 $0x4100  }
0x3e: {  	[tilespmem:v10+s25+$0x0] =	vst.idx.add.s32.msk $0xffff, v1  }
0x3f: {  	v10 =	vld [tilespmem:s23+$0xFFFFFF90];
	_ =	sdelay $0x4  }
0x40: {  	v10 =	vsub.f32 $1.000000000e+01, v10;
	_ =	sdelay $0x1  }
0x41: {  	v10 =	vmul.f32 $2.560000040e+01, v10;
	_ =	sdelay $0x1  }
0x42: {  	v10 =	vmax.f32 v10, $0.0e+00  }
0x43: {  	v10 =	vmin.f32 v10, $2.550000000e+02  }
0x44: {  	v10 =	vtrunc.f32 v10  }
0x45: {  	v10 =	vcvt.f32.s32 v10;
	_ =	sdelay $0x5  }
0x46: {  	[tilespmem:v10+s25+$0x0] =	vst.idx.add.s32.msk $0xffff, v1  }
0x47: {  	v10 =	vld [tilespmem:s23+$0xFFFFFFA0];
	_ =	sdelay $0x4  }
0x48: {  	v10 =	vsub.f32 $1.000000000e+01, v10;
	_ =	sdelay $0x1  }
0x49: {  	v10 =	vmul.f32 $2.560000040e+01, v10;
	_ =	sdelay $0x1  }
0x4a: {  	v10 =	vmax.f32 v10, $0.0e+00  }
0x4b: {  	v10 =	vmin.f32 v10, $2.550000000e+02  }
0x4c: {  	v10 =	vtrunc.f32 v10  }
0x4d: {  	v10 =	vcvt.f32.s32 v10;
	_ =	sdelay $0x5  }
0x4e: {  	[tilespmem:v10+s25+$0x0] =	vst.idx.add.s32.msk $0xffff, v1  }
0x4f: {  	v10 =	vld [tilespmem:s23+$0xFFFFFFB0];
	_ =	sdelay $0x4  }
0x50: {  	v10 =	vsub.f32 $1.000000000e+01, v10;
	_ =	sdelay $0x1  }
0x51: {  	v10 =	vmul.f32 $2.560000040e+01, v10;
	_ =	sdelay $0x1  }
0x52: {  	v10 =	vmax.f32 v10, $0.0e+00  }
0x53: {  	v10 =	vmin.f32 v10, $2.550000000e+02  }
0x54: {  	v10 =	vtrunc.f32 v10  }
0x55: {  	v10 =	vcvt.f32.s32 v10;
	_ =	sdelay $0x5  }
0x56: {  	[tilespmem:v10+s25+$0x0] =	vst.idx.add.s32.msk $0xffff, v1  }
0x57: {  	v10 =	vld [tilespmem:s23+$0xFFFFFFC0];
	_ =	sdelay $0x4  }
0x58: {  	v10 =	vsub.f32 $1.000000000e+01, v10;
	_ =	sdelay $0x1  }
0x59: {  	v10 =	vmul.f32 $2.560000040e+01, v10;
	_ =	sdelay $0x1  }
0x5a: {  	v10 =	vmax.f32 v10, $0.0e+00  }
0x5b: {  	v10 =	vmin.f32 v10, $2.550000000e+02  }
0x5c: {  	v10 =	vtrunc.f32 v10  }
0x5d: {  	v10 =	vcvt.f32.s32 v10;
	_ =	sdelay $0x5  }
0x5e: {  	[tilespmem:v10+s25+$0x0] =	vst.idx.add.s32.msk $0xffff, v1  }
0x5f: {  	v10 =	vld [tilespmem:s23+$0xFFFFFFD0];
	_ =	sdelay $0x4  }
0x60: {  	v10 =	vsub.f32 $1.000000000e+01, v10;
	_ =	sdelay $0x1  }
0x61: {  	v10 =	vmul.f32 $2.560000040e+01, v10;
	_ =	sdelay $0x1  }
0x62: {  	v10 =	vmax.f32 v10, $0.0e+00  }
0x63: {  	v10 =	vmin.f32 v10, $2.550000000e+02  }
0x64: {  	v10 =	vtrunc.f32 v10  }
0x65: {  	v10 =	vcvt.f32.s32 v10;
	_ =	sdelay $0x5  }
0x66: {  	[tilespmem:v10+s25+$0x0] =	vst.idx.add.s32.msk $0xffff, v1  }
0x67: {  	v10 =	vld [tilespmem:s23+$0xFFFFFFE0];
	_ =	sdelay $0x4  }
0x68: {  	v10 =	vsub.f32 $1.000000000e+01, v10;
	_ =	sdelay $0x1  }
0x69: {  	v10 =	vmul.f32 $2.560000040e+01, v10;
	_ =	sdelay $0x1  }
0x6a: {  	v10 =	vmax.f32 v10, $0.0e+00  }
0x6b: {  	v10 =	vmin.f32 v10, $2.550000000e+02  }
0x6c: {  	v10 =	vtrunc.f32 v10  }
0x6d: {  	v10 =	vcvt.f32.s32 v10;
	_ =	sdelay $0x5  }
0x6e: {  	[tilespmem:v10+s25+$0x0] =	vst.idx.add.s32.msk $0xffff, v1  }
0x6f: {  	v10 =	vld [tilespmem:s23+$0xFFFFFFF0];
	_ =	sdelay $0x4  }
0x70: {  	v10 =	vsub.f32 $1.000000000e+01, v10;
	_ =	sdelay $0x1  }
0x71: {  	v10 =	vmul.f32 $2.560000040e+01, v10;
	_ =	sdelay $0x1  }
0x72: {  	v10 =	vmax.f32 v10, $0.0e+00  }
0x73: {  	v10 =	vmin.f32 v10, $2.550000000e+02  }
0x74: {  	v10 =	vtrunc.f32 v10  }
0x75: {  	v10 =	vcvt.f32.s32 v10;
	_ =	sdelay $0x5  }
0x76: {  	[tilespmem:v10+s25+$0x0] =	vst.idx.add.s32.msk $0xffff, v1  }
0x77: {  	v10 =	vld [tilespmem:s23+$0x0];
	_ =	sdelay $0x4  }
0x78: {  	v10 =	vsub.f32 $1.000000000e+01, v10;
	_ =	sdelay $0x1  }
0x79: {  	v10 =	vmul.f32 $2.560000040e+01, v10;
	_ =	sdelay $0x1  }
0x7a: {  	v10 =	vmax.f32 v10, $0.0e+00  }
0x7b: {  	v10 =	vmin.f32 v10, $2.550000000e+02  }
0x7c: {  	v10 =	vtrunc.f32 v10  }
0x7d: {  	v10 =	vcvt.f32.s32 v10;
	_ =	sdelay $0x5  }
0x7e: {  	[tilespmem:v10+s25+$0x0] =	vst.idx.add.s32.msk $0xffff, v1  }
0x7f: {  	v10 =	vld [tilespmem:s23+$0x10];
	_ =	sdelay $0x4  }
0x80: {  	v10 =	vsub.f32 $1.000000000e+01, v10;
	_ =	sdelay $0x1  }
0x81: {  	v10 =	vmul.f32 $2.560000040e+01, v10;
	_ =	sdelay $0x1  }
0x82: {  	v10 =	vmax.f32 v10, $0.0e+00  }
0x83: {  	v10 =	vmin.f32 v10, $2.550000000e+02  }
0x84: {  	v10 =	vtrunc.f32 v10  }
0x85: {  	v10 =	vcvt.f32.s32 v10;
	_ =	sdelay $0x5  }
0x86: {  	[tilespmem:v10+s25+$0x0] =	vst.idx.add.s32.msk $0xffff, v1  }
0x87: {  	v10 =	vld [tilespmem:s23+$0x20];
	_ =	sdelay $0x4  }
0x88: {  	v10 =	vsub.f32 $1.000000000e+01, v10;
	_ =	sdelay $0x1  }
0x89: {  	v10 =	vmul.f32 $2.560000040e+01, v10;
	_ =	sdelay $0x1  }
0x8a: {  	v10 =	vmax.f32 v10, $0.0e+00  }
0x8b: {  	v10 =	vmin.f32 v10, $2.550000000e+02  }
0x8c: {  	v10 =	vtrunc.f32 v10  }
0x8d: {  	v10 =	vcvt.f32.s32 v10;
	_ =	sdelay $0x5  }
0x8e: {  	[tilespmem:v10+s25+$0x0] =	vst.idx.add.s32.msk $0xffff, v1  }
0x8f: {  	v10 =	vld [tilespmem:s23+$0x30];
	_ =	sdelay $0x4  }
0x90: {  	v10 =	vsub.f32 $1.000000000e+01, v10;
	_ =	sdelay $0x1  }
0x91: {  	v10 =	vmul.f32 $2.560000040e+01, v10;
	_ =	sdelay $0x1  }
0x92: {  	v10 =	vmax.f32 v10, $0.0e+00  }
0x93: {  	v10 =	vmin.f32 v10, $2.550000000e+02  }
0x94: {  	v10 =	vtrunc.f32 v10  }
0x95: {  	v10 =	vcvt.f32.s32 v10;
	_ =	sdelay $0x5  }
0x96: {  	[tilespmem:v10+s25+$0x0] =	vst.idx.add.s32.msk $0xffff, v1  }
0x97: {  	v10 =	vld [tilespmem:s23+$0x40];
	_ =	sdelay $0x4  }
0x98: {  	v10 =	vsub.f32 $1.000000000e+01, v10;
	_ =	sdelay $0x1  }
0x99: {  	v10 =	vmul.f32 $2.560000040e+01, v10;
	_ =	sdelay $0x1  }
0x9a: {  	v10 =	vmax.f32 v10, $0.0e+00  }
0x9b: {  	v10 =	vmin.f32 v10, $2.550000000e+02  }
0x9c: {  	v10 =	vtrunc.f32 v10  }
0x9d: {  	v10 =	vcvt.f32.s32 v10;
	_ =	sdelay $0x5  }
0x9e: {  	[tilespmem:v10+s25+$0x0] =	vst.idx.add.s32.msk $0xffff, v1  }
0x9f: {  	v10 =	vld [tilespmem:s23+$0x50];
	_ =	sdelay $0x4  }
0xa0: {  	v10 =	vsub.f32 $1.000000000e+01, v10;
	_ =	sdelay $0x1  }
0xa1: {  	v10 =	vmul.f32 $2.560000040e+01, v10;
	_ =	sdelay $0x1  }
0xa2: {  	v10 =	vmax.f32 v10, $0.0e+00  }
0xa3: {  	v10 =	vmin.f32 v10, $2.550000000e+02  }
0xa4: {  	v10 =	vtrunc.f32 v10  }
0xa5: {  	v10 =	vcvt.f32.s32 v10;
	_ =	sdelay $0x5  }
0xa6: {  	[tilespmem:v10+s25+$0x0] =	vst.idx.add.s32.msk $0xffff, v1  }
0xa7: {  	v10 =	vld [tilespmem:s23+$0x60];
	_ =	sdelay $0x4  }
0xa8: {  	v10 =	vsub.f32 $1.000000000e+01, v10;
	_ =	sdelay $0x1  }
0xa9: {  	v10 =	vmul.f32 $2.560000040e+01, v10;
	_ =	sdelay $0x1  }
0xaa: {  	v10 =	vmax.f32 v10, $0.0e+00  }
0xab: {  	v10 =	vmin.f32 v10, $2.550000000e+02  }
0xac: {  	v10 =	vtrunc.f32 v10  }
0xad: {  	v10 =	vcvt.f32.s32 v10;
	_ =	sdelay $0x5  }
0xae: {  	[tilespmem:v10+s25+$0x0] =	vst.idx.add.s32.msk $0xffff, v1  }
0xaf: {  	v10 =	vld [tilespmem:s23+$0x70];
	_ =	sdelay $0x4  }
0xb0: {  	v10 =	vsub.f32 $1.000000000e+01, v10;
	_ =	sdelay $0x1  }
0xb1: {  	v10 =	vmul.f32 $2.560000040e+01, v10;
	_ =	sdelay $0x1  }
0xb2: {  	v10 =	vmax.f32 v10, $0.0e+00  }
0xb3: {  	v10 =	vmin.f32 v10, $2.550000000e+02  }
0xb4: {  	v10 =	vtrunc.f32 v10  }
0xb5: {  	s24 =	sadd.s32 $0x10, s24;
	v10 =	vcvt.f32.s32 v10  }
0xb6: {  	p0 =	slt.u32 s24, $0xF0  }
.Ltmp0:
0xb7: {  	_ = 	snop;
	(pc) =	sbr.rel @p0 .LBB2_3-.Ltmp0, $2  }
0xb8: {  	_ =	sdelay $0x2  }
0xb9: {  	s26 =	simm.s32 $0x100000;
	s28 =	simm.s32 $0x0;
	s23 =	sadd.s32 $0x100, s23;
	[tilespmem:v10+s25+$0x0] =	vst.idx.add.s32.msk $0xffff, v1  }
0xba: {  	v10 =	vld [tilespmem:s25+$0x0];
	_ =	sdelay $0x4  }
0xbb: {  	(xrf0) =	vadd.scan.msk.s32 $0xffff, v10;
	_ =	sdelay $0x5  }
0xbc: {  	v10, _, _ =	vpop (xrf0)  }
0xbd: {  	v10 =	vadd.s32 s28, v10  }
0xbe: {  	v11 =	vor.u32 s28, v3;
	vm1 =	vgt.s32 v10, $0x27  }
0xbf: {  	(v2sf) =	vpush v10, $0xF;
	v10 =	vnsel vm1, $0x80100000, v11  }
0xc0: {  	(xrf0) =	vmin.scan.msk.u32 $0xffff, v10;
	_ =	sdelay $0x5  }
0xc1: {  	v11, _, _ =	vpop (xrf0)  }
0xc2: {  	s23 =	simm.s32 $0x4110;
	(v2sf) =	vpush v11, $0xF  }
0xc3: {  	v10 =	vld [tilespmem:s23+$0x0];
	_ =	sdelay $0x4  }
0xc4: {  	(xrf0) =	vadd.scan.msk.s32 $0xffff, v10;
	_ =	sdelay $0x5  }
0xc5: {  	v10, _, _ =	vpop (xrf0);
	s30 =	spop (v2sf)  }
0xc6: {  	s24 =	simm.s32 $0x10;
	v10 =	vadd.s32 s30, v10  }
0xc7: {  	v11 =	vor.u32 s24, v3;
	vm1 =	vgt.s32 v10, $0x27  }
0xc8: {  	v11 =	vnsel vm1, $0x80100000, v11;
	s31 =	spop (v2sf);
	(v2sf) =	vpush v10, $0xF  }
0xc9: {  	(xrf0) =	vmin.scan.msk.u32 $0xffff, v11  }
0xca: {  	s23 =	simm.s32 $0x4120  }
0xcb: {  	v11 =	vld [tilespmem:s23+$0x0];
	_ =	sdelay $0x3  }
0xcc: {  	v10, _, _ =	vpop (xrf0);
	s28 =	sxor.u32 $0x80000000, s31  }
0xcd: {  	s25 =	simm.s32 $0x30;
	s24 =	simm.s32 $0x20;
	(xrf0) =	vadd.scan.msk.s32 $0xffff, v11;
	(v2sf) =	vpush v10, $0xF;
	p1 =	sgt.s32 s28, $0x100000  }
.LBB2_5:
0xce: {  	s29 =	smov.u32 s26;
	p0 =	seq.s32 s25, $0xF0;
	s26 =	smov.u32 s28  }
0xcf: {  	s28 =	smov.u32 s25;
	s25 =	sadd.s32 $0x10, s25;
	s26 =	smov.u32 @p1 s29  }
0xd0: {  	_ =	sdelay $0x3  }
0xd1: {  	v10, _, _ =	vpop (xrf0);
	s29 =	spop (v2sf)  }
0xd2: {  	v10 =	vadd.s32 s29, v10  }
0xd3: {  	v11 =	vor.u32 s24, v3;
	s24 =	smov.u32 s28;
	vm1 =	vgt.s32 v10, $0x27;
	(v2sf) =	vpush v10, $0xF  }
0xd4: {  	v10 =	vnsel vm1, $0x80100000, v11  }
0xd5: {  	(xrf0) =	vmin.scan.msk.u32 $0xffff, v10  }
0xd6: {  	s23 =	sadd.s32 $0x10, s23  }
0xd7: {  	v10 =	vld [tilespmem:s23+$0x0]  }
.Ltmp1:
0xd8: {  	(pc) =	sbr.rel @!p0 .LBB2_5-.Ltmp1, $4  }
0xd9: {  	_ = 	snop  }
0xda: {  	s28 =	spop (v2sf)  }
0xdb: {  	v11, _, _ =	vpop (xrf0);
	s28 =	sxor.u32 $0x80000000, s28  }
0xdc: {  	(xrf0) =	vadd.scan.msk.s32 $0xffff, v10;
	(v2sf) =	vpush v11, $0xF;
	p1 =	slt.s32 s26, s28  }
0xdd: {  	_ =	sdelay $0x4  }
0xde: {  	v10, _, _ =	vpop (xrf0);
	s23 =	spop (v2sf)  }
0xdf: {  	v10 =	vadd.s32 s23, v10  }
0xe0: {  	v11 =	vor.u32 s24, v3;
	vm1 =	vgt.s32 v10, $0x27  }
0xe1: {  	v11 =	vnsel vm1, $0x80100000, v11  }
0xe2: {  	(xrf0) =	vmin.scan.msk.u32 $0xffff, v11;
	_ =	sdelay $0x5  }
0xe3: {  	(v2sf) =	vpush v10, $0xF;
	v10, _, _ =	vpop (xrf0)  }
0xe4: {  	(v2sf) =	vpush v10, $0xF;
	_ =	sdelay $0xc  }
0xe5: {  	s30 =	spop (v2sf)  }
0xe6: {  	s28 =	smov.u32 @p1 s26;
	s24 =	sxor.u32 $0x80000000, s30;
	s31 =	spop (v2sf)  }
0xe7: {  	p0 =	slt.s32 s28, s24;
	s23 =	spop (v2sf)  }
0xe8: {  	s24 =	smov.u32 @p0 s28;
	s23 =	sxor.u32 $0x80000000, s23  }
0xe9: {  	p0 =	slt.s32 s24, s23  }
0xea: {  	s26 =	simm.s32 $0x0;
	s23 =	smov.u32 @p0 s24  }
0xeb: {  	s25 =	simm.s32 $0x40;
	s24 =	simm.s32 $0x70;
	v10 =	vmov s23;
	s23 =	simm.s32 $0xFFFFFFF8  }
.LBB2_7:
0xec: {  	v11 =	vld [tilespmem:s25+$0xFFFFFFC0];
	_ =	sdelay $0x4  }
0xed: {  	v12 =	vsub.f32 $1.000000000e+01, v11;
	_ =	sdelay $0x1  }
0xee: {  	v12 =	vmul.f32 $2.560000040e+01, v12;
	_ =	sdelay $0x1  }
0xef: {  	v12 =	vmax.f32 v12, $0.0e+00  }
0xf0: {  	v12 =	vmin.f32 v12, $2.550000000e+02  }
0xf1: {  	v12 =	vtrunc.f32 v12  }
0xf2: {  	v12 =	vcvt.f32.s32 v12;
	_ =	sdelay $0x1  }
0xf3: {  	vm1 =	vge.s32 v10, v12  }
0xf4: {  	v13 =	vmpcnt.ones.xlane vm1;
	_ =	sdelay $0x1  }
0xf5: {  	(v2sf) =	vpush v13, $0x0;
	_ =	sdelay $0xe  }
0xf6: {  	s28 =	spop (v2sf)  }
0xf7: {  	p0 =	slt.s32 s28, $0x1  }
0xf8: {  	vm1 =	vge.s32 @!p0 v10, v12;
	v12 =	vimm.s32 @!p0 $0x0  }
0xf9: {  	v12 =	vsel @!p0 vm1, $0x1, v12  }
0xfa: {  	(xrf0) =	vadd.scan.msk.s32 @!p0 $0xffff, v12;
	_ =	sdelay $0x2  }
0xfb: {  	v12 =	vmov @!p0 s26  }
0xfc: {  	v12 =	vadd.s32 @!p0 $0xFFFFFFFF, v12  }
0xfd: {  	v12 =	vbroadcast @!p0 v12, $0x0  }
0xfe: {  	v13, _, _ =	vpop @!p0 (xrf0)  }
0xff: {  	v12 =	vadd.s32 @!p0 v13, v12;
	_ =	sdelay $0x3  }
0x100: {  	s29 =	sadd.s32 $0xFFFFFF90, s24;
	s30 =	simm.s32 @!p0 $0x2000;
	v13 =	vlaneseq.u32 @!p0  }
0x101: {  	[tilespmem:v12+s30+$0x0] =	vst.idx.msk @!p0 vm1, v11;
	v11 =	vor.u32 @!p0 s29, v13;
	s29 =	simm.s32 @!p0 $0x3080  }
0x102: {  	[tilespmem:v12+s29+$0x0] =	vst.idx.msk @!p0 vm1, v11  }
0x103: {  	v11 =	vld [tilespmem:s25+$0xFFFFFFD0];
	_ =	sdelay $0x4  }
0x104: {  	v50 =	vsub.f32 $1.000000000e+01, v11;
	_ =	sdelay $0x1  }
0x105: {  	v12 =	vmul.f32 $2.560000040e+01, v50;
	_ =	sdelay $0x1  }
0x106: {  	v12 =	vmax.f32 v12, $0.0e+00  }
0x107: {  	v12 =	vmin.f32 v12, $2.550000000e+02  }
0x108: {  	v12 =	vtrunc.f32 v12  }
0x109: {  	v12 =	vcvt.f32.s32 v12;
	_ =	sdelay $0x1  }
0x10a: {  	vm1 =	vge.s32 v10, v12  }
0x10b: {  	v51 =	vmpcnt.ones.xlane vm1;
	_ =	sdelay $0x1  }
0x10c: {  	(v2sf) =	vpush v51, $0x0;
	_ =	sdelay $0xe  }
0x10d: {  	s31 =	spop (v2sf)  }
0x10e: {  	p0 =	slt.s32 s31, $0x1  }
0x10f: {  	vm1 =	vge.s32 @!p0 v10, v12;
	v12 =	vimm.s32 @!p0 $0x0  }
0x110: {  	v12 =	vsel @!p0 vm1, $0x1, v12  }
0x111: {  	(xrf0) =	vadd.scan.msk.s32 @!p0 $0xffff, v12;
	_ =	sdelay $0x1  }
0x112: {  	s26 =	sadd.s32 s26, s28  }
0x113: {  	v12 =	vmov @!p0 s26  }
0x114: {  	v12 =	vadd.s32 @!p0 $0xFFFFFFFF, v12  }
0x115: {  	v12 =	vbroadcast @!p0 v12, $0x0  }
0x116: {  	v13, _, _ =	vpop @!p0 (xrf0)  }
0x117: {  	v12 =	vadd.s32 @!p0 v13, v12;
	_ =	sdelay $0x3  }
0x118: {  	s28 =	sadd.s32 @!p0 $0xFFFFFFA0, s24;
	s30 =	simm.s32 @!p0 $0x2000;
	v13 =	vlaneseq.u32 @!p0  }
0x119: {  	[tilespmem:v12+s30+$0x0] =	vst.idx.msk @!p0 vm1, v11;
	v11 =	vor.u32 @!p0 s28, v13;
	s28 =	simm.s32 @!p0 $0x3080  }
0x11a: {  	[tilespmem:v12+s28+$0x0] =	vst.idx.msk @!p0 vm1, v11  }
0x11b: {  	v11 =	vld [tilespmem:s25+$0xFFFFFFE0];
	_ =	sdelay $0x4  }
0x11c: {  	v52 =	vsub.f32 $1.000000000e+01, v11;
	_ =	sdelay $0x1  }
0x11d: {  	v12 =	vmul.f32 $2.560000040e+01, v52;
	_ =	sdelay $0x1  }
0x11e: {  	v12 =	vmax.f32 v12, $0.0e+00  }
0x11f: {  	v12 =	vmin.f32 v12, $2.550000000e+02  }
0x120: {  	v12 =	vtrunc.f32 v12  }
0x121: {  	v12 =	vcvt.f32.s32 v12;
	_ =	sdelay $0x1  }
0x122: {  	vm1 =	vge.s32 v10, v12  }
0x123: {  	v53 =	vmpcnt.ones.xlane vm1;
	_ =	sdelay $0x1  }
0x124: {  	(v2sf) =	vpush v53, $0x0;
	_ =	sdelay $0xe  }
0x125: {  	s28 =	spop (v2sf)  }
0x126: {  	p0 =	slt.s32 s28, $0x1  }
0x127: {  	vm1 =	vge.s32 @!p0 v10, v12;
	v12 =	vimm.s32 @!p0 $0x0  }
0x128: {  	v12 =	vsel @!p0 vm1, $0x1, v12  }
0x129: {  	(xrf0) =	vadd.scan.msk.s32 @!p0 $0xffff, v12;
	_ =	sdelay $0x1  }
0x12a: {  	s26 =	sadd.s32 s26, s31  }
0x12b: {  	v12 =	vmov @!p0 s26  }
0x12c: {  	v12 =	vadd.s32 @!p0 $0xFFFFFFFF, v12  }
0x12d: {  	v12 =	vbroadcast @!p0 v12, $0x0  }
0x12e: {  	v13, _, _ =	vpop @!p0 (xrf0)  }
0x12f: {  	v12 =	vadd.s32 @!p0 v13, v12;
	_ =	sdelay $0x3  }
0x130: {  	s29 =	sadd.s32 @!p0 $0xFFFFFFB0, s24;
	s30 =	simm.s32 @!p0 $0x2000;
	v13 =	vlaneseq.u32 @!p0  }
0x131: {  	[tilespmem:v12+s30+$0x0] =	vst.idx.msk @!p0 vm1, v11;
	v11 =	vor.u32 @!p0 s29, v13;
	s29 =	simm.s32 @!p0 $0x3080  }
0x132: {  	[tilespmem:v12+s29+$0x0] =	vst.idx.msk @!p0 vm1, v11  }
0x133: {  	v11 =	vld [tilespmem:s25+$0xFFFFFFF0];
	_ =	sdelay $0x4  }
0x134: {  	v54 =	vsub.f32 $1.000000000e+01, v11;
	_ =	sdelay $0x1  }
0x135: {  	v12 =	vmul.f32 $2.560000040e+01, v54;
	_ =	sdelay $0x1  }
0x136: {  	v12 =	vmax.f32 v12, $0.0e+00  }
0x137: {  	v12 =	vmin.f32 v12, $2.550000000e+02  }
0x138: {  	v12 =	vtrunc.f32 v12  }
0x139: {  	v12 =	vcvt.f32.s32 v12;
	_ =	sdelay $0x1  }
0x13a: {  	vm1 =	vge.s32 v10, v12  }
0x13b: {  	v55 =	vmpcnt.ones.xlane vm1;
	_ =	sdelay $0x1  }
0x13c: {  	(v2sf) =	vpush v55, $0x0;
	_ =	sdelay $0xe  }
0x13d: {  	s31 =	spop (v2sf)  }
0x13e: {  	p0 =	slt.s32 s31, $0x1  }
0x13f: {  	vm1 =	vge.s32 @!p0 v10, v12;
	v12 =	vimm.s32 @!p0 $0x0  }
0x140: {  	v12 =	vsel @!p0 vm1, $0x1, v12  }
0x141: {  	(xrf0) =	vadd.scan.msk.s32 @!p0 $0xffff, v12;
	_ =	sdelay $0x1  }
0x142: {  	s26 =	sadd.s32 s26, s28  }
0x143: {  	v12 =	vmov @!p0 s26  }
0x144: {  	v12 =	vadd.s32 @!p0 $0xFFFFFFFF, v12  }
0x145: {  	v12 =	vbroadcast @!p0 v12, $0x0  }
0x146: {  	v13, _, _ =	vpop @!p0 (xrf0)  }
0x147: {  	v12 =	vadd.s32 @!p0 v13, v12;
	_ =	sdelay $0x3  }
0x148: {  	s28 =	sadd.s32 @!p0 $0xFFFFFFC0, s24;
	s30 =	simm.s32 @!p0 $0x2000;
	v13 =	vlaneseq.u32 @!p0  }
0x149: {  	[tilespmem:v12+s30+$0x0] =	vst.idx.msk @!p0 vm1, v11;
	v11 =	vor.u32 @!p0 s28, v13;
	s28 =	simm.s32 @!p0 $0x3080  }
0x14a: {  	[tilespmem:v12+s28+$0x0] =	vst.idx.msk @!p0 vm1, v11  }
0x14b: {  	v11 =	vld [tilespmem:s25+$0x0];
	_ =	sdelay $0x4  }
0x14c: {  	v56 =	vsub.f32 $1.000000000e+01, v11;
	_ =	sdelay $0x1  }
0x14d: {  	v12 =	vmul.f32 $2.560000040e+01, v56;
	_ =	sdelay $0x1  }
0x14e: {  	v12 =	vmax.f32 v12, $0.0e+00  }
0x14f: {  	v12 =	vmin.f32 v12, $2.550000000e+02  }
0x150: {  	v12 =	vtrunc.f32 v12  }
0x151: {  	v12 =	vcvt.f32.s32 v12;
	_ =	sdelay $0x1  }
0x152: {  	vm1 =	vge.s32 v10, v12  }
0x153: {  	v57 =	vmpcnt.ones.xlane vm1;
	_ =	sdelay $0x1  }
0x154: {  	(v2sf) =	vpush v57, $0x0;
	_ =	sdelay $0xe  }
0x155: {  	s28 =	spop (v2sf)  }
0x156: {  	p0 =	slt.s32 s28, $0x1  }
0x157: {  	vm1 =	vge.s32 @!p0 v10, v12;
	v12 =	vimm.s32 @!p0 $0x0  }
0x158: {  	v12 =	vsel @!p0 vm1, $0x1, v12  }
0x159: {  	(xrf0) =	vadd.scan.msk.s32 @!p0 $0xffff, v12;
	_ =	sdelay $0x1  }
0x15a: {  	s26 =	sadd.s32 s26, s31  }
0x15b: {  	v12 =	vmov @!p0 s26  }
0x15c: {  	v12 =	vadd.s32 @!p0 $0xFFFFFFFF, v12  }
0x15d: {  	v12 =	vbroadcast @!p0 v12, $0x0  }
0x15e: {  	v13, _, _ =	vpop @!p0 (xrf0)  }
0x15f: {  	v12 =	vadd.s32 @!p0 v13, v12;
	_ =	sdelay $0x3  }
0x160: {  	s29 =	sadd.s32 @!p0 $0xFFFFFFD0, s24;
	s30 =	simm.s32 @!p0 $0x2000;
	v13 =	vlaneseq.u32 @!p0  }
0x161: {  	[tilespmem:v12+s30+$0x0] =	vst.idx.msk @!p0 vm1, v11;
	v11 =	vor.u32 @!p0 s29, v13;
	s29 =	simm.s32 @!p0 $0x3080  }
0x162: {  	[tilespmem:v12+s29+$0x0] =	vst.idx.msk @!p0 vm1, v11  }
0x163: {  	v11 =	vld [tilespmem:s25+$0x10];
	_ =	sdelay $0x4  }
0x164: {  	v58 =	vsub.f32 $1.000000000e+01, v11;
	_ =	sdelay $0x1  }
0x165: {  	v12 =	vmul.f32 $2.560000040e+01, v58;
	_ =	sdelay $0x1  }
0x166: {  	v12 =	vmax.f32 v12, $0.0e+00  }
0x167: {  	v12 =	vmin.f32 v12, $2.550000000e+02  }
0x168: {  	v12 =	vtrunc.f32 v12  }
0x169: {  	v12 =	vcvt.f32.s32 v12;
	_ =	sdelay $0x1  }
0x16a: {  	vm1 =	vge.s32 v10, v12  }
0x16b: {  	v59 =	vmpcnt.ones.xlane vm1;
	_ =	sdelay $0x1  }
0x16c: {  	(v2sf) =	vpush v59, $0x0;
	_ =	sdelay $0xe  }
0x16d: {  	s31 =	spop (v2sf)  }
0x16e: {  	p0 =	slt.s32 s31, $0x1  }
0x16f: {  	vm1 =	vge.s32 @!p0 v10, v12;
	v12 =	vimm.s32 @!p0 $0x0  }
0x170: {  	v12 =	vsel @!p0 vm1, $0x1, v12  }
0x171: {  	(xrf0) =	vadd.scan.msk.s32 @!p0 $0xffff, v12;
	_ =	sdelay $0x1  }
0x172: {  	s26 =	sadd.s32 s26, s28  }
0x173: {  	v12 =	vmov @!p0 s26  }
0x174: {  	v12 =	vadd.s32 @!p0 $0xFFFFFFFF, v12  }
0x175: {  	v12 =	vbroadcast @!p0 v12, $0x0  }
0x176: {  	v13, _, _ =	vpop @!p0 (xrf0)  }
0x177: {  	v12 =	vadd.s32 @!p0 v13, v12;
	_ =	sdelay $0x3  }
0x178: {  	s28 =	sadd.s32 @!p0 $0xFFFFFFE0, s24;
	s30 =	simm.s32 @!p0 $0x2000;
	v13 =	vlaneseq.u32 @!p0  }
0x179: {  	[tilespmem:v12+s30+$0x0] =	vst.idx.msk @!p0 vm1, v11;
	v11 =	vor.u32 @!p0 s28, v13;
	s28 =	simm.s32 @!p0 $0x3080  }
0x17a: {  	[tilespmem:v12+s28+$0x0] =	vst.idx.msk @!p0 vm1, v11  }
0x17b: {  	v11 =	vld [tilespmem:s25+$0x20];
	_ =	sdelay $0x4  }
0x17c: {  	v60 =	vsub.f32 $1.000000000e+01, v11;
	_ =	sdelay $0x1  }
0x17d: {  	v12 =	vmul.f32 $2.560000040e+01, v60;
	_ =	sdelay $0x1  }
0x17e: {  	v12 =	vmax.f32 v12, $0.0e+00  }
0x17f: {  	v12 =	vmin.f32 v12, $2.550000000e+02  }
0x180: {  	v12 =	vtrunc.f32 v12  }
0x181: {  	v12 =	vcvt.f32.s32 v12;
	_ =	sdelay $0x1  }
0x182: {  	vm1 =	vge.s32 v10, v12  }
0x183: {  	v61 =	vmpcnt.ones.xlane vm1;
	_ =	sdelay $0x1  }
0x184: {  	(v2sf) =	vpush v61, $0x0;
	_ =	sdelay $0xe  }
0x185: {  	s28 =	spop (v2sf)  }
0x186: {  	p0 =	slt.s32 s28, $0x1  }
0x187: {  	vm1 =	vge.s32 @!p0 v10, v12;
	v12 =	vimm.s32 @!p0 $0x0  }
0x188: {  	v12 =	vsel @!p0 vm1, $0x1, v12  }
0x189: {  	(xrf0) =	vadd.scan.msk.s32 @!p0 $0xffff, v12;
	_ =	sdelay $0x1  }
0x18a: {  	s26 =	sadd.s32 s26, s31  }
0x18b: {  	v12 =	vmov @!p0 s26  }
0x18c: {  	v12 =	vadd.s32 @!p0 $0xFFFFFFFF, v12  }
0x18d: {  	v12 =	vbroadcast @!p0 v12, $0x0  }
0x18e: {  	v13, _, _ =	vpop @!p0 (xrf0)  }
0x18f: {  	v12 =	vadd.s32 @!p0 v13, v12;
	_ =	sdelay $0x3  }
0x190: {  	s29 =	sadd.s32 @!p0 $0xFFFFFFF0, s24;
	s30 =	simm.s32 @!p0 $0x2000;
	v13 =	vlaneseq.u32 @!p0  }
0x191: {  	[tilespmem:v12+s30+$0x0] =	vst.idx.msk @!p0 vm1, v11;
	v11 =	vor.u32 @!p0 s29, v13;
	s29 =	simm.s32 @!p0 $0x3080  }
0x192: {  	[tilespmem:v12+s29+$0x0] =	vst.idx.msk @!p0 vm1, v11  }
0x193: {  	v11 =	vld [tilespmem:s25+$0x30];
	_ =	sdelay $0x4  }
0x194: {  	v62 =	vsub.f32 $1.000000000e+01, v11;
	_ =	sdelay $0x1  }
0x195: {  	v12 =	vmul.f32 $2.560000040e+01, v62;
	_ =	sdelay $0x1  }
0x196: {  	v12 =	vmax.f32 v12, $0.0e+00  }
0x197: {  	v12 =	vmin.f32 v12, $2.550000000e+02  }
0x198: {  	v12 =	vtrunc.f32 v12  }
0x199: {  	v12 =	vcvt.f32.s32 v12;
	_ =	sdelay $0x1  }
0x19a: {  	vm1 =	vge.s32 v10, v12  }
0x19b: {  	v63 =	vmpcnt.ones.xlane vm1;
	_ =	sdelay $0x1  }
0x19c: {  	(v2sf) =	vpush v63, $0x0;
	_ =	sdelay $0xe  }
0x19d: {  	s31 =	spop (v2sf)  }
0x19e: {  	p0 =	slt.s32 s31, $0x1  }
0x19f: {  	vm1 =	vge.s32 @!p0 v10, v12;
	v12 =	vimm.s32 @!p0 $0x0  }
0x1a0: {  	v12 =	vsel @!p0 vm1, $0x1, v12  }
0x1a1: {  	(xrf0) =	vadd.scan.msk.s32 @!p0 $0xffff, v12;
	_ =	sdelay $0x1  }
0x1a2: {  	s26 =	sadd.s32 s26, s28  }
0x1a3: {  	v12 =	vmov @!p0 s26  }
0x1a4: {  	v12 =	vadd.s32 @!p0 $0xFFFFFFFF, v12  }
0x1a5: {  	v12 =	vbroadcast @!p0 v12, $0x0  }
0x1a6: {  	v13, _, _ =	vpop @!p0 (xrf0)  }
0x1a7: {  	s23 =	sadd.s32 $0x8, s23;
	v12 =	vadd.s32 @!p0 v13, v12  }
0x1a8: {  	p1 =	slt.u32 s23, $0xF8  }
.Ltmp2:
0x1a9: {  	_ = 	snop;
	(pc) =	sbr.rel @p1 .LBB2_7-.Ltmp2, $4  }
0x1aa: {  	_ = 	snop  }
0x1ab: {  	s28 =	simm.s32 @!p0 $0x2000;
	v13 =	vlaneseq.u32 @!p0  }
0x1ac: {  	[tilespmem:v12+s28+$0x0] =	vst.idx.msk @!p0 vm1, v11;
	v11 =	vor.u32 @!p0 s24, v13;
	s28 =	simm.s32 @!p0 $0x3080  }
0x1ad: {  	s25 =	sadd.s32 $0x80, s25;
	s26 =	sadd.s32 s26, s31;
	s24 =	sadd.s32 $0x80, s24;
	[tilespmem:v12+s28+$0x0] =	vst.idx.msk @!p0 vm1, v11  }
0x1ae: {  	s23 =	sadd.s32 $0xF, s26  }
0x1af: {  	s24 =	sand.u32 $0xF, s23  }
0x1b0: {  	v10 =	vadd.s32 s26, v2;
	s25 =	sshra.s32 s23, $0x1F;
	p0 =	slt.s32 s23, $0x1;
	p1 =	sne.s32 s24, $0x0  }
.Ltmp3:
0x1b1: {  	s31 =	sshrl.u32 s25, $0x1C;
	p0 =	por !p0, !p1;
	(pc) =	sbr.rel .LBB2_9-.Ltmp3, $4  }
0x1b2: {  	s24 =	simm.s32 $0x1;
	s23 =	sadd.s32 s31, s23;
	p0 =	por !p0, !p0  }
0x1b3: {  	s23 =	sshra.s32 s23, $0x4;
	s24 =	simm.s32 @!p0 $0x0  }
0x1b4: {  	s23 =	ssub.s32 s23, s24  }
0x1b5: {  	s25 =	simm.s32 $0x0;
	[tilespmem:v10+s8+$0x0] =	vst.idx.msk $0xffff, v5;
	s24 =	simm.s32 $0x0;
	p0 =	slt.s32 s23, $0x1  }
.LBB2_10:
0x1b6: {  	v11 =	vimm.s32 $0x80000000  }
.LBB2_14:
0x1b7: {  	(xrf0) =	vmax.scan.msk.f32 $0xffff, v10;
	_ =	sdelay $0x5  }
0x1b8: {  	v12, _, _ =	vpop (xrf0)  }
0x1b9: {  	v12 =	vbroadcast v12, $0xF;
	_ =	sdelay $0x1  }
0x1ba: {  	vm1 =	veq.f32 v10, v12  }
0x1bb: {  	v10 =	vnsel vm1, $0x80100000, v11  }
0x1bc: {  	(xrf0) =	vmin.scan.msk.u32 $0xffff, v10;
	_ =	sdelay $0x5  }
0x1bd: {  	v10, _, _ =	vpop (xrf0)  }
0x1be: {  	(v2sf) =	vpush v10, $0xF;
	_ =	sdelay $0xe  }
0x1bf: {  	s26 =	spop (v2sf)  }
0x1c0: {  	v10 =	vmov s25;
	s26 =	sxor.u32 $0x80000000, s26  }
0x1c1: {  	v11 =	vmov s26;
	_ =	sdelay $0x3  }
0x1c2: {  	[tilespmem:v10+s9+$0x0] =	vst.idx.msk $0x1, v12  }
0x1c3: {  	s25 =	sadd.s32 $0x1, s25;
	v12 =	vld.idx.msk [tilespmem:v11+s10+$0x0], $0xffff  }
0x1c4: {  	p1 =	sne.s32 s25, $0x28  }
.Ltmp4:
0x1c5: {  	_ = 	snop;
	(pc) =	sbr.rel @!p1 .LBB2_15-.Ltmp4, $3  }
0x1c6: {  	_ =	sdelay $0x1  }
0x1c7: {  	[tilespmem:v10+s11+$0x0] =	vst.idx.msk $0x1, v12  }
0x1c8: {  	[tilespmem:v11+s8+$0x0] =	vst.idx.msk $0x1, v5  }
.LBB2_9:
.Ltmp5:
0x1c9: {  	(pc) =	sbr.rel @p0 .LBB2_10-.Ltmp5, $2  }
0x1ca: {  	_ =	sdelay $0x2  }
0x1cb: {  	v10 =	vimm.f32 $-1.000000020e+30  }
0x1cc: {  	s26 =	simm.s32 $0x2000  }
0x1cd: {  	p1 =	sne.s32 s23, $0x1;
	v11 =	vld [tilespmem:s26+$0x0]  }
.Ltmp6:
0x1ce: {  	_ = 	snop;
	(pc) =	sbr.rel @!p1 .LBB2_13-.Ltmp6, $2  }
0x1cf: {  	_ =	sdelay $0x2  }
0x1d0: {  	v12 =	vimm.s32 $0x0;
	v13 =	vor.u32 s24, v2;
	s28 =	simm.s32 $0x2010;
	s29 =	simm.s32 $0x0;
	s26 =	sadd.s32 $0xFFFFFFFF, s23;
	vm1 =	vgt.f32 v11, v10  }
.LBB2_12:
0x1d1: {  	p1 =	sne.s32 s26, $0x1;
	s26 =	sadd.s32 $0xFFFFFFFF, s26;
	v10 =	vsel vm1, v11, v10;
	v11 =	vld [tilespmem:s28+$0x0];
	v12 =	vsel vm1, v13, v12  }
.Ltmp7:
0x1d2: {  	(pc) =	sbr.rel @p1 .LBB2_12-.Ltmp7, $3  }
0x1d3: {  	_ =	sdelay $0x1  }
0x1d4: {  	s29 =	sadd.s32 $0x10, s29  }
0x1d5: {  	s28 =	sadd.s32 $0x10, s28;
	v13 =	vor.u32 s29, v2;
	vm1 =	vgt.f32 v11, v10  }
.LBB2_13:
.Ltmp8:
0x1d6: {  	(pc) =	sbr.rel .LBB2_14-.Ltmp8, $3  }
0x1d7: {  	_ =	sdelay $0x1  }
0x1d8: {  	v12 =	vsel vm1, v13, v12  }
0x1d9: {  	v10 =	vsel vm1, v11, v10;
	v11 =	vxor.u32 $0x80000000, v12  }
.LBB2_15:
0x1da: {  	[tilespmem:$0x4100] =	vst v0  }
0x1db: {  	[tilespmem:$0x4110] =	vst v0  }
0x1dc: {  	[tilespmem:$0x4120] =	vst v0  }
0x1dd: {  	[tilespmem:$0x4130] =	vst v0  }
0x1de: {  	[tilespmem:$0x4140] =	vst v0  }
0x1df: {  	[tilespmem:$0x4150] =	vst v0  }
0x1e0: {  	[tilespmem:$0x4160] =	vst v0  }
0x1e1: {  	[tilespmem:$0x4170] =	vst v0  }
0x1e2: {  	[tilespmem:$0x4180] =	vst v0  }
0x1e3: {  	[tilespmem:$0x4190] =	vst v0  }
0x1e4: {  	[tilespmem:$0x41A0] =	vst v0  }
0x1e5: {  	[tilespmem:$0x41B0] =	vst v0  }
0x1e6: {  	[tilespmem:$0x41C0] =	vst v0  }
0x1e7: {  	[tilespmem:$0x41D0] =	vst v0  }
0x1e8: {  	[tilespmem:$0x41E0] =	vst v0  }
0x1e9: {  	[tilespmem:$0x41F0] =	vst v0;
	s23 =	simm.s32 $0xFFFFFFF0;
	s24 =	simm.s32 $0x1080  }
.LBB2_16:
0x1ea: {  	v10 =	vld [tilespmem:s24+$0xFFFFFF80];
	_ =	sdelay $0x4  }
0x1eb: {  	v10 =	vsub.f32 $1.000000000e+01, v10;
	_ =	sdelay $0x1  }
0x1ec: {  	v10 =	vmul.f32 $2.560000040e+01, v10;
	_ =	sdelay $0x1  }
0x1ed: {  	v10 =	vmax.f32 v10, $0.0e+00  }
0x1ee: {  	v10 =	vmin.f32 v10, $2.550000000e+02  }
0x1ef: {  	v10 =	vtrunc.f32 v10  }
0x1f0: {  	v10 =	vcvt.f32.s32 v10;
	_ =	sdelay $0x4  }
0x1f1: {  	s25 =	simm.s32 $0x4100  }
0x1f2: {  	[tilespmem:v10+s25+$0x0] =	vst.idx.add.s32.msk $0xffff, v1  }
0x1f3: {  	v10 =	vld [tilespmem:s24+$0xFFFFFF90];
	_ =	sdelay $0x4  }
0x1f4: {  	v10 =	vsub.f32 $1.000000000e+01, v10;
	_ =	sdelay $0x1  }
0x1f5: {  	v10 =	vmul.f32 $2.560000040e+01, v10;
	_ =	sdelay $0x1  }
0x1f6: {  	v10 =	vmax.f32 v10, $0.0e+00  }
0x1f7: {  	v10 =	vmin.f32 v10, $2.550000000e+02  }
0x1f8: {  	v10 =	vtrunc.f32 v10  }
0x1f9: {  	v10 =	vcvt.f32.s32 v10;
	_ =	sdelay $0x5  }
0x1fa: {  	[tilespmem:v10+s25+$0x0] =	vst.idx.add.s32.msk $0xffff, v1  }
0x1fb: {  	v10 =	vld [tilespmem:s24+$0xFFFFFFA0];
	_ =	sdelay $0x4  }
0x1fc: {  	v10 =	vsub.f32 $1.000000000e+01, v10;
	_ =	sdelay $0x1  }
0x1fd: {  	v10 =	vmul.f32 $2.560000040e+01, v10;
	_ =	sdelay $0x1  }
0x1fe: {  	v10 =	vmax.f32 v10, $0.0e+00  }
0x1ff: {  	v10 =	vmin.f32 v10, $2.550000000e+02  }
0x200: {  	v10 =	vtrunc.f32 v10  }
0x201: {  	v10 =	vcvt.f32.s32 v10;
	_ =	sdelay $0x5  }
0x202: {  	[tilespmem:v10+s25+$0x0] =	vst.idx.add.s32.msk $0xffff, v1  }
0x203: {  	v10 =	vld [tilespmem:s24+$0xFFFFFFB0];
	_ =	sdelay $0x4  }
0x204: {  	v10 =	vsub.f32 $1.000000000e+01, v10;
	_ =	sdelay $0x1  }
0x205: {  	v10 =	vmul.f32 $2.560000040e+01, v10;
	_ =	sdelay $0x1  }
0x206: {  	v10 =	vmax.f32 v10, $0.0e+00  }
0x207: {  	v10 =	vmin.f32 v10, $2.550000000e+02  }
0x208: {  	v10 =	vtrunc.f32 v10  }
0x209: {  	v10 =	vcvt.f32.s32 v10;
	_ =	sdelay $0x5  }
0x20a: {  	[tilespmem:v10+s25+$0x0] =	vst.idx.add.s32.msk $0xffff, v1  }
0x20b: {  	v10 =	vld [tilespmem:s24+$0xFFFFFFC0];
	_ =	sdelay $0x4  }
0x20c: {  	v10 =	vsub.f32 $1.000000000e+01, v10;
	_ =	sdelay $0x1  }
0x20d: {  	v10 =	vmul.f32 $2.560000040e+01, v10;
	_ =	sdelay $0x1  }
0x20e: {  	v10 =	vmax.f32 v10, $0.0e+00  }
0x20f: {  	v10 =	vmin.f32 v10, $2.550000000e+02  }
0x210: {  	v10 =	vtrunc.f32 v10  }
0x211: {  	v10 =	vcvt.f32.s32 v10;
	_ =	sdelay $0x5  }
0x212: {  	[tilespmem:v10+s25+$0x0] =	vst.idx.add.s32.msk $0xffff, v1  }
0x213: {  	v10 =	vld [tilespmem:s24+$0xFFFFFFD0];
	_ =	sdelay $0x4  }
0x214: {  	v10 =	vsub.f32 $1.000000000e+01, v10;
	_ =	sdelay $0x1  }
0x215: {  	v10 =	vmul.f32 $2.560000040e+01, v10;
	_ =	sdelay $0x1  }
0x216: {  	v10 =	vmax.f32 v10, $0.0e+00  }
0x217: {  	v10 =	vmin.f32 v10, $2.550000000e+02  }
0x218: {  	v10 =	vtrunc.f32 v10  }
0x219: {  	v10 =	vcvt.f32.s32 v10;
	_ =	sdelay $0x5  }
0x21a: {  	[tilespmem:v10+s25+$0x0] =	vst.idx.add.s32.msk $0xffff, v1  }
0x21b: {  	v10 =	vld [tilespmem:s24+$0xFFFFFFE0];
	_ =	sdelay $0x4  }
0x21c: {  	v10 =	vsub.f32 $1.000000000e+01, v10;
	_ =	sdelay $0x1  }
0x21d: {  	v10 =	vmul.f32 $2.560000040e+01, v10;
	_ =	sdelay $0x1  }
0x21e: {  	v10 =	vmax.f32 v10, $0.0e+00  }
0x21f: {  	v10 =	vmin.f32 v10, $2.550000000e+02  }
0x220: {  	v10 =	vtrunc.f32 v10  }
0x221: {  	v10 =	vcvt.f32.s32 v10;
	_ =	sdelay $0x5  }
0x222: {  	[tilespmem:v10+s25+$0x0] =	vst.idx.add.s32.msk $0xffff, v1  }
0x223: {  	v10 =	vld [tilespmem:s24+$0xFFFFFFF0];
	_ =	sdelay $0x4  }
0x224: {  	v10 =	vsub.f32 $1.000000000e+01, v10;
	_ =	sdelay $0x1  }
0x225: {  	v10 =	vmul.f32 $2.560000040e+01, v10;
	_ =	sdelay $0x1  }
0x226: {  	v10 =	vmax.f32 v10, $0.0e+00  }
0x227: {  	v10 =	vmin.f32 v10, $2.550000000e+02  }
0x228: {  	v10 =	vtrunc.f32 v10  }
0x229: {  	v10 =	vcvt.f32.s32 v10;
	_ =	sdelay $0x5  }
0x22a: {  	[tilespmem:v10+s25+$0x0] =	vst.idx.add.s32.msk $0xffff, v1  }
0x22b: {  	v10 =	vld [tilespmem:s24+$0x0];
	_ =	sdelay $0x4  }
0x22c: {  	v10 =	vsub.f32 $1.000000000e+01, v10;
	_ =	sdelay $0x1  }
0x22d: {  	v10 =	vmul.f32 $2.560000040e+01, v10;
	_ =	sdelay $0x1  }
0x22e: {  	v10 =	vmax.f32 v10, $0.0e+00  }
0x22f: {  	v10 =	vmin.f32 v10, $2.550000000e+02  }
0x230: {  	v10 =	vtrunc.f32 v10  }
0x231: {  	v10 =	vcvt.f32.s32 v10;
	_ =	sdelay $0x5  }
0x232: {  	[tilespmem:v10+s25+$0x0] =	vst.idx.add.s32.msk $0xffff, v1  }
0x233: {  	v10 =	vld [tilespmem:s24+$0x10];
	_ =	sdelay $0x4  }
0x234: {  	v10 =	vsub.f32 $1.000000000e+01, v10;
	_ =	sdelay $0x1  }
0x235: {  	v10 =	vmul.f32 $2.560000040e+01, v10;
	_ =	sdelay $0x1  }
0x236: {  	v10 =	vmax.f32 v10, $0.0e+00  }
0x237: {  	v10 =	vmin.f32 v10, $2.550000000e+02  }
0x238: {  	v10 =	vtrunc.f32 v10  }
0x239: {  	v10 =	vcvt.f32.s32 v10;
	_ =	sdelay $0x5  }
0x23a: {  	[tilespmem:v10+s25+$0x0] =	vst.idx.add.s32.msk $0xffff, v1  }
0x23b: {  	v10 =	vld [tilespmem:s24+$0x20];
	_ =	sdelay $0x4  }
0x23c: {  	v10 =	vsub.f32 $1.000000000e+01, v10;
	_ =	sdelay $0x1  }
0x23d: {  	v10 =	vmul.f32 $2.560000040e+01, v10;
	_ =	sdelay $0x1  }
0x23e: {  	v10 =	vmax.f32 v10, $0.0e+00  }
0x23f: {  	v10 =	vmin.f32 v10, $2.550000000e+02  }
0x240: {  	v10 =	vtrunc.f32 v10  }
0x241: {  	v10 =	vcvt.f32.s32 v10;
	_ =	sdelay $0x5  }
0x242: {  	[tilespmem:v10+s25+$0x0] =	vst.idx.add.s32.msk $0xffff, v1  }
0x243: {  	v10 =	vld [tilespmem:s24+$0x30];
	_ =	sdelay $0x4  }
0x244: {  	v10 =	vsub.f32 $1.000000000e+01, v10;
	_ =	sdelay $0x1  }
0x245: {  	v10 =	vmul.f32 $2.560000040e+01, v10;
	_ =	sdelay $0x1  }
0x246: {  	v10 =	vmax.f32 v10, $0.0e+00  }
0x247: {  	v10 =	vmin.f32 v10, $2.550000000e+02  }
0x248: {  	v10 =	vtrunc.f32 v10  }
0x249: {  	v10 =	vcvt.f32.s32 v10;
	_ =	sdelay $0x5  }
0x24a: {  	[tilespmem:v10+s25+$0x0] =	vst.idx.add.s32.msk $0xffff, v1  }
0x24b: {  	v10 =	vld [tilespmem:s24+$0x40];
	_ =	sdelay $0x4  }
0x24c: {  	v10 =	vsub.f32 $1.000000000e+01, v10;
	_ =	sdelay $0x1  }
0x24d: {  	v10 =	vmul.f32 $2.560000040e+01, v10;
	_ =	sdelay $0x1  }
0x24e: {  	v10 =	vmax.f32 v10, $0.0e+00  }
0x24f: {  	v10 =	vmin.f32 v10, $2.550000000e+02  }
0x250: {  	v10 =	vtrunc.f32 v10  }
0x251: {  	v10 =	vcvt.f32.s32 v10;
	_ =	sdelay $0x5  }
0x252: {  	[tilespmem:v10+s25+$0x0] =	vst.idx.add.s32.msk $0xffff, v1  }
0x253: {  	v10 =	vld [tilespmem:s24+$0x50];
	_ =	sdelay $0x4  }
0x254: {  	v10 =	vsub.f32 $1.000000000e+01, v10;
	_ =	sdelay $0x1  }
0x255: {  	v10 =	vmul.f32 $2.560000040e+01, v10;
	_ =	sdelay $0x1  }
0x256: {  	v10 =	vmax.f32 v10, $0.0e+00  }
0x257: {  	v10 =	vmin.f32 v10, $2.550000000e+02  }
0x258: {  	v10 =	vtrunc.f32 v10  }
0x259: {  	v10 =	vcvt.f32.s32 v10;
	_ =	sdelay $0x5  }
0x25a: {  	[tilespmem:v10+s25+$0x0] =	vst.idx.add.s32.msk $0xffff, v1  }
0x25b: {  	v10 =	vld [tilespmem:s24+$0x60];
	_ =	sdelay $0x4  }
0x25c: {  	v10 =	vsub.f32 $1.000000000e+01, v10;
	_ =	sdelay $0x1  }
0x25d: {  	v10 =	vmul.f32 $2.560000040e+01, v10;
	_ =	sdelay $0x1  }
0x25e: {  	v10 =	vmax.f32 v10, $0.0e+00  }
0x25f: {  	v10 =	vmin.f32 v10, $2.550000000e+02  }
0x260: {  	v10 =	vtrunc.f32 v10  }
0x261: {  	v10 =	vcvt.f32.s32 v10;
	_ =	sdelay $0x5  }
0x262: {  	[tilespmem:v10+s25+$0x0] =	vst.idx.add.s32.msk $0xffff, v1  }
0x263: {  	v10 =	vld [tilespmem:s24+$0x70];
	_ =	sdelay $0x4  }
0x264: {  	v10 =	vsub.f32 $1.000000000e+01, v10;
	_ =	sdelay $0x1  }
0x265: {  	v10 =	vmul.f32 $2.560000040e+01, v10;
	_ =	sdelay $0x1  }
0x266: {  	v10 =	vmax.f32 v10, $0.0e+00  }
0x267: {  	v10 =	vmin.f32 v10, $2.550000000e+02  }
0x268: {  	v10 =	vtrunc.f32 v10  }
0x269: {  	s23 =	sadd.s32 $0x10, s23;
	v10 =	vcvt.f32.s32 v10  }
0x26a: {  	p0 =	slt.u32 s23, $0xF0  }
.Ltmp9:
0x26b: {  	_ = 	snop;
	(pc) =	sbr.rel @p0 .LBB2_16-.Ltmp9, $2  }
0x26c: {  	_ =	sdelay $0x2  }
0x26d: {  	s26 =	simm.s32 $0x100000;
	s28 =	simm.s32 $0x0;
	s24 =	sadd.s32 $0x100, s24;
	[tilespmem:v10+s25+$0x0] =	vst.idx.add.s32.msk $0xffff, v1  }
0x26e: {  	v10 =	vld [tilespmem:s25+$0x0];
	_ =	sdelay $0x4  }
0x26f: {  	(xrf0) =	vadd.scan.msk.s32 $0xffff, v10;
	_ =	sdelay $0x5  }
0x270: {  	v10, _, _ =	vpop (xrf0)  }
0x271: {  	v10 =	vadd.s32 s28, v10  }
0x272: {  	v11 =	vor.u32 s28, v3;
	vm1 =	vgt.s32 v10, $0x9  }
0x273: {  	(v2sf) =	vpush v10, $0xF;
	v10 =	vnsel vm1, $0x80100000, v11  }
0x274: {  	(xrf0) =	vmin.scan.msk.u32 $0xffff, v10;
	_ =	sdelay $0x5  }
0x275: {  	v11, _, _ =	vpop (xrf0)  }
0x276: {  	s23 =	simm.s32 $0x4110;
	(v2sf) =	vpush v11, $0xF  }
0x277: {  	v10 =	vld [tilespmem:s23+$0x0];
	_ =	sdelay $0x4  }
0x278: {  	(xrf0) =	vadd.scan.msk.s32 $0xffff, v10;
	_ =	sdelay $0x5  }
0x279: {  	v10, _, _ =	vpop (xrf0);
	s30 =	spop (v2sf)  }
0x27a: {  	s24 =	simm.s32 $0x10;
	v10 =	vadd.s32 s30, v10  }
0x27b: {  	v11 =	vor.u32 s24, v3;
	vm1 =	vgt.s32 v10, $0x9  }
0x27c: {  	v11 =	vnsel vm1, $0x80100000, v11;
	s31 =	spop (v2sf);
	(v2sf) =	vpush v10, $0xF  }
0x27d: {  	(xrf0) =	vmin.scan.msk.u32 $0xffff, v11  }
0x27e: {  	s23 =	simm.s32 $0x4120  }
0x27f: {  	v11 =	vld [tilespmem:s23+$0x0];
	_ =	sdelay $0x3  }
0x280: {  	v10, _, _ =	vpop (xrf0);
	s28 =	sxor.u32 $0x80000000, s31  }
0x281: {  	s25 =	simm.s32 $0x30;
	s24 =	simm.s32 $0x20;
	(xrf0) =	vadd.scan.msk.s32 $0xffff, v11;
	(v2sf) =	vpush v10, $0xF;
	p1 =	sgt.s32 s28, $0x100000  }
.LBB2_18:
0x282: {  	s29 =	smov.u32 s26;
	p0 =	seq.s32 s25, $0xF0;
	s26 =	smov.u32 s28  }
0x283: {  	s28 =	smov.u32 s25;
	s25 =	sadd.s32 $0x10, s25;
	s26 =	smov.u32 @p1 s29  }
0x284: {  	_ =	sdelay $0x3  }
0x285: {  	v10, _, _ =	vpop (xrf0);
	s29 =	spop (v2sf)  }
0x286: {  	v10 =	vadd.s32 s29, v10  }
0x287: {  	v11 =	vor.u32 s24, v3;
	s24 =	smov.u32 s28;
	vm1 =	vgt.s32 v10, $0x9;
	(v2sf) =	vpush v10, $0xF  }
0x288: {  	v10 =	vnsel vm1, $0x80100000, v11  }
0x289: {  	(xrf0) =	vmin.scan.msk.u32 $0xffff, v10  }
0x28a: {  	s23 =	sadd.s32 $0x10, s23  }
0x28b: {  	v10 =	vld [tilespmem:s23+$0x0]  }
.Ltmp10:
0x28c: {  	(pc) =	sbr.rel @!p0 .LBB2_18-.Ltmp10, $4  }
0x28d: {  	_ = 	snop  }
0x28e: {  	s28 =	spop (v2sf)  }
0x28f: {  	v11, _, _ =	vpop (xrf0);
	s28 =	sxor.u32 $0x80000000, s28  }
0x290: {  	(xrf0) =	vadd.scan.msk.s32 $0xffff, v10;
	(v2sf) =	vpush v11, $0xF;
	p1 =	slt.s32 s26, s28  }
0x291: {  	_ =	sdelay $0x4  }
0x292: {  	v10, _, _ =	vpop (xrf0);
	s23 =	spop (v2sf)  }
0x293: {  	v10 =	vadd.s32 s23, v10  }
0x294: {  	v11 =	vor.u32 s24, v3;
	vm1 =	vgt.s32 v10, $0x9  }
0x295: {  	v11 =	vnsel vm1, $0x80100000, v11  }
0x296: {  	(xrf0) =	vmin.scan.msk.u32 $0xffff, v11;
	_ =	sdelay $0x5  }
0x297: {  	(v2sf) =	vpush v10, $0xF;
	v10, _, _ =	vpop (xrf0)  }
0x298: {  	(v2sf) =	vpush v10, $0xF;
	_ =	sdelay $0xc  }
0x299: {  	s30 =	spop (v2sf)  }
0x29a: {  	s28 =	smov.u32 @p1 s26;
	s24 =	sxor.u32 $0x80000000, s30;
	s31 =	spop (v2sf)  }
0x29b: {  	p0 =	slt.s32 s28, s24;
	s23 =	spop (v2sf)  }
0x29c: {  	s24 =	smov.u32 @p0 s28;
	s23 =	sxor.u32 $0x80000000, s23  }
0x29d: {  	p0 =	slt.s32 s24, s23  }
0x29e: {  	s26 =	simm.s32 $0x0;
	s23 =	smov.u32 @p0 s24  }
0x29f: {  	s25 =	simm.s32 $0x1040;
	s24 =	simm.s32 $0x70;
	v10 =	vmov s23;
	s23 =	simm.s32 $0xFFFFFFF8  }
.LBB2_20:
0x2a0: {  	v11 =	vld [tilespmem:s25+$0xFFFFFFC0];
	_ =	sdelay $0x4  }
0x2a1: {  	v12 =	vsub.f32 $1.000000000e+01, v11;
	_ =	sdelay $0x1  }
0x2a2: {  	v12 =	vmul.f32 $2.560000040e+01, v12;
	_ =	sdelay $0x1  }
0x2a3: {  	v12 =	vmax.f32 v12, $0.0e+00  }
0x2a4: {  	v12 =	vmin.f32 v12, $2.550000000e+02  }
0x2a5: {  	v12 =	vtrunc.f32 v12  }
0x2a6: {  	v12 =	vcvt.f32.s32 v12;
	_ =	sdelay $0x1  }
0x2a7: {  	vm1 =	vge.s32 v10, v12  }
0x2a8: {  	v13 =	vmpcnt.ones.xlane vm1;
	_ =	sdelay $0x1  }
0x2a9: {  	(v2sf) =	vpush v13, $0x0;
	_ =	sdelay $0xe  }
0x2aa: {  	s28 =	spop (v2sf)  }
0x2ab: {  	p0 =	slt.s32 s28, $0x1  }
0x2ac: {  	vm1 =	vge.s32 @!p0 v10, v12;
	v12 =	vimm.s32 @!p0 $0x0  }
0x2ad: {  	v12 =	vsel @!p0 vm1, $0x1, v12  }
0x2ae: {  	(xrf0) =	vadd.scan.msk.s32 @!p0 $0xffff, v12;
	_ =	sdelay $0x2  }
0x2af: {  	v12 =	vmov @!p0 s26  }
0x2b0: {  	v12 =	vadd.s32 @!p0 $0xFFFFFFFF, v12  }
0x2b1: {  	v12 =	vbroadcast @!p0 v12, $0x0  }
0x2b2: {  	v13, _, _ =	vpop @!p0 (xrf0)  }
0x2b3: {  	v12 =	vadd.s32 @!p0 v13, v12;
	_ =	sdelay $0x3  }
0x2b4: {  	s29 =	sadd.s32 $0xFFFFFF90, s24;
	s30 =	simm.s32 @!p0 $0x2000;
	v13 =	vlaneseq.u32 @!p0  }
0x2b5: {  	[tilespmem:v12+s30+$0x0] =	vst.idx.msk @!p0 vm1, v11;
	v11 =	vor.u32 @!p0 s29, v13;
	s29 =	simm.s32 @!p0 $0x3080  }
0x2b6: {  	[tilespmem:v12+s29+$0x0] =	vst.idx.msk @!p0 vm1, v11  }
0x2b7: {  	v11 =	vld [tilespmem:s25+$0xFFFFFFD0];
	_ =	sdelay $0x4  }
0x2b8: {  	v50 =	vsub.f32 $1.000000000e+01, v11;
	_ =	sdelay $0x1  }
0x2b9: {  	v12 =	vmul.f32 $2.560000040e+01, v50;
	_ =	sdelay $0x1  }
0x2ba: {  	v12 =	vmax.f32 v12, $0.0e+00  }
0x2bb: {  	v12 =	vmin.f32 v12, $2.550000000e+02  }
0x2bc: {  	v12 =	vtrunc.f32 v12  }
0x2bd: {  	v12 =	vcvt.f32.s32 v12;
	_ =	sdelay $0x1  }
0x2be: {  	vm1 =	vge.s32 v10, v12  }
0x2bf: {  	v51 =	vmpcnt.ones.xlane vm1;
	_ =	sdelay $0x1  }
0x2c0: {  	(v2sf) =	vpush v51, $0x0;
	_ =	sdelay $0xe  }
0x2c1: {  	s31 =	spop (v2sf)  }
0x2c2: {  	p0 =	slt.s32 s31, $0x1  }
0x2c3: {  	vm1 =	vge.s32 @!p0 v10, v12;
	v12 =	vimm.s32 @!p0 $0x0  }
0x2c4: {  	v12 =	vsel @!p0 vm1, $0x1, v12  }
0x2c5: {  	(xrf0) =	vadd.scan.msk.s32 @!p0 $0xffff, v12;
	_ =	sdelay $0x1  }
0x2c6: {  	s26 =	sadd.s32 s26, s28  }
0x2c7: {  	v12 =	vmov @!p0 s26  }
0x2c8: {  	v12 =	vadd.s32 @!p0 $0xFFFFFFFF, v12  }
0x2c9: {  	v12 =	vbroadcast @!p0 v12, $0x0  }
0x2ca: {  	v13, _, _ =	vpop @!p0 (xrf0)  }
0x2cb: {  	v12 =	vadd.s32 @!p0 v13, v12;
	_ =	sdelay $0x3  }
0x2cc: {  	s28 =	sadd.s32 @!p0 $0xFFFFFFA0, s24;
	s30 =	simm.s32 @!p0 $0x2000;
	v13 =	vlaneseq.u32 @!p0  }
0x2cd: {  	[tilespmem:v12+s30+$0x0] =	vst.idx.msk @!p0 vm1, v11;
	v11 =	vor.u32 @!p0 s28, v13;
	s28 =	simm.s32 @!p0 $0x3080  }
0x2ce: {  	[tilespmem:v12+s28+$0x0] =	vst.idx.msk @!p0 vm1, v11  }
0x2cf: {  	v11 =	vld [tilespmem:s25+$0xFFFFFFE0];
	_ =	sdelay $0x4  }
0x2d0: {  	v52 =	vsub.f32 $1.000000000e+01, v11;
	_ =	sdelay $0x1  }
0x2d1: {  	v12 =	vmul.f32 $2.560000040e+01, v52;
	_ =	sdelay $0x1  }
0x2d2: {  	v12 =	vmax.f32 v12, $0.0e+00  }
0x2d3: {  	v12 =	vmin.f32 v12, $2.550000000e+02  }
0x2d4: {  	v12 =	vtrunc.f32 v12  }
0x2d5: {  	v12 =	vcvt.f32.s32 v12;
	_ =	sdelay $0x1  }
0x2d6: {  	vm1 =	vge.s32 v10, v12  }
0x2d7: {  	v53 =	vmpcnt.ones.xlane vm1;
	_ =	sdelay $0x1  }
0x2d8: {  	(v2sf) =	vpush v53, $0x0;
	_ =	sdelay $0xe  }
0x2d9: {  	s28 =	spop (v2sf)  }
0x2da: {  	p0 =	slt.s32 s28, $0x1  }
0x2db: {  	vm1 =	vge.s32 @!p0 v10, v12;
	v12 =	vimm.s32 @!p0 $0x0  }
0x2dc: {  	v12 =	vsel @!p0 vm1, $0x1, v12  }
0x2dd: {  	(xrf0) =	vadd.scan.msk.s32 @!p0 $0xffff, v12;
	_ =	sdelay $0x1  }
0x2de: {  	s26 =	sadd.s32 s26, s31  }
0x2df: {  	v12 =	vmov @!p0 s26  }
0x2e0: {  	v12 =	vadd.s32 @!p0 $0xFFFFFFFF, v12  }
0x2e1: {  	v12 =	vbroadcast @!p0 v12, $0x0  }
0x2e2: {  	v13, _, _ =	vpop @!p0 (xrf0)  }
0x2e3: {  	v12 =	vadd.s32 @!p0 v13, v12;
	_ =	sdelay $0x3  }
0x2e4: {  	s29 =	sadd.s32 @!p0 $0xFFFFFFB0, s24;
	s30 =	simm.s32 @!p0 $0x2000;
	v13 =	vlaneseq.u32 @!p0  }
0x2e5: {  	[tilespmem:v12+s30+$0x0] =	vst.idx.msk @!p0 vm1, v11;
	v11 =	vor.u32 @!p0 s29, v13;
	s29 =	simm.s32 @!p0 $0x3080  }
0x2e6: {  	[tilespmem:v12+s29+$0x0] =	vst.idx.msk @!p0 vm1, v11  }
0x2e7: {  	v11 =	vld [tilespmem:s25+$0xFFFFFFF0];
	_ =	sdelay $0x4  }
0x2e8: {  	v54 =	vsub.f32 $1.000000000e+01, v11;
	_ =	sdelay $0x1  }
0x2e9: {  	v12 =	vmul.f32 $2.560000040e+01, v54;
	_ =	sdelay $0x1  }
0x2ea: {  	v12 =	vmax.f32 v12, $0.0e+00  }
0x2eb: {  	v12 =	vmin.f32 v12, $2.550000000e+02  }
0x2ec: {  	v12 =	vtrunc.f32 v12  }
0x2ed: {  	v12 =	vcvt.f32.s32 v12;
	_ =	sdelay $0x1  }
0x2ee: {  	vm1 =	vge.s32 v10, v12  }
0x2ef: {  	v55 =	vmpcnt.ones.xlane vm1;
	_ =	sdelay $0x1  }
0x2f0: {  	(v2sf) =	vpush v55, $0x0;
	_ =	sdelay $0xe  }
0x2f1: {  	s31 =	spop (v2sf)  }
0x2f2: {  	p0 =	slt.s32 s31, $0x1  }
0x2f3: {  	vm1 =	vge.s32 @!p0 v10, v12;
	v12 =	vimm.s32 @!p0 $0x0  }
0x2f4: {  	v12 =	vsel @!p0 vm1, $0x1, v12  }
0x2f5: {  	(xrf0) =	vadd.scan.msk.s32 @!p0 $0xffff, v12;
	_ =	sdelay $0x1  }
0x2f6: {  	s26 =	sadd.s32 s26, s28  }
0x2f7: {  	v12 =	vmov @!p0 s26  }
0x2f8: {  	v12 =	vadd.s32 @!p0 $0xFFFFFFFF, v12  }
0x2f9: {  	v12 =	vbroadcast @!p0 v12, $0x0  }
0x2fa: {  	v13, _, _ =	vpop @!p0 (xrf0)  }
0x2fb: {  	v12 =	vadd.s32 @!p0 v13, v12;
	_ =	sdelay $0x3  }
0x2fc: {  	s28 =	sadd.s32 @!p0 $0xFFFFFFC0, s24;
	s30 =	simm.s32 @!p0 $0x2000;
	v13 =	vlaneseq.u32 @!p0  }
0x2fd: {  	[tilespmem:v12+s30+$0x0] =	vst.idx.msk @!p0 vm1, v11;
	v11 =	vor.u32 @!p0 s28, v13;
	s28 =	simm.s32 @!p0 $0x3080  }
0x2fe: {  	[tilespmem:v12+s28+$0x0] =	vst.idx.msk @!p0 vm1, v11  }
0x2ff: {  	v11 =	vld [tilespmem:s25+$0x0];
	_ =	sdelay $0x4  }
0x300: {  	v56 =	vsub.f32 $1.000000000e+01, v11;
	_ =	sdelay $0x1  }
0x301: {  	v12 =	vmul.f32 $2.560000040e+01, v56;
	_ =	sdelay $0x1  }
0x302: {  	v12 =	vmax.f32 v12, $0.0e+00  }
0x303: {  	v12 =	vmin.f32 v12, $2.550000000e+02  }
0x304: {  	v12 =	vtrunc.f32 v12  }
0x305: {  	v12 =	vcvt.f32.s32 v12;
	_ =	sdelay $0x1  }
0x306: {  	vm1 =	vge.s32 v10, v12  }
0x307: {  	v57 =	vmpcnt.ones.xlane vm1;
	_ =	sdelay $0x1  }
0x308: {  	(v2sf) =	vpush v57, $0x0;
	_ =	sdelay $0xe  }
0x309: {  	s28 =	spop (v2sf)  }
0x30a: {  	p0 =	slt.s32 s28, $0x1  }
0x30b: {  	vm1 =	vge.s32 @!p0 v10, v12;
	v12 =	vimm.s32 @!p0 $0x0  }
0x30c: {  	v12 =	vsel @!p0 vm1, $0x1, v12  }
0x30d: {  	(xrf0) =	vadd.scan.msk.s32 @!p0 $0xffff, v12;
	_ =	sdelay $0x1  }
0x30e: {  	s26 =	sadd.s32 s26, s31  }
0x30f: {  	v12 =	vmov @!p0 s26  }
0x310: {  	v12 =	vadd.s32 @!p0 $0xFFFFFFFF, v12  }
0x311: {  	v12 =	vbroadcast @!p0 v12, $0x0  }
0x312: {  	v13, _, _ =	vpop @!p0 (xrf0)  }
0x313: {  	v12 =	vadd.s32 @!p0 v13, v12;
	_ =	sdelay $0x3  }
0x314: {  	s29 =	sadd.s32 @!p0 $0xFFFFFFD0, s24;
	s30 =	simm.s32 @!p0 $0x2000;
	v13 =	vlaneseq.u32 @!p0  }
0x315: {  	[tilespmem:v12+s30+$0x0] =	vst.idx.msk @!p0 vm1, v11;
	v11 =	vor.u32 @!p0 s29, v13;
	s29 =	simm.s32 @!p0 $0x3080  }
0x316: {  	[tilespmem:v12+s29+$0x0] =	vst.idx.msk @!p0 vm1, v11  }
0x317: {  	v11 =	vld [tilespmem:s25+$0x10];
	_ =	sdelay $0x4  }
0x318: {  	v58 =	vsub.f32 $1.000000000e+01, v11;
	_ =	sdelay $0x1  }
0x319: {  	v12 =	vmul.f32 $2.560000040e+01, v58;
	_ =	sdelay $0x1  }
0x31a: {  	v12 =	vmax.f32 v12, $0.0e+00  }
0x31b: {  	v12 =	vmin.f32 v12, $2.550000000e+02  }
0x31c: {  	v12 =	vtrunc.f32 v12  }
0x31d: {  	v12 =	vcvt.f32.s32 v12;
	_ =	sdelay $0x1  }
0x31e: {  	vm1 =	vge.s32 v10, v12  }
0x31f: {  	v59 =	vmpcnt.ones.xlane vm1;
	_ =	sdelay $0x1  }
0x320: {  	(v2sf) =	vpush v59, $0x0;
	_ =	sdelay $0xe  }
0x321: {  	s31 =	spop (v2sf)  }
0x322: {  	p0 =	slt.s32 s31, $0x1  }
0x323: {  	vm1 =	vge.s32 @!p0 v10, v12;
	v12 =	vimm.s32 @!p0 $0x0  }
0x324: {  	v12 =	vsel @!p0 vm1, $0x1, v12  }
0x325: {  	(xrf0) =	vadd.scan.msk.s32 @!p0 $0xffff, v12;
	_ =	sdelay $0x1  }
0x326: {  	s26 =	sadd.s32 s26, s28  }
0x327: {  	v12 =	vmov @!p0 s26  }
0x328: {  	v12 =	vadd.s32 @!p0 $0xFFFFFFFF, v12  }
0x329: {  	v12 =	vbroadcast @!p0 v12, $0x0  }
0x32a: {  	v13, _, _ =	vpop @!p0 (xrf0)  }
0x32b: {  	v12 =	vadd.s32 @!p0 v13, v12;
	_ =	sdelay $0x3  }
0x32c: {  	s28 =	sadd.s32 @!p0 $0xFFFFFFE0, s24;
	s30 =	simm.s32 @!p0 $0x2000;
	v13 =	vlaneseq.u32 @!p0  }
0x32d: {  	[tilespmem:v12+s30+$0x0] =	vst.idx.msk @!p0 vm1, v11;
	v11 =	vor.u32 @!p0 s28, v13;
	s28 =	simm.s32 @!p0 $0x3080  }
0x32e: {  	[tilespmem:v12+s28+$0x0] =	vst.idx.msk @!p0 vm1, v11  }
0x32f: {  	v11 =	vld [tilespmem:s25+$0x20];
	_ =	sdelay $0x4  }
0x330: {  	v60 =	vsub.f32 $1.000000000e+01, v11;
	_ =	sdelay $0x1  }
0x331: {  	v12 =	vmul.f32 $2.560000040e+01, v60;
	_ =	sdelay $0x1  }
0x332: {  	v12 =	vmax.f32 v12, $0.0e+00  }
0x333: {  	v12 =	vmin.f32 v12, $2.550000000e+02  }
0x334: {  	v12 =	vtrunc.f32 v12  }
0x335: {  	v12 =	vcvt.f32.s32 v12;
	_ =	sdelay $0x1  }
0x336: {  	vm1 =	vge.s32 v10, v12  }
0x337: {  	v61 =	vmpcnt.ones.xlane vm1;
	_ =	sdelay $0x1  }
0x338: {  	(v2sf) =	vpush v61, $0x0;
	_ =	sdelay $0xe  }
0x339: {  	s28 =	spop (v2sf)  }
0x33a: {  	p0 =	slt.s32 s28, $0x1  }
0x33b: {  	vm1 =	vge.s32 @!p0 v10, v12;
	v12 =	vimm.s32 @!p0 $0x0  }
0x33c: {  	v12 =	vsel @!p0 vm1, $0x1, v12  }
0x33d: {  	(xrf0) =	vadd.scan.msk.s32 @!p0 $0xffff, v12;
	_ =	sdelay $0x1  }
0x33e: {  	s26 =	sadd.s32 s26, s31  }
0x33f: {  	v12 =	vmov @!p0 s26  }
0x340: {  	v12 =	vadd.s32 @!p0 $0xFFFFFFFF, v12  }
0x341: {  	v12 =	vbroadcast @!p0 v12, $0x0  }
0x342: {  	v13, _, _ =	vpop @!p0 (xrf0)  }
0x343: {  	v12 =	vadd.s32 @!p0 v13, v12;
	_ =	sdelay $0x3  }
0x344: {  	s29 =	sadd.s32 @!p0 $0xFFFFFFF0, s24;
	s30 =	simm.s32 @!p0 $0x2000;
	v13 =	vlaneseq.u32 @!p0  }
0x345: {  	[tilespmem:v12+s30+$0x0] =	vst.idx.msk @!p0 vm1, v11;
	v11 =	vor.u32 @!p0 s29, v13;
	s29 =	simm.s32 @!p0 $0x3080  }
0x346: {  	[tilespmem:v12+s29+$0x0] =	vst.idx.msk @!p0 vm1, v11  }
0x347: {  	v11 =	vld [tilespmem:s25+$0x30];
	_ =	sdelay $0x4  }
0x348: {  	v62 =	vsub.f32 $1.000000000e+01, v11;
	_ =	sdelay $0x1  }
0x349: {  	v12 =	vmul.f32 $2.560000040e+01, v62;
	_ =	sdelay $0x1  }
0x34a: {  	v12 =	vmax.f32 v12, $0.0e+00  }
0x34b: {  	v12 =	vmin.f32 v12, $2.550000000e+02  }
0x34c: {  	v12 =	vtrunc.f32 v12  }
0x34d: {  	v12 =	vcvt.f32.s32 v12;
	_ =	sdelay $0x1  }
0x34e: {  	vm1 =	vge.s32 v10, v12  }
0x34f: {  	v63 =	vmpcnt.ones.xlane vm1;
	_ =	sdelay $0x1  }
0x350: {  	(v2sf) =	vpush v63, $0x0;
	_ =	sdelay $0xe  }
0x351: {  	s31 =	spop (v2sf)  }
0x352: {  	p0 =	slt.s32 s31, $0x1  }
0x353: {  	vm1 =	vge.s32 @!p0 v10, v12;
	v12 =	vimm.s32 @!p0 $0x0  }
0x354: {  	v12 =	vsel @!p0 vm1, $0x1, v12  }
0x355: {  	(xrf0) =	vadd.scan.msk.s32 @!p0 $0xffff, v12;
	_ =	sdelay $0x1  }
0x356: {  	s26 =	sadd.s32 s26, s28  }
0x357: {  	v12 =	vmov @!p0 s26  }
0x358: {  	v12 =	vadd.s32 @!p0 $0xFFFFFFFF, v12  }
0x359: {  	v12 =	vbroadcast @!p0 v12, $0x0  }
0x35a: {  	v13, _, _ =	vpop @!p0 (xrf0)  }
0x35b: {  	s23 =	sadd.s32 $0x8, s23;
	v12 =	vadd.s32 @!p0 v13, v12  }
0x35c: {  	p1 =	slt.u32 s23, $0xF8  }
.Ltmp11:
0x35d: {  	_ = 	snop;
	(pc) =	sbr.rel @p1 .LBB2_20-.Ltmp11, $4  }
0x35e: {  	_ = 	snop  }
0x35f: {  	s28 =	simm.s32 @!p0 $0x2000;
	v13 =	vlaneseq.u32 @!p0  }
0x360: {  	[tilespmem:v12+s28+$0x0] =	vst.idx.msk @!p0 vm1, v11;
	v11 =	vor.u32 @!p0 s24, v13;
	s28 =	simm.s32 @!p0 $0x3080  }
0x361: {  	s25 =	sadd.s32 $0x80, s25;
	s26 =	sadd.s32 s26, s31;
	s24 =	sadd.s32 $0x80, s24;
	[tilespmem:v12+s28+$0x0] =	vst.idx.msk @!p0 vm1, v11  }
0x362: {  	s23 =	sadd.s32 $0xF, s26  }
0x363: {  	s24 =	sand.u32 $0xF, s23  }
0x364: {  	v10 =	vadd.s32 s26, v2;
	s25 =	sshra.s32 s23, $0x1F;
	p0 =	slt.s32 s23, $0x1;
	p1 =	sne.s32 s24, $0x0  }
.Ltmp12:
0x365: {  	s31 =	sshrl.u32 s25, $0x1C;
	p0 =	por !p0, !p1;
	(pc) =	sbr.rel .LBB2_22-.Ltmp12, $4  }
0x366: {  	s24 =	simm.s32 $0x1;
	s23 =	sadd.s32 s31, s23;
	p0 =	por !p0, !p0  }
0x367: {  	s23 =	sshra.s32 s23, $0x4;
	s24 =	simm.s32 @!p0 $0x0  }
0x368: {  	s23 =	ssub.s32 s23, s24  }
0x369: {  	s25 =	simm.s32 $0x0;
	[tilespmem:v10+s8+$0x0] =	vst.idx.msk $0xffff, v5;
	s24 =	simm.s32 $0x0;
	p0 =	slt.s32 s23, $0x1  }
.LBB2_23:
0x36a: {  	v11 =	vimm.s32 $0x80000000  }
.LBB2_27:
0x36b: {  	(xrf0) =	vmax.scan.msk.f32 $0xffff, v10;
	_ =	sdelay $0x5  }
0x36c: {  	v12, _, _ =	vpop (xrf0)  }
0x36d: {  	v12 =	vbroadcast v12, $0xF;
	_ =	sdelay $0x1  }
0x36e: {  	vm1 =	veq.f32 v10, v12  }
0x36f: {  	v10 =	vnsel vm1, $0x80100000, v11  }
0x370: {  	(xrf0) =	vmin.scan.msk.u32 $0xffff, v10;
	_ =	sdelay $0x5  }
0x371: {  	v10, _, _ =	vpop (xrf0)  }
0x372: {  	(v2sf) =	vpush v10, $0xF;
	_ =	sdelay $0xe  }
0x373: {  	s26 =	spop (v2sf)  }
0x374: {  	v10 =	vmov s25;
	s25 =	sadd.s32 $0x1, s25;
	s26 =	sxor.u32 $0x80000000, s26  }
0x375: {  	p1 =	sne.s32 s25, $0xA;
	v11 =	vmov s26  }
.Ltmp13:
0x376: {  	_ = 	snop;
	(pc) =	sbr.rel @!p1 .LBB2_28-.Ltmp13, $3  }
0x377: {  	_ =	sdelay $0x1  }
0x378: {  	[tilespmem:v10+s12+$0x0] =	vst.idx.msk $0x1, v12  }
0x379: {  	[tilespmem:v11+s8+$0x0] =	vst.idx.msk $0x1, v5  }
.LBB2_22:
.Ltmp14:
0x37a: {  	(pc) =	sbr.rel @p0 .LBB2_23-.Ltmp14, $2  }
0x37b: {  	_ =	sdelay $0x2  }
0x37c: {  	v10 =	vimm.f32 $-1.000000020e+30  }
0x37d: {  	s26 =	simm.s32 $0x2000  }
0x37e: {  	p1 =	sne.s32 s23, $0x1;
	v11 =	vld [tilespmem:s26+$0x0]  }
.Ltmp15:
0x37f: {  	_ = 	snop;
	(pc) =	sbr.rel @!p1 .LBB2_26-.Ltmp15, $2  }
0x380: {  	_ =	sdelay $0x2  }
0x381: {  	v12 =	vimm.s32 $0x0;
	v13 =	vor.u32 s24, v2;
	s28 =	simm.s32 $0x2010;
	s29 =	simm.s32 $0x0;
	s26 =	sadd.s32 $0xFFFFFFFF, s23;
	vm1 =	vgt.f32 v11, v10  }
.LBB2_25:
0x382: {  	p1 =	sne.s32 s26, $0x1;
	s26 =	sadd.s32 $0xFFFFFFFF, s26;
	v10 =	vsel vm1, v11, v10;
	v11 =	vld [tilespmem:s28+$0x0];
	v12 =	vsel vm1, v13, v12  }
.Ltmp16:
0x383: {  	(pc) =	sbr.rel @p1 .LBB2_25-.Ltmp16, $3  }
0x384: {  	_ =	sdelay $0x1  }
0x385: {  	s29 =	sadd.s32 $0x10, s29  }
0x386: {  	s28 =	sadd.s32 $0x10, s28;
	v13 =	vor.u32 s29, v2;
	vm1 =	vgt.f32 v11, v10  }
.LBB2_26:
.Ltmp17:
0x387: {  	(pc) =	sbr.rel .LBB2_27-.Ltmp17, $3  }
0x388: {  	_ =	sdelay $0x1  }
0x389: {  	v12 =	vsel vm1, v13, v12  }
0x38a: {  	v10 =	vsel vm1, v11, v10;
	v11 =	vxor.u32 $0x80000000, v12  }
.LBB2_28:
0x38b: {  	v10 =	vld [tilespmem:$0x4280];
	_ =	sdelay $0x7  }
0x38c: {  	v10 =	vld.idx.msk [tilespmem:v10+s7+$0x0], $0xffff;
	_ =	sdelay $0x4  }
0x38d: {  	v11 =	vmul.f32 $6.931471820e-01, v10;
	_ =	sdelay $0x1  }
0x38e: {  	v11 =	vmul.f32 $1.442695020e+00, v11;
	_ =	sdelay $0x1  }
0x38f: {  	(erf) = vpow2.f32 v11;
	_ =	sdelay $0x4  }
0x390: {  	v11 =	vld [tilespmem:$0x4290];
	_ =	sdelay $0x3  }
0x391: {  	v12 =	vpop (erf)  }
0x392: {  	v12 =	vadd.f32 $-1.000000000e+00, v12  }
0x393: {  	[tilespmem:$0x4300] =	vst v10  }
0x394: {  	[tilespmem:$0x4380] =	vst v12  }
0x395: {  	v10 =	vld.idx.msk [tilespmem:v11+s7+$0x0], $0xffff;
	_ =	sdelay $0x4  }
0x396: {  	v11 =	vmul.f32 $6.931471820e-01, v10;
	_ =	sdelay $0x1  }
0x397: {  	v11 =	vmul.f32 $1.442695020e+00, v11;
	_ =	sdelay $0x1  }
0x398: {  	(erf) = vpow2.f32 v11;
	_ =	sdelay $0x4  }
0x399: {  	v11 =	vld [tilespmem:$0x42A0];
	_ =	sdelay $0x3  }
0x39a: {  	v12 =	vpop (erf)  }
0x39b: {  	v12 =	vadd.f32 $-1.000000000e+00, v12  }
0x39c: {  	[tilespmem:$0x4310] =	vst v10  }
0x39d: {  	[tilespmem:$0x4390] =	vst v12  }
0x39e: {  	v11 =	vld.idx.msk [tilespmem:v11+s7+$0x0], $0xffff;
	_ =	sdelay $0x4  }
0x39f: {  	v10 =	vmul.f32 $6.931471820e-01, v11;
	_ =	sdelay $0x1  }
0x3a0: {  	v10 =	vmul.f32 $1.442695020e+00, v10;
	_ =	sdelay $0x1  }
0x3a1: {  	(erf) = vpow2.f32 v10;
	_ =	sdelay $0x6  }
0x3a2: {  	s25 =	simm.s32 $0x0  }
0x3a3: {  	v12 =	vmov s25  }
0x3a4: {  	v10 =	vpop (erf)  }
0x3a5: {  	v10 =	vadd.f32 $-1.000000000e+00, v10  }
0x3a6: {  	[tilespmem:$0x4320] =	vst v11  }
0x3a7: {  	v13 =	vld [tilespmem:$0x4200];
	[tilespmem:$0x43A0] =	vst v10  }
0x3a8: {  	v11 =	vld.idx.msk [tilespmem:v12+s9+$0x0], $0xffff;
	_ =	sdelay $0x2  }
0x3a9: {  	v14 =	vld [tilespmem:$0x4210];
	_ =	sdelay $0x1  }
0x3aa: {  	v15 =	vld [tilespmem:$0x4220];
	v23 =	vsub.f32 v11, v13;
	_ =	sdelay $0x1  }
0x3ab: {  	s24 =	simm.s32 $0x1;
	v13 =	vmul.f32 $1.442695020e+00, v23  }
0x3ac: {  	v20 =	vmov s24;
	v21 =	vsub.f32 v11, v14  }
0x3ad: {  	(erf) = vpow2.f32 v13  }
0x3ae: {  	v18 =	vsub.f32 v11, v15;
	v14 =	vmul.f32 $1.442695020e+00, v21;
	_ =	sdelay $0x1  }
0x3af: {  	v13 =	vmul.f32 $1.442695020e+00, v18;
	(erf) = vpow2.f32 v14  }
0x3b0: {  	v25 =	vld.idx.msk [tilespmem:v20+s9+$0x0], $0xffff  }
0x3b1: {  	(erf) = vpow2.f32 v13;
	v13 =	vld [tilespmem:$0x4200]  }
0x3b2: {  	v17 =	vld [tilespmem:$0x4210]  }
0x3b3: {  	v32 =	vld [tilespmem:$0x4220]  }
0x3b4: {  	v29 =	vld [tilespmem:$0x4300]  }
0x3b5: {  	v31 =	vld [tilespmem:$0x4380];
	v19 =	vpop (erf)  }
0x3b6: {  	v22 =	vld [tilespmem:$0x4310];
	v16 =	vsub.f32 v25, v13;
	v13 =	vadd.f32 $1.000000000e+00, v19  }
0x3b7: {  	s23 =	simm.s32 $0x2;
	v30 =	vld [tilespmem:$0x4390]  }
0x3b8: {  	v24 =	vld.idx.msk [tilespmem:v12+s14+$0x0], $0xffff;
	v15 =	vmov s23;
	v19 =	vpop (erf)  }
0x3b9: {  	v28 =	vld.idx.msk [tilespmem:v12+s18+$0x0], $0xffff;
	v26 =	vadd.f32 $1.000000000e+00, v19;
	(erf) = vrcp.f32 v13  }
0x3ba: {  	v27 =	vld.idx.msk [tilespmem:v12+s13+$0x0], $0xffff;
	v12 =	vmul.f32 $1.442695020e+00, v16;
	v13 =	vpop (erf)  }
0x3bb: {  	v14 =	vld [tilespmem:$0x4320];
	v19 =	vsub.f32 v25, v17;
	(erf) = vrcp.f32 v26;
	v33 =	vadd.f32 $1.000000000e+00, v13  }
0x3bc: {  	v11 =	vld [tilespmem:$0x4400];
	(erf) = vpow2.f32 v12  }
0x3bd: {  	v17 =	vsub.f32 v25, v32;
	v25 =	vld.idx.msk [tilespmem:v15+s9+$0x0], $0xffff;
	v13 =	vmul.f32 $1.442695020e+00, v19;
	(erf) = vrcp.f32 v33  }
0x3be: {  	s26 =	simm.s32 $0x3;
	v31 =	vsub.f32 v24, v31;
	v26 =	vimm.f32 $0.0e+00;
	v12 =	vld [tilespmem:$0x4210]  }
.LBB2_29:
0x3bf: {  	p0 =	sne.s32 s26, $0x9;
	v32 =	vld [tilespmem:$0x4200];
	v33 =	vmul.f32 $1.442695020e+00, v17;
	(erf) = vpow2.f32 v13;
	v13 =	vadd.f32 v6, v28  }
0x3c0: {  	v34 =	vmov s26;
	vm3 =	vgt.f32 v27, v14;
	vm1 =	vmmov $0xff  }
0x3c1: {  	(erf) = vpow2.f32 v33;
	v13 =	vmul.f32 v31, v13;
	v14 =	vsub.f32 v24, v30  }
0x3c2: {  	vm2 =	vgt.f32 v27, v22;
	vm4 =	vgt.f32 v27, v29;
	v24 =	vsub.f32 v24, v10;
	v22 =	vpop (erf)  }
0x3c3: {  	v22 =	vxor.u32 $0x80000000, v22;
	v13 =	vand.u32 $0x7FFFFFFF, v13;
	v27 =	vmul.f32 v14, v28  }
0x3c4: {  	v12 =	vsub.f32 v25, v12;
	v29 =	vsub.f32 v25, v32;
	v14 =	vld [tilespmem:$0x4320];
	v13 =	vmul.f32 v22, v13;
	v30 =	vpop (erf)  }
0x3c5: {  	v24 =	vmul.f32 v24, v28;
	v22 =	vld [tilespmem:$0x4310];
	v31 =	vpop (erf);
	v30 =	vxor.u32 $0x80000000, v30;
	v27 =	vand.u32 $0x7FFFFFFF, v27  }
0x3c6: {  	vm3 =	vmand vm3, vm1;
	v32 =	vld [tilespmem:$0x4380];
	v13 =	vmul.f32 v13, v23;
	v27 =	vmul.f32 v30, v27;
	v23 =	vpop (erf)  }
0x3c7: {  	v30 =	vadd.f32 $1.000000000e+00, v31;
	v31 =	vand.u32 $0x7FFFFFFF, v24;
	v33 =	vld [tilespmem:$0x4220];
	v28 =	vxor.u32 $0x80000000, v23;
	v23 =	vmovc v16;
	v16 =	vmovc v29  }
0x3c8: {  	v24 =	vld.idx.msk [tilespmem:v20+s14+$0x0], $0xffff;
	v29 =	vpop (erf);
	v13 =	vnsel vm4, $0x0, v13;
	v35 =	vmul.f32 v27, v21;
	v31 =	vmul.f32 v28, v31  }
0x3c9: {  	v21 =	vmovc v19;
	v19 =	vmovc v12;
	v28 =	vld.idx.msk [tilespmem:v20+s18+$0x0], $0xffff;
	v36 =	vadd.f32 $1.000000000e+00, v29;
	(erf) = vrcp.f32 v30;
	v13 =	vadd.f32 v13, v26  }
.Ltmp18:
0x3ca: {  	v12 =	vmul.f32 $1.442695020e+00, v16;
	v27 =	vld.idx.msk [tilespmem:v20+s13+$0x0], $0xffff;
	v20 =	vpop (erf);
	v26 =	vnsel vm2, $0x0, v35;
	v37 =	vmul.f32 v31, v18;
	(pc) =	sbr.rel @p0 .LBB2_29-.Ltmp18, $4  }
0x3cb: {  	v29 =	vld [tilespmem:$0x4300];
	v31 =	vadd.f32 $1.000000000e+00, v20;
	(erf) = vrcp.f32 v36;
	v26 =	vadd.f32 v26, v13;
	v20 =	vmovc v15;
	v15 =	vmovc v34  }
0x3cc: {  	v18 =	vmovc v17;
	(erf) = vpow2.f32 v12;
	v30 =	vld [tilespmem:$0x4390];
	v35 =	vnsel vm3, $0x0, v37;
	v17 =	vsub.f32 v25, v33  }
0x3cd: {  	v13 =	vmul.f32 $1.442695020e+00, v19;
	v12 =	vld [tilespmem:$0x4210];
	(erf) = vrcp.f32 v31;
	v26 =	vadd.f32 v35, v26  }
0x3ce: {  	s26 =	sadd.s32 $0x1, s26;
	v31 =	vsub.f32 v24, v32;
	v25 =	vld.idx.msk [tilespmem:v34+s9+$0x0], $0xffff  }
0x3cf: {  	(erf) = vpow2.f32 v13;
	_ =	sdelay $0x1  }
0x3d0: {  	v32 =	vmul.f32 $1.442695020e+00, v17;
	v33 =	vadd.f32 v6, v28  }
0x3d1: {  	v13 =	vld [tilespmem:$0x4200]  }
0x3d2: {  	(erf) = vpow2.f32 v32;
	v31 =	vmul.f32 v31, v33  }
0x3d3: {  	vm2 =	vgt.f32 v27, v14;
	v30 =	vsub.f32 v24, v30;
	v14 =	vpop (erf)  }
0x3d4: {  	v14 =	vxor.u32 $0x80000000, v14;
	v31 =	vand.u32 $0x7FFFFFFF, v31;
	v53 =	vpop (erf)  }
0x3d5: {  	v54 =	vsub.f32 v24, v10;
	v30 =	vmul.f32 v30, v28;
	v31 =	vmul.f32 v14, v31;
	v35 =	vpop (erf)  }
0x3d6: {  	vm3 =	vgt.f32 v27, v29;
	v34 =	vsub.f32 v25, v13;
	v32 =	vxor.u32 $0x80000000, v53;
	v36 =	vpop (erf)  }
0x3d7: {  	v14 =	vld [tilespmem:$0x4220];
	v30 =	vand.u32 $0x7FFFFFFF, v30;
	v23 =	vmul.f32 v31, v23;
	v31 =	vadd.f32 $1.000000000e+00, v35;
	v55 =	vpop (erf)  }
0x3d8: {  	v28 =	vmul.f32 v54, v28;
	v30 =	vmul.f32 v32, v30;
	v33 =	vadd.f32 $1.000000000e+00, v55  }
0x3d9: {  	v58 =	vld [tilespmem:$0x4380];
	vm2 =	vmand vm2, vm1;
	(erf) = vrcp.f32 v31;
	v31 =	vmul.f32 $1.442695020e+00, v34  }
0x3da: {  	v38 =	vld.idx.msk [tilespmem:v20+s14+$0x0], $0xffff;
	v24 =	vsub.f32 v25, v12;
	v28 =	vand.u32 $0x7FFFFFFF, v28;
	(erf) = vrcp.f32 v33  }
0x3db: {  	v59 =	vld.idx.msk [tilespmem:v20+s18+$0x0], $0xffff;
	v57 =	vxor.u32 $0x80000000, v36;
	v21 =	vmul.f32 v30, v21;
	v37 =	vpop (erf);
	(erf) = vpow2.f32 v31  }
0x3dc: {  	v20 =	vld.idx.msk [tilespmem:v20+s13+$0x0], $0xffff;
	v28 =	vmul.f32 v57, v28;
	v25 =	vsub.f32 v25, v14;
	v30 =	vadd.f32 $1.000000000e+00, v37  }
0x3dd: {  	v29 =	vld [tilespmem:$0x4390];
	v23 =	vnsel vm3, $0x0, v23;
	vm3 =	vgt.f32 v27, v22;
	v31 =	vmul.f32 $1.442695020e+00, v24  }
0x3de: {  	v22 =	vadd.f32 v23, v26;
	v23 =	vld [tilespmem:$0x4300];
	(erf) = vrcp.f32 v30;
	v30 =	vmul.f32 $1.442695020e+00, v25  }
0x3df: {  	v56 =	vld [tilespmem:$0x4320];
	v18 =	vmul.f32 v28, v18;
	v21 =	vnsel vm3, $0x0, v21;
	(erf) = vpow2.f32 v31  }
0x3e0: {  	v27 =	vadd.f32 v6, v59;
	v26 =	vld [tilespmem:$0x4310];
	v21 =	vadd.f32 v21, v22;
	(erf) = vpow2.f32 v30  }
0x3e1: {  	v22 =	vsub.f32 v38, v58;
	v18 =	vnsel vm2, $0x0, v18  }
0x3e2: {  	v21 =	vadd.f32 v18, v21;
	v18 =	vsub.f32 v38, v29;
	v29 =	vpop (erf)  }
0x3e3: {  	vm4 =	vgt.f32 v20, v23;
	v23 =	vpop (erf)  }
0x3e4: {  	v28 =	vmov s25;
	vm2 =	vgt.f32 v20, v56;
	v22 =	vmul.f32 v22, v27;
	v27 =	vpop (erf)  }
0x3e5: {  	vm3 =	vgt.f32 v20, v26;
	v29 =	vxor.u32 $0x80000000, v29;
	v27 =	vadd.f32 $1.000000000e+00, v27  }
0x3e6: {  	v20 =	vsub.f32 v38, v10;
	v26 =	vmul.f32 v18, v59;
	v22 =	vand.u32 $0x7FFFFFFF, v22  }
0x3e7: {  	v60 =	vld.idx.msk [tilespmem:v15+s14+$0x0], $0xffff;
	v22 =	vmul.f32 v29, v22;
	v30 =	vpop (erf)  }
0x3e8: {  	v18 =	vld [tilespmem:$0x4380];
	v20 =	vmul.f32 v20, v59;
	v26 =	vand.u32 $0x7FFFFFFF, v26;
	v23 =	vxor.u32 $0x80000000, v23;
	v29 =	vpop (erf)  }
0x3e9: {  	v31 =	vld.idx.msk [tilespmem:v28+s9+$0x0], $0xffff;
	v16 =	vmul.f32 v22, v16;
	v29 =	vadd.f32 $1.000000000e+00, v29;
	(erf) = vrcp.f32 v27;
	v27 =	vpop (erf)  }
0x3ea: {  	v20 =	vand.u32 $0x7FFFFFFF, v20;
	v22 =	vmul.f32 v23, v26;
	v26 =	vld.idx.msk [tilespmem:v15+s18+$0x0], $0xffff;
	v27 =	vadd.f32 $1.000000000e+00, v27  }
0x3eb: {  	v23 =	vxor.u32 $0x80000000, v30;
	v16 =	vnsel vm4, $0x0, v16;
	(erf) = vrcp.f32 v29  }
0x3ec: {  	v19 =	vmul.f32 v22, v19;
	v21 =	vadd.f32 v16, v21;
	v16 =	vld [tilespmem:$0x4390];
	(erf) = vrcp.f32 v27  }
0x3ed: {  	v62 =	vmov s24;
	vm2 =	vmand vm2, vm1;
	v20 =	vmul.f32 v23, v20  }
0x3ee: {  	v19 =	vnsel vm3, $0x0, v19;
	v29 =	vsub.f32 v12, v31;
	v27 =	vsub.f32 v13, v31  }
0x3ef: {  	v17 =	vmul.f32 v20, v17;
	v20 =	vsub.f32 v60, v18;
	v22 =	vadd.f32 v6, v26  }
0x3f0: {  	v21 =	vadd.f32 v19, v21;
	v19 =	vmul.f32 $1.442695020e+00, v29;
	v23 =	vmul.f32 $1.442695020e+00, v27  }
0x3f1: {  	v43 =	vld.idx.msk [tilespmem:v28+s18+$0x0], $0xffff;
	v30 =	vnsel vm2, $0x0, v17;
	v17 =	vmul.f32 v20, v22;
	v20 =	vsub.f32 v60, v16  }
0x3f2: {  	v44 =	vld.idx.msk [tilespmem:v28+s14+$0x0], $0xffff;
	v21 =	vadd.f32 v30, v21;
	(erf) = vpow2.f32 v23;
	v23 =	vsub.f32 v60, v10  }
0x3f3: {  	v22 =	vld.idx.msk [tilespmem:v15+s13+$0x0], $0xffff;
	v17 =	vand.u32 $0x7FFFFFFF, v17;
	v63 =	vmul.f32 v20, v26;
	v15 =	vpop (erf);
	(erf) = vpow2.f32 v19  }
0x3f4: {  	v20 =	vsub.f32 v14, v31;
	v19 =	vld [tilespmem:$0x4300];
	v61 =	vxor.u32 $0x80000000, v15;
	v40 =	vpop (erf);
	v23 =	vmul.f32 v23, v26  }
0x3f5: {  	v15 =	vld [tilespmem:$0x4320];
	v32 =	vmul.f32 v61, v17;
	v26 =	vand.u32 $0x7FFFFFFF, v63;
	v30 =	vxor.u32 $0x80000000, v40;
	v41 =	vpop (erf)  }
0x3f6: {  	v17 =	vld [tilespmem:$0x4310];
	v26 =	vmul.f32 v30, v26;
	v23 =	vand.u32 $0x7FFFFFFF, v23;
	v30 =	vxor.u32 $0x80000000, v41  }
0x3f7: {  	v42 =	vmul.f32 $1.442695020e+00, v20;
	v23 =	vmul.f32 v30, v23  }
0x3f8: {  	v45 =	vsub.f32 v7, v43  }
0x3f9: {  	v46 =	vsub.f32 v18, v44;
	v31 =	vmul.f32 v32, v34;
	(erf) = vpow2.f32 v42;
	v30 =	vld.idx.msk [tilespmem:v62+s9+$0x0], $0xffff  }
0x3fa: {  	vm2 =	vgt.f32 v22, v19;
	vm3 =	vgt.f32 v22, v15;
	v24 =	vmul.f32 v26, v24  }
0x3fb: {  	v31 =	vnsel vm2, $0x0, v31;
	vm2 =	vgt.f32 v22, v17;
	v22 =	vmul.f32 v23, v25;
	v23 =	vpop (erf)  }
0x3fc: {  	v21 =	vadd.f32 v31, v21;
	v23 =	vadd.f32 $1.000000000e+00, v23;
	v25 =	vpop (erf)  }
0x3fd: {  	vm3 =	vmand vm3, vm1;
	v24 =	vnsel vm2, $0x0, v24;
	v31 =	vadd.f32 $1.000000000e+00, v25  }
0x3fe: {  	v21 =	vadd.f32 v24, v21;
	v24 =	vsub.f32 v13, v30;
	(erf) = vrcp.f32 v23  }
0x3ff: {  	v28 =	vld.idx.msk [tilespmem:v28+s13+$0x0], $0xffff;
	v26 =	vnsel vm3, $0x0, v22;
	v22 =	vsub.f32 v12, v30;
	(erf) = vrcp.f32 v31  }
0x400: {  	v35 =	vmul.f32 v46, v45;
	v31 =	vmul.f32 $1.442695020e+00, v24  }
0x401: {  	v47 =	vadd.f32 v26, v21;
	v21 =	vsub.f32 v14, v30;
	v48 =	vmul.f32 $1.442695020e+00, v22  }
0x402: {  	v39 =	vsub.f32 v16, v44;
	v32 =	vsub.f32 $0.0e+00, v43;
	(erf) = vpow2.f32 v31  }
0x403: {  	v51 =	vmov s23;
	v52 =	vmul.f32 $1.442695020e+00, v21;
	(erf) = vpow2.f32 v48  }
0x404: {  	v35 =	vand.u32 $0x7FFFFFFF, v35;
	v53 =	vmul.f32 v39, v32;
	vm6 =	vgt.f32 v17, v28;
	v26 =	vld.idx.msk [tilespmem:v62+s13+$0x0], $0xffff;
	v49 =	vpop (erf)  }
0x405: {  	vm2 =	vgt.f32 v19, v28;
	v25 =	vld.idx.msk [tilespmem:v62+s18+$0x0], $0xffff;
	v31 =	vadd.f32 $1.000000000e+00, v49;
	(erf) = vpow2.f32 v52  }
0x406: {  	v33 =	vand.u32 $0x7FFFFFFF, v53;
	vm5 =	vmmov vm2;
	vm3 =	vgt.f32 v15, v28;
	v23 =	vld.idx.msk [tilespmem:v62+s14+$0x0], $0xffff  }
0x407: {  	vm5 =	vmand vm5, vm0;
	vm3 =	vmmov vm3;
	v54 =	vpop (erf);
	(erf) = vrcp.f32 v31  }
0x408: {  	v57 =	vld.idx.msk [tilespmem:v51+s9+$0x0], $0xffff;
	vm3 =	vmand vm3, vm1;
	v31 =	vsub.f32 v10, v44;
	v55 =	vxor.u32 $0x80000000, v54;
	v56 =	vpop (erf)  }
0x409: {  	vm2 =	vgt.f32 v19, v26;
	v34 =	vmul.f32 v55, v35;
	v58 =	vxor.u32 $0x80000000, v56  }
0x40a: {  	vm4 =	vgt.f32 v15, v26;
	v32 =	vmul.f32 v31, v32;
	v33 =	vmul.f32 v58, v33  }
0x40b: {  	v30 =	vsub.f32 v7, v25;
	v50 =	vsub.f32 v18, v23;
	v59 =	vpop (erf);
	v27 =	vmul.f32 v34, v27  }
0x40c: {  	v31 =	vld.idx.msk [tilespmem:v51+s18+$0x0], $0xffff;
	v28 =	vadd.f32 $1.000000000e+00, v59;
	v60 =	vpop (erf);
	v35 =	vand.u32 $0x7FFFFFFF, v32;
	v29 =	vmul.f32 v33, v29  }
0x40d: {  	v32 =	vld.idx.msk [tilespmem:v51+s14+$0x0], $0xffff;
	v61 =	vadd.f32 $1.000000000e+00, v60;
	v33 =	vsub.f32 v14, v57;
	v62 =	vnsel vm5, $0x0, v27  }
0x40e: {  	v42 =	vpop (erf);
	v27 =	vsub.f32 v13, v57;
	(erf) = vrcp.f32 v28;
	v28 =	vsub.f32 v12, v57  }
0x40f: {  	v30 =	vmul.f32 v50, v30;
	v38 =	vadd.f32 $1.000000000e+00, v42;
	v36 =	vadd.f32 v62, v47  }
0x410: {  	(erf) = vrcp.f32 v61;
	v37 =	vnsel vm6, $0x0, v29;
	v29 =	vld.idx.msk [tilespmem:v51+s13+$0x0], $0xffff;
	v40 =	vmul.f32 $1.442695020e+00, v27;
	v63 =	vpop (erf)  }
0x411: {  	s23 =	simm.s32 $0x3;
	v34 =	vsub.f32 v7, v31;
	v41 =	vmul.f32 $1.442695020e+00, v28;
	v39 =	vxor.u32 $0x80000000, v63  }
.LBB2_31:
0x412: {  	v42 =	vsub.f32 v18, v32;
	(erf) = vpow2.f32 v40  }
0x413: {  	p0 =	sne.s32 s23, $0x9;
	v35 =	vmul.f32 v39, v35;
	vm5 =	vmmov vm2;
	vm6 =	vmmov vm4;
	s24 =	smov.u32 s23;
	s23 =	sadd.s32 $0x1, s23  }
0x414: {  	v36 =	vadd.f32 v37, v36;
	v39 =	vmov s24;
	(erf) = vpow2.f32 v41  }
0x415: {  	v37 =	vmul.f32 $1.442695020e+00, v33;
	vm2 =	vgt.f32 v19, v29;
	v35 =	vmul.f32 v35, v20;
	v20 =	vmovc v21;
	v21 =	vmovc v33  }
0x416: {  	v40 =	vsub.f32 $0.0e+00, v25;
	v25 =	vmovc v31;
	v41 =	vsub.f32 v16, v23;
	v33 =	vmul.f32 v42, v34  }
0x417: {  	v31 =	vsub.f32 v10, v23;
	v23 =	vmovc v32;
	(erf) = vpow2.f32 v37;
	v35 =	vnsel vm3, $0x0, v35  }
0x418: {  	v32 =	vmul.f32 v41, v40;
	v34 =	vpop (erf);
	(erf) = vrcp.f32 v38;
	v36 =	vadd.f32 v35, v36  }
0x419: {  	v41 =	vand.u32 $0x7FFFFFFF, v30;
	v35 =	vmul.f32 v31, v40;
	v37 =	vld.idx.msk [tilespmem:v39+s9+$0x0], $0xffff;
	v34 =	vxor.u32 $0x80000000, v34;
	v38 =	vpop (erf)  }
0x41a: {  	v30 =	vmovc v33;
	v32 =	vand.u32 $0x7FFFFFFF, v32;
	v31 =	vld.idx.msk [tilespmem:v39+s18+$0x0], $0xffff;
	v34 =	vmul.f32 v34, v41;
	v40 =	vxor.u32 $0x80000000, v38  }
0x41b: {  	vm4 =	vgt.f32 v15, v29;
	v33 =	vmul.f32 v40, v32  }
0x41c: {  	vm7 =	vgt.f32 v17, v26;
	vm3 =	vmand vm6, vm1;
	v38 =	vpop (erf);
	v40 =	vmul.f32 v34, v24  }
0x41d: {  	vm5 =	vmand vm5, vm0;
	v32 =	vld.idx.msk [tilespmem:v39+s14+$0x0], $0xffff;
	v34 =	vadd.f32 $1.000000000e+00, v38;
	v26 =	vpop (erf);
	v38 =	vmul.f32 v33, v22  }
.Ltmp19:
0x41e: {  	v35 =	vand.u32 $0x7FFFFFFF, v35;
	v24 =	vmovc v27;
	v33 =	vadd.f32 $1.000000000e+00, v26;
	v40 =	vnsel vm5, $0x0, v40;
	v26 =	vmovc v29;
	(pc) =	sbr.rel @p0 .LBB2_31-.Ltmp19, $4  }
0x41f: {  	v22 =	vmovc v28;
	v27 =	vsub.f32 v13, v37;
	v29 =	vld.idx.msk [tilespmem:v39+s13+$0x0], $0xffff;
	(erf) = vrcp.f32 v34;
	v36 =	vadd.f32 v40, v36  }
0x420: {  	v28 =	vsub.f32 v12, v37;
	v34 =	vsub.f32 v7, v31;
	(erf) = vrcp.f32 v33;
	v39 =	vpop (erf)  }
0x421: {  	v40 =	vmul.f32 $1.442695020e+00, v27;
	v33 =	vsub.f32 v14, v37;
	v37 =	vnsel vm7, $0x0, v38;
	v42 =	vpop (erf)  }
0x422: {  	v41 =	vmul.f32 $1.442695020e+00, v28;
	v38 =	vadd.f32 $1.000000000e+00, v39;
	v39 =	vxor.u32 $0x80000000, v42  }
0x423: {  	(erf) = vpow2.f32 v40;
	v12 =	vmul.f32 $1.442695020e+00, v33  }
0x424: {  	(erf) = vpow2.f32 v41  }
0x425: {  	(erf) = vpow2.f32 v12;
	_ =	sdelay $0x4  }
0x426: {  	v63 =	vpop (erf)  }
0x427: {  	v13 =	vpop (erf)  }
0x428: {  	v14 =	vpop (erf)  }
0x429: {  	v14 =	vadd.f32 $1.000000000e+00, v14;
	v44 =	vpop (erf)  }
0x42a: {  	v11 =	vmul.f32 $6.931471820e-01, v11;
	(erf) = vrcp.f32 v38;
	v45 =	vadd.f32 $1.000000000e+00, v44;
	v46 =	vpop (erf)  }
0x42b: {  	(erf) = vrcp.f32 v14;
	v47 =	vadd.f32 $1.000000000e+00, v46  }
0x42c: {  	v11 =	vmul.f32 $1.442695020e+00, v11;
	(erf) = vrcp.f32 v45  }
0x42d: {  	(erf) = vrcp.f32 v47  }
0x42e: {  	(erf) = vpow2.f32 v11;
	_ =	sdelay $0x4  }
0x42f: {  	v11 =	vpop (erf)  }
0x430: {  	v48 =	vpop (erf)  }
0x431: {  	v38 =	vpop (erf)  }
0x432: {  	v49 =	vpop (erf)  }
0x433: {  	v50 =	vpop (erf)  }
0x434: {  	v41 =	vadd.f32 $-1.000000000e+00, v50;
	_ =	sdelay $0x1  }
0x435: {  	v41 =	vmul.f32 v8, v41  }
0x436: {  	vm5 =	vmmov $0x3ff  }
0x437: {  	v51 =	vnsel vm5, $0x0, v41  }
0x438: {  	v35 =	vmul.f32 v39, v35;
	v36 =	vadd.f32 v37, v36;
	v18 =	vsub.f32 v18, v32;
	(xrf2) =	vadd.scan.msk.f32 $0xffff, v51  }
0x439: {  	v52 =	vsub.f32 v16, v23;
	v25 =	vsub.f32 $0.0e+00, v25;
	vm2 =	vmmov vm2  }
0x43a: {  	vm4 =	vmmov vm4;
	v54 =	vsub.f32 v10, v23;
	v56 =	vsub.f32 v16, v32  }
0x43b: {  	v30 =	vand.u32 $0x7FFFFFFF, v30;
	v57 =	vsub.f32 $0.0e+00, v31;
	v10 =	vsub.f32 v10, v32  }
0x43c: {  	vm15 =	vgt.f32 v19, v29;
	vm2 =	vmand vm2, vm0;
	v20 =	vmul.f32 v35, v20  }
0x43d: {  	v53 =	vmul.f32 v52, v25;
	v18 =	vmul.f32 v18, v34;
	v12 =	vxor.u32 $0x80000000, v63  }
0x43e: {  	vm4 =	vmand vm4, vm1;
	v55 =	vmul.f32 v54, v25;
	v12 =	vmul.f32 v12, v30  }
0x43f: {  	v16 =	vmul.f32 v56, v57;
	v10 =	vmul.f32 v10, v57;
	v20 =	vnsel vm3, $0x0, v20  }
0x440: {  	v19 =	vand.u32 $0x7FFFFFFF, v53;
	vm3 =	vgt.f32 v17, v26;
	v12 =	vmul.f32 v12, v24  }
0x441: {  	v18 =	vand.u32 $0x7FFFFFFF, v18;
	v20 =	vadd.f32 v20, v36;
	v13 =	vxor.u32 $0x80000000, v13  }
0x442: {  	v13 =	vmul.f32 v13, v19;
	v19 =	vand.u32 $0x7FFFFFFF, v55;
	v12 =	vnsel vm2, $0x0, v12;
	v58, _, _ =	vpop (xrf2)  }
0x443: {  	v12 =	vadd.f32 v12, v20;
	v11 =	vxor.u32 $0x80000000, v11;
	v20 =	vbroadcast v58, $0xF  }
0x444: {  	v16 =	vand.u32 $0x7FFFFFFF, v16;
	v13 =	vmul.f32 v13, v22;
	v11 =	vmul.f32 v11, v19  }
0x445: {  	v10 =	vand.u32 $0x7FFFFFFF, v10;
	v14 =	vxor.u32 $0x80000000, v48;
	(erf) = vrcp.f32 v20  }
0x446: {  	v13 =	vnsel vm3, $0x0, v13;
	v11 =	vmul.f32 v11, v21;
	v59 =	vmul.f32 v14, v18  }
0x447: {  	vm2 =	vmmov vm15;
	v12 =	vadd.f32 v13, v12;
	v60 =	vxor.u32 $0x80000000, v38  }
0x448: {  	v11 =	vnsel vm4, $0x0, v11;
	v61 =	vmul.f32 v60, v16;
	v13 =	vmul.f32 v59, v27  }
0x449: {  	vm2 =	vmand vm2, vm0;
	v11 =	vadd.f32 v11, v12;
	v62 =	vxor.u32 $0x80000000, v49  }
0x44a: {  	v10 =	vmul.f32 v62, v10;
	v12 =	vmul.f32 v61, v28;
	v13 =	vnsel vm2, $0x0, v13  }
0x44b: {  	vm3 =	vgt.f32 v17, v29;
	vm2 =	vgt.f32 v15, v29;
	v11 =	vadd.f32 v13, v11  }
0x44c: {  	v10 =	vmul.f32 v10, v33;
	vm2 =	vmmov vm2;
	v12 =	vnsel vm3, $0x0, v12  }
0x44d: {  	p0 =	slt.u32 s22, $0x29A;
	s22 =	simm.f32 $1.000000000e+00;
	s21 =	sadd.s32 $0x1, s21;
	vm1 =	vmand vm2, vm1;
	v11 =	vadd.f32 v12, v11  }
0x44e: {  	s22 =	simm.s32 @!p0 $0x0;
	p0 =	sne.s32 s21, $0x18;
	v10 =	vnsel vm1, $0x0, v10;
	v63 =	vpop (erf)  }
.Ltmp20:
0x44f: {  	v10 =	vadd.f32 v10, v11;
	v11 =	vmul.f32 s22, v63;
	(pc) =	sbr.rel @p0 .LBB2_2-.Ltmp20, $3  }
0x450: {  	_ = 	snop  }
0x451: {  	v10 =	vmul.f32 v10, v11;
	_ =	sdelay $0x1  }
0x452: {  	v9 =	vadd.f32 v10, v9  }
0x453: {  	s20 =	sadd.s32 $0x1, s20  }
0x454: {  	p0 =	sne.s32 s20, s16  }
.Ltmp21:
0x455: {  	[tilespmem:$0x4480] =	vst v9;
	(pc) =	sbr.rel @p0 .LBB2_1-.Ltmp21, $4  }
0x456: {  	[hbm4b:s5+s2] =	stream.linear.scatter [tilespmem:s19], [sflag:$0x1], $0x80, $0x38;
	[tilespmem:$0x4580] =	vst v63  }
0x457: {  	_ =	swait.ge [sflag:s17], $0x80  }
0x458: {  	[sflag:s17] =	ssyncset.done $0x0  }
0x459: {  	[sflag:s17] =	ssyncadd.s32 $0xFFFFFF80  }
0x45a: {  	_ =	sfence.sel $0x180000  }
0x45b: {  	[bflag:$0x0] =	sbarrier.arrive $0xFFFF  }
0x45c: {  	p0 =	sne.s32 s0, $0x0;
	_ =	strace $0x90000047  }
0x45d: {  	s0 =	sadd.s32 @!p0 $0x100000, s1;
	[bflag:$0x2] =	sbarrier.arrive $0xFFFF  }
0x45e: {  	[sflag:s0] =	ssyncadd.tile.s32 @!p0 $0x1;
	_ =	shalt  }
.Lfunc_end2:
_tile_overlayer_lowered:
.L_overlay_start_2:
0x45f: {  	(tag) =	ssettag $0x2  }
0x460: {  	s0 =	rddreg [dreg:$0x0];
	s2 =	stileid.u32  }
0x461: {  	s1 =	rddreg [dreg:$0x1];
	p0 =	sne.s32 s2, $0x0  }
0x462: {  	s3 =	rddreg [dreg:$0x2];
	[bflag:$0x3] =	sbarrier.arrive $0xFFFF;
	s2 =	simm.s32 @!p0 $0x1C01  }
0x463: {  	[timem:s3], [sflag:s2] =	dma.local @!p0 [hbm:s0], s1  }
0x464: {  	s0 =	simm.s32 @!p0 $0x1  }
0x465: {  	_ =	swait.ge @!p0 [sflag:s0], s1  }
0x466: {  	s1 =	ssub.s32 @!p0 $0x0, s1;
	[sflag:s0] =	ssyncset.done @!p0 $0x0  }
0x467: {  	[sflag:s0] =	ssyncadd.s32 @!p0 s1  }
0x468: {  	[bflag:$0x3] =	sbarrier.arrive $0xFFFF  }
0x469: {  	_ =	shalt  }

</sc_bundles>
